<compile_context>
chip_gen: v7x
topology: tpu7x:2x2x1
jax: 0.10.2.dev20260603
libtpu: 0.0.44.dev20260713+nightly
codegen_flags: <defaults>
</compile_context>

<pallas_src>
import functools

import jax
import jax.numpy as jnp
from jax import lax
from jax.experimental import pallas as pl
from jax.experimental.pallas import tpu as pltpu
from jax.experimental.pallas import tpu_sc as plsc

N_NODES = 10000
N_EDGES = 320000
D = 128

NC = 2
NS = 16
NW = NC * NS
WIN = 120
WPW = 84
E_PAD = NW * WPW * WIN
NBUF = 3
IBUF = 4
UNROLL = 12

N_PAD = 10240
ROWS_PER_TILE = N_PAD // NS
DUMP = N_PAD - N_NODES


def _make_sc_agg(with_cnt):
    mesh = plsc.VectorSubcoreMesh(core_axis_name="c", subcore_axis_name="s")

    out_type = [jax.ShapeDtypeStruct((NC, N_PAD, D), jnp.float32)]
    if with_cnt:
        out_type.append(jax.ShapeDtypeStruct((NC, N_PAD), jnp.float32))

    scratch = [pltpu.VMEM_SHARED((N_PAD, D), jnp.float32)]
    scratch += [pltpu.VMEM((2, WIN), jnp.int32) for _ in range(IBUF)]
    scratch += [pltpu.VMEM((WIN, D), jnp.float32) for _ in range(NBUF)]
    scratch += [pltpu.SemaphoreType.DMA for _ in range(IBUF + NBUF)]
    if with_cnt:
        scratch += [
            pltpu.VMEM_SHARED((N_PAD,), jnp.float32),
            pltpu.VMEM((WIN,), jnp.float32),
        ]

    def body(*refs):
        it = iter(refs)
        x_hbm = next(it); sd_hbm = next(it)
        zrows_hbm = next(it)
        zcnt_hbm = next(it) if with_cnt else None
        agg_out = next(it)
        cnt_out = next(it) if with_cnt else None
        agg_sh = next(it)
        idxb = [next(it) for _ in range(IBUF)]
        rows = [next(it) for _ in range(NBUF)]
        isem = [next(it) for _ in range(IBUF)]
        rsem = [next(it) for _ in range(NBUF)]
        if with_cnt:
            cnt_sh = next(it); ones_v = next(it)

        cid = lax.axis_index("c")
        sid = lax.axis_index("s")
        wid = cid * NS + sid
        r0 = sid * ROWS_PER_TILE
        base = wid * WPW

        pltpu.sync_copy(zrows_hbm, agg_sh.at[pl.ds(r0, ROWS_PER_TILE), :])
        if with_cnt:
            pltpu.sync_copy(zcnt_hbm, cnt_sh.at[pl.ds(r0, ROWS_PER_TILE)])
            for j in range(WIN // 8 // 2):
                ones_v[pl.ds(16 * j, 16)] = jnp.full((16,), 1.0, jnp.float32)
            ones_v[pl.ds(WIN - 16, 16)] = jnp.full((16,), 1.0, jnp.float32)

        for i in range(IBUF):
            pltpu.async_copy(sd_hbm.at[base + i], idxb[i], isem[i])
        for b in range(NBUF):
            pltpu.make_async_copy(sd_hbm.at[0], idxb[b], isem[b]).wait()
            pltpu.async_copy(x_hbm.at[idxb[b].at[0]], rows[b], rsem[b])
        plsc.subcore_barrier()

        def group(g, carry):
            for k in range(UNROLL):
                w = g * UNROLL + k
                rb = k % NBUF
                ib = k % IBUF
                ib3 = (k + NBUF) % IBUF
                pltpu.make_async_copy(
                    x_hbm.at[pl.ds(0, WIN), :], rows[rb], rsem[rb]).wait()
                pltpu.sync_copy(rows[rb], agg_sh.at[idxb[ib].at[1]], add=True)
                if with_cnt:
                    pltpu.sync_copy(ones_v, cnt_sh.at[idxb[ib].at[1]],
                                    add=True)

                @pl.when(w + IBUF < WPW)
                def _():
                    pltpu.async_copy(sd_hbm.at[base + w + IBUF],
                                     idxb[ib], isem[ib])

                @pl.when(w + NBUF < WPW)
                def _():
                    pltpu.make_async_copy(
                        sd_hbm.at[0], idxb[ib3], isem[ib3]).wait()
                    pltpu.async_copy(x_hbm.at[idxb[ib3].at[0]],
                                     rows[rb], rsem[rb])
            return carry

        lax.fori_loop(0, WPW // UNROLL, group, 0)
        plsc.subcore_barrier()

        pltpu.sync_copy(agg_sh.at[pl.ds(r0, ROWS_PER_TILE), :],
                        agg_out.at[cid, pl.ds(r0, ROWS_PER_TILE), :])
        if with_cnt:
            pltpu.sync_copy(cnt_sh.at[pl.ds(r0, ROWS_PER_TILE)],
                            cnt_out.at[cid, pl.ds(r0, ROWS_PER_TILE)])

    return functools.partial(pl.kernel, mesh=mesh,
                             out_type=out_type,
                             scratch_types=scratch)(body)


_sc_agg_cnt = _make_sc_agg(with_cnt=True)
_sc_agg = _make_sc_agg(with_cnt=False)


_R = 1024


def _dense_self(x, wrT, b):
    def body(x_ref, wr_ref, b_ref, o_ref):
        o_ref[...] = (jnp.dot(x_ref[...], wr_ref[...],
                              preferred_element_type=jnp.float32)
                      + b_ref[...])

    return pl.pallas_call(
        body,
        grid=(N_PAD // _R,),
        in_specs=[
            pl.BlockSpec((_R, D), lambda i: (i, 0)),
            pl.BlockSpec((D, D), lambda i: (0, 0)),
            pl.BlockSpec((1, D), lambda i: (0, 0)),
        ],
        out_specs=pl.BlockSpec((_R, D), lambda i: (i, 0)),
        out_shape=jax.ShapeDtypeStruct((N_NODES, D), jnp.float32),
    )(x, wrT, b)


def _dense_agg(aggp, cntp, slf, wlT):
    def body(aggp_ref, cntp_ref, s_ref, wl_ref, o_ref):
        agg = aggp_ref[0] + aggp_ref[1]
        cnt = cntp_ref[0] + cntp_ref[1]
        inv = 1.0 / jnp.maximum(cnt, 1.0)
        mean = agg * inv[:, None]
        acc = jnp.dot(mean, wl_ref[...], preferred_element_type=jnp.float32)
        o_ref[...] = jnp.maximum(acc + s_ref[...], 0.0)

    return pl.pallas_call(
        body,
        grid=(N_PAD // _R,),
        in_specs=[
            pl.BlockSpec((NC, _R, D), lambda i: (0, i, 0)),
            pl.BlockSpec((NC, _R), lambda i: (0, i)),
            pl.BlockSpec((_R, D), lambda i: (i, 0)),
            pl.BlockSpec((D, D), lambda i: (0, 0)),
        ],
        out_specs=pl.BlockSpec((_R, D), lambda i: (i, 0)),
        out_shape=jax.ShapeDtypeStruct((N_NODES, D), jnp.float32),
    )(aggp, cntp, slf, wlT)


def kernel(x, edge_index, W1_l, W1_r, b1, W2_l, W2_r, b2):
    src = edge_index[0].astype(jnp.int32)
    dst = edge_index[1].astype(jnp.int32)
    npad_e = E_PAD - N_EDGES
    pad_src = (jnp.arange(npad_e, dtype=jnp.int32) * 4001) % N_NODES
    pad_dst = jnp.arange(npad_e, dtype=jnp.int32) % DUMP + N_NODES
    srcp = jnp.concatenate([src, pad_src]).reshape(NW * WPW, WIN)
    dstp = jnp.concatenate([dst, pad_dst]).reshape(NW * WPW, WIN)
    sd = jnp.stack([srcp, dstp], axis=1)
    zrows = jnp.zeros((ROWS_PER_TILE, D), jnp.float32)
    zcnt = jnp.zeros((ROWS_PER_TILE,), jnp.float32)

    aggp1, cntp = _sc_agg_cnt(x, sd, zrows, zcnt)
    self1 = _dense_self(x, W1_r.T, b1.reshape(1, D))
    h = _dense_agg(aggp1, cntp, self1, W1_l.T)
    aggp2 = _sc_agg(h, sd, zrows)
    if isinstance(aggp2, (list, tuple)):
        aggp2 = aggp2[0]
    self2 = _dense_self(h, W2_r.T, b2.reshape(1, D))
    return _dense_agg(aggp2, cntp, self2, W2_l.T)

# --- scband reference (transcript-rebuilt; emitter-appended) ---
"""Pipeline reference for scband-gnn-39685497815503 (READ-ONLY COPY).

The authoritative reference and input builder live on the scoring server;
editing this copy changes nothing except your own understanding.
"""

import jax, jax.numpy as jnp
import numpy as np

N_NODES = 10000
N_EDGES = 320000
D_IN = 128
D_HID = 128


def _glorot(key, shape):
    fan_in, fan_out = shape[1], shape[0]
    lim = float(np.sqrt(6.0 / (fan_in + fan_out)))
    return jax.random.uniform(key, shape, dtype=jnp.float32, minval=-lim, maxval=lim)


def setup_inputs(seed: int = 0) -> dict:
    key = jax.random.key(seed)
    ks = jax.random.split(key, 8)
    x = jax.random.normal(ks[0], (N_NODES, D_IN), dtype=jnp.float32)
    edge_index = jax.random.randint(ks[1], (2, N_EDGES), 0, N_NODES, dtype=jnp.int64)
    # SAGEConv layer 1: lin_l (applied to aggregated neighbors), lin_r (root/self)
    W1_l = _glorot(ks[2], (D_HID, D_IN))
    W1_r = _glorot(ks[3], (D_HID, D_IN))
    b1 = jnp.zeros((D_HID,), dtype=jnp.float32)
    # SAGEConv layer 2
    W2_l = _glorot(ks[4], (D_HID, D_HID))
    W2_r = _glorot(ks[5], (D_HID, D_HID))
    b2 = jnp.zeros((D_HID,), dtype=jnp.float32)
    return {
        "x": x,
        "edge_index": edge_index,
        "W1_l": W1_l,
        "W1_r": W1_r,
        "b1": b1,
        "W2_l": W2_l,
        "W2_r": W2_r,
        "b2": b2,
    }


def _sage_conv(x, edge_index, W_l, W_r, b):
    # PyG SAGEConv with mean aggregation:
    # out_i = W_l @ mean_{j in N(i)} x_j + W_r @ x_i + b
    src = edge_index[0]
    dst = edge_index[1]
    msgs = jnp.take(x, src, axis=0)                                  # gather [E, d]
    agg = jax.ops.segment_sum(msgs, dst, num_segments=N_NODES)       # scatter-add [N, d]
    cnt = jax.ops.segment_sum(jnp.ones((msgs.shape[0],), jnp.float32), dst,
                              num_segments=N_NODES)
    mean = agg / jnp.maximum(cnt, 1.0)[:, None]
    return mean @ W_l.T + x @ W_r.T + b


def reference(x, edge_index, W1_l, W1_r, b1, W2_l, W2_r, b2):
    h = jax.nn.relu(_sage_conv(x, edge_index, W1_l, W1_r, b1))
    h = jax.nn.relu(_sage_conv(h, edge_index, W2_l, W2_r, b2))
    return h

if __name__ == "__main__":
    import jax
    _d = setup_inputs()
    print(jax.jit(kernel)(*tuple(_d.values())))

</pallas_src>

<mosaic_0001>
#map = affine_map<(d0, d1) -> (0, 0)>
#map1 = affine_map<(d0, d1) -> (0, 0, 0)>
#map2 = affine_map<(d0, d1) -> (0)>
module attributes {stable_mosaic.version = 14 : i64} {
  func.func @body(%arg0: i32, %arg1: i32, %arg2: memref<10000x128xf32, #tpu.memory_space<hbm>>, %arg3: memref<2688x2x120xi32, #tpu.memory_space<hbm>>, %arg4: memref<640x128xf32, #tpu.memory_space<hbm>>, %arg5: memref<640xf32, #tpu.memory_space<hbm>>, %arg6: memref<2x10240x128xf32, #tpu.memory_space<hbm>>, %arg7: memref<2x10240xf32, #tpu.memory_space<hbm>>, %arg8: memref<10240x128xf32, #tpu.memory_space<vmem_shared>>, %arg9: memref<2x120xi32, #tpu.memory_space<vmem>>, %arg10: memref<2x120xi32, #tpu.memory_space<vmem>>, %arg11: memref<2x120xi32, #tpu.memory_space<vmem>>, %arg12: memref<2x120xi32, #tpu.memory_space<vmem>>, %arg13: memref<120x128xf32, #tpu.memory_space<vmem>>, %arg14: memref<120x128xf32, #tpu.memory_space<vmem>>, %arg15: memref<120x128xf32, #tpu.memory_space<vmem>>, %arg16: memref<!tpu.dma_semaphore, #tpu.memory_space<semaphore_mem>>, %arg17: memref<!tpu.dma_semaphore, #tpu.memory_space<semaphore_mem>>, %arg18: memref<!tpu.dma_semaphore, #tpu.memory_space<semaphore_mem>>, %arg19: memref<!tpu.dma_semaphore, #tpu.memory_space<semaphore_mem>>, %arg20: memref<!tpu.dma_semaphore, #tpu.memory_space<semaphore_mem>>, %arg21: memref<!tpu.dma_semaphore, #tpu.memory_space<semaphore_mem>>, %arg22: memref<!tpu.dma_semaphore, #tpu.memory_space<semaphore_mem>>, %arg23: memref<10240xf32, #tpu.memory_space<vmem_shared>>, %arg24: memref<120xf32, #tpu.memory_space<vmem>>) attributes {dimension_semantics = [#tpu.dimension_semantics<core_parallel>, #tpu.dimension_semantics<subcore_parallel>], iteration_bounds = array<i64: 2, 16>, scalar_prefetch = 0 : i64, scratch_operands = 17 : i64, tpu.core_type = #tpu.core_type<sc_vector_subcore>, window_params = [{transform_indices = #map}, {transform_indices = #map1}, {transform_indices = #map}, {transform_indices = #map2}, {transform_indices = #map1}, {transform_indices = #map}]} {
    %mul3A = arith.constant 16 : i32
    %mul3A_0 = arith.muli %arg0, %mul3A : i32
    %add3A = arith.addi %mul3A_0, %arg1 : i32
    %mul3A_1 = arith.constant 640 : i32
    %mul3A_2 = arith.muli %arg1, %mul3A_1 : i32
    %mul3A_3 = arith.constant 84 : i32
    %mul3A_4 = arith.muli %add3A, %mul3A_3 : i32
    "tpu.region"() ({
      %run_scoped3A = tpu.sem_alloc : memref<!tpu.dma_semaphore, #tpu.memory_space<semaphore_mem>>
      %dma_start3A_143 = arith.constant 0 : i32
      %dma_start3A_144 = tpu.memref_slice %arg8[%mul3A_2, %dma_start3A_143] : memref<10240x128xf32, #tpu.memory_space<vmem_shared>> -> memref<640x128xf32, #tpu.memory_space<vmem_shared>>
      tpu.enqueue_dma source(%arg4 : memref<640x128xf32, #tpu.memory_space<hbm>>) target(%dma_start3A_144 : memref<640x128xf32, #tpu.memory_space<vmem_shared>>) target_semaphore(%run_scoped3A : memref<!tpu.dma_semaphore, #tpu.memory_space<semaphore_mem>>)
      %dma_wait3A_145 = arith.constant 0 : i32
      %dma_wait3A_146 = tpu.memref_slice %arg8[%mul3A_2, %dma_wait3A_145] : memref<10240x128xf32, #tpu.memory_space<vmem_shared>> -> memref<640x128xf32, #tpu.memory_space<vmem_shared>>
      tpu.wait_dma2 semaphore(%run_scoped3A : memref<!tpu.dma_semaphore, #tpu.memory_space<semaphore_mem>>) src(%arg4 : memref<640x128xf32, #tpu.memory_space<hbm>>) dst(%dma_wait3A_146 : memref<640x128xf32, #tpu.memory_space<vmem_shared>>)
      tpu.yield
    }) : () -> ()
    "tpu.region"() ({
      %run_scoped3A = tpu.sem_alloc : memref<!tpu.dma_semaphore, #tpu.memory_space<semaphore_mem>>
      %dma_start3A_143 = tpu.memref_slice %arg23[%mul3A_2] : memref<10240xf32, #tpu.memory_space<vmem_shared>> -> memref<640xf32, #tpu.memory_space<vmem_shared>>
      tpu.enqueue_dma source(%arg5 : memref<640xf32, #tpu.memory_space<hbm>>) target(%dma_start3A_143 : memref<640xf32, #tpu.memory_space<vmem_shared>>) target_semaphore(%run_scoped3A : memref<!tpu.dma_semaphore, #tpu.memory_space<semaphore_mem>>)
      %dma_wait3A_144 = tpu.memref_slice %arg23[%mul3A_2] : memref<10240xf32, #tpu.memory_space<vmem_shared>> -> memref<640xf32, #tpu.memory_space<vmem_shared>>
      tpu.wait_dma2 semaphore(%run_scoped3A : memref<!tpu.dma_semaphore, #tpu.memory_space<semaphore_mem>>) src(%arg5 : memref<640xf32, #tpu.memory_space<hbm>>) dst(%dma_wait3A_144 : memref<640xf32, #tpu.memory_space<vmem_shared>>)
      tpu.yield
    }) : () -> ()
    %broadcast_in_dim3A = arith.constant 1.000000e+00 : f32
    %broadcast_in_dim3A_5 = vector.broadcast %broadcast_in_dim3A : f32 to vector<16xf32>
    %swap3A = arith.constant 0 : index
    %swap3A_6 = tpu.vector_load %arg24[%swap3A] {strides = array<i32>} : memref<120xf32, #tpu.memory_space<vmem>>, vector<16xf32>,
    %swap3A_7 = vector.shape_cast %swap3A_6 : vector<16xf32> to vector<16xf32>
    %swap3A_8 = vector.shape_cast %broadcast_in_dim3A_5 : vector<16xf32> to vector<16xf32>
    tpu.vector_store %arg24[%swap3A], %swap3A_8 {strides = array<i32>} : memref<120xf32, #tpu.memory_space<vmem>>, vector<16xf32>,
    %broadcast_in_dim3A_9 = arith.constant 1.000000e+00 : f32
    %broadcast_in_dim3A_10 = vector.broadcast %broadcast_in_dim3A_9 : f32 to vector<16xf32>
    %swap3A_11 = arith.constant 16 : index
    %swap3A_12 = tpu.vector_load %arg24[%swap3A_11] {strides = array<i32>} : memref<120xf32, #tpu.memory_space<vmem>>, vector<16xf32>,
    %swap3A_13 = vector.shape_cast %swap3A_12 : vector<16xf32> to vector<16xf32>
    %swap3A_14 = vector.shape_cast %broadcast_in_dim3A_10 : vector<16xf32> to vector<16xf32>
    tpu.vector_store %arg24[%swap3A_11], %swap3A_14 {strides = array<i32>} : memref<120xf32, #tpu.memory_space<vmem>>, vector<16xf32>,
    %broadcast_in_dim3A_15 = arith.constant 1.000000e+00 : f32
    %broadcast_in_dim3A_16 = vector.broadcast %broadcast_in_dim3A_15 : f32 to vector<16xf32>
    %swap3A_17 = arith.constant 32 : index
    %swap3A_18 = tpu.vector_load %arg24[%swap3A_17] {strides = array<i32>} : memref<120xf32, #tpu.memory_space<vmem>>, vector<16xf32>,
    %swap3A_19 = vector.shape_cast %swap3A_18 : vector<16xf32> to vector<16xf32>
    %swap3A_20 = vector.shape_cast %broadcast_in_dim3A_16 : vector<16xf32> to vector<16xf32>
    tpu.vector_store %arg24[%swap3A_17], %swap3A_20 {strides = array<i32>} : memref<120xf32, #tpu.memory_space<vmem>>, vector<16xf32>,
    %broadcast_in_dim3A_21 = arith.constant 1.000000e+00 : f32
    %broadcast_in_dim3A_22 = vector.broadcast %broadcast_in_dim3A_21 : f32 to vector<16xf32>
    %swap3A_23 = arith.constant 48 : index
    %swap3A_24 = tpu.vector_load %arg24[%swap3A_23] {strides = array<i32>} : memref<120xf32, #tpu.memory_space<vmem>>, vector<16xf32>,
    %swap3A_25 = vector.shape_cast %swap3A_24 : vector<16xf32> to vector<16xf32>
    %swap3A_26 = vector.shape_cast %broadcast_in_dim3A_22 : vector<16xf32> to vector<16xf32>
    tpu.vector_store %arg24[%swap3A_23], %swap3A_26 {strides = array<i32>} : memref<120xf32, #tpu.memory_space<vmem>>, vector<16xf32>,
    %broadcast_in_dim3A_27 = arith.constant 1.000000e+00 : f32
    %broadcast_in_dim3A_28 = vector.broadcast %broadcast_in_dim3A_27 : f32 to vector<16xf32>
    %swap3A_29 = arith.constant 64 : index
    %swap3A_30 = tpu.vector_load %arg24[%swap3A_29] {strides = array<i32>} : memref<120xf32, #tpu.memory_space<vmem>>, vector<16xf32>,
    %swap3A_31 = vector.shape_cast %swap3A_30 : vector<16xf32> to vector<16xf32>
    %swap3A_32 = vector.shape_cast %broadcast_in_dim3A_28 : vector<16xf32> to vector<16xf32>
    tpu.vector_store %arg24[%swap3A_29], %swap3A_32 {strides = array<i32>} : memref<120xf32, #tpu.memory_space<vmem>>, vector<16xf32>,
    %broadcast_in_dim3A_33 = arith.constant 1.000000e+00 : f32
    %broadcast_in_dim3A_34 = vector.broadcast %broadcast_in_dim3A_33 : f32 to vector<16xf32>
    %swap3A_35 = arith.constant 80 : index
    %swap3A_36 = tpu.vector_load %arg24[%swap3A_35] {strides = array<i32>} : memref<120xf32, #tpu.memory_space<vmem>>, vector<16xf32>,
    %swap3A_37 = vector.shape_cast %swap3A_36 : vector<16xf32> to vector<16xf32>
    %swap3A_38 = vector.shape_cast %broadcast_in_dim3A_34 : vector<16xf32> to vector<16xf32>
    tpu.vector_store %arg24[%swap3A_35], %swap3A_38 {strides = array<i32>} : memref<120xf32, #tpu.memory_space<vmem>>, vector<16xf32>,
    %broadcast_in_dim3A_39 = arith.constant 1.000000e+00 : f32
    %broadcast_in_dim3A_40 = vector.broadcast %broadcast_in_dim3A_39 : f32 to vector<16xf32>
    %swap3A_41 = arith.constant 96 : index
    %swap3A_42 = tpu.vector_load %arg24[%swap3A_41] {strides = array<i32>} : memref<120xf32, #tpu.memory_space<vmem>>, vector<16xf32>,
    %swap3A_43 = vector.shape_cast %swap3A_42 : vector<16xf32> to vector<16xf32>
    %swap3A_44 = vector.shape_cast %broadcast_in_dim3A_40 : vector<16xf32> to vector<16xf32>
    tpu.vector_store %arg24[%swap3A_41], %swap3A_44 {strides = array<i32>} : memref<120xf32, #tpu.memory_space<vmem>>, vector<16xf32>,
    %broadcast_in_dim3A_45 = arith.constant 1.000000e+00 : f32
    %broadcast_in_dim3A_46 = vector.broadcast %broadcast_in_dim3A_45 : f32 to vector<16xf32>
    %swap3A_47 = arith.constant 104 : index
    %swap3A_48 = tpu.vector_load %arg24[%swap3A_47] {strides = array<i32>} : memref<120xf32, #tpu.memory_space<vmem>>, vector<16xf32>,
    %swap3A_49 = vector.shape_cast %swap3A_48 : vector<16xf32> to vector<16xf32>
    %swap3A_50 = vector.shape_cast %broadcast_in_dim3A_46 : vector<16xf32> to vector<16xf32>
    tpu.vector_store %arg24[%swap3A_47], %swap3A_50 {strides = array<i32>} : memref<120xf32, #tpu.memory_space<vmem>>, vector<16xf32>,
    %add3A_51 = arith.constant 0 : i32
    %add3A_52 = arith.addi %mul3A_4, %add3A_51 : i32
    %dma_start3A = arith.constant 0 : i32
    %dma_start3A_53 = arith.constant 0 : i32
    %dma_start3A_54 = tpu.memref_slice %arg3[%add3A_52, %dma_start3A, %dma_start3A_53] : memref<2688x2x120xi32, #tpu.memory_space<hbm>> -> memref<1x2x120xi32, #tpu.memory_space<hbm>>
    %dma_start3A_55 = tpu.memref_squeeze %dma_start3A_54 : memref<1x2x120xi32, #tpu.memory_space<hbm>> -> memref<2x120xi32, #tpu.memory_space<hbm>>
    %dma_start3A_56 = arith.constant 0 : i32
    %dma_start3A_57 = arith.constant 0 : i32
    %dma_start3A_58 = tpu.memref_slice %arg3[%add3A_52, %dma_start3A_56, %dma_start3A_57] : memref<2688x2x120xi32, #tpu.memory_space<hbm>> -> memref<1x2x120xi32, #tpu.memory_space<hbm>>
    %dma_start3A_59 = tpu.memref_squeeze %dma_start3A_58 : memref<1x2x120xi32, #tpu.memory_space<hbm>> -> memref<2x120xi32, #tpu.memory_space<hbm>>
    tpu.enqueue_dma source(%dma_start3A_59 : memref<2x120xi32, #tpu.memory_space<hbm>>) target(%arg9 : memref<2x120xi32, #tpu.memory_space<vmem>>) target_semaphore(%arg16 : memref<!tpu.dma_semaphore, #tpu.memory_space<semaphore_mem>>)
    %add3A_60 = arith.constant 1 : i32
    %add3A_61 = arith.addi %mul3A_4, %add3A_60 : i32
    %dma_start3A_62 = arith.constant 0 : i32
    %dma_start3A_63 = arith.constant 0 : i32
    %dma_start3A_64 = tpu.memref_slice %arg3[%add3A_61, %dma_start3A_62, %dma_start3A_63] : memref<2688x2x120xi32, #tpu.memory_space<hbm>> -> memref<1x2x120xi32, #tpu.memory_space<hbm>>
    %dma_start3A_65 = tpu.memref_squeeze %dma_start3A_64 : memref<1x2x120xi32, #tpu.memory_space<hbm>> -> memref<2x120xi32, #tpu.memory_space<hbm>>
    %dma_start3A_66 = arith.constant 0 : i32
    %dma_start3A_67 = arith.constant 0 : i32
    %dma_start3A_68 = tpu.memref_slice %arg3[%add3A_61, %dma_start3A_66, %dma_start3A_67] : memref<2688x2x120xi32, #tpu.memory_space<hbm>> -> memref<1x2x120xi32, #tpu.memory_space<hbm>>
    %dma_start3A_69 = tpu.memref_squeeze %dma_start3A_68 : memref<1x2x120xi32, #tpu.memory_space<hbm>> -> memref<2x120xi32, #tpu.memory_space<hbm>>
    tpu.enqueue_dma source(%dma_start3A_69 : memref<2x120xi32, #tpu.memory_space<hbm>>) target(%arg10 : memref<2x120xi32, #tpu.memory_space<vmem>>) target_semaphore(%arg17 : memref<!tpu.dma_semaphore, #tpu.memory_space<semaphore_mem>>)
    %add3A_70 = arith.constant 2 : i32
    %add3A_71 = arith.addi %mul3A_4, %add3A_70 : i32
    %dma_start3A_72 = arith.constant 0 : i32
    %dma_start3A_73 = arith.constant 0 : i32
    %dma_start3A_74 = tpu.memref_slice %arg3[%add3A_71, %dma_start3A_72, %dma_start3A_73] : memref<2688x2x120xi32, #tpu.memory_space<hbm>> -> memref<1x2x120xi32, #tpu.memory_space<hbm>>
    %dma_start3A_75 = tpu.memref_squeeze %dma_start3A_74 : memref<1x2x120xi32, #tpu.memory_space<hbm>> -> memref<2x120xi32, #tpu.memory_space<hbm>>
    %dma_start3A_76 = arith.constant 0 : i32
    %dma_start3A_77 = arith.constant 0 : i32
    %dma_start3A_78 = tpu.memref_slice %arg3[%add3A_71, %dma_start3A_76, %dma_start3A_77] : memref<2688x2x120xi32, #tpu.memory_space<hbm>> -> memref<1x2x120xi32, #tpu.memory_space<hbm>>
    %dma_start3A_79 = tpu.memref_squeeze %dma_start3A_78 : memref<1x2x120xi32, #tpu.memory_space<hbm>> -> memref<2x120xi32, #tpu.memory_space<hbm>>
    tpu.enqueue_dma source(%dma_start3A_79 : memref<2x120xi32, #tpu.memory_space<hbm>>) target(%arg11 : memref<2x120xi32, #tpu.memory_space<vmem>>) target_semaphore(%arg18 : memref<!tpu.dma_semaphore, #tpu.memory_space<semaphore_mem>>)
    %add3A_80 = arith.constant 3 : i32
    %add3A_81 = arith.addi %mul3A_4, %add3A_80 : i32
    %dma_start3A_82 = arith.constant 0 : i32
    %dma_start3A_83 = arith.constant 0 : i32
    %dma_start3A_84 = tpu.memref_slice %arg3[%add3A_81, %dma_start3A_82, %dma_start3A_83] : memref<2688x2x120xi32, #tpu.memory_space<hbm>> -> memref<1x2x120xi32, #tpu.memory_space<hbm>>
    %dma_start3A_85 = tpu.memref_squeeze %dma_start3A_84 : memref<1x2x120xi32, #tpu.memory_space<hbm>> -> memref<2x120xi32, #tpu.memory_space<hbm>>
    %dma_start3A_86 = arith.constant 0 : i32
    %dma_start3A_87 = arith.constant 0 : i32
    %dma_start3A_88 = tpu.memref_slice %arg3[%add3A_81, %dma_start3A_86, %dma_start3A_87] : memref<2688x2x120xi32, #tpu.memory_space<hbm>> -> memref<1x2x120xi32, #tpu.memory_space<hbm>>
    %dma_start3A_89 = tpu.memref_squeeze %dma_start3A_88 : memref<1x2x120xi32, #tpu.memory_space<hbm>> -> memref<2x120xi32, #tpu.memory_space<hbm>>
    tpu.enqueue_dma source(%dma_start3A_89 : memref<2x120xi32, #tpu.memory_space<hbm>>) target(%arg12 : memref<2x120xi32, #tpu.memory_space<vmem>>) target_semaphore(%arg19 : memref<!tpu.dma_semaphore, #tpu.memory_space<semaphore_mem>>)
    %dma_wait3A = arith.constant 0 : i32
    %dma_wait3A_90 = arith.constant 0 : i32
    %dma_wait3A_91 = arith.constant 0 : i32
    %dma_wait3A_92 = tpu.memref_slice %arg3[%dma_wait3A, %dma_wait3A_90, %dma_wait3A_91] : memref<2688x2x120xi32, #tpu.memory_space<hbm>> -> memref<1x2x120xi32, #tpu.memory_space<hbm>>
    %dma_wait3A_93 = tpu.memref_squeeze %dma_wait3A_92 : memref<1x2x120xi32, #tpu.memory_space<hbm>> -> memref<2x120xi32, #tpu.memory_space<hbm>>
    %dma_wait3A_94 = arith.constant 0 : i32
    %dma_wait3A_95 = arith.constant 0 : i32
    %dma_wait3A_96 = tpu.memref_slice %arg3[%dma_wait3A, %dma_wait3A_94, %dma_wait3A_95] : memref<2688x2x120xi32, #tpu.memory_space<hbm>> -> memref<1x2x120xi32, #tpu.memory_space<hbm>>
    %dma_wait3A_97 = tpu.memref_squeeze %dma_wait3A_96 : memref<1x2x120xi32, #tpu.memory_space<hbm>> -> memref<2x120xi32, #tpu.memory_space<hbm>>
    tpu.wait_dma2 semaphore(%arg16 : memref<!tpu.dma_semaphore, #tpu.memory_space<semaphore_mem>>) src(%dma_wait3A_97 : memref<2x120xi32, #tpu.memory_space<hbm>>) dst(%arg9 : memref<2x120xi32, #tpu.memory_space<vmem>>)
    %dma_start3A_98 = arith.constant 0 : i32
    %dma_start3A_99 = arith.constant 0 : i32
    %dma_start3A_100 = tpu.memref_slice %arg9[%dma_start3A_98, %dma_start3A_99] : memref<2x120xi32, #tpu.memory_space<vmem>> -> memref<1x120xi32, #tpu.memory_space<vmem>>
    %dma_start3A_101 = tpu.memref_squeeze %dma_start3A_100 : memref<1x120xi32, #tpu.memory_space<vmem>> -> memref<120xi32, #tpu.memory_space<vmem>>
    %dma_start3A_102 = arith.constant 0 : i32
    %dma_start3A_103 = arith.constant 0 : i32
    %dma_start3A_104 = tpu.memref_slice %arg2[%dma_start3A_102, %dma_start3A_103] : memref<10000x128xf32, #tpu.memory_space<hbm>> -> memref<10000x128xf32, #tpu.memory_space<hbm>>
    tpu.enqueue_indirect_dma source(%dma_start3A_104 : memref<10000x128xf32, #tpu.memory_space<hbm>>) target(%arg13 : memref<120x128xf32, #tpu.memory_space<vmem>>) offsets(%dma_start3A_101 : memref<120xi32, #tpu.memory_space<vmem>>) semaphore(%arg20 : memref<!tpu.dma_semaphore, #tpu.memory_space<semaphore_mem>>)
    %dma_wait3A_105 = arith.constant 0 : i32
    %dma_wait3A_106 = arith.constant 0 : i32
    %dma_wait3A_107 = arith.constant 0 : i32
    %dma_wait3A_108 = tpu.memref_slice %arg3[%dma_wait3A_105, %dma_wait3A_106, %dma_wait3A_107] : memref<2688x2x120xi32, #tpu.memory_space<hbm>> -> memref<1x2x120xi32, #tpu.memory_space<hbm>>
    %dma_wait3A_109 = tpu.memref_squeeze %dma_wait3A_108 : memref<1x2x120xi32, #tpu.memory_space<hbm>> -> memref<2x120xi32, #tpu.memory_space<hbm>>
    %dma_wait3A_110 = arith.constant 0 : i32
    %dma_wait3A_111 = arith.constant 0 : i32
    %dma_wait3A_112 = tpu.memref_slice %arg3[%dma_wait3A_105, %dma_wait3A_110, %dma_wait3A_111] : memref<2688x2x120xi32, #tpu.memory_space<hbm>> -> memref<1x2x120xi32, #tpu.memory_space<hbm>>
    %dma_wait3A_113 = tpu.memref_squeeze %dma_wait3A_112 : memref<1x2x120xi32, #tpu.memory_space<hbm>> -> memref<2x120xi32, #tpu.memory_space<hbm>>
    tpu.wait_dma2 semaphore(%arg17 : memref<!tpu.dma_semaphore, #tpu.memory_space<semaphore_mem>>) src(%dma_wait3A_113 : memref<2x120xi32, #tpu.memory_space<hbm>>) dst(%arg10 : memref<2x120xi32, #tpu.memory_space<vmem>>)
    %dma_start3A_114 = arith.constant 0 : i32
    %dma_start3A_115 = arith.constant 0 : i32
    %dma_start3A_116 = tpu.memref_slice %arg10[%dma_start3A_114, %dma_start3A_115] : memref<2x120xi32, #tpu.memory_space<vmem>> -> memref<1x120xi32, #tpu.memory_space<vmem>>
    %dma_start3A_117 = tpu.memref_squeeze %dma_start3A_116 : memref<1x120xi32, #tpu.memory_space<vmem>> -> memref<120xi32, #tpu.memory_space<vmem>>
    %dma_start3A_118 = arith.constant 0 : i32
    %dma_start3A_119 = arith.constant 0 : i32
    %dma_start3A_120 = tpu.memref_slice %arg2[%dma_start3A_118, %dma_start3A_119] : memref<10000x128xf32, #tpu.memory_space<hbm>> -> memref<10000x128xf32, #tpu.memory_space<hbm>>
    tpu.enqueue_indirect_dma source(%dma_start3A_120 : memref<10000x128xf32, #tpu.memory_space<hbm>>) target(%arg14 : memref<120x128xf32, #tpu.memory_space<vmem>>) offsets(%dma_start3A_117 : memref<120xi32, #tpu.memory_space<vmem>>) semaphore(%arg21 : memref<!tpu.dma_semaphore, #tpu.memory_space<semaphore_mem>>)
    %dma_wait3A_121 = arith.constant 0 : i32
    %dma_wait3A_122 = arith.constant 0 : i32
    %dma_wait3A_123 = arith.constant 0 : i32
    %dma_wait3A_124 = tpu.memref_slice %arg3[%dma_wait3A_121, %dma_wait3A_122, %dma_wait3A_123] : memref<2688x2x120xi32, #tpu.memory_space<hbm>> -> memref<1x2x120xi32, #tpu.memory_space<hbm>>
    %dma_wait3A_125 = tpu.memref_squeeze %dma_wait3A_124 : memref<1x2x120xi32, #tpu.memory_space<hbm>> -> memref<2x120xi32, #tpu.memory_space<hbm>>
    %dma_wait3A_126 = arith.constant 0 : i32
    %dma_wait3A_127 = arith.constant 0 : i32
    %dma_wait3A_128 = tpu.memref_slice %arg3[%dma_wait3A_121, %dma_wait3A_126, %dma_wait3A_127] : memref<2688x2x120xi32, #tpu.memory_space<hbm>> -> memref<1x2x120xi32, #tpu.memory_space<hbm>>
    %dma_wait3A_129 = tpu.memref_squeeze %dma_wait3A_128 : memref<1x2x120xi32, #tpu.memory_space<hbm>> -> memref<2x120xi32, #tpu.memory_space<hbm>>
    tpu.wait_dma2 semaphore(%arg18 : memref<!tpu.dma_semaphore, #tpu.memory_space<semaphore_mem>>) src(%dma_wait3A_129 : memref<2x120xi32, #tpu.memory_space<hbm>>) dst(%arg11 : memref<2x120xi32, #tpu.memory_space<vmem>>)
    %dma_start3A_130 = arith.constant 0 : i32
    %dma_start3A_131 = arith.constant 0 : i32
    %dma_start3A_132 = tpu.memref_slice %arg11[%dma_start3A_130, %dma_start3A_131] : memref<2x120xi32, #tpu.memory_space<vmem>> -> memref<1x120xi32, #tpu.memory_space<vmem>>
    %dma_start3A_133 = tpu.memref_squeeze %dma_start3A_132 : memref<1x120xi32, #tpu.memory_space<vmem>> -> memref<120xi32, #tpu.memory_space<vmem>>
    %dma_start3A_134 = arith.constant 0 : i32
    %dma_start3A_135 = arith.constant 0 : i32
    %dma_start3A_136 = tpu.memref_slice %arg2[%dma_start3A_134, %dma_start3A_135] : memref<10000x128xf32, #tpu.memory_space<hbm>> -> memref<10000x128xf32, #tpu.memory_space<hbm>>
    tpu.enqueue_indirect_dma source(%dma_start3A_136 : memref<10000x128xf32, #tpu.memory_space<hbm>>) target(%arg15 : memref<120x128xf32, #tpu.memory_space<vmem>>) offsets(%dma_start3A_133 : memref<120xi32, #tpu.memory_space<vmem>>) semaphore(%arg22 : memref<!tpu.dma_semaphore, #tpu.memory_space<semaphore_mem>>)
    %barrier3A = arith.constant 0 : index
    tpu.barrier barrier_id(%barrier3A)
    %scan3A = arith.constant 0 : i32
    %scan3A_137 = arith.constant 0 : i32
    %scan3A_138 = arith.constant 7 : i32
    %scan3A_139 = arith.addi %scan3A_137, %scan3A_138 : i32
    %scan3A_140 = arith.constant 1 : i32
    scf.for %scan3A_143 = %scan3A_137 to %scan3A_139 step %scan3A_140  : i32 {
      %mul3A_144 = arith.constant 12 : i32
      %mul3A_145 = arith.muli %scan3A_143, %mul3A_144 : i32
      %add3A_146 = arith.constant 0 : i32
      %add3A_147 = arith.addi %mul3A_145, %add3A_146 : i32
      %dma_wait3A_148 = arith.constant 0 : i32
      %dma_wait3A_149 = arith.constant 0 : i32
      %dma_wait3A_150 = tpu.memref_slice %arg2[%dma_wait3A_148, %dma_wait3A_149] : memref<10000x128xf32, #tpu.memory_space<hbm>> -> memref<120x128xf32, #tpu.memory_space<hbm>>
      %dma_wait3A_151 = arith.constant 0 : i32
      %dma_wait3A_152 = arith.constant 0 : i32
      %dma_wait3A_153 = tpu.memref_slice %arg2[%dma_wait3A_151, %dma_wait3A_152] : memref<10000x128xf32, #tpu.memory_space<hbm>> -> memref<120x128xf32, #tpu.memory_space<hbm>>
      tpu.wait_dma2 semaphore(%arg20 : memref<!tpu.dma_semaphore, #tpu.memory_space<semaphore_mem>>) src(%dma_wait3A_153 : memref<120x128xf32, #tpu.memory_space<hbm>>) dst(%arg13 : memref<120x128xf32, #tpu.memory_space<vmem>>)
      %run_scoped3A = arith.constant 1 : i32
      "tpu.region"() ({
        %run_scoped3A_452 = tpu.sem_alloc : memref<!tpu.dma_semaphore, #tpu.memory_space<semaphore_mem>>
        %dma_start3A_453 = arith.constant 0 : i32
        %dma_start3A_454 = tpu.memref_slice %arg9[%run_scoped3A, %dma_start3A_453] : memref<2x120xi32, #tpu.memory_space<vmem>> -> memref<1x120xi32, #tpu.memory_space<vmem>>
        %dma_start3A_455 = tpu.memref_squeeze %dma_start3A_454 : memref<1x120xi32, #tpu.memory_space<vmem>> -> memref<120xi32, #tpu.memory_space<vmem>>
        %dma_start3A_456 = arith.constant 0 : i32
        %dma_start3A_457 = arith.constant 0 : i32
        %dma_start3A_458 = tpu.memref_slice %arg8[%dma_start3A_456, %dma_start3A_457] : memref<10240x128xf32, #tpu.memory_space<vmem_shared>> -> memref<10240x128xf32, #tpu.memory_space<vmem_shared>>
        tpu.enqueue_indirect_dma source(%arg13 : memref<120x128xf32, #tpu.memory_space<vmem>>) target(%dma_start3A_458 : memref<10240x128xf32, #tpu.memory_space<vmem_shared>>) offsets(%dma_start3A_455 : memref<120xi32, #tpu.memory_space<vmem>>) semaphore(%run_scoped3A_452 : memref<!tpu.dma_semaphore, #tpu.memory_space<semaphore_mem>>) {add = true}
        %dma_wait3A_459 = arith.constant 0 : i32
        %dma_wait3A_460 = tpu.memref_slice %arg9[%run_scoped3A, %dma_wait3A_459] : memref<2x120xi32, #tpu.memory_space<vmem>> -> memref<1x120xi32, #tpu.memory_space<vmem>>
        %dma_wait3A_461 = tpu.memref_squeeze %dma_wait3A_460 : memref<1x120xi32, #tpu.memory_space<vmem>> -> memref<120xi32, #tpu.memory_space<vmem>>
        %dma_wait3A_462 = arith.constant 0 : i32
        %dma_wait3A_463 = arith.constant 0 : i32
        %dma_wait3A_464 = tpu.memref_slice %arg8[%dma_wait3A_462, %dma_wait3A_463] : memref<10240x128xf32, #tpu.memory_space<vmem_shared>> -> memref<10240x128xf32, #tpu.memory_space<vmem_shared>>
        tpu.wait_indirect_dma semaphore(%run_scoped3A_452 : memref<!tpu.dma_semaphore, #tpu.memory_space<semaphore_mem>>) src(%arg13 : memref<120x128xf32, #tpu.memory_space<vmem>>) dst(%dma_wait3A_464 : memref<10240x128xf32, #tpu.memory_space<vmem_shared>>)
        tpu.yield
      }) : () -> ()
      %run_scoped3A_154 = arith.constant 1 : i32
      "tpu.region"() ({
        %run_scoped3A_452 = tpu.sem_alloc : memref<!tpu.dma_semaphore, #tpu.memory_space<semaphore_mem>>
        %dma_start3A_453 = arith.constant 0 : i32
        %dma_start3A_454 = tpu.memref_slice %arg9[%run_scoped3A_154, %dma_start3A_453] : memref<2x120xi32, #tpu.memory_space<vmem>> -> memref<1x120xi32, #tpu.memory_space<vmem>>
        %dma_start3A_455 = tpu.memref_squeeze %dma_start3A_454 : memref<1x120xi32, #tpu.memory_space<vmem>> -> memref<120xi32, #tpu.memory_space<vmem>>
        %dma_start3A_456 = arith.constant 0 : i32
        %dma_start3A_457 = tpu.memref_slice %arg23[%dma_start3A_456] : memref<10240xf32, #tpu.memory_space<vmem_shared>> -> memref<10240xf32, #tpu.memory_space<vmem_shared>>
        tpu.enqueue_indirect_dma source(%arg24 : memref<120xf32, #tpu.memory_space<vmem>>) target(%dma_start3A_457 : memref<10240xf32, #tpu.memory_space<vmem_shared>>) offsets(%dma_start3A_455 : memref<120xi32, #tpu.memory_space<vmem>>) semaphore(%run_scoped3A_452 : memref<!tpu.dma_semaphore, #tpu.memory_space<semaphore_mem>>) {add = true}
        %dma_wait3A_458 = arith.constant 0 : i32
        %dma_wait3A_459 = tpu.memref_slice %arg9[%run_scoped3A_154, %dma_wait3A_458] : memref<2x120xi32, #tpu.memory_space<vmem>> -> memref<1x120xi32, #tpu.memory_space<vmem>>
        %dma_wait3A_460 = tpu.memref_squeeze %dma_wait3A_459 : memref<1x120xi32, #tpu.memory_space<vmem>> -> memref<120xi32, #tpu.memory_space<vmem>>
        %dma_wait3A_461 = arith.constant 0 : i32
        %dma_wait3A_462 = tpu.memref_slice %arg23[%dma_wait3A_461] : memref<10240xf32, #tpu.memory_space<vmem_shared>> -> memref<10240xf32, #tpu.memory_space<vmem_shared>>
        tpu.wait_indirect_dma semaphore(%run_scoped3A_452 : memref<!tpu.dma_semaphore, #tpu.memory_space<semaphore_mem>>) src(%arg24 : memref<120xf32, #tpu.memory_space<vmem>>) dst(%dma_wait3A_462 : memref<10240xf32, #tpu.memory_space<vmem_shared>>)
        tpu.yield
      }) : () -> ()
      %add3A_155 = arith.constant 4 : i32
      %add3A_156 = arith.addi %add3A_147, %add3A_155 : i32
      %lt3A = arith.constant 84 : i32
      %lt3A_157 = arith.cmpi slt, %add3A_156, %lt3A : i32
      %convert_element_type3A = arith.extui %lt3A_157 : i1 to i32
      %cond3A = arith.constant 0 : i32
      %cond3A_158 = arith.cmpi ne, %convert_element_type3A, %cond3A : i32
      scf.if %cond3A_158 {
        %add3A_452 = arith.addi %mul3A_4, %add3A_147 : i32
        %add3A_453 = arith.constant 4 : i32
        %add3A_454 = arith.addi %add3A_452, %add3A_453 : i32
        %dma_start3A_455 = arith.constant 0 : i32
        %dma_start3A_456 = arith.constant 0 : i32
        %dma_start3A_457 = tpu.memref_slice %arg3[%add3A_454, %dma_start3A_455, %dma_start3A_456] : memref<2688x2x120xi32, #tpu.memory_space<hbm>> -> memref<1x2x120xi32, #tpu.memory_space<hbm>>
        %dma_start3A_458 = tpu.memref_squeeze %dma_start3A_457 : memref<1x2x120xi32, #tpu.memory_space<hbm>> -> memref<2x120xi32, #tpu.memory_space<hbm>>
        %dma_start3A_459 = arith.constant 0 : i32
        %dma_start3A_460 = arith.constant 0 : i32
        %dma_start3A_461 = tpu.memref_slice %arg3[%add3A_454, %dma_start3A_459, %dma_start3A_460] : memref<2688x2x120xi32, #tpu.memory_space<hbm>> -> memref<1x2x120xi32, #tpu.memory_space<hbm>>
        %dma_start3A_462 = tpu.memref_squeeze %dma_start3A_461 : memref<1x2x120xi32, #tpu.memory_space<hbm>> -> memref<2x120xi32, #tpu.memory_space<hbm>>
        tpu.enqueue_dma source(%dma_start3A_462 : memref<2x120xi32, #tpu.memory_space<hbm>>) target(%arg9 : memref<2x120xi32, #tpu.memory_space<vmem>>) target_semaphore(%arg16 : memref<!tpu.dma_semaphore, #tpu.memory_space<semaphore_mem>>)
      } else {
      }
      %add3A_159 = arith.constant 3 : i32
      %add3A_160 = arith.addi %add3A_147, %add3A_159 : i32
      %lt3A_161 = arith.constant 84 : i32
      %lt3A_162 = arith.cmpi slt, %add3A_160, %lt3A_161 : i32
      %convert_element_type3A_163 = arith.extui %lt3A_162 : i1 to i32
      %cond3A_164 = arith.constant 0 : i32
      %cond3A_165 = arith.cmpi ne, %convert_element_type3A_163, %cond3A_164 : i32
      scf.if %cond3A_165 {
        %dma_wait3A_452 = arith.constant 0 : i32
        %dma_wait3A_453 = arith.constant 0 : i32
        %dma_wait3A_454 = arith.constant 0 : i32
        %dma_wait3A_455 = tpu.memref_slice %arg3[%dma_wait3A_452, %dma_wait3A_453, %dma_wait3A_454] : memref<2688x2x120xi32, #tpu.memory_space<hbm>> -> memref<1x2x120xi32, #tpu.memory_space<hbm>>
        %dma_wait3A_456 = tpu.memref_squeeze %dma_wait3A_455 : memref<1x2x120xi32, #tpu.memory_space<hbm>> -> memref<2x120xi32, #tpu.memory_space<hbm>>
        %dma_wait3A_457 = arith.constant 0 : i32
        %dma_wait3A_458 = arith.constant 0 : i32
        %dma_wait3A_459 = tpu.memref_slice %arg3[%dma_wait3A_452, %dma_wait3A_457, %dma_wait3A_458] : memref<2688x2x120xi32, #tpu.memory_space<hbm>> -> memref<1x2x120xi32, #tpu.memory_space<hbm>>
        %dma_wait3A_460 = tpu.memref_squeeze %dma_wait3A_459 : memref<1x2x120xi32, #tpu.memory_space<hbm>> -> memref<2x120xi32, #tpu.memory_space<hbm>>
        tpu.wait_dma2 semaphore(%arg19 : memref<!tpu.dma_semaphore, #tpu.memory_space<semaphore_mem>>) src(%dma_wait3A_460 : memref<2x120xi32, #tpu.memory_space<hbm>>) dst(%arg12 : memref<2x120xi32, #tpu.memory_space<vmem>>)
        %dma_start3A_461 = arith.constant 0 : i32
        %dma_start3A_462 = arith.constant 0 : i32
        %dma_start3A_463 = tpu.memref_slice %arg12[%dma_start3A_461, %dma_start3A_462] : memref<2x120xi32, #tpu.memory_space<vmem>> -> memref<1x120xi32, #tpu.memory_space<vmem>>
        %dma_start3A_464 = tpu.memref_squeeze %dma_start3A_463 : memref<1x120xi32, #tpu.memory_space<vmem>> -> memref<120xi32, #tpu.memory_space<vmem>>
        %dma_start3A_465 = arith.constant 0 : i32
        %dma_start3A_466 = arith.constant 0 : i32
        %dma_start3A_467 = tpu.memref_slice %arg2[%dma_start3A_465, %dma_start3A_466] : memref<10000x128xf32, #tpu.memory_space<hbm>> -> memref<10000x128xf32, #tpu.memory_space<hbm>>
        tpu.enqueue_indirect_dma source(%dma_start3A_467 : memref<10000x128xf32, #tpu.memory_space<hbm>>) target(%arg13 : memref<120x128xf32, #tpu.memory_space<vmem>>) offsets(%dma_start3A_464 : memref<120xi32, #tpu.memory_space<vmem>>) semaphore(%arg20 : memref<!tpu.dma_semaphore, #tpu.memory_space<semaphore_mem>>)
      } else {
      }
      %mul3A_166 = arith.constant 12 : i32
      %mul3A_167 = arith.muli %scan3A_143, %mul3A_166 : i32
      %add3A_168 = arith.constant 1 : i32
      %add3A_169 = arith.addi %mul3A_167, %add3A_168 : i32
      %dma_wait3A_170 = arith.constant 0 : i32
      %dma_wait3A_171 = arith.constant 0 : i32
      %dma_wait3A_172 = tpu.memref_slice %arg2[%dma_wait3A_170, %dma_wait3A_171] : memref<10000x128xf32, #tpu.memory_space<hbm>> -> memref<120x128xf32, #tpu.memory_space<hbm>>
      %dma_wait3A_173 = arith.constant 0 : i32
      %dma_wait3A_174 = arith.constant 0 : i32
      %dma_wait3A_175 = tpu.memref_slice %arg2[%dma_wait3A_173, %dma_wait3A_174] : memref<10000x128xf32, #tpu.memory_space<hbm>> -> memref<120x128xf32, #tpu.memory_space<hbm>>
      tpu.wait_dma2 semaphore(%arg21 : memref<!tpu.dma_semaphore, #tpu.memory_space<semaphore_mem>>) src(%dma_wait3A_175 : memref<120x128xf32, #tpu.memory_space<hbm>>) dst(%arg14 : memref<120x128xf32, #tpu.memory_space<vmem>>)
      %run_scoped3A_176 = arith.constant 1 : i32
      "tpu.region"() ({
        %run_scoped3A_452 = tpu.sem_alloc : memref<!tpu.dma_semaphore, #tpu.memory_space<semaphore_mem>>
        %dma_start3A_453 = arith.constant 0 : i32
        %dma_start3A_454 = tpu.memref_slice %arg10[%run_scoped3A_176, %dma_start3A_453] : memref<2x120xi32, #tpu.memory_space<vmem>> -> memref<1x120xi32, #tpu.memory_space<vmem>>
        %dma_start3A_455 = tpu.memref_squeeze %dma_start3A_454 : memref<1x120xi32, #tpu.memory_space<vmem>> -> memref<120xi32, #tpu.memory_space<vmem>>
        %dma_start3A_456 = arith.constant 0 : i32
        %dma_start3A_457 = arith.constant 0 : i32
        %dma_start3A_458 = tpu.memref_slice %arg8[%dma_start3A_456, %dma_start3A_457] : memref<10240x128xf32, #tpu.memory_space<vmem_shared>> -> memref<10240x128xf32, #tpu.memory_space<vmem_shared>>
        tpu.enqueue_indirect_dma source(%arg14 : memref<120x128xf32, #tpu.memory_space<vmem>>) target(%dma_start3A_458 : memref<10240x128xf32, #tpu.memory_space<vmem_shared>>) offsets(%dma_start3A_455 : memref<120xi32, #tpu.memory_space<vmem>>) semaphore(%run_scoped3A_452 : memref<!tpu.dma_semaphore, #tpu.memory_space<semaphore_mem>>) {add = true}
        %dma_wait3A_459 = arith.constant 0 : i32
        %dma_wait3A_460 = tpu.memref_slice %arg10[%run_scoped3A_176, %dma_wait3A_459] : memref<2x120xi32, #tpu.memory_space<vmem>> -> memref<1x120xi32, #tpu.memory_space<vmem>>
        %dma_wait3A_461 = tpu.memref_squeeze %dma_wait3A_460 : memref<1x120xi32, #tpu.memory_space<vmem>> -> memref<120xi32, #tpu.memory_space<vmem>>
        %dma_wait3A_462 = arith.constant 0 : i32
        %dma_wait3A_463 = arith.constant 0 : i32
        %dma_wait3A_464 = tpu.memref_slice %arg8[%dma_wait3A_462, %dma_wait3A_463] : memref<10240x128xf32, #tpu.memory_space<vmem_shared>> -> memref<10240x128xf32, #tpu.memory_space<vmem_shared>>
        tpu.wait_indirect_dma semaphore(%run_scoped3A_452 : memref<!tpu.dma_semaphore, #tpu.memory_space<semaphore_mem>>) src(%arg14 : memref<120x128xf32, #tpu.memory_space<vmem>>) dst(%dma_wait3A_464 : memref<10240x128xf32, #tpu.memory_space<vmem_shared>>)
        tpu.yield
      }) : () -> ()
      %run_scoped3A_177 = arith.constant 1 : i32
      "tpu.region"() ({
        %run_scoped3A_452 = tpu.sem_alloc : memref<!tpu.dma_semaphore, #tpu.memory_space<semaphore_mem>>
        %dma_start3A_453 = arith.constant 0 : i32
        %dma_start3A_454 = tpu.memref_slice %arg10[%run_scoped3A_177, %dma_start3A_453] : memref<2x120xi32, #tpu.memory_space<vmem>> -> memref<1x120xi32, #tpu.memory_space<vmem>>
        %dma_start3A_455 = tpu.memref_squeeze %dma_start3A_454 : memref<1x120xi32, #tpu.memory_space<vmem>> -> memref<120xi32, #tpu.memory_space<vmem>>
        %dma_start3A_456 = arith.constant 0 : i32
        %dma_start3A_457 = tpu.memref_slice %arg23[%dma_start3A_456] : memref<10240xf32, #tpu.memory_space<vmem_shared>> -> memref<10240xf32, #tpu.memory_space<vmem_shared>>
        tpu.enqueue_indirect_dma source(%arg24 : memref<120xf32, #tpu.memory_space<vmem>>) target(%dma_start3A_457 : memref<10240xf32, #tpu.memory_space<vmem_shared>>) offsets(%dma_start3A_455 : memref<120xi32, #tpu.memory_space<vmem>>) semaphore(%run_scoped3A_452 : memref<!tpu.dma_semaphore, #tpu.memory_space<semaphore_mem>>) {add = true}
        %dma_wait3A_458 = arith.constant 0 : i32
        %dma_wait3A_459 = tpu.memref_slice %arg10[%run_scoped3A_177, %dma_wait3A_458] : memref<2x120xi32, #tpu.memory_space<vmem>> -> memref<1x120xi32, #tpu.memory_space<vmem>>
        %dma_wait3A_460 = tpu.memref_squeeze %dma_wait3A_459 : memref<1x120xi32, #tpu.memory_space<vmem>> -> memref<120xi32, #tpu.memory_space<vmem>>
        %dma_wait3A_461 = arith.constant 0 : i32
        %dma_wait3A_462 = tpu.memref_slice %arg23[%dma_wait3A_461] : memref<10240xf32, #tpu.memory_space<vmem_shared>> -> memref<10240xf32, #tpu.memory_space<vmem_shared>>
        tpu.wait_indirect_dma semaphore(%run_scoped3A_452 : memref<!tpu.dma_semaphore, #tpu.memory_space<semaphore_mem>>) src(%arg24 : memref<120xf32, #tpu.memory_space<vmem>>) dst(%dma_wait3A_462 : memref<10240xf32, #tpu.memory_space<vmem_shared>>)
        tpu.yield
      }) : () -> ()
      %add3A_178 = arith.constant 4 : i32
      %add3A_179 = arith.addi %add3A_169, %add3A_178 : i32
      %lt3A_180 = arith.constant 84 : i32
      %lt3A_181 = arith.cmpi slt, %add3A_179, %lt3A_180 : i32
      %convert_element_type3A_182 = arith.extui %lt3A_181 : i1 to i32
      %cond3A_183 = arith.constant 0 : i32
      %cond3A_184 = arith.cmpi ne, %convert_element_type3A_182, %cond3A_183 : i32
      scf.if %cond3A_184 {
        %add3A_452 = arith.addi %mul3A_4, %add3A_169 : i32
        %add3A_453 = arith.constant 4 : i32
        %add3A_454 = arith.addi %add3A_452, %add3A_453 : i32
        %dma_start3A_455 = arith.constant 0 : i32
        %dma_start3A_456 = arith.constant 0 : i32
        %dma_start3A_457 = tpu.memref_slice %arg3[%add3A_454, %dma_start3A_455, %dma_start3A_456] : memref<2688x2x120xi32, #tpu.memory_space<hbm>> -> memref<1x2x120xi32, #tpu.memory_space<hbm>>
        %dma_start3A_458 = tpu.memref_squeeze %dma_start3A_457 : memref<1x2x120xi32, #tpu.memory_space<hbm>> -> memref<2x120xi32, #tpu.memory_space<hbm>>
        %dma_start3A_459 = arith.constant 0 : i32
        %dma_start3A_460 = arith.constant 0 : i32
        %dma_start3A_461 = tpu.memref_slice %arg3[%add3A_454, %dma_start3A_459, %dma_start3A_460] : memref<2688x2x120xi32, #tpu.memory_space<hbm>> -> memref<1x2x120xi32, #tpu.memory_space<hbm>>
        %dma_start3A_462 = tpu.memref_squeeze %dma_start3A_461 : memref<1x2x120xi32, #tpu.memory_space<hbm>> -> memref<2x120xi32, #tpu.memory_space<hbm>>
        tpu.enqueue_dma source(%dma_start3A_462 : memref<2x120xi32, #tpu.memory_space<hbm>>) target(%arg10 : memref<2x120xi32, #tpu.memory_space<vmem>>) target_semaphore(%arg17 : memref<!tpu.dma_semaphore, #tpu.memory_space<semaphore_mem>>)
      } else {
      }
      %add3A_185 = arith.constant 3 : i32
      %add3A_186 = arith.addi %add3A_169, %add3A_185 : i32
      %lt3A_187 = arith.constant 84 : i32
      %lt3A_188 = arith.cmpi slt, %add3A_186, %lt3A_187 : i32
      %convert_element_type3A_189 = arith.extui %lt3A_188 : i1 to i32
      %cond3A_190 = arith.constant 0 : i32
      %cond3A_191 = arith.cmpi ne, %convert_element_type3A_189, %cond3A_190 : i32
      scf.if %cond3A_191 {
        %dma_wait3A_452 = arith.constant 0 : i32
        %dma_wait3A_453 = arith.constant 0 : i32
        %dma_wait3A_454 = arith.constant 0 : i32
        %dma_wait3A_455 = tpu.memref_slice %arg3[%dma_wait3A_452, %dma_wait3A_453, %dma_wait3A_454] : memref<2688x2x120xi32, #tpu.memory_space<hbm>> -> memref<1x2x120xi32, #tpu.memory_space<hbm>>
        %dma_wait3A_456 = tpu.memref_squeeze %dma_wait3A_455 : memref<1x2x120xi32, #tpu.memory_space<hbm>> -> memref<2x120xi32, #tpu.memory_space<hbm>>
        %dma_wait3A_457 = arith.constant 0 : i32
        %dma_wait3A_458 = arith.constant 0 : i32
        %dma_wait3A_459 = tpu.memref_slice %arg3[%dma_wait3A_452, %dma_wait3A_457, %dma_wait3A_458] : memref<2688x2x120xi32, #tpu.memory_space<hbm>> -> memref<1x2x120xi32, #tpu.memory_space<hbm>>
        %dma_wait3A_460 = tpu.memref_squeeze %dma_wait3A_459 : memref<1x2x120xi32, #tpu.memory_space<hbm>> -> memref<2x120xi32, #tpu.memory_space<hbm>>
        tpu.wait_dma2 semaphore(%arg16 : memref<!tpu.dma_semaphore, #tpu.memory_space<semaphore_mem>>) src(%dma_wait3A_460 : memref<2x120xi32, #tpu.memory_space<hbm>>) dst(%arg9 : memref<2x120xi32, #tpu.memory_space<vmem>>)
        %dma_start3A_461 = arith.constant 0 : i32
        %dma_start3A_462 = arith.constant 0 : i32
        %dma_start3A_463 = tpu.memref_slice %arg9[%dma_start3A_461, %dma_start3A_462] : memref<2x120xi32, #tpu.memory_space<vmem>> -> memref<1x120xi32, #tpu.memory_space<vmem>>
        %dma_start3A_464 = tpu.memref_squeeze %dma_start3A_463 : memref<1x120xi32, #tpu.memory_space<vmem>> -> memref<120xi32, #tpu.memory_space<vmem>>
        %dma_start3A_465 = arith.constant 0 : i32
        %dma_start3A_466 = arith.constant 0 : i32
        %dma_start3A_467 = tpu.memref_slice %arg2[%dma_start3A_465, %dma_start3A_466] : memref<10000x128xf32, #tpu.memory_space<hbm>> -> memref<10000x128xf32, #tpu.memory_space<hbm>>
        tpu.enqueue_indirect_dma source(%dma_start3A_467 : memref<10000x128xf32, #tpu.memory_space<hbm>>) target(%arg14 : memref<120x128xf32, #tpu.memory_space<vmem>>) offsets(%dma_start3A_464 : memref<120xi32, #tpu.memory_space<vmem>>) semaphore(%arg21 : memref<!tpu.dma_semaphore, #tpu.memory_space<semaphore_mem>>)
      } else {
      }
      %mul3A_192 = arith.constant 12 : i32
      %mul3A_193 = arith.muli %scan3A_143, %mul3A_192 : i32
      %add3A_194 = arith.constant 2 : i32
      %add3A_195 = arith.addi %mul3A_193, %add3A_194 : i32
      %dma_wait3A_196 = arith.constant 0 : i32
      %dma_wait3A_197 = arith.constant 0 : i32
      %dma_wait3A_198 = tpu.memref_slice %arg2[%dma_wait3A_196, %dma_wait3A_197] : memref<10000x128xf32, #tpu.memory_space<hbm>> -> memref<120x128xf32, #tpu.memory_space<hbm>>
      %dma_wait3A_199 = arith.constant 0 : i32
      %dma_wait3A_200 = arith.constant 0 : i32
      %dma_wait3A_201 = tpu.memref_slice %arg2[%dma_wait3A_199, %dma_wait3A_200] : memref<10000x128xf32, #tpu.memory_space<hbm>> -> memref<120x128xf32, #tpu.memory_space<hbm>>
      tpu.wait_dma2 semaphore(%arg22 : memref<!tpu.dma_semaphore, #tpu.memory_space<semaphore_mem>>) src(%dma_wait3A_201 : memref<120x128xf32, #tpu.memory_space<hbm>>) dst(%arg15 : memref<120x128xf32, #tpu.memory_space<vmem>>)
      %run_scoped3A_202 = arith.constant 1 : i32
      "tpu.region"() ({
        %run_scoped3A_452 = tpu.sem_alloc : memref<!tpu.dma_semaphore, #tpu.memory_space<semaphore_mem>>
        %dma_start3A_453 = arith.constant 0 : i32
        %dma_start3A_454 = tpu.memref_slice %arg11[%run_scoped3A_202, %dma_start3A_453] : memref<2x120xi32, #tpu.memory_space<vmem>> -> memref<1x120xi32, #tpu.memory_space<vmem>>
        %dma_start3A_455 = tpu.memref_squeeze %dma_start3A_454 : memref<1x120xi32, #tpu.memory_space<vmem>> -> memref<120xi32, #tpu.memory_space<vmem>>
        %dma_start3A_456 = arith.constant 0 : i32
        %dma_start3A_457 = arith.constant 0 : i32
        %dma_start3A_458 = tpu.memref_slice %arg8[%dma_start3A_456, %dma_start3A_457] : memref<10240x128xf32, #tpu.memory_space<vmem_shared>> -> memref<10240x128xf32, #tpu.memory_space<vmem_shared>>
        tpu.enqueue_indirect_dma source(%arg15 : memref<120x128xf32, #tpu.memory_space<vmem>>) target(%dma_start3A_458 : memref<10240x128xf32, #tpu.memory_space<vmem_shared>>) offsets(%dma_start3A_455 : memref<120xi32, #tpu.memory_space<vmem>>) semaphore(%run_scoped3A_452 : memref<!tpu.dma_semaphore, #tpu.memory_space<semaphore_mem>>) {add = true}
        %dma_wait3A_459 = arith.constant 0 : i32
        %dma_wait3A_460 = tpu.memref_slice %arg11[%run_scoped3A_202, %dma_wait3A_459] : memref<2x120xi32, #tpu.memory_space<vmem>> -> memref<1x120xi32, #tpu.memory_space<vmem>>
        %dma_wait3A_461 = tpu.memref_squeeze %dma_wait3A_460 : memref<1x120xi32, #tpu.memory_space<vmem>> -> memref<120xi32, #tpu.memory_space<vmem>>
        %dma_wait3A_462 = arith.constant 0 : i32
        %dma_wait3A_463 = arith.constant 0 : i32
        %dma_wait3A_464 = tpu.memref_slice %arg8[%dma_wait3A_462, %dma_wait3A_463] : memref<10240x128xf32, #tpu.memory_space<vmem_shared>> -> memref<10240x128xf32, #tpu.memory_space<vmem_shared>>
        tpu.wait_indirect_dma semaphore(%run_scoped3A_452 : memref<!tpu.dma_semaphore, #tpu.memory_space<semaphore_mem>>) src(%arg15 : memref<120x128xf32, #tpu.memory_space<vmem>>) dst(%dma_wait3A_464 : memref<10240x128xf32, #tpu.memory_space<vmem_shared>>)
        tpu.yield
      }) : () -> ()
      %run_scoped3A_203 = arith.constant 1 : i32
      "tpu.region"() ({
        %run_scoped3A_452 = tpu.sem_alloc : memref<!tpu.dma_semaphore, #tpu.memory_space<semaphore_mem>>
        %dma_start3A_453 = arith.constant 0 : i32
        %dma_start3A_454 = tpu.memref_slice %arg11[%run_scoped3A_203, %dma_start3A_453] : memref<2x120xi32, #tpu.memory_space<vmem>> -> memref<1x120xi32, #tpu.memory_space<vmem>>
        %dma_start3A_455 = tpu.memref_squeeze %dma_start3A_454 : memref<1x120xi32, #tpu.memory_space<vmem>> -> memref<120xi32, #tpu.memory_space<vmem>>
        %dma_start3A_456 = arith.constant 0 : i32
        %dma_start3A_457 = tpu.memref_slice %arg23[%dma_start3A_456] : memref<10240xf32, #tpu.memory_space<vmem_shared>> -> memref<10240xf32, #tpu.memory_space<vmem_shared>>
        tpu.enqueue_indirect_dma source(%arg24 : memref<120xf32, #tpu.memory_space<vmem>>) target(%dma_start3A_457 : memref<10240xf32, #tpu.memory_space<vmem_shared>>) offsets(%dma_start3A_455 : memref<120xi32, #tpu.memory_space<vmem>>) semaphore(%run_scoped3A_452 : memref<!tpu.dma_semaphore, #tpu.memory_space<semaphore_mem>>) {add = true}
        %dma_wait3A_458 = arith.constant 0 : i32
        %dma_wait3A_459 = tpu.memref_slice %arg11[%run_scoped3A_203, %dma_wait3A_458] : memref<2x120xi32, #tpu.memory_space<vmem>> -> memref<1x120xi32, #tpu.memory_space<vmem>>
        %dma_wait3A_460 = tpu.memref_squeeze %dma_wait3A_459 : memref<1x120xi32, #tpu.memory_space<vmem>> -> memref<120xi32, #tpu.memory_space<vmem>>
        %dma_wait3A_461 = arith.constant 0 : i32
        %dma_wait3A_462 = tpu.memref_slice %arg23[%dma_wait3A_461] : memref<10240xf32, #tpu.memory_space<vmem_shared>> -> memref<10240xf32, #tpu.memory_space<vmem_shared>>
        tpu.wait_indirect_dma semaphore(%run_scoped3A_452 : memref<!tpu.dma_semaphore, #tpu.memory_space<semaphore_mem>>) src(%arg24 : memref<120xf32, #tpu.memory_space<vmem>>) dst(%dma_wait3A_462 : memref<10240xf32, #tpu.memory_space<vmem_shared>>)
        tpu.yield
      }) : () -> ()
      %add3A_204 = arith.constant 4 : i32
      %add3A_205 = arith.addi %add3A_195, %add3A_204 : i32
      %lt3A_206 = arith.constant 84 : i32
      %lt3A_207 = arith.cmpi slt, %add3A_205, %lt3A_206 : i32
      %convert_element_type3A_208 = arith.extui %lt3A_207 : i1 to i32
      %cond3A_209 = arith.constant 0 : i32
      %cond3A_210 = arith.cmpi ne, %convert_element_type3A_208, %cond3A_209 : i32
      scf.if %cond3A_210 {
        %add3A_452 = arith.addi %mul3A_4, %add3A_195 : i32
        %add3A_453 = arith.constant 4 : i32
        %add3A_454 = arith.addi %add3A_452, %add3A_453 : i32
        %dma_start3A_455 = arith.constant 0 : i32
        %dma_start3A_456 = arith.constant 0 : i32
        %dma_start3A_457 = tpu.memref_slice %arg3[%add3A_454, %dma_start3A_455, %dma_start3A_456] : memref<2688x2x120xi32, #tpu.memory_space<hbm>> -> memref<1x2x120xi32, #tpu.memory_space<hbm>>
        %dma_start3A_458 = tpu.memref_squeeze %dma_start3A_457 : memref<1x2x120xi32, #tpu.memory_space<hbm>> -> memref<2x120xi32, #tpu.memory_space<hbm>>
        %dma_start3A_459 = arith.constant 0 : i32
        %dma_start3A_460 = arith.constant 0 : i32
        %dma_start3A_461 = tpu.memref_slice %arg3[%add3A_454, %dma_start3A_459, %dma_start3A_460] : memref<2688x2x120xi32, #tpu.memory_space<hbm>> -> memref<1x2x120xi32, #tpu.memory_space<hbm>>
        %dma_start3A_462 = tpu.memref_squeeze %dma_start3A_461 : memref<1x2x120xi32, #tpu.memory_space<hbm>> -> memref<2x120xi32, #tpu.memory_space<hbm>>
        tpu.enqueue_dma source(%dma_start3A_462 : memref<2x120xi32, #tpu.memory_space<hbm>>) target(%arg11 : memref<2x120xi32, #tpu.memory_space<vmem>>) target_semaphore(%arg18 : memref<!tpu.dma_semaphore, #tpu.memory_space<semaphore_mem>>)
      } else {
      }
      %add3A_211 = arith.constant 3 : i32
      %add3A_212 = arith.addi %add3A_195, %add3A_211 : i32
      %lt3A_213 = arith.constant 84 : i32
      %lt3A_214 = arith.cmpi slt, %add3A_212, %lt3A_213 : i32
      %convert_element_type3A_215 = arith.extui %lt3A_214 : i1 to i32
      %cond3A_216 = arith.constant 0 : i32
      %cond3A_217 = arith.cmpi ne, %convert_element_type3A_215, %cond3A_216 : i32
      scf.if %cond3A_217 {
        %dma_wait3A_452 = arith.constant 0 : i32
        %dma_wait3A_453 = arith.constant 0 : i32
        %dma_wait3A_454 = arith.constant 0 : i32
        %dma_wait3A_455 = tpu.memref_slice %arg3[%dma_wait3A_452, %dma_wait3A_453, %dma_wait3A_454] : memref<2688x2x120xi32, #tpu.memory_space<hbm>> -> memref<1x2x120xi32, #tpu.memory_space<hbm>>
        %dma_wait3A_456 = tpu.memref_squeeze %dma_wait3A_455 : memref<1x2x120xi32, #tpu.memory_space<hbm>> -> memref<2x120xi32, #tpu.memory_space<hbm>>
        %dma_wait3A_457 = arith.constant 0 : i32
        %dma_wait3A_458 = arith.constant 0 : i32
        %dma_wait3A_459 = tpu.memref_slice %arg3[%dma_wait3A_452, %dma_wait3A_457, %dma_wait3A_458] : memref<2688x2x120xi32, #tpu.memory_space<hbm>> -> memref<1x2x120xi32, #tpu.memory_space<hbm>>
        %dma_wait3A_460 = tpu.memref_squeeze %dma_wait3A_459 : memref<1x2x120xi32, #tpu.memory_space<hbm>> -> memref<2x120xi32, #tpu.memory_space<hbm>>
        tpu.wait_dma2 semaphore(%arg17 : memref<!tpu.dma_semaphore, #tpu.memory_space<semaphore_mem>>) src(%dma_wait3A_460 : memref<2x120xi32, #tpu.memory_space<hbm>>) dst(%arg10 : memref<2x120xi32, #tpu.memory_space<vmem>>)
        %dma_start3A_461 = arith.constant 0 : i32
        %dma_start3A_462 = arith.constant 0 : i32
        %dma_start3A_463 = tpu.memref_slice %arg10[%dma_start3A_461, %dma_start3A_462] : memref<2x120xi32, #tpu.memory_space<vmem>> -> memref<1x120xi32, #tpu.memory_space<vmem>>
        %dma_start3A_464 = tpu.memref_squeeze %dma_start3A_463 : memref<1x120xi32, #tpu.memory_space<vmem>> -> memref<120xi32, #tpu.memory_space<vmem>>
        %dma_start3A_465 = arith.constant 0 : i32
        %dma_start3A_466 = arith.constant 0 : i32
        %dma_start3A_467 = tpu.memref_slice %arg2[%dma_start3A_465, %dma_start3A_466] : memref<10000x128xf32, #tpu.memory_space<hbm>> -> memref<10000x128xf32, #tpu.memory_space<hbm>>
        tpu.enqueue_indirect_dma source(%dma_start3A_467 : memref<10000x128xf32, #tpu.memory_space<hbm>>) target(%arg15 : memref<120x128xf32, #tpu.memory_space<vmem>>) offsets(%dma_start3A_464 : memref<120xi32, #tpu.memory_space<vmem>>) semaphore(%arg22 : memref<!tpu.dma_semaphore, #tpu.memory_space<semaphore_mem>>)
      } else {
      }
      %mul3A_218 = arith.constant 12 : i32
      %mul3A_219 = arith.muli %scan3A_143, %mul3A_218 : i32
      %add3A_220 = arith.constant 3 : i32
      %add3A_221 = arith.addi %mul3A_219, %add3A_220 : i32
      %dma_wait3A_222 = arith.constant 0 : i32
      %dma_wait3A_223 = arith.constant 0 : i32
      %dma_wait3A_224 = tpu.memref_slice %arg2[%dma_wait3A_222, %dma_wait3A_223] : memref<10000x128xf32, #tpu.memory_space<hbm>> -> memref<120x128xf32, #tpu.memory_space<hbm>>
      %dma_wait3A_225 = arith.constant 0 : i32
      %dma_wait3A_226 = arith.constant 0 : i32
      %dma_wait3A_227 = tpu.memref_slice %arg2[%dma_wait3A_225, %dma_wait3A_226] : memref<10000x128xf32, #tpu.memory_space<hbm>> -> memref<120x128xf32, #tpu.memory_space<hbm>>
      tpu.wait_dma2 semaphore(%arg20 : memref<!tpu.dma_semaphore, #tpu.memory_space<semaphore_mem>>) src(%dma_wait3A_227 : memref<120x128xf32, #tpu.memory_space<hbm>>) dst(%arg13 : memref<120x128xf32, #tpu.memory_space<vmem>>)
      %run_scoped3A_228 = arith.constant 1 : i32
      "tpu.region"() ({
        %run_scoped3A_452 = tpu.sem_alloc : memref<!tpu.dma_semaphore, #tpu.memory_space<semaphore_mem>>
        %dma_start3A_453 = arith.constant 0 : i32
        %dma_start3A_454 = tpu.memref_slice %arg12[%run_scoped3A_228, %dma_start3A_453] : memref<2x120xi32, #tpu.memory_space<vmem>> -> memref<1x120xi32, #tpu.memory_space<vmem>>
        %dma_start3A_455 = tpu.memref_squeeze %dma_start3A_454 : memref<1x120xi32, #tpu.memory_space<vmem>> -> memref<120xi32, #tpu.memory_space<vmem>>
        %dma_start3A_456 = arith.constant 0 : i32
        %dma_start3A_457 = arith.constant 0 : i32
        %dma_start3A_458 = tpu.memref_slice %arg8[%dma_start3A_456, %dma_start3A_457] : memref<10240x128xf32, #tpu.memory_space<vmem_shared>> -> memref<10240x128xf32, #tpu.memory_space<vmem_shared>>
        tpu.enqueue_indirect_dma source(%arg13 : memref<120x128xf32, #tpu.memory_space<vmem>>) target(%dma_start3A_458 : memref<10240x128xf32, #tpu.memory_space<vmem_shared>>) offsets(%dma_start3A_455 : memref<120xi32, #tpu.memory_space<vmem>>) semaphore(%run_scoped3A_452 : memref<!tpu.dma_semaphore, #tpu.memory_space<semaphore_mem>>) {add = true}
        %dma_wait3A_459 = arith.constant 0 : i32
        %dma_wait3A_460 = tpu.memref_slice %arg12[%run_scoped3A_228, %dma_wait3A_459] : memref<2x120xi32, #tpu.memory_space<vmem>> -> memref<1x120xi32, #tpu.memory_space<vmem>>
        %dma_wait3A_461 = tpu.memref_squeeze %dma_wait3A_460 : memref<1x120xi32, #tpu.memory_space<vmem>> -> memref<120xi32, #tpu.memory_space<vmem>>
        %dma_wait3A_462 = arith.constant 0 : i32
        %dma_wait3A_463 = arith.constant 0 : i32
        %dma_wait3A_464 = tpu.memref_slice %arg8[%dma_wait3A_462, %dma_wait3A_463] : memref<10240x128xf32, #tpu.memory_space<vmem_shared>> -> memref<10240x128xf32, #tpu.memory_space<vmem_shared>>
        tpu.wait_indirect_dma semaphore(%run_scoped3A_452 : memref<!tpu.dma_semaphore, #tpu.memory_space<semaphore_mem>>) src(%arg13 : memref<120x128xf32, #tpu.memory_space<vmem>>) dst(%dma_wait3A_464 : memref<10240x128xf32, #tpu.memory_space<vmem_shared>>)
        tpu.yield
      }) : () -> ()
      %run_scoped3A_229 = arith.constant 1 : i32
      "tpu.region"() ({
        %run_scoped3A_452 = tpu.sem_alloc : memref<!tpu.dma_semaphore, #tpu.memory_space<semaphore_mem>>
        %dma_start3A_453 = arith.constant 0 : i32
        %dma_start3A_454 = tpu.memref_slice %arg12[%run_scoped3A_229, %dma_start3A_453] : memref<2x120xi32, #tpu.memory_space<vmem>> -> memref<1x120xi32, #tpu.memory_space<vmem>>
        %dma_start3A_455 = tpu.memref_squeeze %dma_start3A_454 : memref<1x120xi32, #tpu.memory_space<vmem>> -> memref<120xi32, #tpu.memory_space<vmem>>
        %dma_start3A_456 = arith.constant 0 : i32
        %dma_start3A_457 = tpu.memref_slice %arg23[%dma_start3A_456] : memref<10240xf32, #tpu.memory_space<vmem_shared>> -> memref<10240xf32, #tpu.memory_space<vmem_shared>>
        tpu.enqueue_indirect_dma source(%arg24 : memref<120xf32, #tpu.memory_space<vmem>>) target(%dma_start3A_457 : memref<10240xf32, #tpu.memory_space<vmem_shared>>) offsets(%dma_start3A_455 : memref<120xi32, #tpu.memory_space<vmem>>) semaphore(%run_scoped3A_452 : memref<!tpu.dma_semaphore, #tpu.memory_space<semaphore_mem>>) {add = true}
        %dma_wait3A_458 = arith.constant 0 : i32
        %dma_wait3A_459 = tpu.memref_slice %arg12[%run_scoped3A_229, %dma_wait3A_458] : memref<2x120xi32, #tpu.memory_space<vmem>> -> memref<1x120xi32, #tpu.memory_space<vmem>>
        %dma_wait3A_460 = tpu.memref_squeeze %dma_wait3A_459 : memref<1x120xi32, #tpu.memory_space<vmem>> -> memref<120xi32, #tpu.memory_space<vmem>>
        %dma_wait3A_461 = arith.constant 0 : i32
        %dma_wait3A_462 = tpu.memref_slice %arg23[%dma_wait3A_461] : memref<10240xf32, #tpu.memory_space<vmem_shared>> -> memref<10240xf32, #tpu.memory_space<vmem_shared>>
        tpu.wait_indirect_dma semaphore(%run_scoped3A_452 : memref<!tpu.dma_semaphore, #tpu.memory_space<semaphore_mem>>) src(%arg24 : memref<120xf32, #tpu.memory_space<vmem>>) dst(%dma_wait3A_462 : memref<10240xf32, #tpu.memory_space<vmem_shared>>)
        tpu.yield
      }) : () -> ()
      %add3A_230 = arith.constant 4 : i32
      %add3A_231 = arith.addi %add3A_221, %add3A_230 : i32
      %lt3A_232 = arith.constant 84 : i32
      %lt3A_233 = arith.cmpi slt, %add3A_231, %lt3A_232 : i32
      %convert_element_type3A_234 = arith.extui %lt3A_233 : i1 to i32
      %cond3A_235 = arith.constant 0 : i32
      %cond3A_236 = arith.cmpi ne, %convert_element_type3A_234, %cond3A_235 : i32
      scf.if %cond3A_236 {
        %add3A_452 = arith.addi %mul3A_4, %add3A_221 : i32
        %add3A_453 = arith.constant 4 : i32
        %add3A_454 = arith.addi %add3A_452, %add3A_453 : i32
        %dma_start3A_455 = arith.constant 0 : i32
        %dma_start3A_456 = arith.constant 0 : i32
        %dma_start3A_457 = tpu.memref_slice %arg3[%add3A_454, %dma_start3A_455, %dma_start3A_456] : memref<2688x2x120xi32, #tpu.memory_space<hbm>> -> memref<1x2x120xi32, #tpu.memory_space<hbm>>
        %dma_start3A_458 = tpu.memref_squeeze %dma_start3A_457 : memref<1x2x120xi32, #tpu.memory_space<hbm>> -> memref<2x120xi32, #tpu.memory_space<hbm>>
        %dma_start3A_459 = arith.constant 0 : i32
        %dma_start3A_460 = arith.constant 0 : i32
        %dma_start3A_461 = tpu.memref_slice %arg3[%add3A_454, %dma_start3A_459, %dma_start3A_460] : memref<2688x2x120xi32, #tpu.memory_space<hbm>> -> memref<1x2x120xi32, #tpu.memory_space<hbm>>
        %dma_start3A_462 = tpu.memref_squeeze %dma_start3A_461 : memref<1x2x120xi32, #tpu.memory_space<hbm>> -> memref<2x120xi32, #tpu.memory_space<hbm>>
        tpu.enqueue_dma source(%dma_start3A_462 : memref<2x120xi32, #tpu.memory_space<hbm>>) target(%arg12 : memref<2x120xi32, #tpu.memory_space<vmem>>) target_semaphore(%arg19 : memref<!tpu.dma_semaphore, #tpu.memory_space<semaphore_mem>>)
      } else {
      }
      %add3A_237 = arith.constant 3 : i32
      %add3A_238 = arith.addi %add3A_221, %add3A_237 : i32
      %lt3A_239 = arith.constant 84 : i32
      %lt3A_240 = arith.cmpi slt, %add3A_238, %lt3A_239 : i32
      %convert_element_type3A_241 = arith.extui %lt3A_240 : i1 to i32
      %cond3A_242 = arith.constant 0 : i32
      %cond3A_243 = arith.cmpi ne, %convert_element_type3A_241, %cond3A_242 : i32
      scf.if %cond3A_243 {
        %dma_wait3A_452 = arith.constant 0 : i32
        %dma_wait3A_453 = arith.constant 0 : i32
        %dma_wait3A_454 = arith.constant 0 : i32
        %dma_wait3A_455 = tpu.memref_slice %arg3[%dma_wait3A_452, %dma_wait3A_453, %dma_wait3A_454] : memref<2688x2x120xi32, #tpu.memory_space<hbm>> -> memref<1x2x120xi32, #tpu.memory_space<hbm>>
        %dma_wait3A_456 = tpu.memref_squeeze %dma_wait3A_455 : memref<1x2x120xi32, #tpu.memory_space<hbm>> -> memref<2x120xi32, #tpu.memory_space<hbm>>
        %dma_wait3A_457 = arith.constant 0 : i32
        %dma_wait3A_458 = arith.constant 0 : i32
        %dma_wait3A_459 = tpu.memref_slice %arg3[%dma_wait3A_452, %dma_wait3A_457, %dma_wait3A_458] : memref<2688x2x120xi32, #tpu.memory_space<hbm>> -> memref<1x2x120xi32, #tpu.memory_space<hbm>>
        %dma_wait3A_460 = tpu.memref_squeeze %dma_wait3A_459 : memref<1x2x120xi32, #tpu.memory_space<hbm>> -> memref<2x120xi32, #tpu.memory_space<hbm>>
        tpu.wait_dma2 semaphore(%arg18 : memref<!tpu.dma_semaphore, #tpu.memory_space<semaphore_mem>>) src(%dma_wait3A_460 : memref<2x120xi32, #tpu.memory_space<hbm>>) dst(%arg11 : memref<2x120xi32, #tpu.memory_space<vmem>>)
        %dma_start3A_461 = arith.constant 0 : i32
        %dma_start3A_462 = arith.constant 0 : i32
        %dma_start3A_463 = tpu.memref_slice %arg11[%dma_start3A_461, %dma_start3A_462] : memref<2x120xi32, #tpu.memory_space<vmem>> -> memref<1x120xi32, #tpu.memory_space<vmem>>
        %dma_start3A_464 = tpu.memref_squeeze %dma_start3A_463 : memref<1x120xi32, #tpu.memory_space<vmem>> -> memref<120xi32, #tpu.memory_space<vmem>>
        %dma_start3A_465 = arith.constant 0 : i32
        %dma_start3A_466 = arith.constant 0 : i32
        %dma_start3A_467 = tpu.memref_slice %arg2[%dma_start3A_465, %dma_start3A_466] : memref<10000x128xf32, #tpu.memory_space<hbm>> -> memref<10000x128xf32, #tpu.memory_space<hbm>>
        tpu.enqueue_indirect_dma source(%dma_start3A_467 : memref<10000x128xf32, #tpu.memory_space<hbm>>) target(%arg13 : memref<120x128xf32, #tpu.memory_space<vmem>>) offsets(%dma_start3A_464 : memref<120xi32, #tpu.memory_space<vmem>>) semaphore(%arg20 : memref<!tpu.dma_semaphore, #tpu.memory_space<semaphore_mem>>)
      } else {
      }
      %mul3A_244 = arith.constant 12 : i32
      %mul3A_245 = arith.muli %scan3A_143, %mul3A_244 : i32
      %add3A_246 = arith.constant 4 : i32
      %add3A_247 = arith.addi %mul3A_245, %add3A_246 : i32
      %dma_wait3A_248 = arith.constant 0 : i32
      %dma_wait3A_249 = arith.constant 0 : i32
      %dma_wait3A_250 = tpu.memref_slice %arg2[%dma_wait3A_248, %dma_wait3A_249] : memref<10000x128xf32, #tpu.memory_space<hbm>> -> memref<120x128xf32, #tpu.memory_space<hbm>>
      %dma_wait3A_251 = arith.constant 0 : i32
      %dma_wait3A_252 = arith.constant 0 : i32
      %dma_wait3A_253 = tpu.memref_slice %arg2[%dma_wait3A_251, %dma_wait3A_252] : memref<10000x128xf32, #tpu.memory_space<hbm>> -> memref<120x128xf32, #tpu.memory_space<hbm>>
      tpu.wait_dma2 semaphore(%arg21 : memref<!tpu.dma_semaphore, #tpu.memory_space<semaphore_mem>>) src(%dma_wait3A_253 : memref<120x128xf32, #tpu.memory_space<hbm>>) dst(%arg14 : memref<120x128xf32, #tpu.memory_space<vmem>>)
      %run_scoped3A_254 = arith.constant 1 : i32
      "tpu.region"() ({
        %run_scoped3A_452 = tpu.sem_alloc : memref<!tpu.dma_semaphore, #tpu.memory_space<semaphore_mem>>
        %dma_start3A_453 = arith.constant 0 : i32
        %dma_start3A_454 = tpu.memref_slice %arg9[%run_scoped3A_254, %dma_start3A_453] : memref<2x120xi32, #tpu.memory_space<vmem>> -> memref<1x120xi32, #tpu.memory_space<vmem>>
        %dma_start3A_455 = tpu.memref_squeeze %dma_start3A_454 : memref<1x120xi32, #tpu.memory_space<vmem>> -> memref<120xi32, #tpu.memory_space<vmem>>
        %dma_start3A_456 = arith.constant 0 : i32
        %dma_start3A_457 = arith.constant 0 : i32
        %dma_start3A_458 = tpu.memref_slice %arg8[%dma_start3A_456, %dma_start3A_457] : memref<10240x128xf32, #tpu.memory_space<vmem_shared>> -> memref<10240x128xf32, #tpu.memory_space<vmem_shared>>
        tpu.enqueue_indirect_dma source(%arg14 : memref<120x128xf32, #tpu.memory_space<vmem>>) target(%dma_start3A_458 : memref<10240x128xf32, #tpu.memory_space<vmem_shared>>) offsets(%dma_start3A_455 : memref<120xi32, #tpu.memory_space<vmem>>) semaphore(%run_scoped3A_452 : memref<!tpu.dma_semaphore, #tpu.memory_space<semaphore_mem>>) {add = true}
        %dma_wait3A_459 = arith.constant 0 : i32
        %dma_wait3A_460 = tpu.memref_slice %arg9[%run_scoped3A_254, %dma_wait3A_459] : memref<2x120xi32, #tpu.memory_space<vmem>> -> memref<1x120xi32, #tpu.memory_space<vmem>>
        %dma_wait3A_461 = tpu.memref_squeeze %dma_wait3A_460 : memref<1x120xi32, #tpu.memory_space<vmem>> -> memref<120xi32, #tpu.memory_space<vmem>>
        %dma_wait3A_462 = arith.constant 0 : i32
        %dma_wait3A_463 = arith.constant 0 : i32
        %dma_wait3A_464 = tpu.memref_slice %arg8[%dma_wait3A_462, %dma_wait3A_463] : memref<10240x128xf32, #tpu.memory_space<vmem_shared>> -> memref<10240x128xf32, #tpu.memory_space<vmem_shared>>
        tpu.wait_indirect_dma semaphore(%run_scoped3A_452 : memref<!tpu.dma_semaphore, #tpu.memory_space<semaphore_mem>>) src(%arg14 : memref<120x128xf32, #tpu.memory_space<vmem>>) dst(%dma_wait3A_464 : memref<10240x128xf32, #tpu.memory_space<vmem_shared>>)
        tpu.yield
      }) : () -> ()
      %run_scoped3A_255 = arith.constant 1 : i32
      "tpu.region"() ({
        %run_scoped3A_452 = tpu.sem_alloc : memref<!tpu.dma_semaphore, #tpu.memory_space<semaphore_mem>>
        %dma_start3A_453 = arith.constant 0 : i32
        %dma_start3A_454 = tpu.memref_slice %arg9[%run_scoped3A_255, %dma_start3A_453] : memref<2x120xi32, #tpu.memory_space<vmem>> -> memref<1x120xi32, #tpu.memory_space<vmem>>
        %dma_start3A_455 = tpu.memref_squeeze %dma_start3A_454 : memref<1x120xi32, #tpu.memory_space<vmem>> -> memref<120xi32, #tpu.memory_space<vmem>>
        %dma_start3A_456 = arith.constant 0 : i32
        %dma_start3A_457 = tpu.memref_slice %arg23[%dma_start3A_456] : memref<10240xf32, #tpu.memory_space<vmem_shared>> -> memref<10240xf32, #tpu.memory_space<vmem_shared>>
        tpu.enqueue_indirect_dma source(%arg24 : memref<120xf32, #tpu.memory_space<vmem>>) target(%dma_start3A_457 : memref<10240xf32, #tpu.memory_space<vmem_shared>>) offsets(%dma_start3A_455 : memref<120xi32, #tpu.memory_space<vmem>>) semaphore(%run_scoped3A_452 : memref<!tpu.dma_semaphore, #tpu.memory_space<semaphore_mem>>) {add = true}
        %dma_wait3A_458 = arith.constant 0 : i32
        %dma_wait3A_459 = tpu.memref_slice %arg9[%run_scoped3A_255, %dma_wait3A_458] : memref<2x120xi32, #tpu.memory_space<vmem>> -> memref<1x120xi32, #tpu.memory_space<vmem>>
        %dma_wait3A_460 = tpu.memref_squeeze %dma_wait3A_459 : memref<1x120xi32, #tpu.memory_space<vmem>> -> memref<120xi32, #tpu.memory_space<vmem>>
        %dma_wait3A_461 = arith.constant 0 : i32
        %dma_wait3A_462 = tpu.memref_slice %arg23[%dma_wait3A_461] : memref<10240xf32, #tpu.memory_space<vmem_shared>> -> memref<10240xf32, #tpu.memory_space<vmem_shared>>
        tpu.wait_indirect_dma semaphore(%run_scoped3A_452 : memref<!tpu.dma_semaphore, #tpu.memory_space<semaphore_mem>>) src(%arg24 : memref<120xf32, #tpu.memory_space<vmem>>) dst(%dma_wait3A_462 : memref<10240xf32, #tpu.memory_space<vmem_shared>>)
        tpu.yield
      }) : () -> ()
      %add3A_256 = arith.constant 4 : i32
      %add3A_257 = arith.addi %add3A_247, %add3A_256 : i32
      %lt3A_258 = arith.constant 84 : i32
      %lt3A_259 = arith.cmpi slt, %add3A_257, %lt3A_258 : i32
      %convert_element_type3A_260 = arith.extui %lt3A_259 : i1 to i32
      %cond3A_261 = arith.constant 0 : i32
      %cond3A_262 = arith.cmpi ne, %convert_element_type3A_260, %cond3A_261 : i32
      scf.if %cond3A_262 {
        %add3A_452 = arith.addi %mul3A_4, %add3A_247 : i32
        %add3A_453 = arith.constant 4 : i32
        %add3A_454 = arith.addi %add3A_452, %add3A_453 : i32
        %dma_start3A_455 = arith.constant 0 : i32
        %dma_start3A_456 = arith.constant 0 : i32
        %dma_start3A_457 = tpu.memref_slice %arg3[%add3A_454, %dma_start3A_455, %dma_start3A_456] : memref<2688x2x120xi32, #tpu.memory_space<hbm>> -> memref<1x2x120xi32, #tpu.memory_space<hbm>>
        %dma_start3A_458 = tpu.memref_squeeze %dma_start3A_457 : memref<1x2x120xi32, #tpu.memory_space<hbm>> -> memref<2x120xi32, #tpu.memory_space<hbm>>
        %dma_start3A_459 = arith.constant 0 : i32
        %dma_start3A_460 = arith.constant 0 : i32
        %dma_start3A_461 = tpu.memref_slice %arg3[%add3A_454, %dma_start3A_459, %dma_start3A_460] : memref<2688x2x120xi32, #tpu.memory_space<hbm>> -> memref<1x2x120xi32, #tpu.memory_space<hbm>>
        %dma_start3A_462 = tpu.memref_squeeze %dma_start3A_461 : memref<1x2x120xi32, #tpu.memory_space<hbm>> -> memref<2x120xi32, #tpu.memory_space<hbm>>
        tpu.enqueue_dma source(%dma_start3A_462 : memref<2x120xi32, #tpu.memory_space<hbm>>) target(%arg9 : memref<2x120xi32, #tpu.memory_space<vmem>>) target_semaphore(%arg16 : memref<!tpu.dma_semaphore, #tpu.memory_space<semaphore_mem>>)
      } else {
      }
      %add3A_263 = arith.constant 3 : i32
      %add3A_264 = arith.addi %add3A_247, %add3A_263 : i32
      %lt3A_265 = arith.constant 84 : i32
      %lt3A_266 = arith.cmpi slt, %add3A_264, %lt3A_265 : i32
      %convert_element_type3A_267 = arith.extui %lt3A_266 : i1 to i32
      %cond3A_268 = arith.constant 0 : i32
      %cond3A_269 = arith.cmpi ne, %convert_element_type3A_267, %cond3A_268 : i32
      scf.if %cond3A_269 {
        %dma_wait3A_452 = arith.constant 0 : i32
        %dma_wait3A_453 = arith.constant 0 : i32
        %dma_wait3A_454 = arith.constant 0 : i32
        %dma_wait3A_455 = tpu.memref_slice %arg3[%dma_wait3A_452, %dma_wait3A_453, %dma_wait3A_454] : memref<2688x2x120xi32, #tpu.memory_space<hbm>> -> memref<1x2x120xi32, #tpu.memory_space<hbm>>
        %dma_wait3A_456 = tpu.memref_squeeze %dma_wait3A_455 : memref<1x2x120xi32, #tpu.memory_space<hbm>> -> memref<2x120xi32, #tpu.memory_space<hbm>>
        %dma_wait3A_457 = arith.constant 0 : i32
        %dma_wait3A_458 = arith.constant 0 : i32
        %dma_wait3A_459 = tpu.memref_slice %arg3[%dma_wait3A_452, %dma_wait3A_457, %dma_wait3A_458] : memref<2688x2x120xi32, #tpu.memory_space<hbm>> -> memref<1x2x120xi32, #tpu.memory_space<hbm>>
        %dma_wait3A_460 = tpu.memref_squeeze %dma_wait3A_459 : memref<1x2x120xi32, #tpu.memory_space<hbm>> -> memref<2x120xi32, #tpu.memory_space<hbm>>
        tpu.wait_dma2 semaphore(%arg19 : memref<!tpu.dma_semaphore, #tpu.memory_space<semaphore_mem>>) src(%dma_wait3A_460 : memref<2x120xi32, #tpu.memory_space<hbm>>) dst(%arg12 : memref<2x120xi32, #tpu.memory_space<vmem>>)
        %dma_start3A_461 = arith.constant 0 : i32
        %dma_start3A_462 = arith.constant 0 : i32
        %dma_start3A_463 = tpu.memref_slice %arg12[%dma_start3A_461, %dma_start3A_462] : memref<2x120xi32, #tpu.memory_space<vmem>> -> memref<1x120xi32, #tpu.memory_space<vmem>>
        %dma_start3A_464 = tpu.memref_squeeze %dma_start3A_463 : memref<1x120xi32, #tpu.memory_space<vmem>> -> memref<120xi32, #tpu.memory_space<vmem>>
        %dma_start3A_465 = arith.constant 0 : i32
        %dma_start3A_466 = arith.constant 0 : i32
        %dma_start3A_467 = tpu.memref_slice %arg2[%dma_start3A_465, %dma_start3A_466] : memref<10000x128xf32, #tpu.memory_space<hbm>> -> memref<10000x128xf32, #tpu.memory_space<hbm>>
        tpu.enqueue_indirect_dma source(%dma_start3A_467 : memref<10000x128xf32, #tpu.memory_space<hbm>>) target(%arg14 : memref<120x128xf32, #tpu.memory_space<vmem>>) offsets(%dma_start3A_464 : memref<120xi32, #tpu.memory_space<vmem>>) semaphore(%arg21 : memref<!tpu.dma_semaphore, #tpu.memory_space<semaphore_mem>>)
      } else {
      }
      %mul3A_270 = arith.constant 12 : i32
      %mul3A_271 = arith.muli %scan3A_143, %mul3A_270 : i32
      %add3A_272 = arith.constant 5 : i32
      %add3A_273 = arith.addi %mul3A_271, %add3A_272 : i32
      %dma_wait3A_274 = arith.constant 0 : i32
      %dma_wait3A_275 = arith.constant 0 : i32
      %dma_wait3A_276 = tpu.memref_slice %arg2[%dma_wait3A_274, %dma_wait3A_275] : memref<10000x128xf32, #tpu.memory_space<hbm>> -> memref<120x128xf32, #tpu.memory_space<hbm>>
      %dma_wait3A_277 = arith.constant 0 : i32
      %dma_wait3A_278 = arith.constant 0 : i32
      %dma_wait3A_279 = tpu.memref_slice %arg2[%dma_wait3A_277, %dma_wait3A_278] : memref<10000x128xf32, #tpu.memory_space<hbm>> -> memref<120x128xf32, #tpu.memory_space<hbm>>
      tpu.wait_dma2 semaphore(%arg22 : memref<!tpu.dma_semaphore, #tpu.memory_space<semaphore_mem>>) src(%dma_wait3A_279 : memref<120x128xf32, #tpu.memory_space<hbm>>) dst(%arg15 : memref<120x128xf32, #tpu.memory_space<vmem>>)
      %run_scoped3A_280 = arith.constant 1 : i32
      "tpu.region"() ({
        %run_scoped3A_452 = tpu.sem_alloc : memref<!tpu.dma_semaphore, #tpu.memory_space<semaphore_mem>>
        %dma_start3A_453 = arith.constant 0 : i32
        %dma_start3A_454 = tpu.memref_slice %arg10[%run_scoped3A_280, %dma_start3A_453] : memref<2x120xi32, #tpu.memory_space<vmem>> -> memref<1x120xi32, #tpu.memory_space<vmem>>
        %dma_start3A_455 = tpu.memref_squeeze %dma_start3A_454 : memref<1x120xi32, #tpu.memory_space<vmem>> -> memref<120xi32, #tpu.memory_space<vmem>>
        %dma_start3A_456 = arith.constant 0 : i32
        %dma_start3A_457 = arith.constant 0 : i32
        %dma_start3A_458 = tpu.memref_slice %arg8[%dma_start3A_456, %dma_start3A_457] : memref<10240x128xf32, #tpu.memory_space<vmem_shared>> -> memref<10240x128xf32, #tpu.memory_space<vmem_shared>>
        tpu.enqueue_indirect_dma source(%arg15 : memref<120x128xf32, #tpu.memory_space<vmem>>) target(%dma_start3A_458 : memref<10240x128xf32, #tpu.memory_space<vmem_shared>>) offsets(%dma_start3A_455 : memref<120xi32, #tpu.memory_space<vmem>>) semaphore(%run_scoped3A_452 : memref<!tpu.dma_semaphore, #tpu.memory_space<semaphore_mem>>) {add = true}
        %dma_wait3A_459 = arith.constant 0 : i32
        %dma_wait3A_460 = tpu.memref_slice %arg10[%run_scoped3A_280, %dma_wait3A_459] : memref<2x120xi32, #tpu.memory_space<vmem>> -> memref<1x120xi32, #tpu.memory_space<vmem>>
        %dma_wait3A_461 = tpu.memref_squeeze %dma_wait3A_460 : memref<1x120xi32, #tpu.memory_space<vmem>> -> memref<120xi32, #tpu.memory_space<vmem>>
        %dma_wait3A_462 = arith.constant 0 : i32
        %dma_wait3A_463 = arith.constant 0 : i32
        %dma_wait3A_464 = tpu.memref_slice %arg8[%dma_wait3A_462, %dma_wait3A_463] : memref<10240x128xf32, #tpu.memory_space<vmem_shared>> -> memref<10240x128xf32, #tpu.memory_space<vmem_shared>>
        tpu.wait_indirect_dma semaphore(%run_scoped3A_452 : memref<!tpu.dma_semaphore, #tpu.memory_space<semaphore_mem>>) src(%arg15 : memref<120x128xf32, #tpu.memory_space<vmem>>) dst(%dma_wait3A_464 : memref<10240x128xf32, #tpu.memory_space<vmem_shared>>)
        tpu.yield
      }) : () -> ()
      %run_scoped3A_281 = arith.constant 1 : i32
      "tpu.region"() ({
        %run_scoped3A_452 = tpu.sem_alloc : memref<!tpu.dma_semaphore, #tpu.memory_space<semaphore_mem>>
        %dma_start3A_453 = arith.constant 0 : i32
        %dma_start3A_454 = tpu.memref_slice %arg10[%run_scoped3A_281, %dma_start3A_453] : memref<2x120xi32, #tpu.memory_space<vmem>> -> memref<1x120xi32, #tpu.memory_space<vmem>>
        %dma_start3A_455 = tpu.memref_squeeze %dma_start3A_454 : memref<1x120xi32, #tpu.memory_space<vmem>> -> memref<120xi32, #tpu.memory_space<vmem>>
        %dma_start3A_456 = arith.constant 0 : i32
        %dma_start3A_457 = tpu.memref_slice %arg23[%dma_start3A_456] : memref<10240xf32, #tpu.memory_space<vmem_shared>> -> memref<10240xf32, #tpu.memory_space<vmem_shared>>
        tpu.enqueue_indirect_dma source(%arg24 : memref<120xf32, #tpu.memory_space<vmem>>) target(%dma_start3A_457 : memref<10240xf32, #tpu.memory_space<vmem_shared>>) offsets(%dma_start3A_455 : memref<120xi32, #tpu.memory_space<vmem>>) semaphore(%run_scoped3A_452 : memref<!tpu.dma_semaphore, #tpu.memory_space<semaphore_mem>>) {add = true}
        %dma_wait3A_458 = arith.constant 0 : i32
        %dma_wait3A_459 = tpu.memref_slice %arg10[%run_scoped3A_281, %dma_wait3A_458] : memref<2x120xi32, #tpu.memory_space<vmem>> -> memref<1x120xi32, #tpu.memory_space<vmem>>
        %dma_wait3A_460 = tpu.memref_squeeze %dma_wait3A_459 : memref<1x120xi32, #tpu.memory_space<vmem>> -> memref<120xi32, #tpu.memory_space<vmem>>
        %dma_wait3A_461 = arith.constant 0 : i32
        %dma_wait3A_462 = tpu.memref_slice %arg23[%dma_wait3A_461] : memref<10240xf32, #tpu.memory_space<vmem_shared>> -> memref<10240xf32, #tpu.memory_space<vmem_shared>>
        tpu.wait_indirect_dma semaphore(%run_scoped3A_452 : memref<!tpu.dma_semaphore, #tpu.memory_space<semaphore_mem>>) src(%arg24 : memref<120xf32, #tpu.memory_space<vmem>>) dst(%dma_wait3A_462 : memref<10240xf32, #tpu.memory_space<vmem_shared>>)
        tpu.yield
      }) : () -> ()
      %add3A_282 = arith.constant 4 : i32
      %add3A_283 = arith.addi %add3A_273, %add3A_282 : i32
      %lt3A_284 = arith.constant 84 : i32
      %lt3A_285 = arith.cmpi slt, %add3A_283, %lt3A_284 : i32
      %convert_element_type3A_286 = arith.extui %lt3A_285 : i1 to i32
      %cond3A_287 = arith.constant 0 : i32
      %cond3A_288 = arith.cmpi ne, %convert_element_type3A_286, %cond3A_287 : i32
      scf.if %cond3A_288 {
        %add3A_452 = arith.addi %mul3A_4, %add3A_273 : i32
        %add3A_453 = arith.constant 4 : i32
        %add3A_454 = arith.addi %add3A_452, %add3A_453 : i32
        %dma_start3A_455 = arith.constant 0 : i32
        %dma_start3A_456 = arith.constant 0 : i32
        %dma_start3A_457 = tpu.memref_slice %arg3[%add3A_454, %dma_start3A_455, %dma_start3A_456] : memref<2688x2x120xi32, #tpu.memory_space<hbm>> -> memref<1x2x120xi32, #tpu.memory_space<hbm>>
        %dma_start3A_458 = tpu.memref_squeeze %dma_start3A_457 : memref<1x2x120xi32, #tpu.memory_space<hbm>> -> memref<2x120xi32, #tpu.memory_space<hbm>>
        %dma_start3A_459 = arith.constant 0 : i32
        %dma_start3A_460 = arith.constant 0 : i32
        %dma_start3A_461 = tpu.memref_slice %arg3[%add3A_454, %dma_start3A_459, %dma_start3A_460] : memref<2688x2x120xi32, #tpu.memory_space<hbm>> -> memref<1x2x120xi32, #tpu.memory_space<hbm>>
        %dma_start3A_462 = tpu.memref_squeeze %dma_start3A_461 : memref<1x2x120xi32, #tpu.memory_space<hbm>> -> memref<2x120xi32, #tpu.memory_space<hbm>>
        tpu.enqueue_dma source(%dma_start3A_462 : memref<2x120xi32, #tpu.memory_space<hbm>>) target(%arg10 : memref<2x120xi32, #tpu.memory_space<vmem>>) target_semaphore(%arg17 : memref<!tpu.dma_semaphore, #tpu.memory_space<semaphore_mem>>)
      } else {
      }
      %add3A_289 = arith.constant 3 : i32
      %add3A_290 = arith.addi %add3A_273, %add3A_289 : i32
      %lt3A_291 = arith.constant 84 : i32
      %lt3A_292 = arith.cmpi slt, %add3A_290, %lt3A_291 : i32
      %convert_element_type3A_293 = arith.extui %lt3A_292 : i1 to i32
      %cond3A_294 = arith.constant 0 : i32
      %cond3A_295 = arith.cmpi ne, %convert_element_type3A_293, %cond3A_294 : i32
      scf.if %cond3A_295 {
        %dma_wait3A_452 = arith.constant 0 : i32
        %dma_wait3A_453 = arith.constant 0 : i32
        %dma_wait3A_454 = arith.constant 0 : i32
        %dma_wait3A_455 = tpu.memref_slice %arg3[%dma_wait3A_452, %dma_wait3A_453, %dma_wait3A_454] : memref<2688x2x120xi32, #tpu.memory_space<hbm>> -> memref<1x2x120xi32, #tpu.memory_space<hbm>>
        %dma_wait3A_456 = tpu.memref_squeeze %dma_wait3A_455 : memref<1x2x120xi32, #tpu.memory_space<hbm>> -> memref<2x120xi32, #tpu.memory_space<hbm>>
        %dma_wait3A_457 = arith.constant 0 : i32
        %dma_wait3A_458 = arith.constant 0 : i32
        %dma_wait3A_459 = tpu.memref_slice %arg3[%dma_wait3A_452, %dma_wait3A_457, %dma_wait3A_458] : memref<2688x2x120xi32, #tpu.memory_space<hbm>> -> memref<1x2x120xi32, #tpu.memory_space<hbm>>
        %dma_wait3A_460 = tpu.memref_squeeze %dma_wait3A_459 : memref<1x2x120xi32, #tpu.memory_space<hbm>> -> memref<2x120xi32, #tpu.memory_space<hbm>>
        tpu.wait_dma2 semaphore(%arg16 : memref<!tpu.dma_semaphore, #tpu.memory_space<semaphore_mem>>) src(%dma_wait3A_460 : memref<2x120xi32, #tpu.memory_space<hbm>>) dst(%arg9 : memref<2x120xi32, #tpu.memory_space<vmem>>)
        %dma_start3A_461 = arith.constant 0 : i32
        %dma_start3A_462 = arith.constant 0 : i32
        %dma_start3A_463 = tpu.memref_slice %arg9[%dma_start3A_461, %dma_start3A_462] : memref<2x120xi32, #tpu.memory_space<vmem>> -> memref<1x120xi32, #tpu.memory_space<vmem>>
        %dma_start3A_464 = tpu.memref_squeeze %dma_start3A_463 : memref<1x120xi32, #tpu.memory_space<vmem>> -> memref<120xi32, #tpu.memory_space<vmem>>
        %dma_start3A_465 = arith.constant 0 : i32
        %dma_start3A_466 = arith.constant 0 : i32
        %dma_start3A_467 = tpu.memref_slice %arg2[%dma_start3A_465, %dma_start3A_466] : memref<10000x128xf32, #tpu.memory_space<hbm>> -> memref<10000x128xf32, #tpu.memory_space<hbm>>
        tpu.enqueue_indirect_dma source(%dma_start3A_467 : memref<10000x128xf32, #tpu.memory_space<hbm>>) target(%arg15 : memref<120x128xf32, #tpu.memory_space<vmem>>) offsets(%dma_start3A_464 : memref<120xi32, #tpu.memory_space<vmem>>) semaphore(%arg22 : memref<!tpu.dma_semaphore, #tpu.memory_space<semaphore_mem>>)
      } else {
      }
      %mul3A_296 = arith.constant 12 : i32
      %mul3A_297 = arith.muli %scan3A_143, %mul3A_296 : i32
      %add3A_298 = arith.constant 6 : i32
      %add3A_299 = arith.addi %mul3A_297, %add3A_298 : i32
      %dma_wait3A_300 = arith.constant 0 : i32
      %dma_wait3A_301 = arith.constant 0 : i32
      %dma_wait3A_302 = tpu.memref_slice %arg2[%dma_wait3A_300, %dma_wait3A_301] : memref<10000x128xf32, #tpu.memory_space<hbm>> -> memref<120x128xf32, #tpu.memory_space<hbm>>
      %dma_wait3A_303 = arith.constant 0 : i32
      %dma_wait3A_304 = arith.constant 0 : i32
      %dma_wait3A_305 = tpu.memref_slice %arg2[%dma_wait3A_303, %dma_wait3A_304] : memref<10000x128xf32, #tpu.memory_space<hbm>> -> memref<120x128xf32, #tpu.memory_space<hbm>>
      tpu.wait_dma2 semaphore(%arg20 : memref<!tpu.dma_semaphore, #tpu.memory_space<semaphore_mem>>) src(%dma_wait3A_305 : memref<120x128xf32, #tpu.memory_space<hbm>>) dst(%arg13 : memref<120x128xf32, #tpu.memory_space<vmem>>)
      %run_scoped3A_306 = arith.constant 1 : i32
      "tpu.region"() ({
        %run_scoped3A_452 = tpu.sem_alloc : memref<!tpu.dma_semaphore, #tpu.memory_space<semaphore_mem>>
        %dma_start3A_453 = arith.constant 0 : i32
        %dma_start3A_454 = tpu.memref_slice %arg11[%run_scoped3A_306, %dma_start3A_453] : memref<2x120xi32, #tpu.memory_space<vmem>> -> memref<1x120xi32, #tpu.memory_space<vmem>>
        %dma_start3A_455 = tpu.memref_squeeze %dma_start3A_454 : memref<1x120xi32, #tpu.memory_space<vmem>> -> memref<120xi32, #tpu.memory_space<vmem>>
        %dma_start3A_456 = arith.constant 0 : i32
        %dma_start3A_457 = arith.constant 0 : i32
        %dma_start3A_458 = tpu.memref_slice %arg8[%dma_start3A_456, %dma_start3A_457] : memref<10240x128xf32, #tpu.memory_space<vmem_shared>> -> memref<10240x128xf32, #tpu.memory_space<vmem_shared>>
        tpu.enqueue_indirect_dma source(%arg13 : memref<120x128xf32, #tpu.memory_space<vmem>>) target(%dma_start3A_458 : memref<10240x128xf32, #tpu.memory_space<vmem_shared>>) offsets(%dma_start3A_455 : memref<120xi32, #tpu.memory_space<vmem>>) semaphore(%run_scoped3A_452 : memref<!tpu.dma_semaphore, #tpu.memory_space<semaphore_mem>>) {add = true}
        %dma_wait3A_459 = arith.constant 0 : i32
        %dma_wait3A_460 = tpu.memref_slice %arg11[%run_scoped3A_306, %dma_wait3A_459] : memref<2x120xi32, #tpu.memory_space<vmem>> -> memref<1x120xi32, #tpu.memory_space<vmem>>
        %dma_wait3A_461 = tpu.memref_squeeze %dma_wait3A_460 : memref<1x120xi32, #tpu.memory_space<vmem>> -> memref<120xi32, #tpu.memory_space<vmem>>
        %dma_wait3A_462 = arith.constant 0 : i32
        %dma_wait3A_463 = arith.constant 0 : i32
        %dma_wait3A_464 = tpu.memref_slice %arg8[%dma_wait3A_462, %dma_wait3A_463] : memref<10240x128xf32, #tpu.memory_space<vmem_shared>> -> memref<10240x128xf32, #tpu.memory_space<vmem_shared>>
        tpu.wait_indirect_dma semaphore(%run_scoped3A_452 : memref<!tpu.dma_semaphore, #tpu.memory_space<semaphore_mem>>) src(%arg13 : memref<120x128xf32, #tpu.memory_space<vmem>>) dst(%dma_wait3A_464 : memref<10240x128xf32, #tpu.memory_space<vmem_shared>>)
        tpu.yield
      }) : () -> ()
      %run_scoped3A_307 = arith.constant 1 : i32
      "tpu.region"() ({
        %run_scoped3A_452 = tpu.sem_alloc : memref<!tpu.dma_semaphore, #tpu.memory_space<semaphore_mem>>
        %dma_start3A_453 = arith.constant 0 : i32
        %dma_start3A_454 = tpu.memref_slice %arg11[%run_scoped3A_307, %dma_start3A_453] : memref<2x120xi32, #tpu.memory_space<vmem>> -> memref<1x120xi32, #tpu.memory_space<vmem>>
        %dma_start3A_455 = tpu.memref_squeeze %dma_start3A_454 : memref<1x120xi32, #tpu.memory_space<vmem>> -> memref<120xi32, #tpu.memory_space<vmem>>
        %dma_start3A_456 = arith.constant 0 : i32
        %dma_start3A_457 = tpu.memref_slice %arg23[%dma_start3A_456] : memref<10240xf32, #tpu.memory_space<vmem_shared>> -> memref<10240xf32, #tpu.memory_space<vmem_shared>>
        tpu.enqueue_indirect_dma source(%arg24 : memref<120xf32, #tpu.memory_space<vmem>>) target(%dma_start3A_457 : memref<10240xf32, #tpu.memory_space<vmem_shared>>) offsets(%dma_start3A_455 : memref<120xi32, #tpu.memory_space<vmem>>) semaphore(%run_scoped3A_452 : memref<!tpu.dma_semaphore, #tpu.memory_space<semaphore_mem>>) {add = true}
        %dma_wait3A_458 = arith.constant 0 : i32
        %dma_wait3A_459 = tpu.memref_slice %arg11[%run_scoped3A_307, %dma_wait3A_458] : memref<2x120xi32, #tpu.memory_space<vmem>> -> memref<1x120xi32, #tpu.memory_space<vmem>>
        %dma_wait3A_460 = tpu.memref_squeeze %dma_wait3A_459 : memref<1x120xi32, #tpu.memory_space<vmem>> -> memref<120xi32, #tpu.memory_space<vmem>>
        %dma_wait3A_461 = arith.constant 0 : i32
        %dma_wait3A_462 = tpu.memref_slice %arg23[%dma_wait3A_461] : memref<10240xf32, #tpu.memory_space<vmem_shared>> -> memref<10240xf32, #tpu.memory_space<vmem_shared>>
        tpu.wait_indirect_dma semaphore(%run_scoped3A_452 : memref<!tpu.dma_semaphore, #tpu.memory_space<semaphore_mem>>) src(%arg24 : memref<120xf32, #tpu.memory_space<vmem>>) dst(%dma_wait3A_462 : memref<10240xf32, #tpu.memory_space<vmem_shared>>)
        tpu.yield
      }) : () -> ()
      %add3A_308 = arith.constant 4 : i32
      %add3A_309 = arith.addi %add3A_299, %add3A_308 : i32
      %lt3A_310 = arith.constant 84 : i32
      %lt3A_311 = arith.cmpi slt, %add3A_309, %lt3A_310 : i32
      %convert_element_type3A_312 = arith.extui %lt3A_311 : i1 to i32
      %cond3A_313 = arith.constant 0 : i32
      %cond3A_314 = arith.cmpi ne, %convert_element_type3A_312, %cond3A_313 : i32
      scf.if %cond3A_314 {
        %add3A_452 = arith.addi %mul3A_4, %add3A_299 : i32
        %add3A_453 = arith.constant 4 : i32
        %add3A_454 = arith.addi %add3A_452, %add3A_453 : i32
        %dma_start3A_455 = arith.constant 0 : i32
        %dma_start3A_456 = arith.constant 0 : i32
        %dma_start3A_457 = tpu.memref_slice %arg3[%add3A_454, %dma_start3A_455, %dma_start3A_456] : memref<2688x2x120xi32, #tpu.memory_space<hbm>> -> memref<1x2x120xi32, #tpu.memory_space<hbm>>
        %dma_start3A_458 = tpu.memref_squeeze %dma_start3A_457 : memref<1x2x120xi32, #tpu.memory_space<hbm>> -> memref<2x120xi32, #tpu.memory_space<hbm>>
        %dma_start3A_459 = arith.constant 0 : i32
        %dma_start3A_460 = arith.constant 0 : i32
        %dma_start3A_461 = tpu.memref_slice %arg3[%add3A_454, %dma_start3A_459, %dma_start3A_460] : memref<2688x2x120xi32, #tpu.memory_space<hbm>> -> memref<1x2x120xi32, #tpu.memory_space<hbm>>
        %dma_start3A_462 = tpu.memref_squeeze %dma_start3A_461 : memref<1x2x120xi32, #tpu.memory_space<hbm>> -> memref<2x120xi32, #tpu.memory_space<hbm>>
        tpu.enqueue_dma source(%dma_start3A_462 : memref<2x120xi32, #tpu.memory_space<hbm>>) target(%arg11 : memref<2x120xi32, #tpu.memory_space<vmem>>) target_semaphore(%arg18 : memref<!tpu.dma_semaphore, #tpu.memory_space<semaphore_mem>>)
      } else {
      }
      %add3A_315 = arith.constant 3 : i32
      %add3A_316 = arith.addi %add3A_299, %add3A_315 : i32
      %lt3A_317 = arith.constant 84 : i32
      %lt3A_318 = arith.cmpi slt, %add3A_316, %lt3A_317 : i32
      %convert_element_type3A_319 = arith.extui %lt3A_318 : i1 to i32
      %cond3A_320 = arith.constant 0 : i32
      %cond3A_321 = arith.cmpi ne, %convert_element_type3A_319, %cond3A_320 : i32
      scf.if %cond3A_321 {
        %dma_wait3A_452 = arith.constant 0 : i32
        %dma_wait3A_453 = arith.constant 0 : i32
        %dma_wait3A_454 = arith.constant 0 : i32
        %dma_wait3A_455 = tpu.memref_slice %arg3[%dma_wait3A_452, %dma_wait3A_453, %dma_wait3A_454] : memref<2688x2x120xi32, #tpu.memory_space<hbm>> -> memref<1x2x120xi32, #tpu.memory_space<hbm>>
        %dma_wait3A_456 = tpu.memref_squeeze %dma_wait3A_455 : memref<1x2x120xi32, #tpu.memory_space<hbm>> -> memref<2x120xi32, #tpu.memory_space<hbm>>
        %dma_wait3A_457 = arith.constant 0 : i32
        %dma_wait3A_458 = arith.constant 0 : i32
        %dma_wait3A_459 = tpu.memref_slice %arg3[%dma_wait3A_452, %dma_wait3A_457, %dma_wait3A_458] : memref<2688x2x120xi32, #tpu.memory_space<hbm>> -> memref<1x2x120xi32, #tpu.memory_space<hbm>>
        %dma_wait3A_460 = tpu.memref_squeeze %dma_wait3A_459 : memref<1x2x120xi32, #tpu.memory_space<hbm>> -> memref<2x120xi32, #tpu.memory_space<hbm>>
        tpu.wait_dma2 semaphore(%arg17 : memref<!tpu.dma_semaphore, #tpu.memory_space<semaphore_mem>>) src(%dma_wait3A_460 : memref<2x120xi32, #tpu.memory_space<hbm>>) dst(%arg10 : memref<2x120xi32, #tpu.memory_space<vmem>>)
        %dma_start3A_461 = arith.constant 0 : i32
        %dma_start3A_462 = arith.constant 0 : i32
        %dma_start3A_463 = tpu.memref_slice %arg10[%dma_start3A_461, %dma_start3A_462] : memref<2x120xi32, #tpu.memory_space<vmem>> -> memref<1x120xi32, #tpu.memory_space<vmem>>
        %dma_start3A_464 = tpu.memref_squeeze %dma_start3A_463 : memref<1x120xi32, #tpu.memory_space<vmem>> -> memref<120xi32, #tpu.memory_space<vmem>>
        %dma_start3A_465 = arith.constant 0 : i32
        %dma_start3A_466 = arith.constant 0 : i32
        %dma_start3A_467 = tpu.memref_slice %arg2[%dma_start3A_465, %dma_start3A_466] : memref<10000x128xf32, #tpu.memory_space<hbm>> -> memref<10000x128xf32, #tpu.memory_space<hbm>>
        tpu.enqueue_indirect_dma source(%dma_start3A_467 : memref<10000x128xf32, #tpu.memory_space<hbm>>) target(%arg13 : memref<120x128xf32, #tpu.memory_space<vmem>>) offsets(%dma_start3A_464 : memref<120xi32, #tpu.memory_space<vmem>>) semaphore(%arg20 : memref<!tpu.dma_semaphore, #tpu.memory_space<semaphore_mem>>)
      } else {
      }
      %mul3A_322 = arith.constant 12 : i32
      %mul3A_323 = arith.muli %scan3A_143, %mul3A_322 : i32
      %add3A_324 = arith.constant 7 : i32
      %add3A_325 = arith.addi %mul3A_323, %add3A_324 : i32
      %dma_wait3A_326 = arith.constant 0 : i32
      %dma_wait3A_327 = arith.constant 0 : i32
      %dma_wait3A_328 = tpu.memref_slice %arg2[%dma_wait3A_326, %dma_wait3A_327] : memref<10000x128xf32, #tpu.memory_space<hbm>> -> memref<120x128xf32, #tpu.memory_space<hbm>>
      %dma_wait3A_329 = arith.constant 0 : i32
      %dma_wait3A_330 = arith.constant 0 : i32
      %dma_wait3A_331 = tpu.memref_slice %arg2[%dma_wait3A_329, %dma_wait3A_330] : memref<10000x128xf32, #tpu.memory_space<hbm>> -> memref<120x128xf32, #tpu.memory_space<hbm>>
      tpu.wait_dma2 semaphore(%arg21 : memref<!tpu.dma_semaphore, #tpu.memory_space<semaphore_mem>>) src(%dma_wait3A_331 : memref<120x128xf32, #tpu.memory_space<hbm>>) dst(%arg14 : memref<120x128xf32, #tpu.memory_space<vmem>>)
      %run_scoped3A_332 = arith.constant 1 : i32
      "tpu.region"() ({
        %run_scoped3A_452 = tpu.sem_alloc : memref<!tpu.dma_semaphore, #tpu.memory_space<semaphore_mem>>
        %dma_start3A_453 = arith.constant 0 : i32
        %dma_start3A_454 = tpu.memref_slice %arg12[%run_scoped3A_332, %dma_start3A_453] : memref<2x120xi32, #tpu.memory_space<vmem>> -> memref<1x120xi32, #tpu.memory_space<vmem>>
        %dma_start3A_455 = tpu.memref_squeeze %dma_start3A_454 : memref<1x120xi32, #tpu.memory_space<vmem>> -> memref<120xi32, #tpu.memory_space<vmem>>
        %dma_start3A_456 = arith.constant 0 : i32
        %dma_start3A_457 = arith.constant 0 : i32
        %dma_start3A_458 = tpu.memref_slice %arg8[%dma_start3A_456, %dma_start3A_457] : memref<10240x128xf32, #tpu.memory_space<vmem_shared>> -> memref<10240x128xf32, #tpu.memory_space<vmem_shared>>
        tpu.enqueue_indirect_dma source(%arg14 : memref<120x128xf32, #tpu.memory_space<vmem>>) target(%dma_start3A_458 : memref<10240x128xf32, #tpu.memory_space<vmem_shared>>) offsets(%dma_start3A_455 : memref<120xi32, #tpu.memory_space<vmem>>) semaphore(%run_scoped3A_452 : memref<!tpu.dma_semaphore, #tpu.memory_space<semaphore_mem>>) {add = true}
        %dma_wait3A_459 = arith.constant 0 : i32
        %dma_wait3A_460 = tpu.memref_slice %arg12[%run_scoped3A_332, %dma_wait3A_459] : memref<2x120xi32, #tpu.memory_space<vmem>> -> memref<1x120xi32, #tpu.memory_space<vmem>>
        %dma_wait3A_461 = tpu.memref_squeeze %dma_wait3A_460 : memref<1x120xi32, #tpu.memory_space<vmem>> -> memref<120xi32, #tpu.memory_space<vmem>>
        %dma_wait3A_462 = arith.constant 0 : i32
        %dma_wait3A_463 = arith.constant 0 : i32
        %dma_wait3A_464 = tpu.memref_slice %arg8[%dma_wait3A_462, %dma_wait3A_463] : memref<10240x128xf32, #tpu.memory_space<vmem_shared>> -> memref<10240x128xf32, #tpu.memory_space<vmem_shared>>
        tpu.wait_indirect_dma semaphore(%run_scoped3A_452 : memref<!tpu.dma_semaphore, #tpu.memory_space<semaphore_mem>>) src(%arg14 : memref<120x128xf32, #tpu.memory_space<vmem>>) dst(%dma_wait3A_464 : memref<10240x128xf32, #tpu.memory_space<vmem_shared>>)
        tpu.yield
      }) : () -> ()
      %run_scoped3A_333 = arith.constant 1 : i32
      "tpu.region"() ({
        %run_scoped3A_452 = tpu.sem_alloc : memref<!tpu.dma_semaphore, #tpu.memory_space<semaphore_mem>>
        %dma_start3A_453 = arith.constant 0 : i32
        %dma_start3A_454 = tpu.memref_slice %arg12[%run_scoped3A_333, %dma_start3A_453] : memref<2x120xi32, #tpu.memory_space<vmem>> -> memref<1x120xi32, #tpu.memory_space<vmem>>
        %dma_start3A_455 = tpu.memref_squeeze %dma_start3A_454 : memref<1x120xi32, #tpu.memory_space<vmem>> -> memref<120xi32, #tpu.memory_space<vmem>>
        %dma_start3A_456 = arith.constant 0 : i32
        %dma_start3A_457 = tpu.memref_slice %arg23[%dma_start3A_456] : memref<10240xf32, #tpu.memory_space<vmem_shared>> -> memref<10240xf32, #tpu.memory_space<vmem_shared>>
        tpu.enqueue_indirect_dma source(%arg24 : memref<120xf32, #tpu.memory_space<vmem>>) target(%dma_start3A_457 : memref<10240xf32, #tpu.memory_space<vmem_shared>>) offsets(%dma_start3A_455 : memref<120xi32, #tpu.memory_space<vmem>>) semaphore(%run_scoped3A_452 : memref<!tpu.dma_semaphore, #tpu.memory_space<semaphore_mem>>) {add = true}
        %dma_wait3A_458 = arith.constant 0 : i32
        %dma_wait3A_459 = tpu.memref_slice %arg12[%run_scoped3A_333, %dma_wait3A_458] : memref<2x120xi32, #tpu.memory_space<vmem>> -> memref<1x120xi32, #tpu.memory_space<vmem>>
        %dma_wait3A_460 = tpu.memref_squeeze %dma_wait3A_459 : memref<1x120xi32, #tpu.memory_space<vmem>> -> memref<120xi32, #tpu.memory_space<vmem>>
        %dma_wait3A_461 = arith.constant 0 : i32
        %dma_wait3A_462 = tpu.memref_slice %arg23[%dma_wait3A_461] : memref<10240xf32, #tpu.memory_space<vmem_shared>> -> memref<10240xf32, #tpu.memory_space<vmem_shared>>
        tpu.wait_indirect_dma semaphore(%run_scoped3A_452 : memref<!tpu.dma_semaphore, #tpu.memory_space<semaphore_mem>>) src(%arg24 : memref<120xf32, #tpu.memory_space<vmem>>) dst(%dma_wait3A_462 : memref<10240xf32, #tpu.memory_space<vmem_shared>>)
        tpu.yield
      }) : () -> ()
      %add3A_334 = arith.constant 4 : i32
      %add3A_335 = arith.addi %add3A_325, %add3A_334 : i32
      %lt3A_336 = arith.constant 84 : i32
      %lt3A_337 = arith.cmpi slt, %add3A_335, %lt3A_336 : i32
      %convert_element_type3A_338 = arith.extui %lt3A_337 : i1 to i32
      %cond3A_339 = arith.constant 0 : i32
      %cond3A_340 = arith.cmpi ne, %convert_element_type3A_338, %cond3A_339 : i32
      scf.if %cond3A_340 {
        %add3A_452 = arith.addi %mul3A_4, %add3A_325 : i32
        %add3A_453 = arith.constant 4 : i32
        %add3A_454 = arith.addi %add3A_452, %add3A_453 : i32
        %dma_start3A_455 = arith.constant 0 : i32
        %dma_start3A_456 = arith.constant 0 : i32
        %dma_start3A_457 = tpu.memref_slice %arg3[%add3A_454, %dma_start3A_455, %dma_start3A_456] : memref<2688x2x120xi32, #tpu.memory_space<hbm>> -> memref<1x2x120xi32, #tpu.memory_space<hbm>>
        %dma_start3A_458 = tpu.memref_squeeze %dma_start3A_457 : memref<1x2x120xi32, #tpu.memory_space<hbm>> -> memref<2x120xi32, #tpu.memory_space<hbm>>
        %dma_start3A_459 = arith.constant 0 : i32
        %dma_start3A_460 = arith.constant 0 : i32
        %dma_start3A_461 = tpu.memref_slice %arg3[%add3A_454, %dma_start3A_459, %dma_start3A_460] : memref<2688x2x120xi32, #tpu.memory_space<hbm>> -> memref<1x2x120xi32, #tpu.memory_space<hbm>>
        %dma_start3A_462 = tpu.memref_squeeze %dma_start3A_461 : memref<1x2x120xi32, #tpu.memory_space<hbm>> -> memref<2x120xi32, #tpu.memory_space<hbm>>
        tpu.enqueue_dma source(%dma_start3A_462 : memref<2x120xi32, #tpu.memory_space<hbm>>) target(%arg12 : memref<2x120xi32, #tpu.memory_space<vmem>>) target_semaphore(%arg19 : memref<!tpu.dma_semaphore, #tpu.memory_space<semaphore_mem>>)
      } else {
      }
      %add3A_341 = arith.constant 3 : i32
      %add3A_342 = arith.addi %add3A_325, %add3A_341 : i32
      %lt3A_343 = arith.constant 84 : i32
      %lt3A_344 = arith.cmpi slt, %add3A_342, %lt3A_343 : i32
      %convert_element_type3A_345 = arith.extui %lt3A_344 : i1 to i32
      %cond3A_346 = arith.constant 0 : i32
      %cond3A_347 = arith.cmpi ne, %convert_element_type3A_345, %cond3A_346 : i32
      scf.if %cond3A_347 {
        %dma_wait3A_452 = arith.constant 0 : i32
        %dma_wait3A_453 = arith.constant 0 : i32
        %dma_wait3A_454 = arith.constant 0 : i32
        %dma_wait3A_455 = tpu.memref_slice %arg3[%dma_wait3A_452, %dma_wait3A_453, %dma_wait3A_454] : memref<2688x2x120xi32, #tpu.memory_space<hbm>> -> memref<1x2x120xi32, #tpu.memory_space<hbm>>
        %dma_wait3A_456 = tpu.memref_squeeze %dma_wait3A_455 : memref<1x2x120xi32, #tpu.memory_space<hbm>> -> memref<2x120xi32, #tpu.memory_space<hbm>>
        %dma_wait3A_457 = arith.constant 0 : i32
        %dma_wait3A_458 = arith.constant 0 : i32
        %dma_wait3A_459 = tpu.memref_slice %arg3[%dma_wait3A_452, %dma_wait3A_457, %dma_wait3A_458] : memref<2688x2x120xi32, #tpu.memory_space<hbm>> -> memref<1x2x120xi32, #tpu.memory_space<hbm>>
        %dma_wait3A_460 = tpu.memref_squeeze %dma_wait3A_459 : memref<1x2x120xi32, #tpu.memory_space<hbm>> -> memref<2x120xi32, #tpu.memory_space<hbm>>
        tpu.wait_dma2 semaphore(%arg18 : memref<!tpu.dma_semaphore, #tpu.memory_space<semaphore_mem>>) src(%dma_wait3A_460 : memref<2x120xi32, #tpu.memory_space<hbm>>) dst(%arg11 : memref<2x120xi32, #tpu.memory_space<vmem>>)
        %dma_start3A_461 = arith.constant 0 : i32
        %dma_start3A_462 = arith.constant 0 : i32
        %dma_start3A_463 = tpu.memref_slice %arg11[%dma_start3A_461, %dma_start3A_462] : memref<2x120xi32, #tpu.memory_space<vmem>> -> memref<1x120xi32, #tpu.memory_space<vmem>>
        %dma_start3A_464 = tpu.memref_squeeze %dma_start3A_463 : memref<1x120xi32, #tpu.memory_space<vmem>> -> memref<120xi32, #tpu.memory_space<vmem>>
        %dma_start3A_465 = arith.constant 0 : i32
        %dma_start3A_466 = arith.constant 0 : i32
        %dma_start3A_467 = tpu.memref_slice %arg2[%dma_start3A_465, %dma_start3A_466] : memref<10000x128xf32, #tpu.memory_space<hbm>> -> memref<10000x128xf32, #tpu.memory_space<hbm>>
        tpu.enqueue_indirect_dma source(%dma_start3A_467 : memref<10000x128xf32, #tpu.memory_space<hbm>>) target(%arg14 : memref<120x128xf32, #tpu.memory_space<vmem>>) offsets(%dma_start3A_464 : memref<120xi32, #tpu.memory_space<vmem>>) semaphore(%arg21 : memref<!tpu.dma_semaphore, #tpu.memory_space<semaphore_mem>>)
      } else {
      }
      %mul3A_348 = arith.constant 12 : i32
      %mul3A_349 = arith.muli %scan3A_143, %mul3A_348 : i32
      %add3A_350 = arith.constant 8 : i32
      %add3A_351 = arith.addi %mul3A_349, %add3A_350 : i32
      %dma_wait3A_352 = arith.constant 0 : i32
      %dma_wait3A_353 = arith.constant 0 : i32
      %dma_wait3A_354 = tpu.memref_slice %arg2[%dma_wait3A_352, %dma_wait3A_353] : memref<10000x128xf32, #tpu.memory_space<hbm>> -> memref<120x128xf32, #tpu.memory_space<hbm>>
      %dma_wait3A_355 = arith.constant 0 : i32
      %dma_wait3A_356 = arith.constant 0 : i32
      %dma_wait3A_357 = tpu.memref_slice %arg2[%dma_wait3A_355, %dma_wait3A_356] : memref<10000x128xf32, #tpu.memory_space<hbm>> -> memref<120x128xf32, #tpu.memory_space<hbm>>
      tpu.wait_dma2 semaphore(%arg22 : memref<!tpu.dma_semaphore, #tpu.memory_space<semaphore_mem>>) src(%dma_wait3A_357 : memref<120x128xf32, #tpu.memory_space<hbm>>) dst(%arg15 : memref<120x128xf32, #tpu.memory_space<vmem>>)
      %run_scoped3A_358 = arith.constant 1 : i32
      "tpu.region"() ({
        %run_scoped3A_452 = tpu.sem_alloc : memref<!tpu.dma_semaphore, #tpu.memory_space<semaphore_mem>>
        %dma_start3A_453 = arith.constant 0 : i32
        %dma_start3A_454 = tpu.memref_slice %arg9[%run_scoped3A_358, %dma_start3A_453] : memref<2x120xi32, #tpu.memory_space<vmem>> -> memref<1x120xi32, #tpu.memory_space<vmem>>
        %dma_start3A_455 = tpu.memref_squeeze %dma_start3A_454 : memref<1x120xi32, #tpu.memory_space<vmem>> -> memref<120xi32, #tpu.memory_space<vmem>>
        %dma_start3A_456 = arith.constant 0 : i32
        %dma_start3A_457 = arith.constant 0 : i32
        %dma_start3A_458 = tpu.memref_slice %arg8[%dma_start3A_456, %dma_start3A_457] : memref<10240x128xf32, #tpu.memory_space<vmem_shared>> -> memref<10240x128xf32, #tpu.memory_space<vmem_shared>>
        tpu.enqueue_indirect_dma source(%arg15 : memref<120x128xf32, #tpu.memory_space<vmem>>) target(%dma_start3A_458 : memref<10240x128xf32, #tpu.memory_space<vmem_shared>>) offsets(%dma_start3A_455 : memref<120xi32, #tpu.memory_space<vmem>>) semaphore(%run_scoped3A_452 : memref<!tpu.dma_semaphore, #tpu.memory_space<semaphore_mem>>) {add = true}
        %dma_wait3A_459 = arith.constant 0 : i32
        %dma_wait3A_460 = tpu.memref_slice %arg9[%run_scoped3A_358, %dma_wait3A_459] : memref<2x120xi32, #tpu.memory_space<vmem>> -> memref<1x120xi32, #tpu.memory_space<vmem>>
        %dma_wait3A_461 = tpu.memref_squeeze %dma_wait3A_460 : memref<1x120xi32, #tpu.memory_space<vmem>> -> memref<120xi32, #tpu.memory_space<vmem>>
        %dma_wait3A_462 = arith.constant 0 : i32
        %dma_wait3A_463 = arith.constant 0 : i32
        %dma_wait3A_464 = tpu.memref_slice %arg8[%dma_wait3A_462, %dma_wait3A_463] : memref<10240x128xf32, #tpu.memory_space<vmem_shared>> -> memref<10240x128xf32, #tpu.memory_space<vmem_shared>>
        tpu.wait_indirect_dma semaphore(%run_scoped3A_452 : memref<!tpu.dma_semaphore, #tpu.memory_space<semaphore_mem>>) src(%arg15 : memref<120x128xf32, #tpu.memory_space<vmem>>) dst(%dma_wait3A_464 : memref<10240x128xf32, #tpu.memory_space<vmem_shared>>)
        tpu.yield
      }) : () -> ()
      %run_scoped3A_359 = arith.constant 1 : i32
      "tpu.region"() ({
        %run_scoped3A_452 = tpu.sem_alloc : memref<!tpu.dma_semaphore, #tpu.memory_space<semaphore_mem>>
        %dma_start3A_453 = arith.constant 0 : i32
        %dma_start3A_454 = tpu.memref_slice %arg9[%run_scoped3A_359, %dma_start3A_453] : memref<2x120xi32, #tpu.memory_space<vmem>> -> memref<1x120xi32, #tpu.memory_space<vmem>>
        %dma_start3A_455 = tpu.memref_squeeze %dma_start3A_454 : memref<1x120xi32, #tpu.memory_space<vmem>> -> memref<120xi32, #tpu.memory_space<vmem>>
        %dma_start3A_456 = arith.constant 0 : i32
        %dma_start3A_457 = tpu.memref_slice %arg23[%dma_start3A_456] : memref<10240xf32, #tpu.memory_space<vmem_shared>> -> memref<10240xf32, #tpu.memory_space<vmem_shared>>
        tpu.enqueue_indirect_dma source(%arg24 : memref<120xf32, #tpu.memory_space<vmem>>) target(%dma_start3A_457 : memref<10240xf32, #tpu.memory_space<vmem_shared>>) offsets(%dma_start3A_455 : memref<120xi32, #tpu.memory_space<vmem>>) semaphore(%run_scoped3A_452 : memref<!tpu.dma_semaphore, #tpu.memory_space<semaphore_mem>>) {add = true}
        %dma_wait3A_458 = arith.constant 0 : i32
        %dma_wait3A_459 = tpu.memref_slice %arg9[%run_scoped3A_359, %dma_wait3A_458] : memref<2x120xi32, #tpu.memory_space<vmem>> -> memref<1x120xi32, #tpu.memory_space<vmem>>
        %dma_wait3A_460 = tpu.memref_squeeze %dma_wait3A_459 : memref<1x120xi32, #tpu.memory_space<vmem>> -> memref<120xi32, #tpu.memory_space<vmem>>
        %dma_wait3A_461 = arith.constant 0 : i32
        %dma_wait3A_462 = tpu.memref_slice %arg23[%dma_wait3A_461] : memref<10240xf32, #tpu.memory_space<vmem_shared>> -> memref<10240xf32, #tpu.memory_space<vmem_shared>>
        tpu.wait_indirect_dma semaphore(%run_scoped3A_452 : memref<!tpu.dma_semaphore, #tpu.memory_space<semaphore_mem>>) src(%arg24 : memref<120xf32, #tpu.memory_space<vmem>>) dst(%dma_wait3A_462 : memref<10240xf32, #tpu.memory_space<vmem_shared>>)
        tpu.yield
      }) : () -> ()
      %add3A_360 = arith.constant 4 : i32
      %add3A_361 = arith.addi %add3A_351, %add3A_360 : i32
      %lt3A_362 = arith.constant 84 : i32
      %lt3A_363 = arith.cmpi slt, %add3A_361, %lt3A_362 : i32
      %convert_element_type3A_364 = arith.extui %lt3A_363 : i1 to i32
      %cond3A_365 = arith.constant 0 : i32
      %cond3A_366 = arith.cmpi ne, %convert_element_type3A_364, %cond3A_365 : i32
      scf.if %cond3A_366 {
        %add3A_452 = arith.addi %mul3A_4, %add3A_351 : i32
        %add3A_453 = arith.constant 4 : i32
        %add3A_454 = arith.addi %add3A_452, %add3A_453 : i32
        %dma_start3A_455 = arith.constant 0 : i32
        %dma_start3A_456 = arith.constant 0 : i32
        %dma_start3A_457 = tpu.memref_slice %arg3[%add3A_454, %dma_start3A_455, %dma_start3A_456] : memref<2688x2x120xi32, #tpu.memory_space<hbm>> -> memref<1x2x120xi32, #tpu.memory_space<hbm>>
        %dma_start3A_458 = tpu.memref_squeeze %dma_start3A_457 : memref<1x2x120xi32, #tpu.memory_space<hbm>> -> memref<2x120xi32, #tpu.memory_space<hbm>>
        %dma_start3A_459 = arith.constant 0 : i32
        %dma_start3A_460 = arith.constant 0 : i32
        %dma_start3A_461 = tpu.memref_slice %arg3[%add3A_454, %dma_start3A_459, %dma_start3A_460] : memref<2688x2x120xi32, #tpu.memory_space<hbm>> -> memref<1x2x120xi32, #tpu.memory_space<hbm>>
        %dma_start3A_462 = tpu.memref_squeeze %dma_start3A_461 : memref<1x2x120xi32, #tpu.memory_space<hbm>> -> memref<2x120xi32, #tpu.memory_space<hbm>>
        tpu.enqueue_dma source(%dma_start3A_462 : memref<2x120xi32, #tpu.memory_space<hbm>>) target(%arg9 : memref<2x120xi32, #tpu.memory_space<vmem>>) target_semaphore(%arg16 : memref<!tpu.dma_semaphore, #tpu.memory_space<semaphore_mem>>)
      } else {
      }
      %add3A_367 = arith.constant 3 : i32
      %add3A_368 = arith.addi %add3A_351, %add3A_367 : i32
      %lt3A_369 = arith.constant 84 : i32
      %lt3A_370 = arith.cmpi slt, %add3A_368, %lt3A_369 : i32
      %convert_element_type3A_371 = arith.extui %lt3A_370 : i1 to i32
      %cond3A_372 = arith.constant 0 : i32
      %cond3A_373 = arith.cmpi ne, %convert_element_type3A_371, %cond3A_372 : i32
      scf.if %cond3A_373 {
        %dma_wait3A_452 = arith.constant 0 : i32
        %dma_wait3A_453 = arith.constant 0 : i32
        %dma_wait3A_454 = arith.constant 0 : i32
        %dma_wait3A_455 = tpu.memref_slice %arg3[%dma_wait3A_452, %dma_wait3A_453, %dma_wait3A_454] : memref<2688x2x120xi32, #tpu.memory_space<hbm>> -> memref<1x2x120xi32, #tpu.memory_space<hbm>>
        %dma_wait3A_456 = tpu.memref_squeeze %dma_wait3A_455 : memref<1x2x120xi32, #tpu.memory_space<hbm>> -> memref<2x120xi32, #tpu.memory_space<hbm>>
        %dma_wait3A_457 = arith.constant 0 : i32
        %dma_wait3A_458 = arith.constant 0 : i32
        %dma_wait3A_459 = tpu.memref_slice %arg3[%dma_wait3A_452, %dma_wait3A_457, %dma_wait3A_458] : memref<2688x2x120xi32, #tpu.memory_space<hbm>> -> memref<1x2x120xi32, #tpu.memory_space<hbm>>
        %dma_wait3A_460 = tpu.memref_squeeze %dma_wait3A_459 : memref<1x2x120xi32, #tpu.memory_space<hbm>> -> memref<2x120xi32, #tpu.memory_space<hbm>>
        tpu.wait_dma2 semaphore(%arg19 : memref<!tpu.dma_semaphore, #tpu.memory_space<semaphore_mem>>) src(%dma_wait3A_460 : memref<2x120xi32, #tpu.memory_space<hbm>>) dst(%arg12 : memref<2x120xi32, #tpu.memory_space<vmem>>)
        %dma_start3A_461 = arith.constant 0 : i32
        %dma_start3A_462 = arith.constant 0 : i32
        %dma_start3A_463 = tpu.memref_slice %arg12[%dma_start3A_461, %dma_start3A_462] : memref<2x120xi32, #tpu.memory_space<vmem>> -> memref<1x120xi32, #tpu.memory_space<vmem>>
        %dma_start3A_464 = tpu.memref_squeeze %dma_start3A_463 : memref<1x120xi32, #tpu.memory_space<vmem>> -> memref<120xi32, #tpu.memory_space<vmem>>
        %dma_start3A_465 = arith.constant 0 : i32
        %dma_start3A_466 = arith.constant 0 : i32
        %dma_start3A_467 = tpu.memref_slice %arg2[%dma_start3A_465, %dma_start3A_466] : memref<10000x128xf32, #tpu.memory_space<hbm>> -> memref<10000x128xf32, #tpu.memory_space<hbm>>
        tpu.enqueue_indirect_dma source(%dma_start3A_467 : memref<10000x128xf32, #tpu.memory_space<hbm>>) target(%arg15 : memref<120x128xf32, #tpu.memory_space<vmem>>) offsets(%dma_start3A_464 : memref<120xi32, #tpu.memory_space<vmem>>) semaphore(%arg22 : memref<!tpu.dma_semaphore, #tpu.memory_space<semaphore_mem>>)
      } else {
      }
      %mul3A_374 = arith.constant 12 : i32
      %mul3A_375 = arith.muli %scan3A_143, %mul3A_374 : i32
      %add3A_376 = arith.constant 9 : i32
      %add3A_377 = arith.addi %mul3A_375, %add3A_376 : i32
      %dma_wait3A_378 = arith.constant 0 : i32
      %dma_wait3A_379 = arith.constant 0 : i32
      %dma_wait3A_380 = tpu.memref_slice %arg2[%dma_wait3A_378, %dma_wait3A_379] : memref<10000x128xf32, #tpu.memory_space<hbm>> -> memref<120x128xf32, #tpu.memory_space<hbm>>
      %dma_wait3A_381 = arith.constant 0 : i32
      %dma_wait3A_382 = arith.constant 0 : i32
      %dma_wait3A_383 = tpu.memref_slice %arg2[%dma_wait3A_381, %dma_wait3A_382] : memref<10000x128xf32, #tpu.memory_space<hbm>> -> memref<120x128xf32, #tpu.memory_space<hbm>>
      tpu.wait_dma2 semaphore(%arg20 : memref<!tpu.dma_semaphore, #tpu.memory_space<semaphore_mem>>) src(%dma_wait3A_383 : memref<120x128xf32, #tpu.memory_space<hbm>>) dst(%arg13 : memref<120x128xf32, #tpu.memory_space<vmem>>)
      %run_scoped3A_384 = arith.constant 1 : i32
      "tpu.region"() ({
        %run_scoped3A_452 = tpu.sem_alloc : memref<!tpu.dma_semaphore, #tpu.memory_space<semaphore_mem>>
        %dma_start3A_453 = arith.constant 0 : i32
        %dma_start3A_454 = tpu.memref_slice %arg10[%run_scoped3A_384, %dma_start3A_453] : memref<2x120xi32, #tpu.memory_space<vmem>> -> memref<1x120xi32, #tpu.memory_space<vmem>>
        %dma_start3A_455 = tpu.memref_squeeze %dma_start3A_454 : memref<1x120xi32, #tpu.memory_space<vmem>> -> memref<120xi32, #tpu.memory_space<vmem>>
        %dma_start3A_456 = arith.constant 0 : i32
        %dma_start3A_457 = arith.constant 0 : i32
        %dma_start3A_458 = tpu.memref_slice %arg8[%dma_start3A_456, %dma_start3A_457] : memref<10240x128xf32, #tpu.memory_space<vmem_shared>> -> memref<10240x128xf32, #tpu.memory_space<vmem_shared>>
        tpu.enqueue_indirect_dma source(%arg13 : memref<120x128xf32, #tpu.memory_space<vmem>>) target(%dma_start3A_458 : memref<10240x128xf32, #tpu.memory_space<vmem_shared>>) offsets(%dma_start3A_455 : memref<120xi32, #tpu.memory_space<vmem>>) semaphore(%run_scoped3A_452 : memref<!tpu.dma_semaphore, #tpu.memory_space<semaphore_mem>>) {add = true}
        %dma_wait3A_459 = arith.constant 0 : i32
        %dma_wait3A_460 = tpu.memref_slice %arg10[%run_scoped3A_384, %dma_wait3A_459] : memref<2x120xi32, #tpu.memory_space<vmem>> -> memref<1x120xi32, #tpu.memory_space<vmem>>
        %dma_wait3A_461 = tpu.memref_squeeze %dma_wait3A_460 : memref<1x120xi32, #tpu.memory_space<vmem>> -> memref<120xi32, #tpu.memory_space<vmem>>
        %dma_wait3A_462 = arith.constant 0 : i32
        %dma_wait3A_463 = arith.constant 0 : i32
        %dma_wait3A_464 = tpu.memref_slice %arg8[%dma_wait3A_462, %dma_wait3A_463] : memref<10240x128xf32, #tpu.memory_space<vmem_shared>> -> memref<10240x128xf32, #tpu.memory_space<vmem_shared>>
        tpu.wait_indirect_dma semaphore(%run_scoped3A_452 : memref<!tpu.dma_semaphore, #tpu.memory_space<semaphore_mem>>) src(%arg13 : memref<120x128xf32, #tpu.memory_space<vmem>>) dst(%dma_wait3A_464 : memref<10240x128xf32, #tpu.memory_space<vmem_shared>>)
        tpu.yield
      }) : () -> ()
      %run_scoped3A_385 = arith.constant 1 : i32
      "tpu.region"() ({
        %run_scoped3A_452 = tpu.sem_alloc : memref<!tpu.dma_semaphore, #tpu.memory_space<semaphore_mem>>
        %dma_start3A_453 = arith.constant 0 : i32
        %dma_start3A_454 = tpu.memref_slice %arg10[%run_scoped3A_385, %dma_start3A_453] : memref<2x120xi32, #tpu.memory_space<vmem>> -> memref<1x120xi32, #tpu.memory_space<vmem>>
        %dma_start3A_455 = tpu.memref_squeeze %dma_start3A_454 : memref<1x120xi32, #tpu.memory_space<vmem>> -> memref<120xi32, #tpu.memory_space<vmem>>
        %dma_start3A_456 = arith.constant 0 : i32
        %dma_start3A_457 = tpu.memref_slice %arg23[%dma_start3A_456] : memref<10240xf32, #tpu.memory_space<vmem_shared>> -> memref<10240xf32, #tpu.memory_space<vmem_shared>>
        tpu.enqueue_indirect_dma source(%arg24 : memref<120xf32, #tpu.memory_space<vmem>>) target(%dma_start3A_457 : memref<10240xf32, #tpu.memory_space<vmem_shared>>) offsets(%dma_start3A_455 : memref<120xi32, #tpu.memory_space<vmem>>) semaphore(%run_scoped3A_452 : memref<!tpu.dma_semaphore, #tpu.memory_space<semaphore_mem>>) {add = true}
        %dma_wait3A_458 = arith.constant 0 : i32
        %dma_wait3A_459 = tpu.memref_slice %arg10[%run_scoped3A_385, %dma_wait3A_458] : memref<2x120xi32, #tpu.memory_space<vmem>> -> memref<1x120xi32, #tpu.memory_space<vmem>>
        %dma_wait3A_460 = tpu.memref_squeeze %dma_wait3A_459 : memref<1x120xi32, #tpu.memory_space<vmem>> -> memref<120xi32, #tpu.memory_space<vmem>>
        %dma_wait3A_461 = arith.constant 0 : i32
        %dma_wait3A_462 = tpu.memref_slice %arg23[%dma_wait3A_461] : memref<10240xf32, #tpu.memory_space<vmem_shared>> -> memref<10240xf32, #tpu.memory_space<vmem_shared>>
        tpu.wait_indirect_dma semaphore(%run_scoped3A_452 : memref<!tpu.dma_semaphore, #tpu.memory_space<semaphore_mem>>) src(%arg24 : memref<120xf32, #tpu.memory_space<vmem>>) dst(%dma_wait3A_462 : memref<10240xf32, #tpu.memory_space<vmem_shared>>)
        tpu.yield
      }) : () -> ()
      %add3A_386 = arith.constant 4 : i32
      %add3A_387 = arith.addi %add3A_377, %add3A_386 : i32
      %lt3A_388 = arith.constant 84 : i32
      %lt3A_389 = arith.cmpi slt, %add3A_387, %lt3A_388 : i32
      %convert_element_type3A_390 = arith.extui %lt3A_389 : i1 to i32
      %cond3A_391 = arith.constant 0 : i32
      %cond3A_392 = arith.cmpi ne, %convert_element_type3A_390, %cond3A_391 : i32
      scf.if %cond3A_392 {
        %add3A_452 = arith.addi %mul3A_4, %add3A_377 : i32
        %add3A_453 = arith.constant 4 : i32
        %add3A_454 = arith.addi %add3A_452, %add3A_453 : i32
        %dma_start3A_455 = arith.constant 0 : i32
        %dma_start3A_456 = arith.constant 0 : i32
        %dma_start3A_457 = tpu.memref_slice %arg3[%add3A_454, %dma_start3A_455, %dma_start3A_456] : memref<2688x2x120xi32, #tpu.memory_space<hbm>> -> memref<1x2x120xi32, #tpu.memory_space<hbm>>
        %dma_start3A_458 = tpu.memref_squeeze %dma_start3A_457 : memref<1x2x120xi32, #tpu.memory_space<hbm>> -> memref<2x120xi32, #tpu.memory_space<hbm>>
        %dma_start3A_459 = arith.constant 0 : i32
        %dma_start3A_460 = arith.constant 0 : i32
        %dma_start3A_461 = tpu.memref_slice %arg3[%add3A_454, %dma_start3A_459, %dma_start3A_460] : memref<2688x2x120xi32, #tpu.memory_space<hbm>> -> memref<1x2x120xi32, #tpu.memory_space<hbm>>
        %dma_start3A_462 = tpu.memref_squeeze %dma_start3A_461 : memref<1x2x120xi32, #tpu.memory_space<hbm>> -> memref<2x120xi32, #tpu.memory_space<hbm>>
        tpu.enqueue_dma source(%dma_start3A_462 : memref<2x120xi32, #tpu.memory_space<hbm>>) target(%arg10 : memref<2x120xi32, #tpu.memory_space<vmem>>) target_semaphore(%arg17 : memref<!tpu.dma_semaphore, #tpu.memory_space<semaphore_mem>>)
      } else {
      }
      %add3A_393 = arith.constant 3 : i32
      %add3A_394 = arith.addi %add3A_377, %add3A_393 : i32
      %lt3A_395 = arith.constant 84 : i32
      %lt3A_396 = arith.cmpi slt, %add3A_394, %lt3A_395 : i32
      %convert_element_type3A_397 = arith.extui %lt3A_396 : i1 to i32
      %cond3A_398 = arith.constant 0 : i32
      %cond3A_399 = arith.cmpi ne, %convert_element_type3A_397, %cond3A_398 : i32
      scf.if %cond3A_399 {
        %dma_wait3A_452 = arith.constant 0 : i32
        %dma_wait3A_453 = arith.constant 0 : i32
        %dma_wait3A_454 = arith.constant 0 : i32
        %dma_wait3A_455 = tpu.memref_slice %arg3[%dma_wait3A_452, %dma_wait3A_453, %dma_wait3A_454] : memref<2688x2x120xi32, #tpu.memory_space<hbm>> -> memref<1x2x120xi32, #tpu.memory_space<hbm>>
        %dma_wait3A_456 = tpu.memref_squeeze %dma_wait3A_455 : memref<1x2x120xi32, #tpu.memory_space<hbm>> -> memref<2x120xi32, #tpu.memory_space<hbm>>
        %dma_wait3A_457 = arith.constant 0 : i32
        %dma_wait3A_458 = arith.constant 0 : i32
        %dma_wait3A_459 = tpu.memref_slice %arg3[%dma_wait3A_452, %dma_wait3A_457, %dma_wait3A_458] : memref<2688x2x120xi32, #tpu.memory_space<hbm>> -> memref<1x2x120xi32, #tpu.memory_space<hbm>>
        %dma_wait3A_460 = tpu.memref_squeeze %dma_wait3A_459 : memref<1x2x120xi32, #tpu.memory_space<hbm>> -> memref<2x120xi32, #tpu.memory_space<hbm>>
        tpu.wait_dma2 semaphore(%arg16 : memref<!tpu.dma_semaphore, #tpu.memory_space<semaphore_mem>>) src(%dma_wait3A_460 : memref<2x120xi32, #tpu.memory_space<hbm>>) dst(%arg9 : memref<2x120xi32, #tpu.memory_space<vmem>>)
        %dma_start3A_461 = arith.constant 0 : i32
        %dma_start3A_462 = arith.constant 0 : i32
        %dma_start3A_463 = tpu.memref_slice %arg9[%dma_start3A_461, %dma_start3A_462] : memref<2x120xi32, #tpu.memory_space<vmem>> -> memref<1x120xi32, #tpu.memory_space<vmem>>
        %dma_start3A_464 = tpu.memref_squeeze %dma_start3A_463 : memref<1x120xi32, #tpu.memory_space<vmem>> -> memref<120xi32, #tpu.memory_space<vmem>>
        %dma_start3A_465 = arith.constant 0 : i32
        %dma_start3A_466 = arith.constant 0 : i32
        %dma_start3A_467 = tpu.memref_slice %arg2[%dma_start3A_465, %dma_start3A_466] : memref<10000x128xf32, #tpu.memory_space<hbm>> -> memref<10000x128xf32, #tpu.memory_space<hbm>>
        tpu.enqueue_indirect_dma source(%dma_start3A_467 : memref<10000x128xf32, #tpu.memory_space<hbm>>) target(%arg13 : memref<120x128xf32, #tpu.memory_space<vmem>>) offsets(%dma_start3A_464 : memref<120xi32, #tpu.memory_space<vmem>>) semaphore(%arg20 : memref<!tpu.dma_semaphore, #tpu.memory_space<semaphore_mem>>)
      } else {
      }
      %mul3A_400 = arith.constant 12 : i32
      %mul3A_401 = arith.muli %scan3A_143, %mul3A_400 : i32
      %add3A_402 = arith.constant 10 : i32
      %add3A_403 = arith.addi %mul3A_401, %add3A_402 : i32
      %dma_wait3A_404 = arith.constant 0 : i32
      %dma_wait3A_405 = arith.constant 0 : i32
      %dma_wait3A_406 = tpu.memref_slice %arg2[%dma_wait3A_404, %dma_wait3A_405] : memref<10000x128xf32, #tpu.memory_space<hbm>> -> memref<120x128xf32, #tpu.memory_space<hbm>>
      %dma_wait3A_407 = arith.constant 0 : i32
      %dma_wait3A_408 = arith.constant 0 : i32
      %dma_wait3A_409 = tpu.memref_slice %arg2[%dma_wait3A_407, %dma_wait3A_408] : memref<10000x128xf32, #tpu.memory_space<hbm>> -> memref<120x128xf32, #tpu.memory_space<hbm>>
      tpu.wait_dma2 semaphore(%arg21 : memref<!tpu.dma_semaphore, #tpu.memory_space<semaphore_mem>>) src(%dma_wait3A_409 : memref<120x128xf32, #tpu.memory_space<hbm>>) dst(%arg14 : memref<120x128xf32, #tpu.memory_space<vmem>>)
      %run_scoped3A_410 = arith.constant 1 : i32
      "tpu.region"() ({
        %run_scoped3A_452 = tpu.sem_alloc : memref<!tpu.dma_semaphore, #tpu.memory_space<semaphore_mem>>
        %dma_start3A_453 = arith.constant 0 : i32
        %dma_start3A_454 = tpu.memref_slice %arg11[%run_scoped3A_410, %dma_start3A_453] : memref<2x120xi32, #tpu.memory_space<vmem>> -> memref<1x120xi32, #tpu.memory_space<vmem>>
        %dma_start3A_455 = tpu.memref_squeeze %dma_start3A_454 : memref<1x120xi32, #tpu.memory_space<vmem>> -> memref<120xi32, #tpu.memory_space<vmem>>
        %dma_start3A_456 = arith.constant 0 : i32
        %dma_start3A_457 = arith.constant 0 : i32
        %dma_start3A_458 = tpu.memref_slice %arg8[%dma_start3A_456, %dma_start3A_457] : memref<10240x128xf32, #tpu.memory_space<vmem_shared>> -> memref<10240x128xf32, #tpu.memory_space<vmem_shared>>
        tpu.enqueue_indirect_dma source(%arg14 : memref<120x128xf32, #tpu.memory_space<vmem>>) target(%dma_start3A_458 : memref<10240x128xf32, #tpu.memory_space<vmem_shared>>) offsets(%dma_start3A_455 : memref<120xi32, #tpu.memory_space<vmem>>) semaphore(%run_scoped3A_452 : memref<!tpu.dma_semaphore, #tpu.memory_space<semaphore_mem>>) {add = true}
        %dma_wait3A_459 = arith.constant 0 : i32
        %dma_wait3A_460 = tpu.memref_slice %arg11[%run_scoped3A_410, %dma_wait3A_459] : memref<2x120xi32, #tpu.memory_space<vmem>> -> memref<1x120xi32, #tpu.memory_space<vmem>>
        %dma_wait3A_461 = tpu.memref_squeeze %dma_wait3A_460 : memref<1x120xi32, #tpu.memory_space<vmem>> -> memref<120xi32, #tpu.memory_space<vmem>>
        %dma_wait3A_462 = arith.constant 0 : i32
        %dma_wait3A_463 = arith.constant 0 : i32
        %dma_wait3A_464 = tpu.memref_slice %arg8[%dma_wait3A_462, %dma_wait3A_463] : memref<10240x128xf32, #tpu.memory_space<vmem_shared>> -> memref<10240x128xf32, #tpu.memory_space<vmem_shared>>
        tpu.wait_indirect_dma semaphore(%run_scoped3A_452 : memref<!tpu.dma_semaphore, #tpu.memory_space<semaphore_mem>>) src(%arg14 : memref<120x128xf32, #tpu.memory_space<vmem>>) dst(%dma_wait3A_464 : memref<10240x128xf32, #tpu.memory_space<vmem_shared>>)
        tpu.yield
      }) : () -> ()
      %run_scoped3A_411 = arith.constant 1 : i32
      "tpu.region"() ({
        %run_scoped3A_452 = tpu.sem_alloc : memref<!tpu.dma_semaphore, #tpu.memory_space<semaphore_mem>>
        %dma_start3A_453 = arith.constant 0 : i32
        %dma_start3A_454 = tpu.memref_slice %arg11[%run_scoped3A_411, %dma_start3A_453] : memref<2x120xi32, #tpu.memory_space<vmem>> -> memref<1x120xi32, #tpu.memory_space<vmem>>
        %dma_start3A_455 = tpu.memref_squeeze %dma_start3A_454 : memref<1x120xi32, #tpu.memory_space<vmem>> -> memref<120xi32, #tpu.memory_space<vmem>>
        %dma_start3A_456 = arith.constant 0 : i32
        %dma_start3A_457 = tpu.memref_slice %arg23[%dma_start3A_456] : memref<10240xf32, #tpu.memory_space<vmem_shared>> -> memref<10240xf32, #tpu.memory_space<vmem_shared>>
        tpu.enqueue_indirect_dma source(%arg24 : memref<120xf32, #tpu.memory_space<vmem>>) target(%dma_start3A_457 : memref<10240xf32, #tpu.memory_space<vmem_shared>>) offsets(%dma_start3A_455 : memref<120xi32, #tpu.memory_space<vmem>>) semaphore(%run_scoped3A_452 : memref<!tpu.dma_semaphore, #tpu.memory_space<semaphore_mem>>) {add = true}
        %dma_wait3A_458 = arith.constant 0 : i32
        %dma_wait3A_459 = tpu.memref_slice %arg11[%run_scoped3A_411, %dma_wait3A_458] : memref<2x120xi32, #tpu.memory_space<vmem>> -> memref<1x120xi32, #tpu.memory_space<vmem>>
        %dma_wait3A_460 = tpu.memref_squeeze %dma_wait3A_459 : memref<1x120xi32, #tpu.memory_space<vmem>> -> memref<120xi32, #tpu.memory_space<vmem>>
        %dma_wait3A_461 = arith.constant 0 : i32
        %dma_wait3A_462 = tpu.memref_slice %arg23[%dma_wait3A_461] : memref<10240xf32, #tpu.memory_space<vmem_shared>> -> memref<10240xf32, #tpu.memory_space<vmem_shared>>
        tpu.wait_indirect_dma semaphore(%run_scoped3A_452 : memref<!tpu.dma_semaphore, #tpu.memory_space<semaphore_mem>>) src(%arg24 : memref<120xf32, #tpu.memory_space<vmem>>) dst(%dma_wait3A_462 : memref<10240xf32, #tpu.memory_space<vmem_shared>>)
        tpu.yield
      }) : () -> ()
      %add3A_412 = arith.constant 4 : i32
      %add3A_413 = arith.addi %add3A_403, %add3A_412 : i32
      %lt3A_414 = arith.constant 84 : i32
      %lt3A_415 = arith.cmpi slt, %add3A_413, %lt3A_414 : i32
      %convert_element_type3A_416 = arith.extui %lt3A_415 : i1 to i32
      %cond3A_417 = arith.constant 0 : i32
      %cond3A_418 = arith.cmpi ne, %convert_element_type3A_416, %cond3A_417 : i32
      scf.if %cond3A_418 {
        %add3A_452 = arith.addi %mul3A_4, %add3A_403 : i32
        %add3A_453 = arith.constant 4 : i32
        %add3A_454 = arith.addi %add3A_452, %add3A_453 : i32
        %dma_start3A_455 = arith.constant 0 : i32
        %dma_start3A_456 = arith.constant 0 : i32
        %dma_start3A_457 = tpu.memref_slice %arg3[%add3A_454, %dma_start3A_455, %dma_start3A_456] : memref<2688x2x120xi32, #tpu.memory_space<hbm>> -> memref<1x2x120xi32, #tpu.memory_space<hbm>>
        %dma_start3A_458 = tpu.memref_squeeze %dma_start3A_457 : memref<1x2x120xi32, #tpu.memory_space<hbm>> -> memref<2x120xi32, #tpu.memory_space<hbm>>
        %dma_start3A_459 = arith.constant 0 : i32
        %dma_start3A_460 = arith.constant 0 : i32
        %dma_start3A_461 = tpu.memref_slice %arg3[%add3A_454, %dma_start3A_459, %dma_start3A_460] : memref<2688x2x120xi32, #tpu.memory_space<hbm>> -> memref<1x2x120xi32, #tpu.memory_space<hbm>>
        %dma_start3A_462 = tpu.memref_squeeze %dma_start3A_461 : memref<1x2x120xi32, #tpu.memory_space<hbm>> -> memref<2x120xi32, #tpu.memory_space<hbm>>
        tpu.enqueue_dma source(%dma_start3A_462 : memref<2x120xi32, #tpu.memory_space<hbm>>) target(%arg11 : memref<2x120xi32, #tpu.memory_space<vmem>>) target_semaphore(%arg18 : memref<!tpu.dma_semaphore, #tpu.memory_space<semaphore_mem>>)
      } else {
      }
      %add3A_419 = arith.constant 3 : i32
      %add3A_420 = arith.addi %add3A_403, %add3A_419 : i32
      %lt3A_421 = arith.constant 84 : i32
      %lt3A_422 = arith.cmpi slt, %add3A_420, %lt3A_421 : i32
      %convert_element_type3A_423 = arith.extui %lt3A_422 : i1 to i32
      %cond3A_424 = arith.constant 0 : i32
      %cond3A_425 = arith.cmpi ne, %convert_element_type3A_423, %cond3A_424 : i32
      scf.if %cond3A_425 {
        %dma_wait3A_452 = arith.constant 0 : i32
        %dma_wait3A_453 = arith.constant 0 : i32
        %dma_wait3A_454 = arith.constant 0 : i32
        %dma_wait3A_455 = tpu.memref_slice %arg3[%dma_wait3A_452, %dma_wait3A_453, %dma_wait3A_454] : memref<2688x2x120xi32, #tpu.memory_space<hbm>> -> memref<1x2x120xi32, #tpu.memory_space<hbm>>
        %dma_wait3A_456 = tpu.memref_squeeze %dma_wait3A_455 : memref<1x2x120xi32, #tpu.memory_space<hbm>> -> memref<2x120xi32, #tpu.memory_space<hbm>>
        %dma_wait3A_457 = arith.constant 0 : i32
        %dma_wait3A_458 = arith.constant 0 : i32
        %dma_wait3A_459 = tpu.memref_slice %arg3[%dma_wait3A_452, %dma_wait3A_457, %dma_wait3A_458] : memref<2688x2x120xi32, #tpu.memory_space<hbm>> -> memref<1x2x120xi32, #tpu.memory_space<hbm>>
        %dma_wait3A_460 = tpu.memref_squeeze %dma_wait3A_459 : memref<1x2x120xi32, #tpu.memory_space<hbm>> -> memref<2x120xi32, #tpu.memory_space<hbm>>
        tpu.wait_dma2 semaphore(%arg17 : memref<!tpu.dma_semaphore, #tpu.memory_space<semaphore_mem>>) src(%dma_wait3A_460 : memref<2x120xi32, #tpu.memory_space<hbm>>) dst(%arg10 : memref<2x120xi32, #tpu.memory_space<vmem>>)
        %dma_start3A_461 = arith.constant 0 : i32
        %dma_start3A_462 = arith.constant 0 : i32
        %dma_start3A_463 = tpu.memref_slice %arg10[%dma_start3A_461, %dma_start3A_462] : memref<2x120xi32, #tpu.memory_space<vmem>> -> memref<1x120xi32, #tpu.memory_space<vmem>>
        %dma_start3A_464 = tpu.memref_squeeze %dma_start3A_463 : memref<1x120xi32, #tpu.memory_space<vmem>> -> memref<120xi32, #tpu.memory_space<vmem>>
        %dma_start3A_465 = arith.constant 0 : i32
        %dma_start3A_466 = arith.constant 0 : i32
        %dma_start3A_467 = tpu.memref_slice %arg2[%dma_start3A_465, %dma_start3A_466] : memref<10000x128xf32, #tpu.memory_space<hbm>> -> memref<10000x128xf32, #tpu.memory_space<hbm>>
        tpu.enqueue_indirect_dma source(%dma_start3A_467 : memref<10000x128xf32, #tpu.memory_space<hbm>>) target(%arg14 : memref<120x128xf32, #tpu.memory_space<vmem>>) offsets(%dma_start3A_464 : memref<120xi32, #tpu.memory_space<vmem>>) semaphore(%arg21 : memref<!tpu.dma_semaphore, #tpu.memory_space<semaphore_mem>>)
      } else {
      }
      %mul3A_426 = arith.constant 12 : i32
      %mul3A_427 = arith.muli %scan3A_143, %mul3A_426 : i32
      %add3A_428 = arith.constant 11 : i32
      %add3A_429 = arith.addi %mul3A_427, %add3A_428 : i32
      %dma_wait3A_430 = arith.constant 0 : i32
      %dma_wait3A_431 = arith.constant 0 : i32
      %dma_wait3A_432 = tpu.memref_slice %arg2[%dma_wait3A_430, %dma_wait3A_431] : memref<10000x128xf32, #tpu.memory_space<hbm>> -> memref<120x128xf32, #tpu.memory_space<hbm>>
      %dma_wait3A_433 = arith.constant 0 : i32
      %dma_wait3A_434 = arith.constant 0 : i32
      %dma_wait3A_435 = tpu.memref_slice %arg2[%dma_wait3A_433, %dma_wait3A_434] : memref<10000x128xf32, #tpu.memory_space<hbm>> -> memref<120x128xf32, #tpu.memory_space<hbm>>
      tpu.wait_dma2 semaphore(%arg22 : memref<!tpu.dma_semaphore, #tpu.memory_space<semaphore_mem>>) src(%dma_wait3A_435 : memref<120x128xf32, #tpu.memory_space<hbm>>) dst(%arg15 : memref<120x128xf32, #tpu.memory_space<vmem>>)
      %run_scoped3A_436 = arith.constant 1 : i32
      "tpu.region"() ({
        %run_scoped3A_452 = tpu.sem_alloc : memref<!tpu.dma_semaphore, #tpu.memory_space<semaphore_mem>>
        %dma_start3A_453 = arith.constant 0 : i32
        %dma_start3A_454 = tpu.memref_slice %arg12[%run_scoped3A_436, %dma_start3A_453] : memref<2x120xi32, #tpu.memory_space<vmem>> -> memref<1x120xi32, #tpu.memory_space<vmem>>
        %dma_start3A_455 = tpu.memref_squeeze %dma_start3A_454 : memref<1x120xi32, #tpu.memory_space<vmem>> -> memref<120xi32, #tpu.memory_space<vmem>>
        %dma_start3A_456 = arith.constant 0 : i32
        %dma_start3A_457 = arith.constant 0 : i32
        %dma_start3A_458 = tpu.memref_slice %arg8[%dma_start3A_456, %dma_start3A_457] : memref<10240x128xf32, #tpu.memory_space<vmem_shared>> -> memref<10240x128xf32, #tpu.memory_space<vmem_shared>>
        tpu.enqueue_indirect_dma source(%arg15 : memref<120x128xf32, #tpu.memory_space<vmem>>) target(%dma_start3A_458 : memref<10240x128xf32, #tpu.memory_space<vmem_shared>>) offsets(%dma_start3A_455 : memref<120xi32, #tpu.memory_space<vmem>>) semaphore(%run_scoped3A_452 : memref<!tpu.dma_semaphore, #tpu.memory_space<semaphore_mem>>) {add = true}
        %dma_wait3A_459 = arith.constant 0 : i32
        %dma_wait3A_460 = tpu.memref_slice %arg12[%run_scoped3A_436, %dma_wait3A_459] : memref<2x120xi32, #tpu.memory_space<vmem>> -> memref<1x120xi32, #tpu.memory_space<vmem>>
        %dma_wait3A_461 = tpu.memref_squeeze %dma_wait3A_460 : memref<1x120xi32, #tpu.memory_space<vmem>> -> memref<120xi32, #tpu.memory_space<vmem>>
        %dma_wait3A_462 = arith.constant 0 : i32
        %dma_wait3A_463 = arith.constant 0 : i32
        %dma_wait3A_464 = tpu.memref_slice %arg8[%dma_wait3A_462, %dma_wait3A_463] : memref<10240x128xf32, #tpu.memory_space<vmem_shared>> -> memref<10240x128xf32, #tpu.memory_space<vmem_shared>>
        tpu.wait_indirect_dma semaphore(%run_scoped3A_452 : memref<!tpu.dma_semaphore, #tpu.memory_space<semaphore_mem>>) src(%arg15 : memref<120x128xf32, #tpu.memory_space<vmem>>) dst(%dma_wait3A_464 : memref<10240x128xf32, #tpu.memory_space<vmem_shared>>)
        tpu.yield
      }) : () -> ()
      %run_scoped3A_437 = arith.constant 1 : i32
      "tpu.region"() ({
        %run_scoped3A_452 = tpu.sem_alloc : memref<!tpu.dma_semaphore, #tpu.memory_space<semaphore_mem>>
        %dma_start3A_453 = arith.constant 0 : i32
        %dma_start3A_454 = tpu.memref_slice %arg12[%run_scoped3A_437, %dma_start3A_453] : memref<2x120xi32, #tpu.memory_space<vmem>> -> memref<1x120xi32, #tpu.memory_space<vmem>>
        %dma_start3A_455 = tpu.memref_squeeze %dma_start3A_454 : memref<1x120xi32, #tpu.memory_space<vmem>> -> memref<120xi32, #tpu.memory_space<vmem>>
        %dma_start3A_456 = arith.constant 0 : i32
        %dma_start3A_457 = tpu.memref_slice %arg23[%dma_start3A_456] : memref<10240xf32, #tpu.memory_space<vmem_shared>> -> memref<10240xf32, #tpu.memory_space<vmem_shared>>
        tpu.enqueue_indirect_dma source(%arg24 : memref<120xf32, #tpu.memory_space<vmem>>) target(%dma_start3A_457 : memref<10240xf32, #tpu.memory_space<vmem_shared>>) offsets(%dma_start3A_455 : memref<120xi32, #tpu.memory_space<vmem>>) semaphore(%run_scoped3A_452 : memref<!tpu.dma_semaphore, #tpu.memory_space<semaphore_mem>>) {add = true}
        %dma_wait3A_458 = arith.constant 0 : i32
        %dma_wait3A_459 = tpu.memref_slice %arg12[%run_scoped3A_437, %dma_wait3A_458] : memref<2x120xi32, #tpu.memory_space<vmem>> -> memref<1x120xi32, #tpu.memory_space<vmem>>
        %dma_wait3A_460 = tpu.memref_squeeze %dma_wait3A_459 : memref<1x120xi32, #tpu.memory_space<vmem>> -> memref<120xi32, #tpu.memory_space<vmem>>
        %dma_wait3A_461 = arith.constant 0 : i32
        %dma_wait3A_462 = tpu.memref_slice %arg23[%dma_wait3A_461] : memref<10240xf32, #tpu.memory_space<vmem_shared>> -> memref<10240xf32, #tpu.memory_space<vmem_shared>>
        tpu.wait_indirect_dma semaphore(%run_scoped3A_452 : memref<!tpu.dma_semaphore, #tpu.memory_space<semaphore_mem>>) src(%arg24 : memref<120xf32, #tpu.memory_space<vmem>>) dst(%dma_wait3A_462 : memref<10240xf32, #tpu.memory_space<vmem_shared>>)
        tpu.yield
      }) : () -> ()
      %add3A_438 = arith.constant 4 : i32
      %add3A_439 = arith.addi %add3A_429, %add3A_438 : i32
      %lt3A_440 = arith.constant 84 : i32
      %lt3A_441 = arith.cmpi slt, %add3A_439, %lt3A_440 : i32
      %convert_element_type3A_442 = arith.extui %lt3A_441 : i1 to i32
      %cond3A_443 = arith.constant 0 : i32
      %cond3A_444 = arith.cmpi ne, %convert_element_type3A_442, %cond3A_443 : i32
      scf.if %cond3A_444 {
        %add3A_452 = arith.addi %mul3A_4, %add3A_429 : i32
        %add3A_453 = arith.constant 4 : i32
        %add3A_454 = arith.addi %add3A_452, %add3A_453 : i32
        %dma_start3A_455 = arith.constant 0 : i32
        %dma_start3A_456 = arith.constant 0 : i32
        %dma_start3A_457 = tpu.memref_slice %arg3[%add3A_454, %dma_start3A_455, %dma_start3A_456] : memref<2688x2x120xi32, #tpu.memory_space<hbm>> -> memref<1x2x120xi32, #tpu.memory_space<hbm>>
        %dma_start3A_458 = tpu.memref_squeeze %dma_start3A_457 : memref<1x2x120xi32, #tpu.memory_space<hbm>> -> memref<2x120xi32, #tpu.memory_space<hbm>>
        %dma_start3A_459 = arith.constant 0 : i32
        %dma_start3A_460 = arith.constant 0 : i32
        %dma_start3A_461 = tpu.memref_slice %arg3[%add3A_454, %dma_start3A_459, %dma_start3A_460] : memref<2688x2x120xi32, #tpu.memory_space<hbm>> -> memref<1x2x120xi32, #tpu.memory_space<hbm>>
        %dma_start3A_462 = tpu.memref_squeeze %dma_start3A_461 : memref<1x2x120xi32, #tpu.memory_space<hbm>> -> memref<2x120xi32, #tpu.memory_space<hbm>>
        tpu.enqueue_dma source(%dma_start3A_462 : memref<2x120xi32, #tpu.memory_space<hbm>>) target(%arg12 : memref<2x120xi32, #tpu.memory_space<vmem>>) target_semaphore(%arg19 : memref<!tpu.dma_semaphore, #tpu.memory_space<semaphore_mem>>)
      } else {
      }
      %add3A_445 = arith.constant 3 : i32
      %add3A_446 = arith.addi %add3A_429, %add3A_445 : i32
      %lt3A_447 = arith.constant 84 : i32
      %lt3A_448 = arith.cmpi slt, %add3A_446, %lt3A_447 : i32
      %convert_element_type3A_449 = arith.extui %lt3A_448 : i1 to i32
      %cond3A_450 = arith.constant 0 : i32
      %cond3A_451 = arith.cmpi ne, %convert_element_type3A_449, %cond3A_450 : i32
      scf.if %cond3A_451 {
        %dma_wait3A_452 = arith.constant 0 : i32
        %dma_wait3A_453 = arith.constant 0 : i32
        %dma_wait3A_454 = arith.constant 0 : i32
        %dma_wait3A_455 = tpu.memref_slice %arg3[%dma_wait3A_452, %dma_wait3A_453, %dma_wait3A_454] : memref<2688x2x120xi32, #tpu.memory_space<hbm>> -> memref<1x2x120xi32, #tpu.memory_space<hbm>>
        %dma_wait3A_456 = tpu.memref_squeeze %dma_wait3A_455 : memref<1x2x120xi32, #tpu.memory_space<hbm>> -> memref<2x120xi32, #tpu.memory_space<hbm>>
        %dma_wait3A_457 = arith.constant 0 : i32
        %dma_wait3A_458 = arith.constant 0 : i32
        %dma_wait3A_459 = tpu.memref_slice %arg3[%dma_wait3A_452, %dma_wait3A_457, %dma_wait3A_458] : memref<2688x2x120xi32, #tpu.memory_space<hbm>> -> memref<1x2x120xi32, #tpu.memory_space<hbm>>
        %dma_wait3A_460 = tpu.memref_squeeze %dma_wait3A_459 : memref<1x2x120xi32, #tpu.memory_space<hbm>> -> memref<2x120xi32, #tpu.memory_space<hbm>>
        tpu.wait_dma2 semaphore(%arg18 : memref<!tpu.dma_semaphore, #tpu.memory_space<semaphore_mem>>) src(%dma_wait3A_460 : memref<2x120xi32, #tpu.memory_space<hbm>>) dst(%arg11 : memref<2x120xi32, #tpu.memory_space<vmem>>)
        %dma_start3A_461 = arith.constant 0 : i32
        %dma_start3A_462 = arith.constant 0 : i32
        %dma_start3A_463 = tpu.memref_slice %arg11[%dma_start3A_461, %dma_start3A_462] : memref<2x120xi32, #tpu.memory_space<vmem>> -> memref<1x120xi32, #tpu.memory_space<vmem>>
        %dma_start3A_464 = tpu.memref_squeeze %dma_start3A_463 : memref<1x120xi32, #tpu.memory_space<vmem>> -> memref<120xi32, #tpu.memory_space<vmem>>
        %dma_start3A_465 = arith.constant 0 : i32
        %dma_start3A_466 = arith.constant 0 : i32
        %dma_start3A_467 = tpu.memref_slice %arg2[%dma_start3A_465, %dma_start3A_466] : memref<10000x128xf32, #tpu.memory_space<hbm>> -> memref<10000x128xf32, #tpu.memory_space<hbm>>
        tpu.enqueue_indirect_dma source(%dma_start3A_467 : memref<10000x128xf32, #tpu.memory_space<hbm>>) target(%arg15 : memref<120x128xf32, #tpu.memory_space<vmem>>) offsets(%dma_start3A_464 : memref<120xi32, #tpu.memory_space<vmem>>) semaphore(%arg22 : memref<!tpu.dma_semaphore, #tpu.memory_space<semaphore_mem>>)
      } else {
      }
    }
    %scan3A_141 = arith.constant 7 : i32
    %barrier3A_142 = arith.constant 0 : index
    tpu.barrier barrier_id(%barrier3A_142)
    "tpu.region"() ({
      %run_scoped3A = tpu.sem_alloc : memref<!tpu.dma_semaphore, #tpu.memory_space<semaphore_mem>>
      %dma_start3A_143 = arith.constant 0 : i32
      %dma_start3A_144 = tpu.memref_slice %arg6[%arg0, %mul3A_2, %dma_start3A_143] : memref<2x10240x128xf32, #tpu.memory_space<hbm>> -> memref<1x640x128xf32, #tpu.memory_space<hbm>>
      %dma_start3A_145 = tpu.memref_squeeze %dma_start3A_144 : memref<1x640x128xf32, #tpu.memory_space<hbm>> -> memref<640x128xf32, #tpu.memory_space<hbm>>
      %dma_start3A_146 = arith.constant 0 : i32
      %dma_start3A_147 = tpu.memref_slice %arg8[%mul3A_2, %dma_start3A_146] : memref<10240x128xf32, #tpu.memory_space<vmem_shared>> -> memref<640x128xf32, #tpu.memory_space<vmem_shared>>
      tpu.enqueue_dma source(%dma_start3A_147 : memref<640x128xf32, #tpu.memory_space<vmem_shared>>) target(%dma_start3A_145 : memref<640x128xf32, #tpu.memory_space<hbm>>) target_semaphore(%run_scoped3A : memref<!tpu.dma_semaphore, #tpu.memory_space<semaphore_mem>>)
      %dma_wait3A_148 = arith.constant 0 : i32
      %dma_wait3A_149 = tpu.memref_slice %arg6[%arg0, %mul3A_2, %dma_wait3A_148] : memref<2x10240x128xf32, #tpu.memory_space<hbm>> -> memref<1x640x128xf32, #tpu.memory_space<hbm>>
      %dma_wait3A_150 = tpu.memref_squeeze %dma_wait3A_149 : memref<1x640x128xf32, #tpu.memory_space<hbm>> -> memref<640x128xf32, #tpu.memory_space<hbm>>
      %dma_wait3A_151 = arith.constant 0 : i32
      %dma_wait3A_152 = tpu.memref_slice %arg8[%mul3A_2, %dma_wait3A_151] : memref<10240x128xf32, #tpu.memory_space<vmem_shared>> -> memref<640x128xf32, #tpu.memory_space<vmem_shared>>
      tpu.wait_dma2 semaphore(%run_scoped3A : memref<!tpu.dma_semaphore, #tpu.memory_space<semaphore_mem>>) src(%dma_wait3A_152 : memref<640x128xf32, #tpu.memory_space<vmem_shared>>) dst(%dma_wait3A_150 : memref<640x128xf32, #tpu.memory_space<hbm>>)
      tpu.yield
    }) : () -> ()
    "tpu.region"() ({
      %run_scoped3A = tpu.sem_alloc : memref<!tpu.dma_semaphore, #tpu.memory_space<semaphore_mem>>
      %dma_start3A_143 = tpu.memref_slice %arg7[%arg0, %mul3A_2] : memref<2x10240xf32, #tpu.memory_space<hbm>> -> memref<1x640xf32, #tpu.memory_space<hbm>>
      %dma_start3A_144 = tpu.memref_squeeze %dma_start3A_143 : memref<1x640xf32, #tpu.memory_space<hbm>> -> memref<640xf32, #tpu.memory_space<hbm>>
      %dma_start3A_145 = tpu.memref_slice %arg23[%mul3A_2] : memref<10240xf32, #tpu.memory_space<vmem_shared>> -> memref<640xf32, #tpu.memory_space<vmem_shared>>
      tpu.enqueue_dma source(%dma_start3A_145 : memref<640xf32, #tpu.memory_space<vmem_shared>>) target(%dma_start3A_144 : memref<640xf32, #tpu.memory_space<hbm>>) target_semaphore(%run_scoped3A : memref<!tpu.dma_semaphore, #tpu.memory_space<semaphore_mem>>)
      %dma_wait3A_146 = tpu.memref_slice %arg7[%arg0, %mul3A_2] : memref<2x10240xf32, #tpu.memory_space<hbm>> -> memref<1x640xf32, #tpu.memory_space<hbm>>
      %dma_wait3A_147 = tpu.memref_squeeze %dma_wait3A_146 : memref<1x640xf32, #tpu.memory_space<hbm>> -> memref<640xf32, #tpu.memory_space<hbm>>
      %dma_wait3A_148 = tpu.memref_slice %arg23[%mul3A_2] : memref<10240xf32, #tpu.memory_space<vmem_shared>> -> memref<640xf32, #tpu.memory_space<vmem_shared>>
      tpu.wait_dma2 semaphore(%run_scoped3A : memref<!tpu.dma_semaphore, #tpu.memory_space<semaphore_mem>>) src(%dma_wait3A_148 : memref<640xf32, #tpu.memory_space<vmem_shared>>) dst(%dma_wait3A_147 : memref<640xf32, #tpu.memory_space<hbm>>)
      tpu.yield
    }) : () -> ()
    return
  }
}

#map = affine_map<(d0, d1) -> (0, 0)>
#map1 = affine_map<(d0, d1) -> (0, 0, 0)>
module attributes {stable_mosaic.version = 14 : i64} {
  func.func @body(%arg0: i32, %arg1: i32, %arg2: memref<10000x128xf32, #tpu.memory_space<hbm>>, %arg3: memref<2688x2x120xi32, #tpu.memory_space<hbm>>, %arg4: memref<640x128xf32, #tpu.memory_space<hbm>>, %arg5: memref<2x10240x128xf32, #tpu.memory_space<hbm>>, %arg6: memref<10240x128xf32, #tpu.memory_space<vmem_shared>>, %arg7: memref<2x120xi32, #tpu.memory_space<vmem>>, %arg8: memref<2x120xi32, #tpu.memory_space<vmem>>, %arg9: memref<2x120xi32, #tpu.memory_space<vmem>>, %arg10: memref<2x120xi32, #tpu.memory_space<vmem>>, %arg11: memref<120x128xf32, #tpu.memory_space<vmem>>, %arg12: memref<120x128xf32, #tpu.memory_space<vmem>>, %arg13: memref<120x128xf32, #tpu.memory_space<vmem>>, %arg14: memref<!tpu.dma_semaphore, #tpu.memory_space<semaphore_mem>>, %arg15: memref<!tpu.dma_semaphore, #tpu.memory_space<semaphore_mem>>, %arg16: memref<!tpu.dma_semaphore, #tpu.memory_space<semaphore_mem>>, %arg17: memref<!tpu.dma_semaphore, #tpu.memory_space<semaphore_mem>>, %arg18: memref<!tpu.dma_semaphore, #tpu.memory_space<semaphore_mem>>, %arg19: memref<!tpu.dma_semaphore, #tpu.memory_space<semaphore_mem>>, %arg20: memref<!tpu.dma_semaphore, #tpu.memory_space<semaphore_mem>>) attributes {dimension_semantics = [#tpu.dimension_semantics<core_parallel>, #tpu.dimension_semantics<subcore_parallel>], iteration_bounds = array<i64: 2, 16>, scalar_prefetch = 0 : i64, scratch_operands = 15 : i64, tpu.core_type = #tpu.core_type<sc_vector_subcore>, window_params = [{transform_indices = #map}, {transform_indices = #map1}, {transform_indices = #map}, {transform_indices = #map1}]} {
    %mul3A = arith.constant 16 : i32
    %mul3A_0 = arith.muli %arg0, %mul3A : i32
    %add3A = arith.addi %mul3A_0, %arg1 : i32
    %mul3A_1 = arith.constant 640 : i32
    %mul3A_2 = arith.muli %arg1, %mul3A_1 : i32
    %mul3A_3 = arith.constant 84 : i32
    %mul3A_4 = arith.muli %add3A, %mul3A_3 : i32
    "tpu.region"() ({
      %run_scoped3A = tpu.sem_alloc : memref<!tpu.dma_semaphore, #tpu.memory_space<semaphore_mem>>
      %dma_start3A_97 = arith.constant 0 : i32
      %dma_start3A_98 = tpu.memref_slice %arg6[%mul3A_2, %dma_start3A_97] : memref<10240x128xf32, #tpu.memory_space<vmem_shared>> -> memref<640x128xf32, #tpu.memory_space<vmem_shared>>
      tpu.enqueue_dma source(%arg4 : memref<640x128xf32, #tpu.memory_space<hbm>>) target(%dma_start3A_98 : memref<640x128xf32, #tpu.memory_space<vmem_shared>>) target_semaphore(%run_scoped3A : memref<!tpu.dma_semaphore, #tpu.memory_space<semaphore_mem>>)
      %dma_wait3A_99 = arith.constant 0 : i32
      %dma_wait3A_100 = tpu.memref_slice %arg6[%mul3A_2, %dma_wait3A_99] : memref<10240x128xf32, #tpu.memory_space<vmem_shared>> -> memref<640x128xf32, #tpu.memory_space<vmem_shared>>
      tpu.wait_dma2 semaphore(%run_scoped3A : memref<!tpu.dma_semaphore, #tpu.memory_space<semaphore_mem>>) src(%arg4 : memref<640x128xf32, #tpu.memory_space<hbm>>) dst(%dma_wait3A_100 : memref<640x128xf32, #tpu.memory_space<vmem_shared>>)
      tpu.yield
    }) : () -> ()
    %add3A_5 = arith.constant 0 : i32
    %add3A_6 = arith.addi %mul3A_4, %add3A_5 : i32
    %dma_start3A = arith.constant 0 : i32
    %dma_start3A_7 = arith.constant 0 : i32
    %dma_start3A_8 = tpu.memref_slice %arg3[%add3A_6, %dma_start3A, %dma_start3A_7] : memref<2688x2x120xi32, #tpu.memory_space<hbm>> -> memref<1x2x120xi32, #tpu.memory_space<hbm>>
    %dma_start3A_9 = tpu.memref_squeeze %dma_start3A_8 : memref<1x2x120xi32, #tpu.memory_space<hbm>> -> memref<2x120xi32, #tpu.memory_space<hbm>>
    %dma_start3A_10 = arith.constant 0 : i32
    %dma_start3A_11 = arith.constant 0 : i32
    %dma_start3A_12 = tpu.memref_slice %arg3[%add3A_6, %dma_start3A_10, %dma_start3A_11] : memref<2688x2x120xi32, #tpu.memory_space<hbm>> -> memref<1x2x120xi32, #tpu.memory_space<hbm>>
    %dma_start3A_13 = tpu.memref_squeeze %dma_start3A_12 : memref<1x2x120xi32, #tpu.memory_space<hbm>> -> memref<2x120xi32, #tpu.memory_space<hbm>>
    tpu.enqueue_dma source(%dma_start3A_13 : memref<2x120xi32, #tpu.memory_space<hbm>>) target(%arg7 : memref<2x120xi32, #tpu.memory_space<vmem>>) target_semaphore(%arg14 : memref<!tpu.dma_semaphore, #tpu.memory_space<semaphore_mem>>)
    %add3A_14 = arith.constant 1 : i32
    %add3A_15 = arith.addi %mul3A_4, %add3A_14 : i32
    %dma_start3A_16 = arith.constant 0 : i32
    %dma_start3A_17 = arith.constant 0 : i32
    %dma_start3A_18 = tpu.memref_slice %arg3[%add3A_15, %dma_start3A_16, %dma_start3A_17] : memref<2688x2x120xi32, #tpu.memory_space<hbm>> -> memref<1x2x120xi32, #tpu.memory_space<hbm>>
    %dma_start3A_19 = tpu.memref_squeeze %dma_start3A_18 : memref<1x2x120xi32, #tpu.memory_space<hbm>> -> memref<2x120xi32, #tpu.memory_space<hbm>>
    %dma_start3A_20 = arith.constant 0 : i32
    %dma_start3A_21 = arith.constant 0 : i32
    %dma_start3A_22 = tpu.memref_slice %arg3[%add3A_15, %dma_start3A_20, %dma_start3A_21] : memref<2688x2x120xi32, #tpu.memory_space<hbm>> -> memref<1x2x120xi32, #tpu.memory_space<hbm>>
    %dma_start3A_23 = tpu.memref_squeeze %dma_start3A_22 : memref<1x2x120xi32, #tpu.memory_space<hbm>> -> memref<2x120xi32, #tpu.memory_space<hbm>>
    tpu.enqueue_dma source(%dma_start3A_23 : memref<2x120xi32, #tpu.memory_space<hbm>>) target(%arg8 : memref<2x120xi32, #tpu.memory_space<vmem>>) target_semaphore(%arg15 : memref<!tpu.dma_semaphore, #tpu.memory_space<semaphore_mem>>)
    %add3A_24 = arith.constant 2 : i32
    %add3A_25 = arith.addi %mul3A_4, %add3A_24 : i32
    %dma_start3A_26 = arith.constant 0 : i32
    %dma_start3A_27 = arith.constant 0 : i32
    %dma_start3A_28 = tpu.memref_slice %arg3[%add3A_25, %dma_start3A_26, %dma_start3A_27] : memref<2688x2x120xi32, #tpu.memory_space<hbm>> -> memref<1x2x120xi32, #tpu.memory_space<hbm>>
    %dma_start3A_29 = tpu.memref_squeeze %dma_start3A_28 : memref<1x2x120xi32, #tpu.memory_space<hbm>> -> memref<2x120xi32, #tpu.memory_space<hbm>>
    %dma_start3A_30 = arith.constant 0 : i32
    %dma_start3A_31 = arith.constant 0 : i32
    %dma_start3A_32 = tpu.memref_slice %arg3[%add3A_25, %dma_start3A_30, %dma_start3A_31] : memref<2688x2x120xi32, #tpu.memory_space<hbm>> -> memref<1x2x120xi32, #tpu.memory_space<hbm>>
    %dma_start3A_33 = tpu.memref_squeeze %dma_start3A_32 : memref<1x2x120xi32, #tpu.memory_space<hbm>> -> memref<2x120xi32, #tpu.memory_space<hbm>>
    tpu.enqueue_dma source(%dma_start3A_33 : memref<2x120xi32, #tpu.memory_space<hbm>>) target(%arg9 : memref<2x120xi32, #tpu.memory_space<vmem>>) target_semaphore(%arg16 : memref<!tpu.dma_semaphore, #tpu.memory_space<semaphore_mem>>)
    %add3A_34 = arith.constant 3 : i32
    %add3A_35 = arith.addi %mul3A_4, %add3A_34 : i32
    %dma_start3A_36 = arith.constant 0 : i32
    %dma_start3A_37 = arith.constant 0 : i32
    %dma_start3A_38 = tpu.memref_slice %arg3[%add3A_35, %dma_start3A_36, %dma_start3A_37] : memref<2688x2x120xi32, #tpu.memory_space<hbm>> -> memref<1x2x120xi32, #tpu.memory_space<hbm>>
    %dma_start3A_39 = tpu.memref_squeeze %dma_start3A_38 : memref<1x2x120xi32, #tpu.memory_space<hbm>> -> memref<2x120xi32, #tpu.memory_space<hbm>>
    %dma_start3A_40 = arith.constant 0 : i32
    %dma_start3A_41 = arith.constant 0 : i32
    %dma_start3A_42 = tpu.memref_slice %arg3[%add3A_35, %dma_start3A_40, %dma_start3A_41] : memref<2688x2x120xi32, #tpu.memory_space<hbm>> -> memref<1x2x120xi32, #tpu.memory_space<hbm>>
    %dma_start3A_43 = tpu.memref_squeeze %dma_start3A_42 : memref<1x2x120xi32, #tpu.memory_space<hbm>> -> memref<2x120xi32, #tpu.memory_space<hbm>>
    tpu.enqueue_dma source(%dma_start3A_43 : memref<2x120xi32, #tpu.memory_space<hbm>>) target(%arg10 : memref<2x120xi32, #tpu.memory_space<vmem>>) target_semaphore(%arg17 : memref<!tpu.dma_semaphore, #tpu.memory_space<semaphore_mem>>)
    %dma_wait3A = arith.constant 0 : i32
    %dma_wait3A_44 = arith.constant 0 : i32
    %dma_wait3A_45 = arith.constant 0 : i32
    %dma_wait3A_46 = tpu.memref_slice %arg3[%dma_wait3A, %dma_wait3A_44, %dma_wait3A_45] : memref<2688x2x120xi32, #tpu.memory_space<hbm>> -> memref<1x2x120xi32, #tpu.memory_space<hbm>>
    %dma_wait3A_47 = tpu.memref_squeeze %dma_wait3A_46 : memref<1x2x120xi32, #tpu.memory_space<hbm>> -> memref<2x120xi32, #tpu.memory_space<hbm>>
    %dma_wait3A_48 = arith.constant 0 : i32
    %dma_wait3A_49 = arith.constant 0 : i32
    %dma_wait3A_50 = tpu.memref_slice %arg3[%dma_wait3A, %dma_wait3A_48, %dma_wait3A_49] : memref<2688x2x120xi32, #tpu.memory_space<hbm>> -> memref<1x2x120xi32, #tpu.memory_space<hbm>>
    %dma_wait3A_51 = tpu.memref_squeeze %dma_wait3A_50 : memref<1x2x120xi32, #tpu.memory_space<hbm>> -> memref<2x120xi32, #tpu.memory_space<hbm>>
    tpu.wait_dma2 semaphore(%arg14 : memref<!tpu.dma_semaphore, #tpu.memory_space<semaphore_mem>>) src(%dma_wait3A_51 : memref<2x120xi32, #tpu.memory_space<hbm>>) dst(%arg7 : memref<2x120xi32, #tpu.memory_space<vmem>>)
    %dma_start3A_52 = arith.constant 0 : i32
    %dma_start3A_53 = arith.constant 0 : i32
    %dma_start3A_54 = tpu.memref_slice %arg7[%dma_start3A_52, %dma_start3A_53] : memref<2x120xi32, #tpu.memory_space<vmem>> -> memref<1x120xi32, #tpu.memory_space<vmem>>
    %dma_start3A_55 = tpu.memref_squeeze %dma_start3A_54 : memref<1x120xi32, #tpu.memory_space<vmem>> -> memref<120xi32, #tpu.memory_space<vmem>>
    %dma_start3A_56 = arith.constant 0 : i32
    %dma_start3A_57 = arith.constant 0 : i32
    %dma_start3A_58 = tpu.memref_slice %arg2[%dma_start3A_56, %dma_start3A_57] : memref<10000x128xf32, #tpu.memory_space<hbm>> -> memref<10000x128xf32, #tpu.memory_space<hbm>>
    tpu.enqueue_indirect_dma source(%dma_start3A_58 : memref<10000x128xf32, #tpu.memory_space<hbm>>) target(%arg11 : memref<120x128xf32, #tpu.memory_space<vmem>>) offsets(%dma_start3A_55 : memref<120xi32, #tpu.memory_space<vmem>>) semaphore(%arg18 : memref<!tpu.dma_semaphore, #tpu.memory_space<semaphore_mem>>)
    %dma_wait3A_59 = arith.constant 0 : i32
    %dma_wait3A_60 = arith.constant 0 : i32
    %dma_wait3A_61 = arith.constant 0 : i32
    %dma_wait3A_62 = tpu.memref_slice %arg3[%dma_wait3A_59, %dma_wait3A_60, %dma_wait3A_61] : memref<2688x2x120xi32, #tpu.memory_space<hbm>> -> memref<1x2x120xi32, #tpu.memory_space<hbm>>
    %dma_wait3A_63 = tpu.memref_squeeze %dma_wait3A_62 : memref<1x2x120xi32, #tpu.memory_space<hbm>> -> memref<2x120xi32, #tpu.memory_space<hbm>>
    %dma_wait3A_64 = arith.constant 0 : i32
    %dma_wait3A_65 = arith.constant 0 : i32
    %dma_wait3A_66 = tpu.memref_slice %arg3[%dma_wait3A_59, %dma_wait3A_64, %dma_wait3A_65] : memref<2688x2x120xi32, #tpu.memory_space<hbm>> -> memref<1x2x120xi32, #tpu.memory_space<hbm>>
    %dma_wait3A_67 = tpu.memref_squeeze %dma_wait3A_66 : memref<1x2x120xi32, #tpu.memory_space<hbm>> -> memref<2x120xi32, #tpu.memory_space<hbm>>
    tpu.wait_dma2 semaphore(%arg15 : memref<!tpu.dma_semaphore, #tpu.memory_space<semaphore_mem>>) src(%dma_wait3A_67 : memref<2x120xi32, #tpu.memory_space<hbm>>) dst(%arg8 : memref<2x120xi32, #tpu.memory_space<vmem>>)
    %dma_start3A_68 = arith.constant 0 : i32
    %dma_start3A_69 = arith.constant 0 : i32
    %dma_start3A_70 = tpu.memref_slice %arg8[%dma_start3A_68, %dma_start3A_69] : memref<2x120xi32, #tpu.memory_space<vmem>> -> memref<1x120xi32, #tpu.memory_space<vmem>>
    %dma_start3A_71 = tpu.memref_squeeze %dma_start3A_70 : memref<1x120xi32, #tpu.memory_space<vmem>> -> memref<120xi32, #tpu.memory_space<vmem>>
    %dma_start3A_72 = arith.constant 0 : i32
    %dma_start3A_73 = arith.constant 0 : i32
    %dma_start3A_74 = tpu.memref_slice %arg2[%dma_start3A_72, %dma_start3A_73] : memref<10000x128xf32, #tpu.memory_space<hbm>> -> memref<10000x128xf32, #tpu.memory_space<hbm>>
    tpu.enqueue_indirect_dma source(%dma_start3A_74 : memref<10000x128xf32, #tpu.memory_space<hbm>>) target(%arg12 : memref<120x128xf32, #tpu.memory_space<vmem>>) offsets(%dma_start3A_71 : memref<120xi32, #tpu.memory_space<vmem>>) semaphore(%arg19 : memref<!tpu.dma_semaphore, #tpu.memory_space<semaphore_mem>>)
    %dma_wait3A_75 = arith.constant 0 : i32
    %dma_wait3A_76 = arith.constant 0 : i32
    %dma_wait3A_77 = arith.constant 0 : i32
    %dma_wait3A_78 = tpu.memref_slice %arg3[%dma_wait3A_75, %dma_wait3A_76, %dma_wait3A_77] : memref<2688x2x120xi32, #tpu.memory_space<hbm>> -> memref<1x2x120xi32, #tpu.memory_space<hbm>>
    %dma_wait3A_79 = tpu.memref_squeeze %dma_wait3A_78 : memref<1x2x120xi32, #tpu.memory_space<hbm>> -> memref<2x120xi32, #tpu.memory_space<hbm>>
    %dma_wait3A_80 = arith.constant 0 : i32
    %dma_wait3A_81 = arith.constant 0 : i32
    %dma_wait3A_82 = tpu.memref_slice %arg3[%dma_wait3A_75, %dma_wait3A_80, %dma_wait3A_81] : memref<2688x2x120xi32, #tpu.memory_space<hbm>> -> memref<1x2x120xi32, #tpu.memory_space<hbm>>
    %dma_wait3A_83 = tpu.memref_squeeze %dma_wait3A_82 : memref<1x2x120xi32, #tpu.memory_space<hbm>> -> memref<2x120xi32, #tpu.memory_space<hbm>>
    tpu.wait_dma2 semaphore(%arg16 : memref<!tpu.dma_semaphore, #tpu.memory_space<semaphore_mem>>) src(%dma_wait3A_83 : memref<2x120xi32, #tpu.memory_space<hbm>>) dst(%arg9 : memref<2x120xi32, #tpu.memory_space<vmem>>)
    %dma_start3A_84 = arith.constant 0 : i32
    %dma_start3A_85 = arith.constant 0 : i32
    %dma_start3A_86 = tpu.memref_slice %arg9[%dma_start3A_84, %dma_start3A_85] : memref<2x120xi32, #tpu.memory_space<vmem>> -> memref<1x120xi32, #tpu.memory_space<vmem>>
    %dma_start3A_87 = tpu.memref_squeeze %dma_start3A_86 : memref<1x120xi32, #tpu.memory_space<vmem>> -> memref<120xi32, #tpu.memory_space<vmem>>
    %dma_start3A_88 = arith.constant 0 : i32
    %dma_start3A_89 = arith.constant 0 : i32
    %dma_start3A_90 = tpu.memref_slice %arg2[%dma_start3A_88, %dma_start3A_89] : memref<10000x128xf32, #tpu.memory_space<hbm>> -> memref<10000x128xf32, #tpu.memory_space<hbm>>
    tpu.enqueue_indirect_dma source(%dma_start3A_90 : memref<10000x128xf32, #tpu.memory_space<hbm>>) target(%arg13 : memref<120x128xf32, #tpu.memory_space<vmem>>) offsets(%dma_start3A_87 : memref<120xi32, #tpu.memory_space<vmem>>) semaphore(%arg20 : memref<!tpu.dma_semaphore, #tpu.memory_space<semaphore_mem>>)
    %barrier3A = arith.constant 0 : index
    tpu.barrier barrier_id(%barrier3A)
    %scan3A = arith.constant 0 : i32
    %scan3A_91 = arith.constant 0 : i32
    %scan3A_92 = arith.constant 7 : i32
    %scan3A_93 = arith.addi %scan3A_91, %scan3A_92 : i32
    %scan3A_94 = arith.constant 1 : i32
    scf.for %scan3A_97 = %scan3A_91 to %scan3A_93 step %scan3A_94  : i32 {
      %mul3A_98 = arith.constant 12 : i32
      %mul3A_99 = arith.muli %scan3A_97, %mul3A_98 : i32
      %add3A_100 = arith.constant 0 : i32
      %add3A_101 = arith.addi %mul3A_99, %add3A_100 : i32
      %dma_wait3A_102 = arith.constant 0 : i32
      %dma_wait3A_103 = arith.constant 0 : i32
      %dma_wait3A_104 = tpu.memref_slice %arg2[%dma_wait3A_102, %dma_wait3A_103] : memref<10000x128xf32, #tpu.memory_space<hbm>> -> memref<120x128xf32, #tpu.memory_space<hbm>>
      %dma_wait3A_105 = arith.constant 0 : i32
      %dma_wait3A_106 = arith.constant 0 : i32
      %dma_wait3A_107 = tpu.memref_slice %arg2[%dma_wait3A_105, %dma_wait3A_106] : memref<10000x128xf32, #tpu.memory_space<hbm>> -> memref<120x128xf32, #tpu.memory_space<hbm>>
      tpu.wait_dma2 semaphore(%arg18 : memref<!tpu.dma_semaphore, #tpu.memory_space<semaphore_mem>>) src(%dma_wait3A_107 : memref<120x128xf32, #tpu.memory_space<hbm>>) dst(%arg11 : memref<120x128xf32, #tpu.memory_space<vmem>>)
      %run_scoped3A = arith.constant 1 : i32
      "tpu.region"() ({
        %run_scoped3A_394 = tpu.sem_alloc : memref<!tpu.dma_semaphore, #tpu.memory_space<semaphore_mem>>
        %dma_start3A_395 = arith.constant 0 : i32
        %dma_start3A_396 = tpu.memref_slice %arg7[%run_scoped3A, %dma_start3A_395] : memref<2x120xi32, #tpu.memory_space<vmem>> -> memref<1x120xi32, #tpu.memory_space<vmem>>
        %dma_start3A_397 = tpu.memref_squeeze %dma_start3A_396 : memref<1x120xi32, #tpu.memory_space<vmem>> -> memref<120xi32, #tpu.memory_space<vmem>>
        %dma_start3A_398 = arith.constant 0 : i32
        %dma_start3A_399 = arith.constant 0 : i32
        %dma_start3A_400 = tpu.memref_slice %arg6[%dma_start3A_398, %dma_start3A_399] : memref<10240x128xf32, #tpu.memory_space<vmem_shared>> -> memref<10240x128xf32, #tpu.memory_space<vmem_shared>>
        tpu.enqueue_indirect_dma source(%arg11 : memref<120x128xf32, #tpu.memory_space<vmem>>) target(%dma_start3A_400 : memref<10240x128xf32, #tpu.memory_space<vmem_shared>>) offsets(%dma_start3A_397 : memref<120xi32, #tpu.memory_space<vmem>>) semaphore(%run_scoped3A_394 : memref<!tpu.dma_semaphore, #tpu.memory_space<semaphore_mem>>) {add = true}
        %dma_wait3A_401 = arith.constant 0 : i32
        %dma_wait3A_402 = tpu.memref_slice %arg7[%run_scoped3A, %dma_wait3A_401] : memref<2x120xi32, #tpu.memory_space<vmem>> -> memref<1x120xi32, #tpu.memory_space<vmem>>
        %dma_wait3A_403 = tpu.memref_squeeze %dma_wait3A_402 : memref<1x120xi32, #tpu.memory_space<vmem>> -> memref<120xi32, #tpu.memory_space<vmem>>
        %dma_wait3A_404 = arith.constant 0 : i32
        %dma_wait3A_405 = arith.constant 0 : i32
        %dma_wait3A_406 = tpu.memref_slice %arg6[%dma_wait3A_404, %dma_wait3A_405] : memref<10240x128xf32, #tpu.memory_space<vmem_shared>> -> memref<10240x128xf32, #tpu.memory_space<vmem_shared>>
        tpu.wait_indirect_dma semaphore(%run_scoped3A_394 : memref<!tpu.dma_semaphore, #tpu.memory_space<semaphore_mem>>) src(%arg11 : memref<120x128xf32, #tpu.memory_space<vmem>>) dst(%dma_wait3A_406 : memref<10240x128xf32, #tpu.memory_space<vmem_shared>>)
        tpu.yield
      }) : () -> ()
      %add3A_108 = arith.constant 4 : i32
      %add3A_109 = arith.addi %add3A_101, %add3A_108 : i32
      %lt3A = arith.constant 84 : i32
      %lt3A_110 = arith.cmpi slt, %add3A_109, %lt3A : i32
      %convert_element_type3A = arith.extui %lt3A_110 : i1 to i32
      %cond3A = arith.constant 0 : i32
      %cond3A_111 = arith.cmpi ne, %convert_element_type3A, %cond3A : i32
      scf.if %cond3A_111 {
        %add3A_394 = arith.addi %mul3A_4, %add3A_101 : i32
        %add3A_395 = arith.constant 4 : i32
        %add3A_396 = arith.addi %add3A_394, %add3A_395 : i32
        %dma_start3A_397 = arith.constant 0 : i32
        %dma_start3A_398 = arith.constant 0 : i32
        %dma_start3A_399 = tpu.memref_slice %arg3[%add3A_396, %dma_start3A_397, %dma_start3A_398] : memref<2688x2x120xi32, #tpu.memory_space<hbm>> -> memref<1x2x120xi32, #tpu.memory_space<hbm>>
        %dma_start3A_400 = tpu.memref_squeeze %dma_start3A_399 : memref<1x2x120xi32, #tpu.memory_space<hbm>> -> memref<2x120xi32, #tpu.memory_space<hbm>>
        %dma_start3A_401 = arith.constant 0 : i32
        %dma_start3A_402 = arith.constant 0 : i32
        %dma_start3A_403 = tpu.memref_slice %arg3[%add3A_396, %dma_start3A_401, %dma_start3A_402] : memref<2688x2x120xi32, #tpu.memory_space<hbm>> -> memref<1x2x120xi32, #tpu.memory_space<hbm>>
        %dma_start3A_404 = tpu.memref_squeeze %dma_start3A_403 : memref<1x2x120xi32, #tpu.memory_space<hbm>> -> memref<2x120xi32, #tpu.memory_space<hbm>>
        tpu.enqueue_dma source(%dma_start3A_404 : memref<2x120xi32, #tpu.memory_space<hbm>>) target(%arg7 : memref<2x120xi32, #tpu.memory_space<vmem>>) target_semaphore(%arg14 : memref<!tpu.dma_semaphore, #tpu.memory_space<semaphore_mem>>)
      } else {
      }
      %add3A_112 = arith.constant 3 : i32
      %add3A_113 = arith.addi %add3A_101, %add3A_112 : i32
      %lt3A_114 = arith.constant 84 : i32
      %lt3A_115 = arith.cmpi slt, %add3A_113, %lt3A_114 : i32
      %convert_element_type3A_116 = arith.extui %lt3A_115 : i1 to i32
      %cond3A_117 = arith.constant 0 : i32
      %cond3A_118 = arith.cmpi ne, %convert_element_type3A_116, %cond3A_117 : i32
      scf.if %cond3A_118 {
        %dma_wait3A_394 = arith.constant 0 : i32
        %dma_wait3A_395 = arith.constant 0 : i32
        %dma_wait3A_396 = arith.constant 0 : i32
        %dma_wait3A_397 = tpu.memref_slice %arg3[%dma_wait3A_394, %dma_wait3A_395, %dma_wait3A_396] : memref<2688x2x120xi32, #tpu.memory_space<hbm>> -> memref<1x2x120xi32, #tpu.memory_space<hbm>>
        %dma_wait3A_398 = tpu.memref_squeeze %dma_wait3A_397 : memref<1x2x120xi32, #tpu.memory_space<hbm>> -> memref<2x120xi32, #tpu.memory_space<hbm>>
        %dma_wait3A_399 = arith.constant 0 : i32
        %dma_wait3A_400 = arith.constant 0 : i32
        %dma_wait3A_401 = tpu.memref_slice %arg3[%dma_wait3A_394, %dma_wait3A_399, %dma_wait3A_400] : memref<2688x2x120xi32, #tpu.memory_space<hbm>> -> memref<1x2x120xi32, #tpu.memory_space<hbm>>
        %dma_wait3A_402 = tpu.memref_squeeze %dma_wait3A_401 : memref<1x2x120xi32, #tpu.memory_space<hbm>> -> memref<2x120xi32, #tpu.memory_space<hbm>>
        tpu.wait_dma2 semaphore(%arg17 : memref<!tpu.dma_semaphore, #tpu.memory_space<semaphore_mem>>) src(%dma_wait3A_402 : memref<2x120xi32, #tpu.memory_space<hbm>>) dst(%arg10 : memref<2x120xi32, #tpu.memory_space<vmem>>)
        %dma_start3A_403 = arith.constant 0 : i32
        %dma_start3A_404 = arith.constant 0 : i32
        %dma_start3A_405 = tpu.memref_slice %arg10[%dma_start3A_403, %dma_start3A_404] : memref<2x120xi32, #tpu.memory_space<vmem>> -> memref<1x120xi32, #tpu.memory_space<vmem>>
        %dma_start3A_406 = tpu.memref_squeeze %dma_start3A_405 : memref<1x120xi32, #tpu.memory_space<vmem>> -> memref<120xi32, #tpu.memory_space<vmem>>
        %dma_start3A_407 = arith.constant 0 : i32
        %dma_start3A_408 = arith.constant 0 : i32
        %dma_start3A_409 = tpu.memref_slice %arg2[%dma_start3A_407, %dma_start3A_408] : memref<10000x128xf32, #tpu.memory_space<hbm>> -> memref<10000x128xf32, #tpu.memory_space<hbm>>
        tpu.enqueue_indirect_dma source(%dma_start3A_409 : memref<10000x128xf32, #tpu.memory_space<hbm>>) target(%arg11 : memref<120x128xf32, #tpu.memory_space<vmem>>) offsets(%dma_start3A_406 : memref<120xi32, #tpu.memory_space<vmem>>) semaphore(%arg18 : memref<!tpu.dma_semaphore, #tpu.memory_space<semaphore_mem>>)
      } else {
      }
      %mul3A_119 = arith.constant 12 : i32
      %mul3A_120 = arith.muli %scan3A_97, %mul3A_119 : i32
      %add3A_121 = arith.constant 1 : i32
      %add3A_122 = arith.addi %mul3A_120, %add3A_121 : i32
      %dma_wait3A_123 = arith.constant 0 : i32
      %dma_wait3A_124 = arith.constant 0 : i32
      %dma_wait3A_125 = tpu.memref_slice %arg2[%dma_wait3A_123, %dma_wait3A_124] : memref<10000x128xf32, #tpu.memory_space<hbm>> -> memref<120x128xf32, #tpu.memory_space<hbm>>
      %dma_wait3A_126 = arith.constant 0 : i32
      %dma_wait3A_127 = arith.constant 0 : i32
      %dma_wait3A_128 = tpu.memref_slice %arg2[%dma_wait3A_126, %dma_wait3A_127] : memref<10000x128xf32, #tpu.memory_space<hbm>> -> memref<120x128xf32, #tpu.memory_space<hbm>>
      tpu.wait_dma2 semaphore(%arg19 : memref<!tpu.dma_semaphore, #tpu.memory_space<semaphore_mem>>) src(%dma_wait3A_128 : memref<120x128xf32, #tpu.memory_space<hbm>>) dst(%arg12 : memref<120x128xf32, #tpu.memory_space<vmem>>)
      %run_scoped3A_129 = arith.constant 1 : i32
      "tpu.region"() ({
        %run_scoped3A_394 = tpu.sem_alloc : memref<!tpu.dma_semaphore, #tpu.memory_space<semaphore_mem>>
        %dma_start3A_395 = arith.constant 0 : i32
        %dma_start3A_396 = tpu.memref_slice %arg8[%run_scoped3A_129, %dma_start3A_395] : memref<2x120xi32, #tpu.memory_space<vmem>> -> memref<1x120xi32, #tpu.memory_space<vmem>>
        %dma_start3A_397 = tpu.memref_squeeze %dma_start3A_396 : memref<1x120xi32, #tpu.memory_space<vmem>> -> memref<120xi32, #tpu.memory_space<vmem>>
        %dma_start3A_398 = arith.constant 0 : i32
        %dma_start3A_399 = arith.constant 0 : i32
        %dma_start3A_400 = tpu.memref_slice %arg6[%dma_start3A_398, %dma_start3A_399] : memref<10240x128xf32, #tpu.memory_space<vmem_shared>> -> memref<10240x128xf32, #tpu.memory_space<vmem_shared>>
        tpu.enqueue_indirect_dma source(%arg12 : memref<120x128xf32, #tpu.memory_space<vmem>>) target(%dma_start3A_400 : memref<10240x128xf32, #tpu.memory_space<vmem_shared>>) offsets(%dma_start3A_397 : memref<120xi32, #tpu.memory_space<vmem>>) semaphore(%run_scoped3A_394 : memref<!tpu.dma_semaphore, #tpu.memory_space<semaphore_mem>>) {add = true}
        %dma_wait3A_401 = arith.constant 0 : i32
        %dma_wait3A_402 = tpu.memref_slice %arg8[%run_scoped3A_129, %dma_wait3A_401] : memref<2x120xi32, #tpu.memory_space<vmem>> -> memref<1x120xi32, #tpu.memory_space<vmem>>
        %dma_wait3A_403 = tpu.memref_squeeze %dma_wait3A_402 : memref<1x120xi32, #tpu.memory_space<vmem>> -> memref<120xi32, #tpu.memory_space<vmem>>
        %dma_wait3A_404 = arith.constant 0 : i32
        %dma_wait3A_405 = arith.constant 0 : i32
        %dma_wait3A_406 = tpu.memref_slice %arg6[%dma_wait3A_404, %dma_wait3A_405] : memref<10240x128xf32, #tpu.memory_space<vmem_shared>> -> memref<10240x128xf32, #tpu.memory_space<vmem_shared>>
        tpu.wait_indirect_dma semaphore(%run_scoped3A_394 : memref<!tpu.dma_semaphore, #tpu.memory_space<semaphore_mem>>) src(%arg12 : memref<120x128xf32, #tpu.memory_space<vmem>>) dst(%dma_wait3A_406 : memref<10240x128xf32, #tpu.memory_space<vmem_shared>>)
        tpu.yield
      }) : () -> ()
      %add3A_130 = arith.constant 4 : i32
      %add3A_131 = arith.addi %add3A_122, %add3A_130 : i32
      %lt3A_132 = arith.constant 84 : i32
      %lt3A_133 = arith.cmpi slt, %add3A_131, %lt3A_132 : i32
      %convert_element_type3A_134 = arith.extui %lt3A_133 : i1 to i32
      %cond3A_135 = arith.constant 0 : i32
      %cond3A_136 = arith.cmpi ne, %convert_element_type3A_134, %cond3A_135 : i32
      scf.if %cond3A_136 {
        %add3A_394 = arith.addi %mul3A_4, %add3A_122 : i32
        %add3A_395 = arith.constant 4 : i32
        %add3A_396 = arith.addi %add3A_394, %add3A_395 : i32
        %dma_start3A_397 = arith.constant 0 : i32
        %dma_start3A_398 = arith.constant 0 : i32
        %dma_start3A_399 = tpu.memref_slice %arg3[%add3A_396, %dma_start3A_397, %dma_start3A_398] : memref<2688x2x120xi32, #tpu.memory_space<hbm>> -> memref<1x2x120xi32, #tpu.memory_space<hbm>>
        %dma_start3A_400 = tpu.memref_squeeze %dma_start3A_399 : memref<1x2x120xi32, #tpu.memory_space<hbm>> -> memref<2x120xi32, #tpu.memory_space<hbm>>
        %dma_start3A_401 = arith.constant 0 : i32
        %dma_start3A_402 = arith.constant 0 : i32
        %dma_start3A_403 = tpu.memref_slice %arg3[%add3A_396, %dma_start3A_401, %dma_start3A_402] : memref<2688x2x120xi32, #tpu.memory_space<hbm>> -> memref<1x2x120xi32, #tpu.memory_space<hbm>>
        %dma_start3A_404 = tpu.memref_squeeze %dma_start3A_403 : memref<1x2x120xi32, #tpu.memory_space<hbm>> -> memref<2x120xi32, #tpu.memory_space<hbm>>
        tpu.enqueue_dma source(%dma_start3A_404 : memref<2x120xi32, #tpu.memory_space<hbm>>) target(%arg8 : memref<2x120xi32, #tpu.memory_space<vmem>>) target_semaphore(%arg15 : memref<!tpu.dma_semaphore, #tpu.memory_space<semaphore_mem>>)
      } else {
      }
      %add3A_137 = arith.constant 3 : i32
      %add3A_138 = arith.addi %add3A_122, %add3A_137 : i32
      %lt3A_139 = arith.constant 84 : i32
      %lt3A_140 = arith.cmpi slt, %add3A_138, %lt3A_139 : i32
      %convert_element_type3A_141 = arith.extui %lt3A_140 : i1 to i32
      %cond3A_142 = arith.constant 0 : i32
      %cond3A_143 = arith.cmpi ne, %convert_element_type3A_141, %cond3A_142 : i32
      scf.if %cond3A_143 {
        %dma_wait3A_394 = arith.constant 0 : i32
        %dma_wait3A_395 = arith.constant 0 : i32
        %dma_wait3A_396 = arith.constant 0 : i32
        %dma_wait3A_397 = tpu.memref_slice %arg3[%dma_wait3A_394, %dma_wait3A_395, %dma_wait3A_396] : memref<2688x2x120xi32, #tpu.memory_space<hbm>> -> memref<1x2x120xi32, #tpu.memory_space<hbm>>
        %dma_wait3A_398 = tpu.memref_squeeze %dma_wait3A_397 : memref<1x2x120xi32, #tpu.memory_space<hbm>> -> memref<2x120xi32, #tpu.memory_space<hbm>>
        %dma_wait3A_399 = arith.constant 0 : i32
        %dma_wait3A_400 = arith.constant 0 : i32
        %dma_wait3A_401 = tpu.memref_slice %arg3[%dma_wait3A_394, %dma_wait3A_399, %dma_wait3A_400] : memref<2688x2x120xi32, #tpu.memory_space<hbm>> -> memref<1x2x120xi32, #tpu.memory_space<hbm>>
        %dma_wait3A_402 = tpu.memref_squeeze %dma_wait3A_401 : memref<1x2x120xi32, #tpu.memory_space<hbm>> -> memref<2x120xi32, #tpu.memory_space<hbm>>
        tpu.wait_dma2 semaphore(%arg14 : memref<!tpu.dma_semaphore, #tpu.memory_space<semaphore_mem>>) src(%dma_wait3A_402 : memref<2x120xi32, #tpu.memory_space<hbm>>) dst(%arg7 : memref<2x120xi32, #tpu.memory_space<vmem>>)
        %dma_start3A_403 = arith.constant 0 : i32
        %dma_start3A_404 = arith.constant 0 : i32
        %dma_start3A_405 = tpu.memref_slice %arg7[%dma_start3A_403, %dma_start3A_404] : memref<2x120xi32, #tpu.memory_space<vmem>> -> memref<1x120xi32, #tpu.memory_space<vmem>>
        %dma_start3A_406 = tpu.memref_squeeze %dma_start3A_405 : memref<1x120xi32, #tpu.memory_space<vmem>> -> memref<120xi32, #tpu.memory_space<vmem>>
        %dma_start3A_407 = arith.constant 0 : i32
        %dma_start3A_408 = arith.constant 0 : i32
        %dma_start3A_409 = tpu.memref_slice %arg2[%dma_start3A_407, %dma_start3A_408] : memref<10000x128xf32, #tpu.memory_space<hbm>> -> memref<10000x128xf32, #tpu.memory_space<hbm>>
        tpu.enqueue_indirect_dma source(%dma_start3A_409 : memref<10000x128xf32, #tpu.memory_space<hbm>>) target(%arg12 : memref<120x128xf32, #tpu.memory_space<vmem>>) offsets(%dma_start3A_406 : memref<120xi32, #tpu.memory_space<vmem>>) semaphore(%arg19 : memref<!tpu.dma_semaphore, #tpu.memory_space<semaphore_mem>>)
      } else {
      }
      %mul3A_144 = arith.constant 12 : i32
      %mul3A_145 = arith.muli %scan3A_97, %mul3A_144 : i32
      %add3A_146 = arith.constant 2 : i32
      %add3A_147 = arith.addi %mul3A_145, %add3A_146 : i32
      %dma_wait3A_148 = arith.constant 0 : i32
      %dma_wait3A_149 = arith.constant 0 : i32
      %dma_wait3A_150 = tpu.memref_slice %arg2[%dma_wait3A_148, %dma_wait3A_149] : memref<10000x128xf32, #tpu.memory_space<hbm>> -> memref<120x128xf32, #tpu.memory_space<hbm>>
      %dma_wait3A_151 = arith.constant 0 : i32
      %dma_wait3A_152 = arith.constant 0 : i32
      %dma_wait3A_153 = tpu.memref_slice %arg2[%dma_wait3A_151, %dma_wait3A_152] : memref<10000x128xf32, #tpu.memory_space<hbm>> -> memref<120x128xf32, #tpu.memory_space<hbm>>
      tpu.wait_dma2 semaphore(%arg20 : memref<!tpu.dma_semaphore, #tpu.memory_space<semaphore_mem>>) src(%dma_wait3A_153 : memref<120x128xf32, #tpu.memory_space<hbm>>) dst(%arg13 : memref<120x128xf32, #tpu.memory_space<vmem>>)
      %run_scoped3A_154 = arith.constant 1 : i32
      "tpu.region"() ({
        %run_scoped3A_394 = tpu.sem_alloc : memref<!tpu.dma_semaphore, #tpu.memory_space<semaphore_mem>>
        %dma_start3A_395 = arith.constant 0 : i32
        %dma_start3A_396 = tpu.memref_slice %arg9[%run_scoped3A_154, %dma_start3A_395] : memref<2x120xi32, #tpu.memory_space<vmem>> -> memref<1x120xi32, #tpu.memory_space<vmem>>
        %dma_start3A_397 = tpu.memref_squeeze %dma_start3A_396 : memref<1x120xi32, #tpu.memory_space<vmem>> -> memref<120xi32, #tpu.memory_space<vmem>>
        %dma_start3A_398 = arith.constant 0 : i32
        %dma_start3A_399 = arith.constant 0 : i32
        %dma_start3A_400 = tpu.memref_slice %arg6[%dma_start3A_398, %dma_start3A_399] : memref<10240x128xf32, #tpu.memory_space<vmem_shared>> -> memref<10240x128xf32, #tpu.memory_space<vmem_shared>>
        tpu.enqueue_indirect_dma source(%arg13 : memref<120x128xf32, #tpu.memory_space<vmem>>) target(%dma_start3A_400 : memref<10240x128xf32, #tpu.memory_space<vmem_shared>>) offsets(%dma_start3A_397 : memref<120xi32, #tpu.memory_space<vmem>>) semaphore(%run_scoped3A_394 : memref<!tpu.dma_semaphore, #tpu.memory_space<semaphore_mem>>) {add = true}
        %dma_wait3A_401 = arith.constant 0 : i32
        %dma_wait3A_402 = tpu.memref_slice %arg9[%run_scoped3A_154, %dma_wait3A_401] : memref<2x120xi32, #tpu.memory_space<vmem>> -> memref<1x120xi32, #tpu.memory_space<vmem>>
        %dma_wait3A_403 = tpu.memref_squeeze %dma_wait3A_402 : memref<1x120xi32, #tpu.memory_space<vmem>> -> memref<120xi32, #tpu.memory_space<vmem>>
        %dma_wait3A_404 = arith.constant 0 : i32
        %dma_wait3A_405 = arith.constant 0 : i32
        %dma_wait3A_406 = tpu.memref_slice %arg6[%dma_wait3A_404, %dma_wait3A_405] : memref<10240x128xf32, #tpu.memory_space<vmem_shared>> -> memref<10240x128xf32, #tpu.memory_space<vmem_shared>>
        tpu.wait_indirect_dma semaphore(%run_scoped3A_394 : memref<!tpu.dma_semaphore, #tpu.memory_space<semaphore_mem>>) src(%arg13 : memref<120x128xf32, #tpu.memory_space<vmem>>) dst(%dma_wait3A_406 : memref<10240x128xf32, #tpu.memory_space<vmem_shared>>)
        tpu.yield
      }) : () -> ()
      %add3A_155 = arith.constant 4 : i32
      %add3A_156 = arith.addi %add3A_147, %add3A_155 : i32
      %lt3A_157 = arith.constant 84 : i32
      %lt3A_158 = arith.cmpi slt, %add3A_156, %lt3A_157 : i32
      %convert_element_type3A_159 = arith.extui %lt3A_158 : i1 to i32
      %cond3A_160 = arith.constant 0 : i32
      %cond3A_161 = arith.cmpi ne, %convert_element_type3A_159, %cond3A_160 : i32
      scf.if %cond3A_161 {
        %add3A_394 = arith.addi %mul3A_4, %add3A_147 : i32
        %add3A_395 = arith.constant 4 : i32
        %add3A_396 = arith.addi %add3A_394, %add3A_395 : i32
        %dma_start3A_397 = arith.constant 0 : i32
        %dma_start3A_398 = arith.constant 0 : i32
        %dma_start3A_399 = tpu.memref_slice %arg3[%add3A_396, %dma_start3A_397, %dma_start3A_398] : memref<2688x2x120xi32, #tpu.memory_space<hbm>> -> memref<1x2x120xi32, #tpu.memory_space<hbm>>
        %dma_start3A_400 = tpu.memref_squeeze %dma_start3A_399 : memref<1x2x120xi32, #tpu.memory_space<hbm>> -> memref<2x120xi32, #tpu.memory_space<hbm>>
        %dma_start3A_401 = arith.constant 0 : i32
        %dma_start3A_402 = arith.constant 0 : i32
        %dma_start3A_403 = tpu.memref_slice %arg3[%add3A_396, %dma_start3A_401, %dma_start3A_402] : memref<2688x2x120xi32, #tpu.memory_space<hbm>> -> memref<1x2x120xi32, #tpu.memory_space<hbm>>
        %dma_start3A_404 = tpu.memref_squeeze %dma_start3A_403 : memref<1x2x120xi32, #tpu.memory_space<hbm>> -> memref<2x120xi32, #tpu.memory_space<hbm>>
        tpu.enqueue_dma source(%dma_start3A_404 : memref<2x120xi32, #tpu.memory_space<hbm>>) target(%arg9 : memref<2x120xi32, #tpu.memory_space<vmem>>) target_semaphore(%arg16 : memref<!tpu.dma_semaphore, #tpu.memory_space<semaphore_mem>>)
      } else {
      }
      %add3A_162 = arith.constant 3 : i32
      %add3A_163 = arith.addi %add3A_147, %add3A_162 : i32
      %lt3A_164 = arith.constant 84 : i32
      %lt3A_165 = arith.cmpi slt, %add3A_163, %lt3A_164 : i32
      %convert_element_type3A_166 = arith.extui %lt3A_165 : i1 to i32
      %cond3A_167 = arith.constant 0 : i32
      %cond3A_168 = arith.cmpi ne, %convert_element_type3A_166, %cond3A_167 : i32
      scf.if %cond3A_168 {
        %dma_wait3A_394 = arith.constant 0 : i32
        %dma_wait3A_395 = arith.constant 0 : i32
        %dma_wait3A_396 = arith.constant 0 : i32
        %dma_wait3A_397 = tpu.memref_slice %arg3[%dma_wait3A_394, %dma_wait3A_395, %dma_wait3A_396] : memref<2688x2x120xi32, #tpu.memory_space<hbm>> -> memref<1x2x120xi32, #tpu.memory_space<hbm>>
        %dma_wait3A_398 = tpu.memref_squeeze %dma_wait3A_397 : memref<1x2x120xi32, #tpu.memory_space<hbm>> -> memref<2x120xi32, #tpu.memory_space<hbm>>
        %dma_wait3A_399 = arith.constant 0 : i32
        %dma_wait3A_400 = arith.constant 0 : i32
        %dma_wait3A_401 = tpu.memref_slice %arg3[%dma_wait3A_394, %dma_wait3A_399, %dma_wait3A_400] : memref<2688x2x120xi32, #tpu.memory_space<hbm>> -> memref<1x2x120xi32, #tpu.memory_space<hbm>>
        %dma_wait3A_402 = tpu.memref_squeeze %dma_wait3A_401 : memref<1x2x120xi32, #tpu.memory_space<hbm>> -> memref<2x120xi32, #tpu.memory_space<hbm>>
        tpu.wait_dma2 semaphore(%arg15 : memref<!tpu.dma_semaphore, #tpu.memory_space<semaphore_mem>>) src(%dma_wait3A_402 : memref<2x120xi32, #tpu.memory_space<hbm>>) dst(%arg8 : memref<2x120xi32, #tpu.memory_space<vmem>>)
        %dma_start3A_403 = arith.constant 0 : i32
        %dma_start3A_404 = arith.constant 0 : i32
        %dma_start3A_405 = tpu.memref_slice %arg8[%dma_start3A_403, %dma_start3A_404] : memref<2x120xi32, #tpu.memory_space<vmem>> -> memref<1x120xi32, #tpu.memory_space<vmem>>
        %dma_start3A_406 = tpu.memref_squeeze %dma_start3A_405 : memref<1x120xi32, #tpu.memory_space<vmem>> -> memref<120xi32, #tpu.memory_space<vmem>>
        %dma_start3A_407 = arith.constant 0 : i32
        %dma_start3A_408 = arith.constant 0 : i32
        %dma_start3A_409 = tpu.memref_slice %arg2[%dma_start3A_407, %dma_start3A_408] : memref<10000x128xf32, #tpu.memory_space<hbm>> -> memref<10000x128xf32, #tpu.memory_space<hbm>>
        tpu.enqueue_indirect_dma source(%dma_start3A_409 : memref<10000x128xf32, #tpu.memory_space<hbm>>) target(%arg13 : memref<120x128xf32, #tpu.memory_space<vmem>>) offsets(%dma_start3A_406 : memref<120xi32, #tpu.memory_space<vmem>>) semaphore(%arg20 : memref<!tpu.dma_semaphore, #tpu.memory_space<semaphore_mem>>)
      } else {
      }
      %mul3A_169 = arith.constant 12 : i32
      %mul3A_170 = arith.muli %scan3A_97, %mul3A_169 : i32
      %add3A_171 = arith.constant 3 : i32
      %add3A_172 = arith.addi %mul3A_170, %add3A_171 : i32
      %dma_wait3A_173 = arith.constant 0 : i32
      %dma_wait3A_174 = arith.constant 0 : i32
      %dma_wait3A_175 = tpu.memref_slice %arg2[%dma_wait3A_173, %dma_wait3A_174] : memref<10000x128xf32, #tpu.memory_space<hbm>> -> memref<120x128xf32, #tpu.memory_space<hbm>>
      %dma_wait3A_176 = arith.constant 0 : i32
      %dma_wait3A_177 = arith.constant 0 : i32
      %dma_wait3A_178 = tpu.memref_slice %arg2[%dma_wait3A_176, %dma_wait3A_177] : memref<10000x128xf32, #tpu.memory_space<hbm>> -> memref<120x128xf32, #tpu.memory_space<hbm>>
      tpu.wait_dma2 semaphore(%arg18 : memref<!tpu.dma_semaphore, #tpu.memory_space<semaphore_mem>>) src(%dma_wait3A_178 : memref<120x128xf32, #tpu.memory_space<hbm>>) dst(%arg11 : memref<120x128xf32, #tpu.memory_space<vmem>>)
      %run_scoped3A_179 = arith.constant 1 : i32
      "tpu.region"() ({
        %run_scoped3A_394 = tpu.sem_alloc : memref<!tpu.dma_semaphore, #tpu.memory_space<semaphore_mem>>
        %dma_start3A_395 = arith.constant 0 : i32
        %dma_start3A_396 = tpu.memref_slice %arg10[%run_scoped3A_179, %dma_start3A_395] : memref<2x120xi32, #tpu.memory_space<vmem>> -> memref<1x120xi32, #tpu.memory_space<vmem>>
        %dma_start3A_397 = tpu.memref_squeeze %dma_start3A_396 : memref<1x120xi32, #tpu.memory_space<vmem>> -> memref<120xi32, #tpu.memory_space<vmem>>
        %dma_start3A_398 = arith.constant 0 : i32
        %dma_start3A_399 = arith.constant 0 : i32
        %dma_start3A_400 = tpu.memref_slice %arg6[%dma_start3A_398, %dma_start3A_399] : memref<10240x128xf32, #tpu.memory_space<vmem_shared>> -> memref<10240x128xf32, #tpu.memory_space<vmem_shared>>
        tpu.enqueue_indirect_dma source(%arg11 : memref<120x128xf32, #tpu.memory_space<vmem>>) target(%dma_start3A_400 : memref<10240x128xf32, #tpu.memory_space<vmem_shared>>) offsets(%dma_start3A_397 : memref<120xi32, #tpu.memory_space<vmem>>) semaphore(%run_scoped3A_394 : memref<!tpu.dma_semaphore, #tpu.memory_space<semaphore_mem>>) {add = true}
        %dma_wait3A_401 = arith.constant 0 : i32
        %dma_wait3A_402 = tpu.memref_slice %arg10[%run_scoped3A_179, %dma_wait3A_401] : memref<2x120xi32, #tpu.memory_space<vmem>> -> memref<1x120xi32, #tpu.memory_space<vmem>>
        %dma_wait3A_403 = tpu.memref_squeeze %dma_wait3A_402 : memref<1x120xi32, #tpu.memory_space<vmem>> -> memref<120xi32, #tpu.memory_space<vmem>>
        %dma_wait3A_404 = arith.constant 0 : i32
        %dma_wait3A_405 = arith.constant 0 : i32
        %dma_wait3A_406 = tpu.memref_slice %arg6[%dma_wait3A_404, %dma_wait3A_405] : memref<10240x128xf32, #tpu.memory_space<vmem_shared>> -> memref<10240x128xf32, #tpu.memory_space<vmem_shared>>
        tpu.wait_indirect_dma semaphore(%run_scoped3A_394 : memref<!tpu.dma_semaphore, #tpu.memory_space<semaphore_mem>>) src(%arg11 : memref<120x128xf32, #tpu.memory_space<vmem>>) dst(%dma_wait3A_406 : memref<10240x128xf32, #tpu.memory_space<vmem_shared>>)
        tpu.yield
      }) : () -> ()
      %add3A_180 = arith.constant 4 : i32
      %add3A_181 = arith.addi %add3A_172, %add3A_180 : i32
      %lt3A_182 = arith.constant 84 : i32
      %lt3A_183 = arith.cmpi slt, %add3A_181, %lt3A_182 : i32
      %convert_element_type3A_184 = arith.extui %lt3A_183 : i1 to i32
      %cond3A_185 = arith.constant 0 : i32
      %cond3A_186 = arith.cmpi ne, %convert_element_type3A_184, %cond3A_185 : i32
      scf.if %cond3A_186 {
        %add3A_394 = arith.addi %mul3A_4, %add3A_172 : i32
        %add3A_395 = arith.constant 4 : i32
        %add3A_396 = arith.addi %add3A_394, %add3A_395 : i32
        %dma_start3A_397 = arith.constant 0 : i32
        %dma_start3A_398 = arith.constant 0 : i32
        %dma_start3A_399 = tpu.memref_slice %arg3[%add3A_396, %dma_start3A_397, %dma_start3A_398] : memref<2688x2x120xi32, #tpu.memory_space<hbm>> -> memref<1x2x120xi32, #tpu.memory_space<hbm>>
        %dma_start3A_400 = tpu.memref_squeeze %dma_start3A_399 : memref<1x2x120xi32, #tpu.memory_space<hbm>> -> memref<2x120xi32, #tpu.memory_space<hbm>>
        %dma_start3A_401 = arith.constant 0 : i32
        %dma_start3A_402 = arith.constant 0 : i32
        %dma_start3A_403 = tpu.memref_slice %arg3[%add3A_396, %dma_start3A_401, %dma_start3A_402] : memref<2688x2x120xi32, #tpu.memory_space<hbm>> -> memref<1x2x120xi32, #tpu.memory_space<hbm>>
        %dma_start3A_404 = tpu.memref_squeeze %dma_start3A_403 : memref<1x2x120xi32, #tpu.memory_space<hbm>> -> memref<2x120xi32, #tpu.memory_space<hbm>>
        tpu.enqueue_dma source(%dma_start3A_404 : memref<2x120xi32, #tpu.memory_space<hbm>>) target(%arg10 : memref<2x120xi32, #tpu.memory_space<vmem>>) target_semaphore(%arg17 : memref<!tpu.dma_semaphore, #tpu.memory_space<semaphore_mem>>)
      } else {
      }
      %add3A_187 = arith.constant 3 : i32
      %add3A_188 = arith.addi %add3A_172, %add3A_187 : i32
      %lt3A_189 = arith.constant 84 : i32
      %lt3A_190 = arith.cmpi slt, %add3A_188, %lt3A_189 : i32
      %convert_element_type3A_191 = arith.extui %lt3A_190 : i1 to i32
      %cond3A_192 = arith.constant 0 : i32
      %cond3A_193 = arith.cmpi ne, %convert_element_type3A_191, %cond3A_192 : i32
      scf.if %cond3A_193 {
        %dma_wait3A_394 = arith.constant 0 : i32
        %dma_wait3A_395 = arith.constant 0 : i32
        %dma_wait3A_396 = arith.constant 0 : i32
        %dma_wait3A_397 = tpu.memref_slice %arg3[%dma_wait3A_394, %dma_wait3A_395, %dma_wait3A_396] : memref<2688x2x120xi32, #tpu.memory_space<hbm>> -> memref<1x2x120xi32, #tpu.memory_space<hbm>>
        %dma_wait3A_398 = tpu.memref_squeeze %dma_wait3A_397 : memref<1x2x120xi32, #tpu.memory_space<hbm>> -> memref<2x120xi32, #tpu.memory_space<hbm>>
        %dma_wait3A_399 = arith.constant 0 : i32
        %dma_wait3A_400 = arith.constant 0 : i32
        %dma_wait3A_401 = tpu.memref_slice %arg3[%dma_wait3A_394, %dma_wait3A_399, %dma_wait3A_400] : memref<2688x2x120xi32, #tpu.memory_space<hbm>> -> memref<1x2x120xi32, #tpu.memory_space<hbm>>
        %dma_wait3A_402 = tpu.memref_squeeze %dma_wait3A_401 : memref<1x2x120xi32, #tpu.memory_space<hbm>> -> memref<2x120xi32, #tpu.memory_space<hbm>>
        tpu.wait_dma2 semaphore(%arg16 : memref<!tpu.dma_semaphore, #tpu.memory_space<semaphore_mem>>) src(%dma_wait3A_402 : memref<2x120xi32, #tpu.memory_space<hbm>>) dst(%arg9 : memref<2x120xi32, #tpu.memory_space<vmem>>)
        %dma_start3A_403 = arith.constant 0 : i32
        %dma_start3A_404 = arith.constant 0 : i32
        %dma_start3A_405 = tpu.memref_slice %arg9[%dma_start3A_403, %dma_start3A_404] : memref<2x120xi32, #tpu.memory_space<vmem>> -> memref<1x120xi32, #tpu.memory_space<vmem>>
        %dma_start3A_406 = tpu.memref_squeeze %dma_start3A_405 : memref<1x120xi32, #tpu.memory_space<vmem>> -> memref<120xi32, #tpu.memory_space<vmem>>
        %dma_start3A_407 = arith.constant 0 : i32
        %dma_start3A_408 = arith.constant 0 : i32
        %dma_start3A_409 = tpu.memref_slice %arg2[%dma_start3A_407, %dma_start3A_408] : memref<10000x128xf32, #tpu.memory_space<hbm>> -> memref<10000x128xf32, #tpu.memory_space<hbm>>
        tpu.enqueue_indirect_dma source(%dma_start3A_409 : memref<10000x128xf32, #tpu.memory_space<hbm>>) target(%arg11 : memref<120x128xf32, #tpu.memory_space<vmem>>) offsets(%dma_start3A_406 : memref<120xi32, #tpu.memory_space<vmem>>) semaphore(%arg18 : memref<!tpu.dma_semaphore, #tpu.memory_space<semaphore_mem>>)
      } else {
      }
      %mul3A_194 = arith.constant 12 : i32
      %mul3A_195 = arith.muli %scan3A_97, %mul3A_194 : i32
      %add3A_196 = arith.constant 4 : i32
      %add3A_197 = arith.addi %mul3A_195, %add3A_196 : i32
      %dma_wait3A_198 = arith.constant 0 : i32
      %dma_wait3A_199 = arith.constant 0 : i32
      %dma_wait3A_200 = tpu.memref_slice %arg2[%dma_wait3A_198, %dma_wait3A_199] : memref<10000x128xf32, #tpu.memory_space<hbm>> -> memref<120x128xf32, #tpu.memory_space<hbm>>
      %dma_wait3A_201 = arith.constant 0 : i32
      %dma_wait3A_202 = arith.constant 0 : i32
      %dma_wait3A_203 = tpu.memref_slice %arg2[%dma_wait3A_201, %dma_wait3A_202] : memref<10000x128xf32, #tpu.memory_space<hbm>> -> memref<120x128xf32, #tpu.memory_space<hbm>>
      tpu.wait_dma2 semaphore(%arg19 : memref<!tpu.dma_semaphore, #tpu.memory_space<semaphore_mem>>) src(%dma_wait3A_203 : memref<120x128xf32, #tpu.memory_space<hbm>>) dst(%arg12 : memref<120x128xf32, #tpu.memory_space<vmem>>)
      %run_scoped3A_204 = arith.constant 1 : i32
      "tpu.region"() ({
        %run_scoped3A_394 = tpu.sem_alloc : memref<!tpu.dma_semaphore, #tpu.memory_space<semaphore_mem>>
        %dma_start3A_395 = arith.constant 0 : i32
        %dma_start3A_396 = tpu.memref_slice %arg7[%run_scoped3A_204, %dma_start3A_395] : memref<2x120xi32, #tpu.memory_space<vmem>> -> memref<1x120xi32, #tpu.memory_space<vmem>>
        %dma_start3A_397 = tpu.memref_squeeze %dma_start3A_396 : memref<1x120xi32, #tpu.memory_space<vmem>> -> memref<120xi32, #tpu.memory_space<vmem>>
        %dma_start3A_398 = arith.constant 0 : i32
        %dma_start3A_399 = arith.constant 0 : i32
        %dma_start3A_400 = tpu.memref_slice %arg6[%dma_start3A_398, %dma_start3A_399] : memref<10240x128xf32, #tpu.memory_space<vmem_shared>> -> memref<10240x128xf32, #tpu.memory_space<vmem_shared>>
        tpu.enqueue_indirect_dma source(%arg12 : memref<120x128xf32, #tpu.memory_space<vmem>>) target(%dma_start3A_400 : memref<10240x128xf32, #tpu.memory_space<vmem_shared>>) offsets(%dma_start3A_397 : memref<120xi32, #tpu.memory_space<vmem>>) semaphore(%run_scoped3A_394 : memref<!tpu.dma_semaphore, #tpu.memory_space<semaphore_mem>>) {add = true}
        %dma_wait3A_401 = arith.constant 0 : i32
        %dma_wait3A_402 = tpu.memref_slice %arg7[%run_scoped3A_204, %dma_wait3A_401] : memref<2x120xi32, #tpu.memory_space<vmem>> -> memref<1x120xi32, #tpu.memory_space<vmem>>
        %dma_wait3A_403 = tpu.memref_squeeze %dma_wait3A_402 : memref<1x120xi32, #tpu.memory_space<vmem>> -> memref<120xi32, #tpu.memory_space<vmem>>
        %dma_wait3A_404 = arith.constant 0 : i32
        %dma_wait3A_405 = arith.constant 0 : i32
        %dma_wait3A_406 = tpu.memref_slice %arg6[%dma_wait3A_404, %dma_wait3A_405] : memref<10240x128xf32, #tpu.memory_space<vmem_shared>> -> memref<10240x128xf32, #tpu.memory_space<vmem_shared>>
        tpu.wait_indirect_dma semaphore(%run_scoped3A_394 : memref<!tpu.dma_semaphore, #tpu.memory_space<semaphore_mem>>) src(%arg12 : memref<120x128xf32, #tpu.memory_space<vmem>>) dst(%dma_wait3A_406 : memref<10240x128xf32, #tpu.memory_space<vmem_shared>>)
        tpu.yield
      }) : () -> ()
      %add3A_205 = arith.constant 4 : i32
      %add3A_206 = arith.addi %add3A_197, %add3A_205 : i32
      %lt3A_207 = arith.constant 84 : i32
      %lt3A_208 = arith.cmpi slt, %add3A_206, %lt3A_207 : i32
      %convert_element_type3A_209 = arith.extui %lt3A_208 : i1 to i32
      %cond3A_210 = arith.constant 0 : i32
      %cond3A_211 = arith.cmpi ne, %convert_element_type3A_209, %cond3A_210 : i32
      scf.if %cond3A_211 {
        %add3A_394 = arith.addi %mul3A_4, %add3A_197 : i32
        %add3A_395 = arith.constant 4 : i32
        %add3A_396 = arith.addi %add3A_394, %add3A_395 : i32
        %dma_start3A_397 = arith.constant 0 : i32
        %dma_start3A_398 = arith.constant 0 : i32
        %dma_start3A_399 = tpu.memref_slice %arg3[%add3A_396, %dma_start3A_397, %dma_start3A_398] : memref<2688x2x120xi32, #tpu.memory_space<hbm>> -> memref<1x2x120xi32, #tpu.memory_space<hbm>>
        %dma_start3A_400 = tpu.memref_squeeze %dma_start3A_399 : memref<1x2x120xi32, #tpu.memory_space<hbm>> -> memref<2x120xi32, #tpu.memory_space<hbm>>
        %dma_start3A_401 = arith.constant 0 : i32
        %dma_start3A_402 = arith.constant 0 : i32
        %dma_start3A_403 = tpu.memref_slice %arg3[%add3A_396, %dma_start3A_401, %dma_start3A_402] : memref<2688x2x120xi32, #tpu.memory_space<hbm>> -> memref<1x2x120xi32, #tpu.memory_space<hbm>>
        %dma_start3A_404 = tpu.memref_squeeze %dma_start3A_403 : memref<1x2x120xi32, #tpu.memory_space<hbm>> -> memref<2x120xi32, #tpu.memory_space<hbm>>
        tpu.enqueue_dma source(%dma_start3A_404 : memref<2x120xi32, #tpu.memory_space<hbm>>) target(%arg7 : memref<2x120xi32, #tpu.memory_space<vmem>>) target_semaphore(%arg14 : memref<!tpu.dma_semaphore, #tpu.memory_space<semaphore_mem>>)
      } else {
      }
      %add3A_212 = arith.constant 3 : i32
      %add3A_213 = arith.addi %add3A_197, %add3A_212 : i32
      %lt3A_214 = arith.constant 84 : i32
      %lt3A_215 = arith.cmpi slt, %add3A_213, %lt3A_214 : i32
      %convert_element_type3A_216 = arith.extui %lt3A_215 : i1 to i32
      %cond3A_217 = arith.constant 0 : i32
      %cond3A_218 = arith.cmpi ne, %convert_element_type3A_216, %cond3A_217 : i32
      scf.if %cond3A_218 {
        %dma_wait3A_394 = arith.constant 0 : i32
        %dma_wait3A_395 = arith.constant 0 : i32
        %dma_wait3A_396 = arith.constant 0 : i32
        %dma_wait3A_397 = tpu.memref_slice %arg3[%dma_wait3A_394, %dma_wait3A_395, %dma_wait3A_396] : memref<2688x2x120xi32, #tpu.memory_space<hbm>> -> memref<1x2x120xi32, #tpu.memory_space<hbm>>
        %dma_wait3A_398 = tpu.memref_squeeze %dma_wait3A_397 : memref<1x2x120xi32, #tpu.memory_space<hbm>> -> memref<2x120xi32, #tpu.memory_space<hbm>>
        %dma_wait3A_399 = arith.constant 0 : i32
        %dma_wait3A_400 = arith.constant 0 : i32
        %dma_wait3A_401 = tpu.memref_slice %arg3[%dma_wait3A_394, %dma_wait3A_399, %dma_wait3A_400] : memref<2688x2x120xi32, #tpu.memory_space<hbm>> -> memref<1x2x120xi32, #tpu.memory_space<hbm>>
        %dma_wait3A_402 = tpu.memref_squeeze %dma_wait3A_401 : memref<1x2x120xi32, #tpu.memory_space<hbm>> -> memref<2x120xi32, #tpu.memory_space<hbm>>
        tpu.wait_dma2 semaphore(%arg17 : memref<!tpu.dma_semaphore, #tpu.memory_space<semaphore_mem>>) src(%dma_wait3A_402 : memref<2x120xi32, #tpu.memory_space<hbm>>) dst(%arg10 : memref<2x120xi32, #tpu.memory_space<vmem>>)
        %dma_start3A_403 = arith.constant 0 : i32
        %dma_start3A_404 = arith.constant 0 : i32
        %dma_start3A_405 = tpu.memref_slice %arg10[%dma_start3A_403, %dma_start3A_404] : memref<2x120xi32, #tpu.memory_space<vmem>> -> memref<1x120xi32, #tpu.memory_space<vmem>>
        %dma_start3A_406 = tpu.memref_squeeze %dma_start3A_405 : memref<1x120xi32, #tpu.memory_space<vmem>> -> memref<120xi32, #tpu.memory_space<vmem>>
        %dma_start3A_407 = arith.constant 0 : i32
        %dma_start3A_408 = arith.constant 0 : i32
        %dma_start3A_409 = tpu.memref_slice %arg2[%dma_start3A_407, %dma_start3A_408] : memref<10000x128xf32, #tpu.memory_space<hbm>> -> memref<10000x128xf32, #tpu.memory_space<hbm>>
        tpu.enqueue_indirect_dma source(%dma_start3A_409 : memref<10000x128xf32, #tpu.memory_space<hbm>>) target(%arg12 : memref<120x128xf32, #tpu.memory_space<vmem>>) offsets(%dma_start3A_406 : memref<120xi32, #tpu.memory_space<vmem>>) semaphore(%arg19 : memref<!tpu.dma_semaphore, #tpu.memory_space<semaphore_mem>>)
      } else {
      }
      %mul3A_219 = arith.constant 12 : i32
      %mul3A_220 = arith.muli %scan3A_97, %mul3A_219 : i32
      %add3A_221 = arith.constant 5 : i32
      %add3A_222 = arith.addi %mul3A_220, %add3A_221 : i32
      %dma_wait3A_223 = arith.constant 0 : i32
      %dma_wait3A_224 = arith.constant 0 : i32
      %dma_wait3A_225 = tpu.memref_slice %arg2[%dma_wait3A_223, %dma_wait3A_224] : memref<10000x128xf32, #tpu.memory_space<hbm>> -> memref<120x128xf32, #tpu.memory_space<hbm>>
      %dma_wait3A_226 = arith.constant 0 : i32
      %dma_wait3A_227 = arith.constant 0 : i32
      %dma_wait3A_228 = tpu.memref_slice %arg2[%dma_wait3A_226, %dma_wait3A_227] : memref<10000x128xf32, #tpu.memory_space<hbm>> -> memref<120x128xf32, #tpu.memory_space<hbm>>
      tpu.wait_dma2 semaphore(%arg20 : memref<!tpu.dma_semaphore, #tpu.memory_space<semaphore_mem>>) src(%dma_wait3A_228 : memref<120x128xf32, #tpu.memory_space<hbm>>) dst(%arg13 : memref<120x128xf32, #tpu.memory_space<vmem>>)
      %run_scoped3A_229 = arith.constant 1 : i32
      "tpu.region"() ({
        %run_scoped3A_394 = tpu.sem_alloc : memref<!tpu.dma_semaphore, #tpu.memory_space<semaphore_mem>>
        %dma_start3A_395 = arith.constant 0 : i32
        %dma_start3A_396 = tpu.memref_slice %arg8[%run_scoped3A_229, %dma_start3A_395] : memref<2x120xi32, #tpu.memory_space<vmem>> -> memref<1x120xi32, #tpu.memory_space<vmem>>
        %dma_start3A_397 = tpu.memref_squeeze %dma_start3A_396 : memref<1x120xi32, #tpu.memory_space<vmem>> -> memref<120xi32, #tpu.memory_space<vmem>>
        %dma_start3A_398 = arith.constant 0 : i32
        %dma_start3A_399 = arith.constant 0 : i32
        %dma_start3A_400 = tpu.memref_slice %arg6[%dma_start3A_398, %dma_start3A_399] : memref<10240x128xf32, #tpu.memory_space<vmem_shared>> -> memref<10240x128xf32, #tpu.memory_space<vmem_shared>>
        tpu.enqueue_indirect_dma source(%arg13 : memref<120x128xf32, #tpu.memory_space<vmem>>) target(%dma_start3A_400 : memref<10240x128xf32, #tpu.memory_space<vmem_shared>>) offsets(%dma_start3A_397 : memref<120xi32, #tpu.memory_space<vmem>>) semaphore(%run_scoped3A_394 : memref<!tpu.dma_semaphore, #tpu.memory_space<semaphore_mem>>) {add = true}
        %dma_wait3A_401 = arith.constant 0 : i32
        %dma_wait3A_402 = tpu.memref_slice %arg8[%run_scoped3A_229, %dma_wait3A_401] : memref<2x120xi32, #tpu.memory_space<vmem>> -> memref<1x120xi32, #tpu.memory_space<vmem>>
        %dma_wait3A_403 = tpu.memref_squeeze %dma_wait3A_402 : memref<1x120xi32, #tpu.memory_space<vmem>> -> memref<120xi32, #tpu.memory_space<vmem>>
        %dma_wait3A_404 = arith.constant 0 : i32
        %dma_wait3A_405 = arith.constant 0 : i32
        %dma_wait3A_406 = tpu.memref_slice %arg6[%dma_wait3A_404, %dma_wait3A_405] : memref<10240x128xf32, #tpu.memory_space<vmem_shared>> -> memref<10240x128xf32, #tpu.memory_space<vmem_shared>>
        tpu.wait_indirect_dma semaphore(%run_scoped3A_394 : memref<!tpu.dma_semaphore, #tpu.memory_space<semaphore_mem>>) src(%arg13 : memref<120x128xf32, #tpu.memory_space<vmem>>) dst(%dma_wait3A_406 : memref<10240x128xf32, #tpu.memory_space<vmem_shared>>)
        tpu.yield
      }) : () -> ()
      %add3A_230 = arith.constant 4 : i32
      %add3A_231 = arith.addi %add3A_222, %add3A_230 : i32
      %lt3A_232 = arith.constant 84 : i32
      %lt3A_233 = arith.cmpi slt, %add3A_231, %lt3A_232 : i32
      %convert_element_type3A_234 = arith.extui %lt3A_233 : i1 to i32
      %cond3A_235 = arith.constant 0 : i32
      %cond3A_236 = arith.cmpi ne, %convert_element_type3A_234, %cond3A_235 : i32
      scf.if %cond3A_236 {
        %add3A_394 = arith.addi %mul3A_4, %add3A_222 : i32
        %add3A_395 = arith.constant 4 : i32
        %add3A_396 = arith.addi %add3A_394, %add3A_395 : i32
        %dma_start3A_397 = arith.constant 0 : i32
        %dma_start3A_398 = arith.constant 0 : i32
        %dma_start3A_399 = tpu.memref_slice %arg3[%add3A_396, %dma_start3A_397, %dma_start3A_398] : memref<2688x2x120xi32, #tpu.memory_space<hbm>> -> memref<1x2x120xi32, #tpu.memory_space<hbm>>
        %dma_start3A_400 = tpu.memref_squeeze %dma_start3A_399 : memref<1x2x120xi32, #tpu.memory_space<hbm>> -> memref<2x120xi32, #tpu.memory_space<hbm>>
        %dma_start3A_401 = arith.constant 0 : i32
        %dma_start3A_402 = arith.constant 0 : i32
        %dma_start3A_403 = tpu.memref_slice %arg3[%add3A_396, %dma_start3A_401, %dma_start3A_402] : memref<2688x2x120xi32, #tpu.memory_space<hbm>> -> memref<1x2x120xi32, #tpu.memory_space<hbm>>
        %dma_start3A_404 = tpu.memref_squeeze %dma_start3A_403 : memref<1x2x120xi32, #tpu.memory_space<hbm>> -> memref<2x120xi32, #tpu.memory_space<hbm>>
        tpu.enqueue_dma source(%dma_start3A_404 : memref<2x120xi32, #tpu.memory_space<hbm>>) target(%arg8 : memref<2x120xi32, #tpu.memory_space<vmem>>) target_semaphore(%arg15 : memref<!tpu.dma_semaphore, #tpu.memory_space<semaphore_mem>>)
      } else {
      }
      %add3A_237 = arith.constant 3 : i32
      %add3A_238 = arith.addi %add3A_222, %add3A_237 : i32
      %lt3A_239 = arith.constant 84 : i32
      %lt3A_240 = arith.cmpi slt, %add3A_238, %lt3A_239 : i32
      %convert_element_type3A_241 = arith.extui %lt3A_240 : i1 to i32
      %cond3A_242 = arith.constant 0 : i32
      %cond3A_243 = arith.cmpi ne, %convert_element_type3A_241, %cond3A_242 : i32
      scf.if %cond3A_243 {
        %dma_wait3A_394 = arith.constant 0 : i32
        %dma_wait3A_395 = arith.constant 0 : i32
        %dma_wait3A_396 = arith.constant 0 : i32
        %dma_wait3A_397 = tpu.memref_slice %arg3[%dma_wait3A_394, %dma_wait3A_395, %dma_wait3A_396] : memref<2688x2x120xi32, #tpu.memory_space<hbm>> -> memref<1x2x120xi32, #tpu.memory_space<hbm>>
        %dma_wait3A_398 = tpu.memref_squeeze %dma_wait3A_397 : memref<1x2x120xi32, #tpu.memory_space<hbm>> -> memref<2x120xi32, #tpu.memory_space<hbm>>
        %dma_wait3A_399 = arith.constant 0 : i32
        %dma_wait3A_400 = arith.constant 0 : i32
        %dma_wait3A_401 = tpu.memref_slice %arg3[%dma_wait3A_394, %dma_wait3A_399, %dma_wait3A_400] : memref<2688x2x120xi32, #tpu.memory_space<hbm>> -> memref<1x2x120xi32, #tpu.memory_space<hbm>>
        %dma_wait3A_402 = tpu.memref_squeeze %dma_wait3A_401 : memref<1x2x120xi32, #tpu.memory_space<hbm>> -> memref<2x120xi32, #tpu.memory_space<hbm>>
        tpu.wait_dma2 semaphore(%arg14 : memref<!tpu.dma_semaphore, #tpu.memory_space<semaphore_mem>>) src(%dma_wait3A_402 : memref<2x120xi32, #tpu.memory_space<hbm>>) dst(%arg7 : memref<2x120xi32, #tpu.memory_space<vmem>>)
        %dma_start3A_403 = arith.constant 0 : i32
        %dma_start3A_404 = arith.constant 0 : i32
        %dma_start3A_405 = tpu.memref_slice %arg7[%dma_start3A_403, %dma_start3A_404] : memref<2x120xi32, #tpu.memory_space<vmem>> -> memref<1x120xi32, #tpu.memory_space<vmem>>
        %dma_start3A_406 = tpu.memref_squeeze %dma_start3A_405 : memref<1x120xi32, #tpu.memory_space<vmem>> -> memref<120xi32, #tpu.memory_space<vmem>>
        %dma_start3A_407 = arith.constant 0 : i32
        %dma_start3A_408 = arith.constant 0 : i32
        %dma_start3A_409 = tpu.memref_slice %arg2[%dma_start3A_407, %dma_start3A_408] : memref<10000x128xf32, #tpu.memory_space<hbm>> -> memref<10000x128xf32, #tpu.memory_space<hbm>>
        tpu.enqueue_indirect_dma source(%dma_start3A_409 : memref<10000x128xf32, #tpu.memory_space<hbm>>) target(%arg13 : memref<120x128xf32, #tpu.memory_space<vmem>>) offsets(%dma_start3A_406 : memref<120xi32, #tpu.memory_space<vmem>>) semaphore(%arg20 : memref<!tpu.dma_semaphore, #tpu.memory_space<semaphore_mem>>)
      } else {
      }
      %mul3A_244 = arith.constant 12 : i32
      %mul3A_245 = arith.muli %scan3A_97, %mul3A_244 : i32
      %add3A_246 = arith.constant 6 : i32
      %add3A_247 = arith.addi %mul3A_245, %add3A_246 : i32
      %dma_wait3A_248 = arith.constant 0 : i32
      %dma_wait3A_249 = arith.constant 0 : i32
      %dma_wait3A_250 = tpu.memref_slice %arg2[%dma_wait3A_248, %dma_wait3A_249] : memref<10000x128xf32, #tpu.memory_space<hbm>> -> memref<120x128xf32, #tpu.memory_space<hbm>>
      %dma_wait3A_251 = arith.constant 0 : i32
      %dma_wait3A_252 = arith.constant 0 : i32
      %dma_wait3A_253 = tpu.memref_slice %arg2[%dma_wait3A_251, %dma_wait3A_252] : memref<10000x128xf32, #tpu.memory_space<hbm>> -> memref<120x128xf32, #tpu.memory_space<hbm>>
      tpu.wait_dma2 semaphore(%arg18 : memref<!tpu.dma_semaphore, #tpu.memory_space<semaphore_mem>>) src(%dma_wait3A_253 : memref<120x128xf32, #tpu.memory_space<hbm>>) dst(%arg11 : memref<120x128xf32, #tpu.memory_space<vmem>>)
      %run_scoped3A_254 = arith.constant 1 : i32
      "tpu.region"() ({
        %run_scoped3A_394 = tpu.sem_alloc : memref<!tpu.dma_semaphore, #tpu.memory_space<semaphore_mem>>
        %dma_start3A_395 = arith.constant 0 : i32
        %dma_start3A_396 = tpu.memref_slice %arg9[%run_scoped3A_254, %dma_start3A_395] : memref<2x120xi32, #tpu.memory_space<vmem>> -> memref<1x120xi32, #tpu.memory_space<vmem>>
        %dma_start3A_397 = tpu.memref_squeeze %dma_start3A_396 : memref<1x120xi32, #tpu.memory_space<vmem>> -> memref<120xi32, #tpu.memory_space<vmem>>
        %dma_start3A_398 = arith.constant 0 : i32
        %dma_start3A_399 = arith.constant 0 : i32
        %dma_start3A_400 = tpu.memref_slice %arg6[%dma_start3A_398, %dma_start3A_399] : memref<10240x128xf32, #tpu.memory_space<vmem_shared>> -> memref<10240x128xf32, #tpu.memory_space<vmem_shared>>
        tpu.enqueue_indirect_dma source(%arg11 : memref<120x128xf32, #tpu.memory_space<vmem>>) target(%dma_start3A_400 : memref<10240x128xf32, #tpu.memory_space<vmem_shared>>) offsets(%dma_start3A_397 : memref<120xi32, #tpu.memory_space<vmem>>) semaphore(%run_scoped3A_394 : memref<!tpu.dma_semaphore, #tpu.memory_space<semaphore_mem>>) {add = true}
        %dma_wait3A_401 = arith.constant 0 : i32
        %dma_wait3A_402 = tpu.memref_slice %arg9[%run_scoped3A_254, %dma_wait3A_401] : memref<2x120xi32, #tpu.memory_space<vmem>> -> memref<1x120xi32, #tpu.memory_space<vmem>>
        %dma_wait3A_403 = tpu.memref_squeeze %dma_wait3A_402 : memref<1x120xi32, #tpu.memory_space<vmem>> -> memref<120xi32, #tpu.memory_space<vmem>>
        %dma_wait3A_404 = arith.constant 0 : i32
        %dma_wait3A_405 = arith.constant 0 : i32
        %dma_wait3A_406 = tpu.memref_slice %arg6[%dma_wait3A_404, %dma_wait3A_405] : memref<10240x128xf32, #tpu.memory_space<vmem_shared>> -> memref<10240x128xf32, #tpu.memory_space<vmem_shared>>
        tpu.wait_indirect_dma semaphore(%run_scoped3A_394 : memref<!tpu.dma_semaphore, #tpu.memory_space<semaphore_mem>>) src(%arg11 : memref<120x128xf32, #tpu.memory_space<vmem>>) dst(%dma_wait3A_406 : memref<10240x128xf32, #tpu.memory_space<vmem_shared>>)
        tpu.yield
      }) : () -> ()
      %add3A_255 = arith.constant 4 : i32
      %add3A_256 = arith.addi %add3A_247, %add3A_255 : i32
      %lt3A_257 = arith.constant 84 : i32
      %lt3A_258 = arith.cmpi slt, %add3A_256, %lt3A_257 : i32
      %convert_element_type3A_259 = arith.extui %lt3A_258 : i1 to i32
      %cond3A_260 = arith.constant 0 : i32
      %cond3A_261 = arith.cmpi ne, %convert_element_type3A_259, %cond3A_260 : i32
      scf.if %cond3A_261 {
        %add3A_394 = arith.addi %mul3A_4, %add3A_247 : i32
        %add3A_395 = arith.constant 4 : i32
        %add3A_396 = arith.addi %add3A_394, %add3A_395 : i32
        %dma_start3A_397 = arith.constant 0 : i32
        %dma_start3A_398 = arith.constant 0 : i32
        %dma_start3A_399 = tpu.memref_slice %arg3[%add3A_396, %dma_start3A_397, %dma_start3A_398] : memref<2688x2x120xi32, #tpu.memory_space<hbm>> -> memref<1x2x120xi32, #tpu.memory_space<hbm>>
        %dma_start3A_400 = tpu.memref_squeeze %dma_start3A_399 : memref<1x2x120xi32, #tpu.memory_space<hbm>> -> memref<2x120xi32, #tpu.memory_space<hbm>>
        %dma_start3A_401 = arith.constant 0 : i32
        %dma_start3A_402 = arith.constant 0 : i32
        %dma_start3A_403 = tpu.memref_slice %arg3[%add3A_396, %dma_start3A_401, %dma_start3A_402] : memref<2688x2x120xi32, #tpu.memory_space<hbm>> -> memref<1x2x120xi32, #tpu.memory_space<hbm>>
        %dma_start3A_404 = tpu.memref_squeeze %dma_start3A_403 : memref<1x2x120xi32, #tpu.memory_space<hbm>> -> memref<2x120xi32, #tpu.memory_space<hbm>>
        tpu.enqueue_dma source(%dma_start3A_404 : memref<2x120xi32, #tpu.memory_space<hbm>>) target(%arg9 : memref<2x120xi32, #tpu.memory_space<vmem>>) target_semaphore(%arg16 : memref<!tpu.dma_semaphore, #tpu.memory_space<semaphore_mem>>)
      } else {
      }
      %add3A_262 = arith.constant 3 : i32
      %add3A_263 = arith.addi %add3A_247, %add3A_262 : i32
      %lt3A_264 = arith.constant 84 : i32
      %lt3A_265 = arith.cmpi slt, %add3A_263, %lt3A_264 : i32
      %convert_element_type3A_266 = arith.extui %lt3A_265 : i1 to i32
      %cond3A_267 = arith.constant 0 : i32
      %cond3A_268 = arith.cmpi ne, %convert_element_type3A_266, %cond3A_267 : i32
      scf.if %cond3A_268 {
        %dma_wait3A_394 = arith.constant 0 : i32
        %dma_wait3A_395 = arith.constant 0 : i32
        %dma_wait3A_396 = arith.constant 0 : i32
        %dma_wait3A_397 = tpu.memref_slice %arg3[%dma_wait3A_394, %dma_wait3A_395, %dma_wait3A_396] : memref<2688x2x120xi32, #tpu.memory_space<hbm>> -> memref<1x2x120xi32, #tpu.memory_space<hbm>>
        %dma_wait3A_398 = tpu.memref_squeeze %dma_wait3A_397 : memref<1x2x120xi32, #tpu.memory_space<hbm>> -> memref<2x120xi32, #tpu.memory_space<hbm>>
        %dma_wait3A_399 = arith.constant 0 : i32
        %dma_wait3A_400 = arith.constant 0 : i32
        %dma_wait3A_401 = tpu.memref_slice %arg3[%dma_wait3A_394, %dma_wait3A_399, %dma_wait3A_400] : memref<2688x2x120xi32, #tpu.memory_space<hbm>> -> memref<1x2x120xi32, #tpu.memory_space<hbm>>
        %dma_wait3A_402 = tpu.memref_squeeze %dma_wait3A_401 : memref<1x2x120xi32, #tpu.memory_space<hbm>> -> memref<2x120xi32, #tpu.memory_space<hbm>>
        tpu.wait_dma2 semaphore(%arg15 : memref<!tpu.dma_semaphore, #tpu.memory_space<semaphore_mem>>) src(%dma_wait3A_402 : memref<2x120xi32, #tpu.memory_space<hbm>>) dst(%arg8 : memref<2x120xi32, #tpu.memory_space<vmem>>)
        %dma_start3A_403 = arith.constant 0 : i32
        %dma_start3A_404 = arith.constant 0 : i32
        %dma_start3A_405 = tpu.memref_slice %arg8[%dma_start3A_403, %dma_start3A_404] : memref<2x120xi32, #tpu.memory_space<vmem>> -> memref<1x120xi32, #tpu.memory_space<vmem>>
        %dma_start3A_406 = tpu.memref_squeeze %dma_start3A_405 : memref<1x120xi32, #tpu.memory_space<vmem>> -> memref<120xi32, #tpu.memory_space<vmem>>
        %dma_start3A_407 = arith.constant 0 : i32
        %dma_start3A_408 = arith.constant 0 : i32
        %dma_start3A_409 = tpu.memref_slice %arg2[%dma_start3A_407, %dma_start3A_408] : memref<10000x128xf32, #tpu.memory_space<hbm>> -> memref<10000x128xf32, #tpu.memory_space<hbm>>
        tpu.enqueue_indirect_dma source(%dma_start3A_409 : memref<10000x128xf32, #tpu.memory_space<hbm>>) target(%arg11 : memref<120x128xf32, #tpu.memory_space<vmem>>) offsets(%dma_start3A_406 : memref<120xi32, #tpu.memory_space<vmem>>) semaphore(%arg18 : memref<!tpu.dma_semaphore, #tpu.memory_space<semaphore_mem>>)
      } else {
      }
      %mul3A_269 = arith.constant 12 : i32
      %mul3A_270 = arith.muli %scan3A_97, %mul3A_269 : i32
      %add3A_271 = arith.constant 7 : i32
      %add3A_272 = arith.addi %mul3A_270, %add3A_271 : i32
      %dma_wait3A_273 = arith.constant 0 : i32
      %dma_wait3A_274 = arith.constant 0 : i32
      %dma_wait3A_275 = tpu.memref_slice %arg2[%dma_wait3A_273, %dma_wait3A_274] : memref<10000x128xf32, #tpu.memory_space<hbm>> -> memref<120x128xf32, #tpu.memory_space<hbm>>
      %dma_wait3A_276 = arith.constant 0 : i32
      %dma_wait3A_277 = arith.constant 0 : i32
      %dma_wait3A_278 = tpu.memref_slice %arg2[%dma_wait3A_276, %dma_wait3A_277] : memref<10000x128xf32, #tpu.memory_space<hbm>> -> memref<120x128xf32, #tpu.memory_space<hbm>>
      tpu.wait_dma2 semaphore(%arg19 : memref<!tpu.dma_semaphore, #tpu.memory_space<semaphore_mem>>) src(%dma_wait3A_278 : memref<120x128xf32, #tpu.memory_space<hbm>>) dst(%arg12 : memref<120x128xf32, #tpu.memory_space<vmem>>)
      %run_scoped3A_279 = arith.constant 1 : i32
      "tpu.region"() ({
        %run_scoped3A_394 = tpu.sem_alloc : memref<!tpu.dma_semaphore, #tpu.memory_space<semaphore_mem>>
        %dma_start3A_395 = arith.constant 0 : i32
        %dma_start3A_396 = tpu.memref_slice %arg10[%run_scoped3A_279, %dma_start3A_395] : memref<2x120xi32, #tpu.memory_space<vmem>> -> memref<1x120xi32, #tpu.memory_space<vmem>>
        %dma_start3A_397 = tpu.memref_squeeze %dma_start3A_396 : memref<1x120xi32, #tpu.memory_space<vmem>> -> memref<120xi32, #tpu.memory_space<vmem>>
        %dma_start3A_398 = arith.constant 0 : i32
        %dma_start3A_399 = arith.constant 0 : i32
        %dma_start3A_400 = tpu.memref_slice %arg6[%dma_start3A_398, %dma_start3A_399] : memref<10240x128xf32, #tpu.memory_space<vmem_shared>> -> memref<10240x128xf32, #tpu.memory_space<vmem_shared>>
        tpu.enqueue_indirect_dma source(%arg12 : memref<120x128xf32, #tpu.memory_space<vmem>>) target(%dma_start3A_400 : memref<10240x128xf32, #tpu.memory_space<vmem_shared>>) offsets(%dma_start3A_397 : memref<120xi32, #tpu.memory_space<vmem>>) semaphore(%run_scoped3A_394 : memref<!tpu.dma_semaphore, #tpu.memory_space<semaphore_mem>>) {add = true}
        %dma_wait3A_401 = arith.constant 0 : i32
        %dma_wait3A_402 = tpu.memref_slice %arg10[%run_scoped3A_279, %dma_wait3A_401] : memref<2x120xi32, #tpu.memory_space<vmem>> -> memref<1x120xi32, #tpu.memory_space<vmem>>
        %dma_wait3A_403 = tpu.memref_squeeze %dma_wait3A_402 : memref<1x120xi32, #tpu.memory_space<vmem>> -> memref<120xi32, #tpu.memory_space<vmem>>
        %dma_wait3A_404 = arith.constant 0 : i32
        %dma_wait3A_405 = arith.constant 0 : i32
        %dma_wait3A_406 = tpu.memref_slice %arg6[%dma_wait3A_404, %dma_wait3A_405] : memref<10240x128xf32, #tpu.memory_space<vmem_shared>> -> memref<10240x128xf32, #tpu.memory_space<vmem_shared>>
        tpu.wait_indirect_dma semaphore(%run_scoped3A_394 : memref<!tpu.dma_semaphore, #tpu.memory_space<semaphore_mem>>) src(%arg12 : memref<120x128xf32, #tpu.memory_space<vmem>>) dst(%dma_wait3A_406 : memref<10240x128xf32, #tpu.memory_space<vmem_shared>>)
        tpu.yield
      }) : () -> ()
      %add3A_280 = arith.constant 4 : i32
      %add3A_281 = arith.addi %add3A_272, %add3A_280 : i32
      %lt3A_282 = arith.constant 84 : i32
      %lt3A_283 = arith.cmpi slt, %add3A_281, %lt3A_282 : i32
      %convert_element_type3A_284 = arith.extui %lt3A_283 : i1 to i32
      %cond3A_285 = arith.constant 0 : i32
      %cond3A_286 = arith.cmpi ne, %convert_element_type3A_284, %cond3A_285 : i32
      scf.if %cond3A_286 {
        %add3A_394 = arith.addi %mul3A_4, %add3A_272 : i32
        %add3A_395 = arith.constant 4 : i32
        %add3A_396 = arith.addi %add3A_394, %add3A_395 : i32
        %dma_start3A_397 = arith.constant 0 : i32
        %dma_start3A_398 = arith.constant 0 : i32
        %dma_start3A_399 = tpu.memref_slice %arg3[%add3A_396, %dma_start3A_397, %dma_start3A_398] : memref<2688x2x120xi32, #tpu.memory_space<hbm>> -> memref<1x2x120xi32, #tpu.memory_space<hbm>>
        %dma_start3A_400 = tpu.memref_squeeze %dma_start3A_399 : memref<1x2x120xi32, #tpu.memory_space<hbm>> -> memref<2x120xi32, #tpu.memory_space<hbm>>
        %dma_start3A_401 = arith.constant 0 : i32
        %dma_start3A_402 = arith.constant 0 : i32
        %dma_start3A_403 = tpu.memref_slice %arg3[%add3A_396, %dma_start3A_401, %dma_start3A_402] : memref<2688x2x120xi32, #tpu.memory_space<hbm>> -> memref<1x2x120xi32, #tpu.memory_space<hbm>>
        %dma_start3A_404 = tpu.memref_squeeze %dma_start3A_403 : memref<1x2x120xi32, #tpu.memory_space<hbm>> -> memref<2x120xi32, #tpu.memory_space<hbm>>
        tpu.enqueue_dma source(%dma_start3A_404 : memref<2x120xi32, #tpu.memory_space<hbm>>) target(%arg10 : memref<2x120xi32, #tpu.memory_space<vmem>>) target_semaphore(%arg17 : memref<!tpu.dma_semaphore, #tpu.memory_space<semaphore_mem>>)
      } else {
      }
      %add3A_287 = arith.constant 3 : i32
      %add3A_288 = arith.addi %add3A_272, %add3A_287 : i32
      %lt3A_289 = arith.constant 84 : i32
      %lt3A_290 = arith.cmpi slt, %add3A_288, %lt3A_289 : i32
      %convert_element_type3A_291 = arith.extui %lt3A_290 : i1 to i32
      %cond3A_292 = arith.constant 0 : i32
      %cond3A_293 = arith.cmpi ne, %convert_element_type3A_291, %cond3A_292 : i32
      scf.if %cond3A_293 {
        %dma_wait3A_394 = arith.constant 0 : i32
        %dma_wait3A_395 = arith.constant 0 : i32
        %dma_wait3A_396 = arith.constant 0 : i32
        %dma_wait3A_397 = tpu.memref_slice %arg3[%dma_wait3A_394, %dma_wait3A_395, %dma_wait3A_396] : memref<2688x2x120xi32, #tpu.memory_space<hbm>> -> memref<1x2x120xi32, #tpu.memory_space<hbm>>
        %dma_wait3A_398 = tpu.memref_squeeze %dma_wait3A_397 : memref<1x2x120xi32, #tpu.memory_space<hbm>> -> memref<2x120xi32, #tpu.memory_space<hbm>>
        %dma_wait3A_399 = arith.constant 0 : i32
        %dma_wait3A_400 = arith.constant 0 : i32
        %dma_wait3A_401 = tpu.memref_slice %arg3[%dma_wait3A_394, %dma_wait3A_399, %dma_wait3A_400] : memref<2688x2x120xi32, #tpu.memory_space<hbm>> -> memref<1x2x120xi32, #tpu.memory_space<hbm>>
        %dma_wait3A_402 = tpu.memref_squeeze %dma_wait3A_401 : memref<1x2x120xi32, #tpu.memory_space<hbm>> -> memref<2x120xi32, #tpu.memory_space<hbm>>
        tpu.wait_dma2 semaphore(%arg16 : memref<!tpu.dma_semaphore, #tpu.memory_space<semaphore_mem>>) src(%dma_wait3A_402 : memref<2x120xi32, #tpu.memory_space<hbm>>) dst(%arg9 : memref<2x120xi32, #tpu.memory_space<vmem>>)
        %dma_start3A_403 = arith.constant 0 : i32
        %dma_start3A_404 = arith.constant 0 : i32
        %dma_start3A_405 = tpu.memref_slice %arg9[%dma_start3A_403, %dma_start3A_404] : memref<2x120xi32, #tpu.memory_space<vmem>> -> memref<1x120xi32, #tpu.memory_space<vmem>>
        %dma_start3A_406 = tpu.memref_squeeze %dma_start3A_405 : memref<1x120xi32, #tpu.memory_space<vmem>> -> memref<120xi32, #tpu.memory_space<vmem>>
        %dma_start3A_407 = arith.constant 0 : i32
        %dma_start3A_408 = arith.constant 0 : i32
        %dma_start3A_409 = tpu.memref_slice %arg2[%dma_start3A_407, %dma_start3A_408] : memref<10000x128xf32, #tpu.memory_space<hbm>> -> memref<10000x128xf32, #tpu.memory_space<hbm>>
        tpu.enqueue_indirect_dma source(%dma_start3A_409 : memref<10000x128xf32, #tpu.memory_space<hbm>>) target(%arg12 : memref<120x128xf32, #tpu.memory_space<vmem>>) offsets(%dma_start3A_406 : memref<120xi32, #tpu.memory_space<vmem>>) semaphore(%arg19 : memref<!tpu.dma_semaphore, #tpu.memory_space<semaphore_mem>>)
      } else {
      }
      %mul3A_294 = arith.constant 12 : i32
      %mul3A_295 = arith.muli %scan3A_97, %mul3A_294 : i32
      %add3A_296 = arith.constant 8 : i32
      %add3A_297 = arith.addi %mul3A_295, %add3A_296 : i32
      %dma_wait3A_298 = arith.constant 0 : i32
      %dma_wait3A_299 = arith.constant 0 : i32
      %dma_wait3A_300 = tpu.memref_slice %arg2[%dma_wait3A_298, %dma_wait3A_299] : memref<10000x128xf32, #tpu.memory_space<hbm>> -> memref<120x128xf32, #tpu.memory_space<hbm>>
      %dma_wait3A_301 = arith.constant 0 : i32
      %dma_wait3A_302 = arith.constant 0 : i32
      %dma_wait3A_303 = tpu.memref_slice %arg2[%dma_wait3A_301, %dma_wait3A_302] : memref<10000x128xf32, #tpu.memory_space<hbm>> -> memref<120x128xf32, #tpu.memory_space<hbm>>
      tpu.wait_dma2 semaphore(%arg20 : memref<!tpu.dma_semaphore, #tpu.memory_space<semaphore_mem>>) src(%dma_wait3A_303 : memref<120x128xf32, #tpu.memory_space<hbm>>) dst(%arg13 : memref<120x128xf32, #tpu.memory_space<vmem>>)
      %run_scoped3A_304 = arith.constant 1 : i32
      "tpu.region"() ({
        %run_scoped3A_394 = tpu.sem_alloc : memref<!tpu.dma_semaphore, #tpu.memory_space<semaphore_mem>>
        %dma_start3A_395 = arith.constant 0 : i32
        %dma_start3A_396 = tpu.memref_slice %arg7[%run_scoped3A_304, %dma_start3A_395] : memref<2x120xi32, #tpu.memory_space<vmem>> -> memref<1x120xi32, #tpu.memory_space<vmem>>
        %dma_start3A_397 = tpu.memref_squeeze %dma_start3A_396 : memref<1x120xi32, #tpu.memory_space<vmem>> -> memref<120xi32, #tpu.memory_space<vmem>>
        %dma_start3A_398 = arith.constant 0 : i32
        %dma_start3A_399 = arith.constant 0 : i32
        %dma_start3A_400 = tpu.memref_slice %arg6[%dma_start3A_398, %dma_start3A_399] : memref<10240x128xf32, #tpu.memory_space<vmem_shared>> -> memref<10240x128xf32, #tpu.memory_space<vmem_shared>>
        tpu.enqueue_indirect_dma source(%arg13 : memref<120x128xf32, #tpu.memory_space<vmem>>) target(%dma_start3A_400 : memref<10240x128xf32, #tpu.memory_space<vmem_shared>>) offsets(%dma_start3A_397 : memref<120xi32, #tpu.memory_space<vmem>>) semaphore(%run_scoped3A_394 : memref<!tpu.dma_semaphore, #tpu.memory_space<semaphore_mem>>) {add = true}
        %dma_wait3A_401 = arith.constant 0 : i32
        %dma_wait3A_402 = tpu.memref_slice %arg7[%run_scoped3A_304, %dma_wait3A_401] : memref<2x120xi32, #tpu.memory_space<vmem>> -> memref<1x120xi32, #tpu.memory_space<vmem>>
        %dma_wait3A_403 = tpu.memref_squeeze %dma_wait3A_402 : memref<1x120xi32, #tpu.memory_space<vmem>> -> memref<120xi32, #tpu.memory_space<vmem>>
        %dma_wait3A_404 = arith.constant 0 : i32
        %dma_wait3A_405 = arith.constant 0 : i32
        %dma_wait3A_406 = tpu.memref_slice %arg6[%dma_wait3A_404, %dma_wait3A_405] : memref<10240x128xf32, #tpu.memory_space<vmem_shared>> -> memref<10240x128xf32, #tpu.memory_space<vmem_shared>>
        tpu.wait_indirect_dma semaphore(%run_scoped3A_394 : memref<!tpu.dma_semaphore, #tpu.memory_space<semaphore_mem>>) src(%arg13 : memref<120x128xf32, #tpu.memory_space<vmem>>) dst(%dma_wait3A_406 : memref<10240x128xf32, #tpu.memory_space<vmem_shared>>)
        tpu.yield
      }) : () -> ()
      %add3A_305 = arith.constant 4 : i32
      %add3A_306 = arith.addi %add3A_297, %add3A_305 : i32
      %lt3A_307 = arith.constant 84 : i32
      %lt3A_308 = arith.cmpi slt, %add3A_306, %lt3A_307 : i32
      %convert_element_type3A_309 = arith.extui %lt3A_308 : i1 to i32
      %cond3A_310 = arith.constant 0 : i32
      %cond3A_311 = arith.cmpi ne, %convert_element_type3A_309, %cond3A_310 : i32
      scf.if %cond3A_311 {
        %add3A_394 = arith.addi %mul3A_4, %add3A_297 : i32
        %add3A_395 = arith.constant 4 : i32
        %add3A_396 = arith.addi %add3A_394, %add3A_395 : i32
        %dma_start3A_397 = arith.constant 0 : i32
        %dma_start3A_398 = arith.constant 0 : i32
        %dma_start3A_399 = tpu.memref_slice %arg3[%add3A_396, %dma_start3A_397, %dma_start3A_398] : memref<2688x2x120xi32, #tpu.memory_space<hbm>> -> memref<1x2x120xi32, #tpu.memory_space<hbm>>
        %dma_start3A_400 = tpu.memref_squeeze %dma_start3A_399 : memref<1x2x120xi32, #tpu.memory_space<hbm>> -> memref<2x120xi32, #tpu.memory_space<hbm>>
        %dma_start3A_401 = arith.constant 0 : i32
        %dma_start3A_402 = arith.constant 0 : i32
        %dma_start3A_403 = tpu.memref_slice %arg3[%add3A_396, %dma_start3A_401, %dma_start3A_402] : memref<2688x2x120xi32, #tpu.memory_space<hbm>> -> memref<1x2x120xi32, #tpu.memory_space<hbm>>
        %dma_start3A_404 = tpu.memref_squeeze %dma_start3A_403 : memref<1x2x120xi32, #tpu.memory_space<hbm>> -> memref<2x120xi32, #tpu.memory_space<hbm>>
        tpu.enqueue_dma source(%dma_start3A_404 : memref<2x120xi32, #tpu.memory_space<hbm>>) target(%arg7 : memref<2x120xi32, #tpu.memory_space<vmem>>) target_semaphore(%arg14 : memref<!tpu.dma_semaphore, #tpu.memory_space<semaphore_mem>>)
      } else {
      }
      %add3A_312 = arith.constant 3 : i32
      %add3A_313 = arith.addi %add3A_297, %add3A_312 : i32
      %lt3A_314 = arith.constant 84 : i32
      %lt3A_315 = arith.cmpi slt, %add3A_313, %lt3A_314 : i32
      %convert_element_type3A_316 = arith.extui %lt3A_315 : i1 to i32
      %cond3A_317 = arith.constant 0 : i32
      %cond3A_318 = arith.cmpi ne, %convert_element_type3A_316, %cond3A_317 : i32
      scf.if %cond3A_318 {
        %dma_wait3A_394 = arith.constant 0 : i32
        %dma_wait3A_395 = arith.constant 0 : i32
        %dma_wait3A_396 = arith.constant 0 : i32
        %dma_wait3A_397 = tpu.memref_slice %arg3[%dma_wait3A_394, %dma_wait3A_395, %dma_wait3A_396] : memref<2688x2x120xi32, #tpu.memory_space<hbm>> -> memref<1x2x120xi32, #tpu.memory_space<hbm>>
        %dma_wait3A_398 = tpu.memref_squeeze %dma_wait3A_397 : memref<1x2x120xi32, #tpu.memory_space<hbm>> -> memref<2x120xi32, #tpu.memory_space<hbm>>
        %dma_wait3A_399 = arith.constant 0 : i32
        %dma_wait3A_400 = arith.constant 0 : i32
        %dma_wait3A_401 = tpu.memref_slice %arg3[%dma_wait3A_394, %dma_wait3A_399, %dma_wait3A_400] : memref<2688x2x120xi32, #tpu.memory_space<hbm>> -> memref<1x2x120xi32, #tpu.memory_space<hbm>>
        %dma_wait3A_402 = tpu.memref_squeeze %dma_wait3A_401 : memref<1x2x120xi32, #tpu.memory_space<hbm>> -> memref<2x120xi32, #tpu.memory_space<hbm>>
        tpu.wait_dma2 semaphore(%arg17 : memref<!tpu.dma_semaphore, #tpu.memory_space<semaphore_mem>>) src(%dma_wait3A_402 : memref<2x120xi32, #tpu.memory_space<hbm>>) dst(%arg10 : memref<2x120xi32, #tpu.memory_space<vmem>>)
        %dma_start3A_403 = arith.constant 0 : i32
        %dma_start3A_404 = arith.constant 0 : i32
        %dma_start3A_405 = tpu.memref_slice %arg10[%dma_start3A_403, %dma_start3A_404] : memref<2x120xi32, #tpu.memory_space<vmem>> -> memref<1x120xi32, #tpu.memory_space<vmem>>
        %dma_start3A_406 = tpu.memref_squeeze %dma_start3A_405 : memref<1x120xi32, #tpu.memory_space<vmem>> -> memref<120xi32, #tpu.memory_space<vmem>>
        %dma_start3A_407 = arith.constant 0 : i32
        %dma_start3A_408 = arith.constant 0 : i32
        %dma_start3A_409 = tpu.memref_slice %arg2[%dma_start3A_407, %dma_start3A_408] : memref<10000x128xf32, #tpu.memory_space<hbm>> -> memref<10000x128xf32, #tpu.memory_space<hbm>>
        tpu.enqueue_indirect_dma source(%dma_start3A_409 : memref<10000x128xf32, #tpu.memory_space<hbm>>) target(%arg13 : memref<120x128xf32, #tpu.memory_space<vmem>>) offsets(%dma_start3A_406 : memref<120xi32, #tpu.memory_space<vmem>>) semaphore(%arg20 : memref<!tpu.dma_semaphore, #tpu.memory_space<semaphore_mem>>)
      } else {
      }
      %mul3A_319 = arith.constant 12 : i32
      %mul3A_320 = arith.muli %scan3A_97, %mul3A_319 : i32
      %add3A_321 = arith.constant 9 : i32
      %add3A_322 = arith.addi %mul3A_320, %add3A_321 : i32
      %dma_wait3A_323 = arith.constant 0 : i32
      %dma_wait3A_324 = arith.constant 0 : i32
      %dma_wait3A_325 = tpu.memref_slice %arg2[%dma_wait3A_323, %dma_wait3A_324] : memref<10000x128xf32, #tpu.memory_space<hbm>> -> memref<120x128xf32, #tpu.memory_space<hbm>>
      %dma_wait3A_326 = arith.constant 0 : i32
      %dma_wait3A_327 = arith.constant 0 : i32
      %dma_wait3A_328 = tpu.memref_slice %arg2[%dma_wait3A_326, %dma_wait3A_327] : memref<10000x128xf32, #tpu.memory_space<hbm>> -> memref<120x128xf32, #tpu.memory_space<hbm>>
      tpu.wait_dma2 semaphore(%arg18 : memref<!tpu.dma_semaphore, #tpu.memory_space<semaphore_mem>>) src(%dma_wait3A_328 : memref<120x128xf32, #tpu.memory_space<hbm>>) dst(%arg11 : memref<120x128xf32, #tpu.memory_space<vmem>>)
      %run_scoped3A_329 = arith.constant 1 : i32
      "tpu.region"() ({
        %run_scoped3A_394 = tpu.sem_alloc : memref<!tpu.dma_semaphore, #tpu.memory_space<semaphore_mem>>
        %dma_start3A_395 = arith.constant 0 : i32
        %dma_start3A_396 = tpu.memref_slice %arg8[%run_scoped3A_329, %dma_start3A_395] : memref<2x120xi32, #tpu.memory_space<vmem>> -> memref<1x120xi32, #tpu.memory_space<vmem>>
        %dma_start3A_397 = tpu.memref_squeeze %dma_start3A_396 : memref<1x120xi32, #tpu.memory_space<vmem>> -> memref<120xi32, #tpu.memory_space<vmem>>
        %dma_start3A_398 = arith.constant 0 : i32
        %dma_start3A_399 = arith.constant 0 : i32
        %dma_start3A_400 = tpu.memref_slice %arg6[%dma_start3A_398, %dma_start3A_399] : memref<10240x128xf32, #tpu.memory_space<vmem_shared>> -> memref<10240x128xf32, #tpu.memory_space<vmem_shared>>
        tpu.enqueue_indirect_dma source(%arg11 : memref<120x128xf32, #tpu.memory_space<vmem>>) target(%dma_start3A_400 : memref<10240x128xf32, #tpu.memory_space<vmem_shared>>) offsets(%dma_start3A_397 : memref<120xi32, #tpu.memory_space<vmem>>) semaphore(%run_scoped3A_394 : memref<!tpu.dma_semaphore, #tpu.memory_space<semaphore_mem>>) {add = true}
        %dma_wait3A_401 = arith.constant 0 : i32
        %dma_wait3A_402 = tpu.memref_slice %arg8[%run_scoped3A_329, %dma_wait3A_401] : memref<2x120xi32, #tpu.memory_space<vmem>> -> memref<1x120xi32, #tpu.memory_space<vmem>>
        %dma_wait3A_403 = tpu.memref_squeeze %dma_wait3A_402 : memref<1x120xi32, #tpu.memory_space<vmem>> -> memref<120xi32, #tpu.memory_space<vmem>>
        %dma_wait3A_404 = arith.constant 0 : i32
        %dma_wait3A_405 = arith.constant 0 : i32
        %dma_wait3A_406 = tpu.memref_slice %arg6[%dma_wait3A_404, %dma_wait3A_405] : memref<10240x128xf32, #tpu.memory_space<vmem_shared>> -> memref<10240x128xf32, #tpu.memory_space<vmem_shared>>
        tpu.wait_indirect_dma semaphore(%run_scoped3A_394 : memref<!tpu.dma_semaphore, #tpu.memory_space<semaphore_mem>>) src(%arg11 : memref<120x128xf32, #tpu.memory_space<vmem>>) dst(%dma_wait3A_406 : memref<10240x128xf32, #tpu.memory_space<vmem_shared>>)
        tpu.yield
      }) : () -> ()
      %add3A_330 = arith.constant 4 : i32
      %add3A_331 = arith.addi %add3A_322, %add3A_330 : i32
      %lt3A_332 = arith.constant 84 : i32
      %lt3A_333 = arith.cmpi slt, %add3A_331, %lt3A_332 : i32
      %convert_element_type3A_334 = arith.extui %lt3A_333 : i1 to i32
      %cond3A_335 = arith.constant 0 : i32
      %cond3A_336 = arith.cmpi ne, %convert_element_type3A_334, %cond3A_335 : i32
      scf.if %cond3A_336 {
        %add3A_394 = arith.addi %mul3A_4, %add3A_322 : i32
        %add3A_395 = arith.constant 4 : i32
        %add3A_396 = arith.addi %add3A_394, %add3A_395 : i32
        %dma_start3A_397 = arith.constant 0 : i32
        %dma_start3A_398 = arith.constant 0 : i32
        %dma_start3A_399 = tpu.memref_slice %arg3[%add3A_396, %dma_start3A_397, %dma_start3A_398] : memref<2688x2x120xi32, #tpu.memory_space<hbm>> -> memref<1x2x120xi32, #tpu.memory_space<hbm>>
        %dma_start3A_400 = tpu.memref_squeeze %dma_start3A_399 : memref<1x2x120xi32, #tpu.memory_space<hbm>> -> memref<2x120xi32, #tpu.memory_space<hbm>>
        %dma_start3A_401 = arith.constant 0 : i32
        %dma_start3A_402 = arith.constant 0 : i32
        %dma_start3A_403 = tpu.memref_slice %arg3[%add3A_396, %dma_start3A_401, %dma_start3A_402] : memref<2688x2x120xi32, #tpu.memory_space<hbm>> -> memref<1x2x120xi32, #tpu.memory_space<hbm>>
        %dma_start3A_404 = tpu.memref_squeeze %dma_start3A_403 : memref<1x2x120xi32, #tpu.memory_space<hbm>> -> memref<2x120xi32, #tpu.memory_space<hbm>>
        tpu.enqueue_dma source(%dma_start3A_404 : memref<2x120xi32, #tpu.memory_space<hbm>>) target(%arg8 : memref<2x120xi32, #tpu.memory_space<vmem>>) target_semaphore(%arg15 : memref<!tpu.dma_semaphore, #tpu.memory_space<semaphore_mem>>)
      } else {
      }
      %add3A_337 = arith.constant 3 : i32
      %add3A_338 = arith.addi %add3A_322, %add3A_337 : i32
      %lt3A_339 = arith.constant 84 : i32
      %lt3A_340 = arith.cmpi slt, %add3A_338, %lt3A_339 : i32
      %convert_element_type3A_341 = arith.extui %lt3A_340 : i1 to i32
      %cond3A_342 = arith.constant 0 : i32
      %cond3A_343 = arith.cmpi ne, %convert_element_type3A_341, %cond3A_342 : i32
      scf.if %cond3A_343 {
        %dma_wait3A_394 = arith.constant 0 : i32
        %dma_wait3A_395 = arith.constant 0 : i32
        %dma_wait3A_396 = arith.constant 0 : i32
        %dma_wait3A_397 = tpu.memref_slice %arg3[%dma_wait3A_394, %dma_wait3A_395, %dma_wait3A_396] : memref<2688x2x120xi32, #tpu.memory_space<hbm>> -> memref<1x2x120xi32, #tpu.memory_space<hbm>>
        %dma_wait3A_398 = tpu.memref_squeeze %dma_wait3A_397 : memref<1x2x120xi32, #tpu.memory_space<hbm>> -> memref<2x120xi32, #tpu.memory_space<hbm>>
        %dma_wait3A_399 = arith.constant 0 : i32
        %dma_wait3A_400 = arith.constant 0 : i32
        %dma_wait3A_401 = tpu.memref_slice %arg3[%dma_wait3A_394, %dma_wait3A_399, %dma_wait3A_400] : memref<2688x2x120xi32, #tpu.memory_space<hbm>> -> memref<1x2x120xi32, #tpu.memory_space<hbm>>
        %dma_wait3A_402 = tpu.memref_squeeze %dma_wait3A_401 : memref<1x2x120xi32, #tpu.memory_space<hbm>> -> memref<2x120xi32, #tpu.memory_space<hbm>>
        tpu.wait_dma2 semaphore(%arg14 : memref<!tpu.dma_semaphore, #tpu.memory_space<semaphore_mem>>) src(%dma_wait3A_402 : memref<2x120xi32, #tpu.memory_space<hbm>>) dst(%arg7 : memref<2x120xi32, #tpu.memory_space<vmem>>)
        %dma_start3A_403 = arith.constant 0 : i32
        %dma_start3A_404 = arith.constant 0 : i32
        %dma_start3A_405 = tpu.memref_slice %arg7[%dma_start3A_403, %dma_start3A_404] : memref<2x120xi32, #tpu.memory_space<vmem>> -> memref<1x120xi32, #tpu.memory_space<vmem>>
        %dma_start3A_406 = tpu.memref_squeeze %dma_start3A_405 : memref<1x120xi32, #tpu.memory_space<vmem>> -> memref<120xi32, #tpu.memory_space<vmem>>
        %dma_start3A_407 = arith.constant 0 : i32
        %dma_start3A_408 = arith.constant 0 : i32
        %dma_start3A_409 = tpu.memref_slice %arg2[%dma_start3A_407, %dma_start3A_408] : memref<10000x128xf32, #tpu.memory_space<hbm>> -> memref<10000x128xf32, #tpu.memory_space<hbm>>
        tpu.enqueue_indirect_dma source(%dma_start3A_409 : memref<10000x128xf32, #tpu.memory_space<hbm>>) target(%arg11 : memref<120x128xf32, #tpu.memory_space<vmem>>) offsets(%dma_start3A_406 : memref<120xi32, #tpu.memory_space<vmem>>) semaphore(%arg18 : memref<!tpu.dma_semaphore, #tpu.memory_space<semaphore_mem>>)
      } else {
      }
      %mul3A_344 = arith.constant 12 : i32
      %mul3A_345 = arith.muli %scan3A_97, %mul3A_344 : i32
      %add3A_346 = arith.constant 10 : i32
      %add3A_347 = arith.addi %mul3A_345, %add3A_346 : i32
      %dma_wait3A_348 = arith.constant 0 : i32
      %dma_wait3A_349 = arith.constant 0 : i32
      %dma_wait3A_350 = tpu.memref_slice %arg2[%dma_wait3A_348, %dma_wait3A_349] : memref<10000x128xf32, #tpu.memory_space<hbm>> -> memref<120x128xf32, #tpu.memory_space<hbm>>
      %dma_wait3A_351 = arith.constant 0 : i32
      %dma_wait3A_352 = arith.constant 0 : i32
      %dma_wait3A_353 = tpu.memref_slice %arg2[%dma_wait3A_351, %dma_wait3A_352] : memref<10000x128xf32, #tpu.memory_space<hbm>> -> memref<120x128xf32, #tpu.memory_space<hbm>>
      tpu.wait_dma2 semaphore(%arg19 : memref<!tpu.dma_semaphore, #tpu.memory_space<semaphore_mem>>) src(%dma_wait3A_353 : memref<120x128xf32, #tpu.memory_space<hbm>>) dst(%arg12 : memref<120x128xf32, #tpu.memory_space<vmem>>)
      %run_scoped3A_354 = arith.constant 1 : i32
      "tpu.region"() ({
        %run_scoped3A_394 = tpu.sem_alloc : memref<!tpu.dma_semaphore, #tpu.memory_space<semaphore_mem>>
        %dma_start3A_395 = arith.constant 0 : i32
        %dma_start3A_396 = tpu.memref_slice %arg9[%run_scoped3A_354, %dma_start3A_395] : memref<2x120xi32, #tpu.memory_space<vmem>> -> memref<1x120xi32, #tpu.memory_space<vmem>>
        %dma_start3A_397 = tpu.memref_squeeze %dma_start3A_396 : memref<1x120xi32, #tpu.memory_space<vmem>> -> memref<120xi32, #tpu.memory_space<vmem>>
        %dma_start3A_398 = arith.constant 0 : i32
        %dma_start3A_399 = arith.constant 0 : i32
        %dma_start3A_400 = tpu.memref_slice %arg6[%dma_start3A_398, %dma_start3A_399] : memref<10240x128xf32, #tpu.memory_space<vmem_shared>> -> memref<10240x128xf32, #tpu.memory_space<vmem_shared>>
        tpu.enqueue_indirect_dma source(%arg12 : memref<120x128xf32, #tpu.memory_space<vmem>>) target(%dma_start3A_400 : memref<10240x128xf32, #tpu.memory_space<vmem_shared>>) offsets(%dma_start3A_397 : memref<120xi32, #tpu.memory_space<vmem>>) semaphore(%run_scoped3A_394 : memref<!tpu.dma_semaphore, #tpu.memory_space<semaphore_mem>>) {add = true}
        %dma_wait3A_401 = arith.constant 0 : i32
        %dma_wait3A_402 = tpu.memref_slice %arg9[%run_scoped3A_354, %dma_wait3A_401] : memref<2x120xi32, #tpu.memory_space<vmem>> -> memref<1x120xi32, #tpu.memory_space<vmem>>
        %dma_wait3A_403 = tpu.memref_squeeze %dma_wait3A_402 : memref<1x120xi32, #tpu.memory_space<vmem>> -> memref<120xi32, #tpu.memory_space<vmem>>
        %dma_wait3A_404 = arith.constant 0 : i32
        %dma_wait3A_405 = arith.constant 0 : i32
        %dma_wait3A_406 = tpu.memref_slice %arg6[%dma_wait3A_404, %dma_wait3A_405] : memref<10240x128xf32, #tpu.memory_space<vmem_shared>> -> memref<10240x128xf32, #tpu.memory_space<vmem_shared>>
        tpu.wait_indirect_dma semaphore(%run_scoped3A_394 : memref<!tpu.dma_semaphore, #tpu.memory_space<semaphore_mem>>) src(%arg12 : memref<120x128xf32, #tpu.memory_space<vmem>>) dst(%dma_wait3A_406 : memref<10240x128xf32, #tpu.memory_space<vmem_shared>>)
        tpu.yield
      }) : () -> ()
      %add3A_355 = arith.constant 4 : i32
      %add3A_356 = arith.addi %add3A_347, %add3A_355 : i32
      %lt3A_357 = arith.constant 84 : i32
      %lt3A_358 = arith.cmpi slt, %add3A_356, %lt3A_357 : i32
      %convert_element_type3A_359 = arith.extui %lt3A_358 : i1 to i32
      %cond3A_360 = arith.constant 0 : i32
      %cond3A_361 = arith.cmpi ne, %convert_element_type3A_359, %cond3A_360 : i32
      scf.if %cond3A_361 {
        %add3A_394 = arith.addi %mul3A_4, %add3A_347 : i32
        %add3A_395 = arith.constant 4 : i32
        %add3A_396 = arith.addi %add3A_394, %add3A_395 : i32
        %dma_start3A_397 = arith.constant 0 : i32
        %dma_start3A_398 = arith.constant 0 : i32
        %dma_start3A_399 = tpu.memref_slice %arg3[%add3A_396, %dma_start3A_397, %dma_start3A_398] : memref<2688x2x120xi32, #tpu.memory_space<hbm>> -> memref<1x2x120xi32, #tpu.memory_space<hbm>>
        %dma_start3A_400 = tpu.memref_squeeze %dma_start3A_399 : memref<1x2x120xi32, #tpu.memory_space<hbm>> -> memref<2x120xi32, #tpu.memory_space<hbm>>
        %dma_start3A_401 = arith.constant 0 : i32
        %dma_start3A_402 = arith.constant 0 : i32
        %dma_start3A_403 = tpu.memref_slice %arg3[%add3A_396, %dma_start3A_401, %dma_start3A_402] : memref<2688x2x120xi32, #tpu.memory_space<hbm>> -> memref<1x2x120xi32, #tpu.memory_space<hbm>>
        %dma_start3A_404 = tpu.memref_squeeze %dma_start3A_403 : memref<1x2x120xi32, #tpu.memory_space<hbm>> -> memref<2x120xi32, #tpu.memory_space<hbm>>
        tpu.enqueue_dma source(%dma_start3A_404 : memref<2x120xi32, #tpu.memory_space<hbm>>) target(%arg9 : memref<2x120xi32, #tpu.memory_space<vmem>>) target_semaphore(%arg16 : memref<!tpu.dma_semaphore, #tpu.memory_space<semaphore_mem>>)
      } else {
      }
      %add3A_362 = arith.constant 3 : i32
      %add3A_363 = arith.addi %add3A_347, %add3A_362 : i32
      %lt3A_364 = arith.constant 84 : i32
      %lt3A_365 = arith.cmpi slt, %add3A_363, %lt3A_364 : i32
      %convert_element_type3A_366 = arith.extui %lt3A_365 : i1 to i32
      %cond3A_367 = arith.constant 0 : i32
      %cond3A_368 = arith.cmpi ne, %convert_element_type3A_366, %cond3A_367 : i32
      scf.if %cond3A_368 {
        %dma_wait3A_394 = arith.constant 0 : i32
        %dma_wait3A_395 = arith.constant 0 : i32
        %dma_wait3A_396 = arith.constant 0 : i32
        %dma_wait3A_397 = tpu.memref_slice %arg3[%dma_wait3A_394, %dma_wait3A_395, %dma_wait3A_396] : memref<2688x2x120xi32, #tpu.memory_space<hbm>> -> memref<1x2x120xi32, #tpu.memory_space<hbm>>
        %dma_wait3A_398 = tpu.memref_squeeze %dma_wait3A_397 : memref<1x2x120xi32, #tpu.memory_space<hbm>> -> memref<2x120xi32, #tpu.memory_space<hbm>>
        %dma_wait3A_399 = arith.constant 0 : i32
        %dma_wait3A_400 = arith.constant 0 : i32
        %dma_wait3A_401 = tpu.memref_slice %arg3[%dma_wait3A_394, %dma_wait3A_399, %dma_wait3A_400] : memref<2688x2x120xi32, #tpu.memory_space<hbm>> -> memref<1x2x120xi32, #tpu.memory_space<hbm>>
        %dma_wait3A_402 = tpu.memref_squeeze %dma_wait3A_401 : memref<1x2x120xi32, #tpu.memory_space<hbm>> -> memref<2x120xi32, #tpu.memory_space<hbm>>
        tpu.wait_dma2 semaphore(%arg15 : memref<!tpu.dma_semaphore, #tpu.memory_space<semaphore_mem>>) src(%dma_wait3A_402 : memref<2x120xi32, #tpu.memory_space<hbm>>) dst(%arg8 : memref<2x120xi32, #tpu.memory_space<vmem>>)
        %dma_start3A_403 = arith.constant 0 : i32
        %dma_start3A_404 = arith.constant 0 : i32
        %dma_start3A_405 = tpu.memref_slice %arg8[%dma_start3A_403, %dma_start3A_404] : memref<2x120xi32, #tpu.memory_space<vmem>> -> memref<1x120xi32, #tpu.memory_space<vmem>>
        %dma_start3A_406 = tpu.memref_squeeze %dma_start3A_405 : memref<1x120xi32, #tpu.memory_space<vmem>> -> memref<120xi32, #tpu.memory_space<vmem>>
        %dma_start3A_407 = arith.constant 0 : i32
        %dma_start3A_408 = arith.constant 0 : i32
        %dma_start3A_409 = tpu.memref_slice %arg2[%dma_start3A_407, %dma_start3A_408] : memref<10000x128xf32, #tpu.memory_space<hbm>> -> memref<10000x128xf32, #tpu.memory_space<hbm>>
        tpu.enqueue_indirect_dma source(%dma_start3A_409 : memref<10000x128xf32, #tpu.memory_space<hbm>>) target(%arg12 : memref<120x128xf32, #tpu.memory_space<vmem>>) offsets(%dma_start3A_406 : memref<120xi32, #tpu.memory_space<vmem>>) semaphore(%arg19 : memref<!tpu.dma_semaphore, #tpu.memory_space<semaphore_mem>>)
      } else {
      }
      %mul3A_369 = arith.constant 12 : i32
      %mul3A_370 = arith.muli %scan3A_97, %mul3A_369 : i32
      %add3A_371 = arith.constant 11 : i32
      %add3A_372 = arith.addi %mul3A_370, %add3A_371 : i32
      %dma_wait3A_373 = arith.constant 0 : i32
      %dma_wait3A_374 = arith.constant 0 : i32
      %dma_wait3A_375 = tpu.memref_slice %arg2[%dma_wait3A_373, %dma_wait3A_374] : memref<10000x128xf32, #tpu.memory_space<hbm>> -> memref<120x128xf32, #tpu.memory_space<hbm>>
      %dma_wait3A_376 = arith.constant 0 : i32
      %dma_wait3A_377 = arith.constant 0 : i32
      %dma_wait3A_378 = tpu.memref_slice %arg2[%dma_wait3A_376, %dma_wait3A_377] : memref<10000x128xf32, #tpu.memory_space<hbm>> -> memref<120x128xf32, #tpu.memory_space<hbm>>
      tpu.wait_dma2 semaphore(%arg20 : memref<!tpu.dma_semaphore, #tpu.memory_space<semaphore_mem>>) src(%dma_wait3A_378 : memref<120x128xf32, #tpu.memory_space<hbm>>) dst(%arg13 : memref<120x128xf32, #tpu.memory_space<vmem>>)
      %run_scoped3A_379 = arith.constant 1 : i32
      "tpu.region"() ({
        %run_scoped3A_394 = tpu.sem_alloc : memref<!tpu.dma_semaphore, #tpu.memory_space<semaphore_mem>>
        %dma_start3A_395 = arith.constant 0 : i32
        %dma_start3A_396 = tpu.memref_slice %arg10[%run_scoped3A_379, %dma_start3A_395] : memref<2x120xi32, #tpu.memory_space<vmem>> -> memref<1x120xi32, #tpu.memory_space<vmem>>
        %dma_start3A_397 = tpu.memref_squeeze %dma_start3A_396 : memref<1x120xi32, #tpu.memory_space<vmem>> -> memref<120xi32, #tpu.memory_space<vmem>>
        %dma_start3A_398 = arith.constant 0 : i32
        %dma_start3A_399 = arith.constant 0 : i32
        %dma_start3A_400 = tpu.memref_slice %arg6[%dma_start3A_398, %dma_start3A_399] : memref<10240x128xf32, #tpu.memory_space<vmem_shared>> -> memref<10240x128xf32, #tpu.memory_space<vmem_shared>>
        tpu.enqueue_indirect_dma source(%arg13 : memref<120x128xf32, #tpu.memory_space<vmem>>) target(%dma_start3A_400 : memref<10240x128xf32, #tpu.memory_space<vmem_shared>>) offsets(%dma_start3A_397 : memref<120xi32, #tpu.memory_space<vmem>>) semaphore(%run_scoped3A_394 : memref<!tpu.dma_semaphore, #tpu.memory_space<semaphore_mem>>) {add = true}
        %dma_wait3A_401 = arith.constant 0 : i32
        %dma_wait3A_402 = tpu.memref_slice %arg10[%run_scoped3A_379, %dma_wait3A_401] : memref<2x120xi32, #tpu.memory_space<vmem>> -> memref<1x120xi32, #tpu.memory_space<vmem>>
        %dma_wait3A_403 = tpu.memref_squeeze %dma_wait3A_402 : memref<1x120xi32, #tpu.memory_space<vmem>> -> memref<120xi32, #tpu.memory_space<vmem>>
        %dma_wait3A_404 = arith.constant 0 : i32
        %dma_wait3A_405 = arith.constant 0 : i32
        %dma_wait3A_406 = tpu.memref_slice %arg6[%dma_wait3A_404, %dma_wait3A_405] : memref<10240x128xf32, #tpu.memory_space<vmem_shared>> -> memref<10240x128xf32, #tpu.memory_space<vmem_shared>>
        tpu.wait_indirect_dma semaphore(%run_scoped3A_394 : memref<!tpu.dma_semaphore, #tpu.memory_space<semaphore_mem>>) src(%arg13 : memref<120x128xf32, #tpu.memory_space<vmem>>) dst(%dma_wait3A_406 : memref<10240x128xf32, #tpu.memory_space<vmem_shared>>)
        tpu.yield
      }) : () -> ()
      %add3A_380 = arith.constant 4 : i32
      %add3A_381 = arith.addi %add3A_372, %add3A_380 : i32
      %lt3A_382 = arith.constant 84 : i32
      %lt3A_383 = arith.cmpi slt, %add3A_381, %lt3A_382 : i32
      %convert_element_type3A_384 = arith.extui %lt3A_383 : i1 to i32
      %cond3A_385 = arith.constant 0 : i32
      %cond3A_386 = arith.cmpi ne, %convert_element_type3A_384, %cond3A_385 : i32
      scf.if %cond3A_386 {
        %add3A_394 = arith.addi %mul3A_4, %add3A_372 : i32
        %add3A_395 = arith.constant 4 : i32
        %add3A_396 = arith.addi %add3A_394, %add3A_395 : i32
        %dma_start3A_397 = arith.constant 0 : i32
        %dma_start3A_398 = arith.constant 0 : i32
        %dma_start3A_399 = tpu.memref_slice %arg3[%add3A_396, %dma_start3A_397, %dma_start3A_398] : memref<2688x2x120xi32, #tpu.memory_space<hbm>> -> memref<1x2x120xi32, #tpu.memory_space<hbm>>
        %dma_start3A_400 = tpu.memref_squeeze %dma_start3A_399 : memref<1x2x120xi32, #tpu.memory_space<hbm>> -> memref<2x120xi32, #tpu.memory_space<hbm>>
        %dma_start3A_401 = arith.constant 0 : i32
        %dma_start3A_402 = arith.constant 0 : i32
        %dma_start3A_403 = tpu.memref_slice %arg3[%add3A_396, %dma_start3A_401, %dma_start3A_402] : memref<2688x2x120xi32, #tpu.memory_space<hbm>> -> memref<1x2x120xi32, #tpu.memory_space<hbm>>
        %dma_start3A_404 = tpu.memref_squeeze %dma_start3A_403 : memref<1x2x120xi32, #tpu.memory_space<hbm>> -> memref<2x120xi32, #tpu.memory_space<hbm>>
        tpu.enqueue_dma source(%dma_start3A_404 : memref<2x120xi32, #tpu.memory_space<hbm>>) target(%arg10 : memref<2x120xi32, #tpu.memory_space<vmem>>) target_semaphore(%arg17 : memref<!tpu.dma_semaphore, #tpu.memory_space<semaphore_mem>>)
      } else {
      }
      %add3A_387 = arith.constant 3 : i32
      %add3A_388 = arith.addi %add3A_372, %add3A_387 : i32
      %lt3A_389 = arith.constant 84 : i32
      %lt3A_390 = arith.cmpi slt, %add3A_388, %lt3A_389 : i32
      %convert_element_type3A_391 = arith.extui %lt3A_390 : i1 to i32
      %cond3A_392 = arith.constant 0 : i32
      %cond3A_393 = arith.cmpi ne, %convert_element_type3A_391, %cond3A_392 : i32
      scf.if %cond3A_393 {
        %dma_wait3A_394 = arith.constant 0 : i32
        %dma_wait3A_395 = arith.constant 0 : i32
        %dma_wait3A_396 = arith.constant 0 : i32
        %dma_wait3A_397 = tpu.memref_slice %arg3[%dma_wait3A_394, %dma_wait3A_395, %dma_wait3A_396] : memref<2688x2x120xi32, #tpu.memory_space<hbm>> -> memref<1x2x120xi32, #tpu.memory_space<hbm>>
        %dma_wait3A_398 = tpu.memref_squeeze %dma_wait3A_397 : memref<1x2x120xi32, #tpu.memory_space<hbm>> -> memref<2x120xi32, #tpu.memory_space<hbm>>
        %dma_wait3A_399 = arith.constant 0 : i32
        %dma_wait3A_400 = arith.constant 0 : i32
        %dma_wait3A_401 = tpu.memref_slice %arg3[%dma_wait3A_394, %dma_wait3A_399, %dma_wait3A_400] : memref<2688x2x120xi32, #tpu.memory_space<hbm>> -> memref<1x2x120xi32, #tpu.memory_space<hbm>>
        %dma_wait3A_402 = tpu.memref_squeeze %dma_wait3A_401 : memref<1x2x120xi32, #tpu.memory_space<hbm>> -> memref<2x120xi32, #tpu.memory_space<hbm>>
        tpu.wait_dma2 semaphore(%arg16 : memref<!tpu.dma_semaphore, #tpu.memory_space<semaphore_mem>>) src(%dma_wait3A_402 : memref<2x120xi32, #tpu.memory_space<hbm>>) dst(%arg9 : memref<2x120xi32, #tpu.memory_space<vmem>>)
        %dma_start3A_403 = arith.constant 0 : i32
        %dma_start3A_404 = arith.constant 0 : i32
        %dma_start3A_405 = tpu.memref_slice %arg9[%dma_start3A_403, %dma_start3A_404] : memref<2x120xi32, #tpu.memory_space<vmem>> -> memref<1x120xi32, #tpu.memory_space<vmem>>
        %dma_start3A_406 = tpu.memref_squeeze %dma_start3A_405 : memref<1x120xi32, #tpu.memory_space<vmem>> -> memref<120xi32, #tpu.memory_space<vmem>>
        %dma_start3A_407 = arith.constant 0 : i32
        %dma_start3A_408 = arith.constant 0 : i32
        %dma_start3A_409 = tpu.memref_slice %arg2[%dma_start3A_407, %dma_start3A_408] : memref<10000x128xf32, #tpu.memory_space<hbm>> -> memref<10000x128xf32, #tpu.memory_space<hbm>>
        tpu.enqueue_indirect_dma source(%dma_start3A_409 : memref<10000x128xf32, #tpu.memory_space<hbm>>) target(%arg13 : memref<120x128xf32, #tpu.memory_space<vmem>>) offsets(%dma_start3A_406 : memref<120xi32, #tpu.memory_space<vmem>>) semaphore(%arg20 : memref<!tpu.dma_semaphore, #tpu.memory_space<semaphore_mem>>)
      } else {
      }
    }
    %scan3A_95 = arith.constant 7 : i32
    %barrier3A_96 = arith.constant 0 : index
    tpu.barrier barrier_id(%barrier3A_96)
    "tpu.region"() ({
      %run_scoped3A = tpu.sem_alloc : memref<!tpu.dma_semaphore, #tpu.memory_space<semaphore_mem>>
      %dma_start3A_97 = arith.constant 0 : i32
      %dma_start3A_98 = tpu.memref_slice %arg5[%arg0, %mul3A_2, %dma_start3A_97] : memref<2x10240x128xf32, #tpu.memory_space<hbm>> -> memref<1x640x128xf32, #tpu.memory_space<hbm>>
      %dma_start3A_99 = tpu.memref_squeeze %dma_start3A_98 : memref<1x640x128xf32, #tpu.memory_space<hbm>> -> memref<640x128xf32, #tpu.memory_space<hbm>>
      %dma_start3A_100 = arith.constant 0 : i32
      %dma_start3A_101 = tpu.memref_slice %arg6[%mul3A_2, %dma_start3A_100] : memref<10240x128xf32, #tpu.memory_space<vmem_shared>> -> memref<640x128xf32, #tpu.memory_space<vmem_shared>>
      tpu.enqueue_dma source(%dma_start3A_101 : memref<640x128xf32, #tpu.memory_space<vmem_shared>>) target(%dma_start3A_99 : memref<640x128xf32, #tpu.memory_space<hbm>>) target_semaphore(%run_scoped3A : memref<!tpu.dma_semaphore, #tpu.memory_space<semaphore_mem>>)
      %dma_wait3A_102 = arith.constant 0 : i32
      %dma_wait3A_103 = tpu.memref_slice %arg5[%arg0, %mul3A_2, %dma_wait3A_102] : memref<2x10240x128xf32, #tpu.memory_space<hbm>> -> memref<1x640x128xf32, #tpu.memory_space<hbm>>
      %dma_wait3A_104 = tpu.memref_squeeze %dma_wait3A_103 : memref<1x640x128xf32, #tpu.memory_space<hbm>> -> memref<640x128xf32, #tpu.memory_space<hbm>>
      %dma_wait3A_105 = arith.constant 0 : i32
      %dma_wait3A_106 = tpu.memref_slice %arg6[%mul3A_2, %dma_wait3A_105] : memref<10240x128xf32, #tpu.memory_space<vmem_shared>> -> memref<640x128xf32, #tpu.memory_space<vmem_shared>>
      tpu.wait_dma2 semaphore(%run_scoped3A : memref<!tpu.dma_semaphore, #tpu.memory_space<semaphore_mem>>) src(%dma_wait3A_106 : memref<640x128xf32, #tpu.memory_space<vmem_shared>>) dst(%dma_wait3A_104 : memref<640x128xf32, #tpu.memory_space<hbm>>)
      tpu.yield
    }) : () -> ()
    return
  }
}

module attributes {stable_mosaic.version = 14 : i64} {
  func.func @body(%arg0: i32, %arg1: memref<1024x128xf32, #tpu.memory_space<vmem>>, %arg2: memref<128x128xf32, #tpu.memory_space<vmem>>, %arg3: memref<1x128xf32, #tpu.memory_space<vmem>>, %arg4: memref<1024x128xf32, #tpu.memory_space<vmem>>) attributes {dimension_semantics = [#tpu.dimension_semantics<arbitrary>], iteration_bounds = array<i64: 10>, scalar_prefetch = 0 : i64, scratch_operands = 0 : i64, tpu.core_type = #tpu.core_type<tc>, window_params = [{transform_indices = @transform_0, window_bounds = array<i64: 1024, 128>}, {pipeline_mode = #tpu.pipeline_mode<synchronous>, transform_indices = @transform_1, window_bounds = array<i64: 128, 128>}, {pipeline_mode = #tpu.pipeline_mode<synchronous>, transform_indices = @transform_2, window_bounds = array<i64: 1, 128>}, {transform_indices = @transform_3, window_bounds = array<i64: 1024, 128>}]} {
    %get3A = arith.constant 0 : index
    %get3A_0 = arith.constant 0 : index
    %get3A_1 = vector.load %arg1[%get3A, %get3A_0] : memref<1024x128xf32, #tpu.memory_space<vmem>>, vector<1024x128xf32>
    %get3A_2 = arith.constant 0 : index
    %get3A_3 = arith.constant 0 : index
    %get3A_4 = vector.load %arg2[%get3A_2, %get3A_3] : memref<128x128xf32, #tpu.memory_space<vmem>>, vector<128x128xf32>
    %dot_general3A = arith.constant dense<0.000000e+00> : vector<1024x128xf32>
    %dot_general3A_5 = tpu.matmul %get3A_1, %get3A_4, %dot_general3A {dimension_numbers = #tpu.dot_dimension_numbers<[1], [0], [0], [1], [0, 0, 1, 1], [], []>, transpose_lhs_hint = false} : vector<1024x128xf32>, vector<128x128xf32>, vector<1024x128xf32> -> vector<1024x128xf32>
    %get3A_6 = arith.constant 0 : index
    %get3A_7 = arith.constant 0 : index
    %get3A_8 = vector.load %arg3[%get3A_6, %get3A_7] : memref<1x128xf32, #tpu.memory_space<vmem>>, vector<1x128xf32>
    %add3A = vector.broadcast %get3A_8 : vector<1x128xf32> to vector<1024x128xf32>
    %add3A_9 = arith.addf %dot_general3A_5, %add3A : vector<1024x128xf32>
    %swap3A = arith.constant 0 : index
    %swap3A_10 = arith.constant 0 : index
    %swap3A_11 = vector.load %arg4[%swap3A, %swap3A_10] : memref<1024x128xf32, #tpu.memory_space<vmem>>, vector<1024x128xf32>
    tpu.vector_store %arg4[%swap3A, %swap3A_10], %add3A_9 {strides = array<i32>} : memref<1024x128xf32, #tpu.memory_space<vmem>>, vector<1024x128xf32>,
    return
  }
  func.func @transform_0(%arg0: i32) -> (i32, i32) {
    %c0_i32 = arith.constant 0 : i32
    %c0_i32_0 = arith.constant 0 : i32
    return %arg0, %c0_i32 : i32, i32
  }
  func.func @transform_1(%arg0: i32) -> (i32, i32) {
    %c0_i32 = arith.constant 0 : i32
    %c0_i32_0 = arith.constant 0 : i32
    %c0_i32_1 = arith.constant 0 : i32
    return %c0_i32, %c0_i32_0 : i32, i32
  }
  func.func @transform_2(%arg0: i32) -> (i32, i32) {
    %c0_i32 = arith.constant 0 : i32
    %c0_i32_0 = arith.constant 0 : i32
    %c0_i32_1 = arith.constant 0 : i32
    return %c0_i32, %c0_i32_0 : i32, i32
  }
  func.func @transform_3(%arg0: i32) -> (i32, i32) {
    %c0_i32 = arith.constant 0 : i32
    %c0_i32_0 = arith.constant 0 : i32
    return %arg0, %c0_i32 : i32, i32
  }
}

module attributes {stable_mosaic.version = 14 : i64} {
  func.func @body(%arg0: i32, %arg1: memref<2x1024x128xf32, #tpu.memory_space<vmem>>, %arg2: memref<2x1024xf32, #tpu.memory_space<vmem>>, %arg3: memref<1024x128xf32, #tpu.memory_space<vmem>>, %arg4: memref<128x128xf32, #tpu.memory_space<vmem>>, %arg5: memref<1024x128xf32, #tpu.memory_space<vmem>>) attributes {dimension_semantics = [#tpu.dimension_semantics<arbitrary>], iteration_bounds = array<i64: 10>, scalar_prefetch = 0 : i64, scratch_operands = 0 : i64, tpu.core_type = #tpu.core_type<tc>, window_params = [{transform_indices = @transform_0, window_bounds = array<i64: 2, 1024, 128>}, {transform_indices = @transform_1, window_bounds = array<i64: 2, 1024>}, {transform_indices = @transform_2, window_bounds = array<i64: 1024, 128>}, {pipeline_mode = #tpu.pipeline_mode<synchronous>, transform_indices = @transform_3, window_bounds = array<i64: 128, 128>}, {transform_indices = @transform_4, window_bounds = array<i64: 1024, 128>}]} {
    %get3A = arith.constant 0 : index
    %get3A_0 = arith.constant 0 : index
    %get3A_1 = arith.constant 0 : index
    %get3A_2 = vector.load %arg1[%get3A, %get3A_0, %get3A_1] : memref<2x1024x128xf32, #tpu.memory_space<vmem>>, vector<1x1024x128xf32>
    %get3A_3 = vector.shape_cast %get3A_2 : vector<1x1024x128xf32> to vector<1024x128xf32>
    %get3A_4 = arith.constant 1 : index
    %get3A_5 = arith.constant 0 : index
    %get3A_6 = arith.constant 0 : index
    %get3A_7 = vector.load %arg1[%get3A_4, %get3A_5, %get3A_6] : memref<2x1024x128xf32, #tpu.memory_space<vmem>>, vector<1x1024x128xf32>
    %get3A_8 = vector.shape_cast %get3A_7 : vector<1x1024x128xf32> to vector<1024x128xf32>
    %add3A = arith.addf %get3A_3, %get3A_8 : vector<1024x128xf32>
    %get3A_9 = arith.constant 0 : index
    %get3A_10 = arith.constant 0 : index
    %get3A_11 = vector.load %arg2[%get3A_9, %get3A_10] : memref<2x1024xf32, #tpu.memory_space<vmem>>, vector<1x1024xf32>
    %get3A_12 = vector.shape_cast %get3A_11 : vector<1x1024xf32> to vector<1024xf32>
    %get3A_13 = arith.constant 1 : index
    %get3A_14 = arith.constant 0 : index
    %get3A_15 = vector.load %arg2[%get3A_13, %get3A_14] : memref<2x1024xf32, #tpu.memory_space<vmem>>, vector<1x1024xf32>
    %get3A_16 = vector.shape_cast %get3A_15 : vector<1x1024xf32> to vector<1024xf32>
    %add3A_17 = arith.addf %get3A_12, %get3A_16 : vector<1024xf32>
    %max3A = arith.constant 1.000000e+00 : f32
    %max3A_18 = vector.broadcast %max3A : f32 to vector<1024xf32>
    %max3A_19 = arith.maximumf %add3A_17, %max3A_18 : vector<1024xf32>
    %div3A = arith.constant 1.000000e+00 : f32
    %div3A_20 = vector.broadcast %div3A : f32 to vector<1024xf32>
    %div3A_21 = arith.divf %div3A_20, %max3A_19 : vector<1024xf32>
    %broadcast_in_dim3A = vector.shape_cast %div3A_21 : vector<1024xf32> to vector<1024x1xf32>
    %mul3A = vector.broadcast %broadcast_in_dim3A : vector<1024x1xf32> to vector<1024x128xf32>
    %mul3A_22 = arith.mulf %add3A, %mul3A : vector<1024x128xf32>
    %get3A_23 = arith.constant 0 : index
    %get3A_24 = arith.constant 0 : index
    %get3A_25 = vector.load %arg4[%get3A_23, %get3A_24] : memref<128x128xf32, #tpu.memory_space<vmem>>, vector<128x128xf32>
    %dot_general3A = arith.constant dense<0.000000e+00> : vector<1024x128xf32>
    %dot_general3A_26 = tpu.matmul %mul3A_22, %get3A_25, %dot_general3A {dimension_numbers = #tpu.dot_dimension_numbers<[1], [0], [0], [1], [0, 0, 1, 1], [], []>, transpose_lhs_hint = false} : vector<1024x128xf32>, vector<128x128xf32>, vector<1024x128xf32> -> vector<1024x128xf32>
    %get3A_27 = arith.constant 0 : index
    %get3A_28 = arith.constant 0 : index
    %get3A_29 = vector.load %arg3[%get3A_27, %get3A_28] : memref<1024x128xf32, #tpu.memory_space<vmem>>, vector<1024x128xf32>
    %add3A_30 = arith.addf %dot_general3A_26, %get3A_29 : vector<1024x128xf32>
    %max3A_31 = arith.constant 0.000000e+00 : f32
    %max3A_32 = vector.broadcast %max3A_31 : f32 to vector<1024x128xf32>
    %max3A_33 = arith.maximumf %add3A_30, %max3A_32 : vector<1024x128xf32>
    %swap3A = arith.constant 0 : index
    %swap3A_34 = arith.constant 0 : index
    %swap3A_35 = vector.load %arg5[%swap3A, %swap3A_34] : memref<1024x128xf32, #tpu.memory_space<vmem>>, vector<1024x128xf32>
    tpu.vector_store %arg5[%swap3A, %swap3A_34], %max3A_33 {strides = array<i32>} : memref<1024x128xf32, #tpu.memory_space<vmem>>, vector<1024x128xf32>,
    return
  }
  func.func @transform_0(%arg0: i32) -> (i32, i32, i32) {
    %c0_i32 = arith.constant 0 : i32
    %c0_i32_0 = arith.constant 0 : i32
    %c0_i32_1 = arith.constant 0 : i32
    return %c0_i32, %arg0, %c0_i32_0 : i32, i32, i32
  }
  func.func @transform_1(%arg0: i32) -> (i32, i32) {
    %c0_i32 = arith.constant 0 : i32
    %c0_i32_0 = arith.constant 0 : i32
    return %c0_i32, %arg0 : i32, i32
  }
  func.func @transform_2(%arg0: i32) -> (i32, i32) {
    %c0_i32 = arith.constant 0 : i32
    %c0_i32_0 = arith.constant 0 : i32
    return %arg0, %c0_i32 : i32, i32
  }
  func.func @transform_3(%arg0: i32) -> (i32, i32) {
    %c0_i32 = arith.constant 0 : i32
    %c0_i32_0 = arith.constant 0 : i32
    %c0_i32_1 = arith.constant 0 : i32
    return %c0_i32, %c0_i32_0 : i32, i32
  }
  func.func @transform_4(%arg0: i32) -> (i32, i32) {
    %c0_i32 = arith.constant 0 : i32
    %c0_i32_0 = arith.constant 0 : i32
    return %arg0, %c0_i32 : i32, i32
  }
}

module attributes {stable_mosaic.version = 14 : i64} {
  func.func @body(%arg0: i32, %arg1: memref<2x1024x128xf32, #tpu.memory_space<vmem>>, %arg2: memref<2x1024xf32, #tpu.memory_space<vmem>>, %arg3: memref<1024x128xf32, #tpu.memory_space<vmem>>, %arg4: memref<128x128xf32, #tpu.memory_space<vmem>>, %arg5: memref<1024x128xf32, #tpu.memory_space<vmem>>) attributes {dimension_semantics = [#tpu.dimension_semantics<arbitrary>], iteration_bounds = array<i64: 10>, scalar_prefetch = 0 : i64, scratch_operands = 0 : i64, tpu.core_type = #tpu.core_type<tc>, window_params = [{transform_indices = @transform_0, window_bounds = array<i64: 2, 1024, 128>}, {transform_indices = @transform_1, window_bounds = array<i64: 2, 1024>}, {transform_indices = @transform_2, window_bounds = array<i64: 1024, 128>}, {pipeline_mode = #tpu.pipeline_mode<synchronous>, transform_indices = @transform_3, window_bounds = array<i64: 128, 128>}, {transform_indices = @transform_4, window_bounds = array<i64: 1024, 128>}]} {
    %get3A = arith.constant 0 : index
    %get3A_0 = arith.constant 0 : index
    %get3A_1 = arith.constant 0 : index
    %get3A_2 = vector.load %arg1[%get3A, %get3A_0, %get3A_1] : memref<2x1024x128xf32, #tpu.memory_space<vmem>>, vector<1x1024x128xf32>
    %get3A_3 = vector.shape_cast %get3A_2 : vector<1x1024x128xf32> to vector<1024x128xf32>
    %get3A_4 = arith.constant 1 : index
    %get3A_5 = arith.constant 0 : index
    %get3A_6 = arith.constant 0 : index
    %get3A_7 = vector.load %arg1[%get3A_4, %get3A_5, %get3A_6] : memref<2x1024x128xf32, #tpu.memory_space<vmem>>, vector<1x1024x128xf32>
    %get3A_8 = vector.shape_cast %get3A_7 : vector<1x1024x128xf32> to vector<1024x128xf32>
    %add3A = arith.addf %get3A_3, %get3A_8 : vector<1024x128xf32>
    %get3A_9 = arith.constant 0 : index
    %get3A_10 = arith.constant 0 : index
    %get3A_11 = vector.load %arg2[%get3A_9, %get3A_10] : memref<2x1024xf32, #tpu.memory_space<vmem>>, vector<1x1024xf32>
    %get3A_12 = vector.shape_cast %get3A_11 : vector<1x1024xf32> to vector<1024xf32>
    %get3A_13 = arith.constant 1 : index
    %get3A_14 = arith.constant 0 : index
    %get3A_15 = vector.load %arg2[%get3A_13, %get3A_14] : memref<2x1024xf32, #tpu.memory_space<vmem>>, vector<1x1024xf32>
    %get3A_16 = vector.shape_cast %get3A_15 : vector<1x1024xf32> to vector<1024xf32>
    %add3A_17 = arith.addf %get3A_12, %get3A_16 : vector<1024xf32>
    %max3A = arith.constant 1.000000e+00 : f32
    %max3A_18 = vector.broadcast %max3A : f32 to vector<1024xf32>
    %max3A_19 = arith.maximumf %add3A_17, %max3A_18 : vector<1024xf32>
    %div3A = arith.constant 1.000000e+00 : f32
    %div3A_20 = vector.broadcast %div3A : f32 to vector<1024xf32>
    %div3A_21 = arith.divf %div3A_20, %max3A_19 : vector<1024xf32>
    %broadcast_in_dim3A = vector.shape_cast %div3A_21 : vector<1024xf32> to vector<1024x1xf32>
    %mul3A = vector.broadcast %broadcast_in_dim3A : vector<1024x1xf32> to vector<1024x128xf32>
    %mul3A_22 = arith.mulf %add3A, %mul3A : vector<1024x128xf32>
    %get3A_23 = arith.constant 0 : index
    %get3A_24 = arith.constant 0 : index
    %get3A_25 = vector.load %arg4[%get3A_23, %get3A_24] : memref<128x128xf32, #tpu.memory_space<vmem>>, vector<128x128xf32>
    %dot_general3A = arith.constant dense<0.000000e+00> : vector<1024x128xf32>
    %dot_general3A_26 = tpu.matmul %mul3A_22, %get3A_25, %dot_general3A {dimension_numbers = #tpu.dot_dimension_numbers<[1], [0], [0], [1], [0, 0, 1, 1], [], []>, transpose_lhs_hint = false} : vector<1024x128xf32>, vector<128x128xf32>, vector<1024x128xf32> -> vector<1024x128xf32>
    %get3A_27 = arith.constant 0 : index
    %get3A_28 = arith.constant 0 : index
    %get3A_29 = vector.load %arg3[%get3A_27, %get3A_28] : memref<1024x128xf32, #tpu.memory_space<vmem>>, vector<1024x128xf32>
    %add3A_30 = arith.addf %dot_general3A_26, %get3A_29 : vector<1024x128xf32>
    %max3A_31 = arith.constant 0.000000e+00 : f32
    %max3A_32 = vector.broadcast %max3A_31 : f32 to vector<1024x128xf32>
    %max3A_33 = arith.maximumf %add3A_30, %max3A_32 : vector<1024x128xf32>
    %swap3A = arith.constant 0 : index
    %swap3A_34 = arith.constant 0 : index
    %swap3A_35 = vector.load %arg5[%swap3A, %swap3A_34] : memref<1024x128xf32, #tpu.memory_space<vmem>>, vector<1024x128xf32>
    tpu.vector_store %arg5[%swap3A, %swap3A_34], %max3A_33 {strides = array<i32>} : memref<1024x128xf32, #tpu.memory_space<vmem>>, vector<1024x128xf32>,
    return
  }
  func.func @transform_0(%arg0: i32) -> (i32, i32, i32) {
    %c0_i32 = arith.constant 0 : i32
    %c0_i32_0 = arith.constant 0 : i32
    %c0_i32_1 = arith.constant 0 : i32
    return %c0_i32, %arg0, %c0_i32_0 : i32, i32, i32
  }
  func.func @transform_1(%arg0: i32) -> (i32, i32) {
    %c0_i32 = arith.constant 0 : i32
    %c0_i32_0 = arith.constant 0 : i32
    return %c0_i32, %arg0 : i32, i32
  }
  func.func @transform_2(%arg0: i32) -> (i32, i32) {
    %c0_i32 = arith.constant 0 : i32
    %c0_i32_0 = arith.constant 0 : i32
    return %arg0, %c0_i32 : i32, i32
  }
  func.func @transform_3(%arg0: i32) -> (i32, i32) {
    %c0_i32 = arith.constant 0 : i32
    %c0_i32_0 = arith.constant 0 : i32
    %c0_i32_1 = arith.constant 0 : i32
    return %c0_i32, %c0_i32_0 : i32, i32
  }
  func.func @transform_4(%arg0: i32) -> (i32, i32) {
    %c0_i32 = arith.constant 0 : i32
    %c0_i32_0 = arith.constant 0 : i32
    return %arg0, %c0_i32 : i32, i32
  }
}

</mosaic_0001>

<sc_bundles>
// kernel: kernel.11.cloned.1.call-start
scs
__scs_entry_jumppad:
0x0: {  	(pc) =	sbr.rel $0x88, $3  }
0x1: {  	(tag) =	ssettag $0x0;
	lr =	simm.s32 $0x1  }
0x2: {  	[smem:$0x3F99] =	sst lr;
	_ =	strace $0xD0000000  }
0x3: {  	_ = 	snop  }
0x4: {  	_ = 	snop  }
0x5: {  	_ = 	snop  }
0x6: {  	_ = 	snop  }
0x7: {  	_ = 	snop  }
__scs_overlays_trampoline_lowered:
0x8: {  	[smem:$0x3FA8] =	sst s0  }
0x9: {  	[smem:$0x3FA9] =	sst s1  }
0xa: {  	[smem:$0x3FAA] =	sst s2  }
0xb: {  	[smem:$0x3FAB] =	sst s3  }
0xc: {  	[smem:$0x3FAC] =	sst s4  }
0xd: {  	[smem:$0x3FAD] =	sst s5  }
0xe: {  	[smem:$0x3FAE] =	sst s6  }
0xf: {  	[smem:$0x3FAF] =	sst s7  }
0x10: {  	[smem:$0x3FB0] =	sst s8  }
0x11: {  	[smem:$0x3FB1] =	sst s9;
	s0 =	simm.s32 @!p0 $0x0  }
0x12: {  	s1 =	sld [smem:$0x3F97];
	s0 =	simm.s32 @p0 $0x1  }
0x13: {  	[smem:$0x3FB2] =	sst s0;
	s0 =	simm.s32 @!p1 $0x0  }
0x14: {  	s2 =	sld [smem:$0x3F96];
	s0 =	simm.s32 @p1 $0x1  }
0x15: {  	[smem:$0x3FB3] =	sst s0;
	s0 =	simm.s32 @!p2 $0x0  }
0x16: {  	s3 =	sld [smem:$0x3FDB];
	s0 =	simm.s32 @p2 $0x1  }
0x17: {  	s4 =	simm.s32 $0x1BF5;
	[smem:$0x3FB5] =	sst s0  }
0x18: {  	s0 =	sld [smem:$0x3F98];
	_ =	swait.ge [sflag:s4], $0x0  }
0x19: {  	s7 =	sld [smem:$0x3F99]  }
0x1a: {  	s8 =	sadd.s32 $0xFFFFE003, lr  }
0x1b: {  	s9 =	sadd.s32 $0xFFFFFEF7, lr;
	s5 =	simm.s32 $0xFFFFFFFF;
	p2 =	slt.u32 s8, $0xFFFFF086  }
0x1c: {  	p1 =	slt.u32 s9, $0xF7A;
	s5 =	simm.s32 @!p2 $0x0  }
0x1d: {  	s5 =	simm.s32 @p1 $0x1;
	p0 =	seq.s32 s7, s2  }
0x1e: {  	s7 =	smul.u32 @!p0 $0xF7A, s2;
	p2 =	seq.s32 @!p0 s5, $0x0  }
0x1f: {  	s9 =	smul.u32 $0xF7A, s1;
	s8 =	simm.s32 @!p0 $0x1BF5;
	p2 =	por !p2, p0  }
0x20: {  	[sflag:s8] =	ssyncset.s32 @!p0 $0xFFFFF086;
	s6 =	sadd.s32 @!p0 s3, s7;
	s7 =	simm.s32 @!p0 $0x108  }
0x21: {  	s3 =	sadd.s32 s3, s9;
	s6 =	sadd.s32 @!p0 $0x88, s6;
	s7 =	simm.s32 @p2 $0x1082  }
0x22: {  	[simem:s7], [sflag:s8] =	dma.local @!p0 [hbm:s6], $0xF7A  }
0x23: {  	s9 =	sor.u32 $0xD0000000, s2;
	s6 =	simm.s32 $0x108;
	_ =	swait.ge @!p0 [sflag:s8], $0x0  }
0x24: {  	s3 =	sadd.s32 $0x88, s3;
	s6 =	simm.s32 @!p1 $0x1082;
	[sflag:s4] =	ssyncset.s32 $0xFFFFF086  }
0x25: {  	[simem:s6], [sflag:s4] =	dma.local [hbm:s3], $0xF7A  }
0x26: {  	[smem:$0x3F99] =	sst s1;
	(tag) =	ssettag s2;
	_ =	strace s9  }
0x27: {  	s1 =	sld [smem:$0x3FA9]  }
0x28: {  	s2 =	sld [smem:$0x3FAA]  }
0x29: {  	s4 =	sld [smem:$0x3FAC]  }
0x2a: {  	p0 =	seq.s32 s5, $0x0;
	s5 =	sld [smem:$0x3FAD]  }
0x2b: {  	s6 =	sld [smem:$0x3FAE]  }
0x2c: {  	s7 =	sld [smem:$0x3FAF]  }
0x2d: {  	s3 =	simm.s32 $0x108;
	s8 =	sld [smem:$0x3FB0]  }
0x2e: {  	s3 =	simm.s32 @!p0 $0x1082;
	s9 =	sld [smem:$0x3FB1]  }
0x2f: {  	lr =	sadd.s32 s0, s3;
	s0 =	sld [smem:$0x3FA8]  }
0x30: {  	s3 =	sld [smem:$0x3FAB]  }
0x31: {  	[smem:$0x3FB4] =	sst s10  }
0x32: {  	s10 =	sld [smem:$0x3FB2];
	_ =	sdelay $0x3  }
0x33: {  	p0 =	seq.s32 s10, $0x1;
	s10 =	sld [smem:$0x3FB4];
	_ =	sdelay $0x3  }
0x34: {  	[smem:$0x3FB4] =	sst s10  }
0x35: {  	s10 =	sld [smem:$0x3FB3];
	_ =	sdelay $0x3  }
0x36: {  	p1 =	seq.s32 s10, $0x1;
	s10 =	sld [smem:$0x3FB4];
	_ =	sdelay $0x3  }
0x37: {  	[smem:$0x3FB4] =	sst s10  }
0x38: {  	s10 =	sld [smem:$0x3FB5]  }
0x39: {  	_ = 	snop;
	(pc) =	sbr.ind lr, $3  }
0x3a: {  	_ = 	snop  }
0x3b: {  	_ = 	snop  }
0x3c: {  	p2 =	seq.s32 s10, $0x1;
	s10 =	sld [smem:$0x3FB4]  }
0x3d: {  	_ =	shalt  }
0x3e: {  	_ =	shalt  }
0x3f: {  	_ =	shalt  }
0x40: {  	_ =	shalt  }
0x41: {  	_ =	shalt  }
0x42: {  	_ =	shalt  }
0x43: {  	_ =	shalt  }
0x44: {  	_ =	shalt  }
0x45: {  	_ =	shalt  }
0x46: {  	_ =	shalt  }
0x47: {  	_ =	shalt  }
0x48: {  	_ =	shalt  }
0x49: {  	_ =	shalt  }
0x4a: {  	_ =	shalt  }
0x4b: {  	_ =	shalt  }
0x4c: {  	_ =	shalt  }
0x4d: {  	_ =	shalt  }
0x4e: {  	_ =	shalt  }
0x4f: {  	_ =	shalt  }
0x50: {  	_ =	shalt  }
0x51: {  	_ =	shalt  }
0x52: {  	_ =	shalt  }
0x53: {  	_ =	shalt  }
0x54: {  	_ =	shalt  }
0x55: {  	_ =	shalt  }
0x56: {  	_ =	shalt  }
0x57: {  	_ =	shalt  }
0x58: {  	_ =	shalt  }
0x59: {  	_ =	shalt  }
0x5a: {  	_ =	shalt  }
0x5b: {  	_ =	shalt  }
0x5c: {  	_ =	shalt  }
0x5d: {  	_ =	shalt  }
0x5e: {  	_ =	shalt  }
0x5f: {  	_ =	shalt  }
0x60: {  	_ =	shalt  }
0x61: {  	_ =	shalt  }
0x62: {  	_ =	shalt  }
0x63: {  	_ =	shalt  }
0x64: {  	_ =	shalt  }
0x65: {  	_ =	shalt  }
0x66: {  	_ =	shalt  }
0x67: {  	_ =	shalt  }
0x68: {  	_ =	shalt  }
0x69: {  	_ =	shalt  }
0x6a: {  	_ =	shalt  }
0x6b: {  	_ =	shalt  }
0x6c: {  	_ =	shalt  }
0x6d: {  	_ =	shalt  }
0x6e: {  	_ =	shalt  }
0x6f: {  	_ =	shalt  }
0x70: {  	_ =	shalt  }
0x71: {  	_ =	shalt  }
0x72: {  	_ =	shalt  }
0x73: {  	_ =	shalt  }
0x74: {  	_ =	shalt  }
0x75: {  	_ =	shalt  }
0x76: {  	_ =	shalt  }
0x77: {  	_ =	shalt  }
0x78: {  	_ =	shalt  }
0x79: {  	_ =	shalt  }
0x7a: {  	_ =	shalt  }
0x7b: {  	_ =	shalt  }
0x7c: {  	_ =	shalt  }
0x7d: {  	_ =	shalt  }
0x7e: {  	_ =	shalt  }
0x7f: {  	_ =	shalt  }
0x80: {  	_ =	shalt  }
0x81: {  	_ =	shalt  }
0x82: {  	_ =	shalt  }
0x83: {  	_ =	shalt  }
0x84: {  	_ =	shalt  }
0x85: {  	_ =	shalt  }
0x86: {  	_ =	shalt  }
0x87: {  	_ =	shalt  }
.Lfunc_end0:
.L_simem_size_0:
called_computation.1_lowered:
.L_overlay_start_0:
0x88: {  	s2 =	sld [smem:$0x3FD9]  }
0x89: {  	s3 =	sld [smem:$0x3FFE];
	_ =	sdelay $0x1  }
0x8a: {  	s1 =	srdreg.scid  }
0x8b: {  	s0 =	sand.u32 $0x1, s1  }
0x8c: {  	s17 =	sshll.u32 s0, $0xA;
	s2 =	sadd.s32 s3, s2  }
0x8d: {  	s2 =	sadd.s32 s2, s17  }
0x8e: {  	[smem:$0x3FC0] =	sst s2  }
0x8f: {  	_ = 	snop  }
0x90: {  	s2 =	sld [smem:$0x3FD0];
	(tm) =	ssettm $0x1  }
0x91: {  	s18 =	sld [smem:$0x3FFB];
	_ =	sdelay $0x3  }
0x92: {  	_ =	strace s18  }
0x93: {  	s3 =	sld [smem:$0x3FFC];
	_ =	sdelay $0x3  }
0x94: {  	_ =	strace s3  }
0x95: {  	s3 =	sld [smem:$0x3FFD];
	_ =	sdelay $0x3  }
0x96: {  	_ =	strace s3  }
0x97: {  	_ =	strace $0x8FFFFFFF  }
0x98: {  	s19 =	sld [smem:$0x3FDB];
	_ =	sdelay $0x1  }
0x99: {  	s4 =	simm.s32 $_scs_section_size  }
0x9a: {  	s5 =	simm.s32 $_size__tile_overlayer_lowered;
	s6 =	simm.s32 $_tile_overlayer_lowered  }
0x9b: {  	s22 =	simm.s32 $0x1BFF;
	s21 =	sshll.u32 s6, $0x1;
	s3 =	sadd.s32 s4, s19  }
0x9c: {  	s7 =	simm.s32 $0x0;
	s20 =	sshll.u32 s5, $0x1;
	s5 =	sadd.s32 s21, s3  }
0x9d: {  	[timem:s7], [sflag:s22] =	dma.local [hbm:s5], s20  }
0x9e: {  	_ =	swait.ge [sflag:s22], s20  }
0x9f: {  	s4 =	ssub.s32 $0x0, s20;
	[sflag:s22] =	ssyncset.done $0x0  }
0xa0: {  	[sflag:s22] =	ssyncadd.s32 s4;
	_ =	sdelay $0x1  }
0xa1: {  	s23 =	simm.s32 $0x1B8B  }
0xa2: {  	_ =	swait.ge [sflag:s23], $0x1  }
0xa3: {  	[sflag:s23] =	ssyncset.done $0x0  }
0xa4: {  	s25 =	simm.s32 $0x1B8E;
	s24 =	sld [smem:$0x3FFE];
	[sflag:s23] =	ssyncadd.s32 $0xFFFFFFFF  }
0xa5: {  	s26 =	simm.s32 $execute0_lowered;
	[smem:$0x3FD2] =	sst s25  }
0xa6: {  	s5 =	sshll.u32 s26, $0x1;
	_ =	strace $0x80000049;
	[dreg:$0x1] =	wrdreg $0xFFFFFFFF  }
0xa7: {  	s28 =	simm.s32 $_size_execute0_lowered;
	s3 =	sadd.s32 s3, s5;
	[dreg:$0x0] =	wrdreg $0x0  }
0xa8: {  	s5 =	sshll.u32 s28, $0x1;
	[dreg:$0x2] =	wrdreg s3  }
0xa9: {  	[dreg:$0x3] =	wrdreg s5  }
0xaa: {  	[dreg:$0x4] =	wrdreg $0xC0  }
0xab: {  	_ =	task [dreg:s7], $0x5FFFF  }
0xac: {  	[dreg:$0x1] =	wrdreg $0xFFFFFFFF  }
0xad: {  	[dreg:$0x0] =	wrdreg $0x60  }
0xae: {  	[dreg:$0x2] =	wrdreg s2  }
0xaf: {  	[dreg:$0x3] =	wrdreg s24  }
0xb0: {  	[dreg:$0x4] =	wrdreg $0x0  }
0xb1: {  	[dreg:$0x5] =	wrdreg $0x9  }
0xb2: {  	_ =	task.clear_ibuf [dreg:s7], $0x6FFFF;
	_ =	strace $0x90000049  }
0xb3: {  	s29 =	simm.s32 $0x9;
	_ =	strace $0x8000004B  }
0xb4: {  	_ =	swait.ge [sflag:s29], $0x1  }
0xb5: {  	[sflag:s29] =	ssyncadd.s32 $0xFFFFFFFF  }
0xb6: {  	_ =	strace $0x9000004B  }
0xb7: {  	_ =	sfence  }
0xb8: {  	s30 =	sld [smem:$0x0];
	_ =	sdelay $0x2  }
0xb9: {  	s31 =	sshll.u32 s1, $0xD;
	s1 =	sshrl.u32 s1, $0x2  }
0xba: {  	s3 =	sand.u32 $0x4000, s31;
	s1 =	sadd.s32 s1, s30  }
0xbb: {  	s0 =	sor.u32 s3, s0;
	s1 =	sshll.u32 s1, $0x11  }
0xbc: {  	s0 =	sor.u32 s1, s0  }
0xbd: {  	s0 =	sadd.s32 $0x8F2B, s0  }
0xbe: {  	[sflag:s0] =	ssyncadd.remote.s32 $0x1  }
0xbf: {  	_ =	sfence.sel $0xFFFF  }
0xc0: {  	[dreg:$0x0] =	wrdreg $0xFFFFFFFF;
	(pc) =	sbr.abs _section_cstart, $3  }
0xc1: {  	[dreg:$0x1] =	wrdreg $0xFFFFFFFF  }
0xc2: {  	_ =	task.clear_ibuf [dreg:s7], $0x2FFFF;
	_ =	strace $0x9FFFFFFF  }
0xc3: {  	(tm) =	ssettm $0x7FFFFFFF  }
tec
execute0_lowered:
.L_overlay_start_1:
0x0: {  	(tag) =	ssettag $0x1  }
0x1: {  	s1 =	rddreg [dreg:$0x0]  }
0x2: {  	s0 =	rddreg [dreg:$0x1]  }
0x3: {  	s2 =	rddreg [dreg:$0x2];
	s3 =	srdreg.scid;
	s4 =	simm.s32 $0x0  }
0x4: {  	s11 =	stileid.u32;
	s15 =	simm.s32 $0x8;
	s16 =	simm.s32 $0x14000  }
0x5: {  	s28 =	simm.s32 $0x5;
	s29 =	simm.s32 $0x14080;
	s30 =	simm.s32 $0x4  }
0x6: {  	s31 =	simm.s32 $0x6;
	s3 =	sand.u32 $0x1, s3;
	s6 =	smul.u32 $0x14000, s11  }
0x7: {  	[smem:$0x7FF] =	sst s4;
	s8 =	sadd.s32 $0x2600, s0;
	s18 =	smul.u32 $0x50000, s11  }
0x8: {  	s7 =	sadd.s32 $0x17600, s0;
	s21 =	sshll.u32 s11, $0x6;
	s24 =	smul.u32 $0xA80, s11  }
0x9: {  	s5 =	smul.u32 $0x140000, s3;
	_ =	strace $0x8000004A;
	[dreg:$0x4] =	wrdreg s7  }
0xa: {  	s17 =	sshll.u32 s3, $0x4;
	s19 =	ssub.s32 $0x2, s3;
	s3 =	smul.u32 $0xA800, s3  }
0xb: {  	s9 =	sshrl.u32 s19, $0x1;
	s7 =	sshrl.u32 s18, $0x2;
	s18 =	simm.s32 $0x14200  }
0xc: {  	s5 =	sadd.s32 s6, s5;
	s6 =	sor.u32 s11, s17;
	s20 =	sadd.s32 s7, s2  }
0xd: {  	s25 =	sadd.s32 s3, s8;
	s17 =	simm.s32 $0x14100;
	s3 =	simm.s32 $0x7  }
0xe: {  	s5 =	sshrl.u32 s5, $0x3;
	s10 =	smul.u32 $0xA80, s6;
	s6 =	sor.u32 $0x1C08, s21  }
0xf: {  	s13 =	sadd.s32 s24, s25;
	s21 =	simm.s32 $0x78;
	s24 =	simm.s32 $0x18000  }
0x10: {  	s25 =	simm.s32 $0x3;
	s0 =	sadd.s32 s5, s0;
	s5 =	ssub.s32 s19, s9  }
0x11: {  	s19 =	simm.s32 $0x14300;
	[dreg:$0x5] =	wrdreg s6;
	s22 =	sadd.s32 s8, s10  }
0x12: {  	s9 =	simm.s32 $0x0;
	s0 =	sadd.s32 $0x19E00, s0;
	[dreg:$0x6] =	wrdreg s22  }
0x13: {  	s26 =	smax.u32 s5, $0x1;
	s8 =	simm.s32 $0x14380;
	[dreg:$0xa] =	wrdreg s0  }
.Ltmp0:
0x14: {  	s10 =	sadd.s32 $0x20, s22;
	[dreg:$0xb] =	wrdreg s26;
	(pc) =	sbr.rel .LBB2_1-.Ltmp0, $4  }
0x15: {  	s23 =	sadd.s32 $0x40, s22;
	s7 =	sadd.s32 $0x60, s22;
	[dreg:$0x7] =	wrdreg s10  }
0x16: {  	s22 =	simm.s32 $0x14400;
	s26 =	simm.s32 $0x1BC00;
	[dreg:$0x8] =	wrdreg s23  }
0x17: {  	s0 =	simm.s32 $0x14180;
	[dreg:$0x9] =	wrdreg s7;
	s7 =	sshrl.u32 s20, $0x3  }
0x18: {  	s20 =	simm.s32 $0x1;
	s23 =	simm.s32 $0x2;
	[dreg:$0xc] =	wrdreg s7  }
.LBB2_4:
0x19: {  	[bflag:$0x0] =	sbarrier.arrive $0xFFFF  }
0x1a: {  	s6 =	rddreg [dreg:$0x5]  }
0x1b: {  	s5 =	rddreg [dreg:$0xa]  }
0x1c: {  	s7 =	rddreg [dreg:$0xc]  }
0x1d: {  	[hbm:s5], [sflag:s6] =	dma.local [spmem:s7], $0x2800  }
0x1e: {  	_ =	swait.ge [sflag:s15], $0x2800  }
0x1f: {  	s9 =	rddreg [dreg:$0xd]  }
0x20: {  	s14 =	rddreg [dreg:$0xb];
	s9 =	sadd.s32 $0x1, s9  }
0x21: {  	p0 =	sne.s32 s9, s14  }
.Ltmp1:
0x22: {  	_ = 	snop;
	(pc) =	sbr.rel @!p0 .LBB2_5-.Ltmp1, $3  }
0x23: {  	_ =	sdelay $0x1  }
0x24: {  	[sflag:s15] =	ssyncset.done $0x0  }
0x25: {  	[sflag:s15] =	ssyncadd.s32 $0xFFFFD800  }
.LBB2_1:
0x26: {  	[dreg:$0xd] =	wrdreg s9  }
0x27: {  	s5 =	rddreg [dreg:$0x4]  }
0x28: {  	[spmem:s7], [sflag:s6] =	dma.local [hbm:s5], $0x2800  }
0x29: {  	_ =	swait.ge [sflag:s15], $0x2800  }
0x2a: {  	[sflag:s15] =	ssyncset.done $0x0  }
0x2b: {  	s10 =	rddreg [dreg:$0x6];
	[sflag:s15] =	ssyncadd.s32 $0xFFFFD800  }
0x2c: {  	[tilespmem:s16], [sflag:$0x1] =	stream.linear.gather [hbm4b:s10+s4], $0x100, $0x38;
	[tilespmem:$0x1F800] =	vst v63  }
0x2d: {  	s11 =	rddreg [dreg:$0x7]  }
0x2e: {  	[tilespmem:s17], [sflag:$0x2] =	stream.linear.gather [hbm4b:s11+s4], $0x100, $0x38;
	[tilespmem:$0x1F800] =	vst v63  }
0x2f: {  	s12 =	rddreg [dreg:$0x8]  }
0x30: {  	[tilespmem:s18], [sflag:$0x3] =	stream.linear.gather [hbm4b:s12+s4], $0x100, $0x38;
	[tilespmem:$0x1F800] =	vst v63  }
0x31: {  	s14 =	rddreg [dreg:$0x9]  }
0x32: {  	[tilespmem:s19], [sflag:$0x4] =	stream.linear.gather [hbm4b:s14+s4], $0x100, $0x38;
	[tilespmem:$0x1F800] =	vst v63  }
0x33: {  	_ =	swait.ge [sflag:s20], $0x100  }
0x34: {  	[sflag:s20] =	ssyncset.done $0x0  }
0x35: {  	[sflag:s20] =	ssyncadd.s32 $0xFFFFFF00  }
0x36: {  	[tilespmem:s22], [sflag:$0x5] =	stream.indirect.gather [hbm4b:s1+s21], $0x80, s16, s21, $0xb8;
	[tilespmem:$0x1F800] =	vst v63  }
0x37: {  	_ =	swait.ge [sflag:s23], $0x100  }
0x38: {  	[sflag:s23] =	ssyncset.done $0x0  }
0x39: {  	[sflag:s23] =	ssyncadd.s32 $0xFFFFFF00  }
0x3a: {  	[tilespmem:s24], [sflag:$0x6] =	stream.indirect.gather [hbm4b:s1+s21], $0x80, s17, s21, $0xb8;
	[tilespmem:$0x1F800] =	vst v63  }
0x3b: {  	_ =	swait.ge [sflag:s25], $0x100  }
0x3c: {  	[sflag:s25] =	ssyncset.done $0x0  }
0x3d: {  	[sflag:s25] =	ssyncadd.s32 $0xFFFFFF00  }
0x3e: {  	[tilespmem:s26], [sflag:$0x7] =	stream.indirect.gather [hbm4b:s1+s21], $0x80, s18, s21, $0xb8;
	[tilespmem:$0x1F800] =	vst v63  }
0x3f: {  	s10 =	simm.s32 $0x0;
	[bflag:$0x0] =	sbarrier.arrive $0xFFFF  }
.LBB2_2:
0x40: {  	_ =	swait.ge [sflag:s28], $0x3C00  }
0x41: {  	[sflag:s28] =	ssyncset.done $0x0  }
0x42: {  	[sflag:s28] =	ssyncadd.s32 $0xFFFFC400  }
0x43: {  	[spmem:s2] =	stream.indirect.scatter.add.f32 [tilespmem:s22], [sflag:$0x8], $0x80, s29, s21, $0xb8;
	[tilespmem:$0x1F800] =	vst v63  }
0x44: {  	_ =	swait.ge [sflag:s15], $0x3C00  }
0x45: {  	s11 =	sadd.s32 s10, s13;
	[sflag:s15] =	ssyncset.done $0x0  }
0x46: {  	s12 =	sadd.s32 $0x80, s11;
	[sflag:s15] =	ssyncadd.s32 $0xFFFFC400  }
0x47: {  	[tilespmem:s16], [sflag:$0x1] =	stream.linear.gather [hbm4b:s12+s4], $0x100, $0x38;
	[tilespmem:$0x1F800] =	vst v63  }
0x48: {  	_ =	swait.ge [sflag:s30], $0x100  }
0x49: {  	[sflag:s30] =	ssyncset.done $0x0  }
0x4a: {  	[sflag:s30] =	ssyncadd.s32 $0xFFFFFF00  }
0x4b: {  	[tilespmem:s22], [sflag:$0x5] =	stream.indirect.gather [hbm4b:s1+s21], $0x80, s19, s21, $0xb8;
	[tilespmem:$0x1F800] =	vst v63  }
0x4c: {  	_ =	swait.ge [sflag:s31], $0x3C00  }
0x4d: {  	[sflag:s31] =	ssyncset.done $0x0  }
0x4e: {  	[sflag:s31] =	ssyncadd.s32 $0xFFFFC400  }
0x4f: {  	[spmem:s2] =	stream.indirect.scatter.add.f32 [tilespmem:s24], [sflag:$0x8], $0x80, s0, s21, $0xb8;
	[tilespmem:$0x1F800] =	vst v63  }
0x50: {  	_ =	swait.ge [sflag:s15], $0x3C00  }
0x51: {  	[sflag:s15] =	ssyncset.done $0x0  }
0x52: {  	s7 =	sadd.s32 $0xA0, s11;
	[sflag:s15] =	ssyncadd.s32 $0xFFFFC400  }
0x53: {  	[tilespmem:s17], [sflag:$0x2] =	stream.linear.gather [hbm4b:s7+s4], $0x100, $0x38;
	[tilespmem:$0x1F800] =	vst v63  }
0x54: {  	_ =	swait.ge [sflag:s20], $0x100  }
0x55: {  	[sflag:s20] =	ssyncset.done $0x0  }
0x56: {  	[sflag:s20] =	ssyncadd.s32 $0xFFFFFF00  }
0x57: {  	[tilespmem:s24], [sflag:$0x6] =	stream.indirect.gather [hbm4b:s1+s21], $0x80, s16, s21, $0xb8;
	[tilespmem:$0x1F800] =	vst v63  }
0x58: {  	_ =	swait.ge [sflag:s3], $0x3C00  }
0x59: {  	[sflag:s3] =	ssyncset.done $0x0  }
0x5a: {  	s5 =	simm.s32 $0x14280;
	[sflag:s3] =	ssyncadd.s32 $0xFFFFC400  }
0x5b: {  	[spmem:s2] =	stream.indirect.scatter.add.f32 [tilespmem:s26], [sflag:$0x8], $0x80, s5, s21, $0xb8;
	[tilespmem:$0x1F800] =	vst v63  }
0x5c: {  	_ =	swait.ge [sflag:s15], $0x3C00  }
0x5d: {  	[sflag:s15] =	ssyncset.done $0x0  }
0x5e: {  	s9 =	sadd.s32 $0xC0, s11;
	[sflag:s15] =	ssyncadd.s32 $0xFFFFC400  }
0x5f: {  	[tilespmem:s18], [sflag:$0x3] =	stream.linear.gather [hbm4b:s9+s4], $0x100, $0x38;
	[tilespmem:$0x1F800] =	vst v63  }
0x60: {  	_ =	swait.ge [sflag:s23], $0x100  }
0x61: {  	[sflag:s23] =	ssyncset.done $0x0  }
0x62: {  	[sflag:s23] =	ssyncadd.s32 $0xFFFFFF00  }
0x63: {  	[tilespmem:s26], [sflag:$0x7] =	stream.indirect.gather [hbm4b:s1+s21], $0x80, s17, s21, $0xb8;
	[tilespmem:$0x1F800] =	vst v63  }
0x64: {  	_ =	swait.ge [sflag:s28], $0x3C00  }
0x65: {  	[sflag:s28] =	ssyncset.done $0x0  }
0x66: {  	[sflag:s28] =	ssyncadd.s32 $0xFFFFC400  }
0x67: {  	[spmem:s2] =	stream.indirect.scatter.add.f32 [tilespmem:s22], [sflag:$0x8], $0x80, s8, s21, $0xb8;
	[tilespmem:$0x1F800] =	vst v63  }
0x68: {  	_ =	swait.ge [sflag:s15], $0x3C00  }
0x69: {  	[sflag:s15] =	ssyncset.done $0x0  }
0x6a: {  	s14 =	sadd.s32 $0xE0, s11;
	[sflag:s15] =	ssyncadd.s32 $0xFFFFC400  }
0x6b: {  	[tilespmem:s19], [sflag:$0x4] =	stream.linear.gather [hbm4b:s14+s4], $0x100, $0x38;
	[tilespmem:$0x1F800] =	vst v63  }
0x6c: {  	_ =	swait.ge [sflag:s25], $0x100  }
0x6d: {  	[sflag:s25] =	ssyncset.done $0x0  }
0x6e: {  	[sflag:s25] =	ssyncadd.s32 $0xFFFFFF00  }
0x6f: {  	[tilespmem:s22], [sflag:$0x5] =	stream.indirect.gather [hbm4b:s1+s21], $0x80, s18, s21, $0xb8;
	[tilespmem:$0x1F800] =	vst v63  }
0x70: {  	_ =	swait.ge [sflag:s31], $0x3C00  }
0x71: {  	[sflag:s31] =	ssyncset.done $0x0  }
0x72: {  	[sflag:s31] =	ssyncadd.s32 $0xFFFFC400  }
0x73: {  	[spmem:s2] =	stream.indirect.scatter.add.f32 [tilespmem:s24], [sflag:$0x8], $0x80, s29, s21, $0xb8;
	[tilespmem:$0x1F800] =	vst v63  }
0x74: {  	_ =	swait.ge [sflag:s15], $0x3C00  }
0x75: {  	[sflag:s15] =	ssyncset.done $0x0  }
0x76: {  	s6 =	sadd.s32 $0x100, s11;
	[sflag:s15] =	ssyncadd.s32 $0xFFFFC400  }
0x77: {  	[tilespmem:s16], [sflag:$0x1] =	stream.linear.gather [hbm4b:s6+s4], $0x100, $0x38;
	[tilespmem:$0x1F800] =	vst v63  }
0x78: {  	_ =	swait.ge [sflag:s30], $0x100  }
0x79: {  	[sflag:s30] =	ssyncset.done $0x0  }
0x7a: {  	[sflag:s30] =	ssyncadd.s32 $0xFFFFFF00  }
0x7b: {  	[tilespmem:s24], [sflag:$0x6] =	stream.indirect.gather [hbm4b:s1+s21], $0x80, s19, s21, $0xb8;
	[tilespmem:$0x1F800] =	vst v63  }
0x7c: {  	_ =	swait.ge [sflag:s3], $0x3C00  }
0x7d: {  	[sflag:s3] =	ssyncset.done $0x0  }
0x7e: {  	[sflag:s3] =	ssyncadd.s32 $0xFFFFC400  }
0x7f: {  	[spmem:s2] =	stream.indirect.scatter.add.f32 [tilespmem:s26], [sflag:$0x8], $0x80, s0, s21, $0xb8;
	[tilespmem:$0x1F800] =	vst v63  }
0x80: {  	_ =	swait.ge [sflag:s15], $0x3C00  }
0x81: {  	[sflag:s15] =	ssyncset.done $0x0  }
0x82: {  	s7 =	sadd.s32 $0x120, s11;
	[sflag:s15] =	ssyncadd.s32 $0xFFFFC400  }
0x83: {  	[tilespmem:s17], [sflag:$0x2] =	stream.linear.gather [hbm4b:s7+s4], $0x100, $0x38;
	[tilespmem:$0x1F800] =	vst v63  }
0x84: {  	_ =	swait.ge [sflag:s20], $0x100  }
0x85: {  	[sflag:s20] =	ssyncset.done $0x0  }
0x86: {  	[sflag:s20] =	ssyncadd.s32 $0xFFFFFF00  }
0x87: {  	[tilespmem:s26], [sflag:$0x7] =	stream.indirect.gather [hbm4b:s1+s21], $0x80, s16, s21, $0xb8;
	[tilespmem:$0x1F800] =	vst v63  }
0x88: {  	_ =	swait.ge [sflag:s28], $0x3C00  }
0x89: {  	[sflag:s28] =	ssyncset.done $0x0  }
0x8a: {  	[sflag:s28] =	ssyncadd.s32 $0xFFFFC400  }
0x8b: {  	[spmem:s2] =	stream.indirect.scatter.add.f32 [tilespmem:s22], [sflag:$0x8], $0x80, s5, s21, $0xb8;
	[tilespmem:$0x1F800] =	vst v63  }
0x8c: {  	_ =	swait.ge [sflag:s15], $0x3C00  }
0x8d: {  	[sflag:s15] =	ssyncset.done $0x0  }
0x8e: {  	s9 =	sadd.s32 $0x140, s11;
	[sflag:s15] =	ssyncadd.s32 $0xFFFFC400  }
0x8f: {  	[tilespmem:s18], [sflag:$0x3] =	stream.linear.gather [hbm4b:s9+s4], $0x100, $0x38;
	[tilespmem:$0x1F800] =	vst v63  }
0x90: {  	_ =	swait.ge [sflag:s23], $0x100  }
0x91: {  	[sflag:s23] =	ssyncset.done $0x0  }
0x92: {  	[sflag:s23] =	ssyncadd.s32 $0xFFFFFF00  }
0x93: {  	[tilespmem:s22], [sflag:$0x5] =	stream.indirect.gather [hbm4b:s1+s21], $0x80, s17, s21, $0xb8;
	[tilespmem:$0x1F800] =	vst v63  }
0x94: {  	_ =	swait.ge [sflag:s31], $0x3C00  }
0x95: {  	[sflag:s31] =	ssyncset.done $0x0  }
0x96: {  	[sflag:s31] =	ssyncadd.s32 $0xFFFFC400  }
0x97: {  	[spmem:s2] =	stream.indirect.scatter.add.f32 [tilespmem:s24], [sflag:$0x8], $0x80, s8, s21, $0xb8;
	[tilespmem:$0x1F800] =	vst v63  }
0x98: {  	_ =	swait.ge [sflag:s15], $0x3C00  }
0x99: {  	[sflag:s15] =	ssyncset.done $0x0  }
0x9a: {  	s14 =	sadd.s32 $0x160, s11;
	[sflag:s15] =	ssyncadd.s32 $0xFFFFC400  }
0x9b: {  	[tilespmem:s19], [sflag:$0x4] =	stream.linear.gather [hbm4b:s14+s4], $0x100, $0x38;
	[tilespmem:$0x1F800] =	vst v63  }
0x9c: {  	_ =	swait.ge [sflag:s25], $0x100  }
0x9d: {  	[sflag:s25] =	ssyncset.done $0x0  }
0x9e: {  	[sflag:s25] =	ssyncadd.s32 $0xFFFFFF00  }
0x9f: {  	[tilespmem:s24], [sflag:$0x6] =	stream.indirect.gather [hbm4b:s1+s21], $0x80, s18, s21, $0xb8;
	[tilespmem:$0x1F800] =	vst v63  }
0xa0: {  	_ =	swait.ge [sflag:s3], $0x3C00  }
0xa1: {  	[sflag:s3] =	ssyncset.done $0x0  }
0xa2: {  	[sflag:s3] =	ssyncadd.s32 $0xFFFFC400  }
0xa3: {  	[spmem:s2] =	stream.indirect.scatter.add.f32 [tilespmem:s26], [sflag:$0x8], $0x80, s29, s21, $0xb8;
	[tilespmem:$0x1F800] =	vst v63  }
0xa4: {  	p0 =	seq.s32 s10, $0x900;
	_ =	swait.ge [sflag:s15], $0x3C00  }
0xa5: {  	s12 =	sadd.s32 @!p0 s10, s13;
	s6 =	simm.s32 @!p0 $0x0;
	[sflag:s15] =	ssyncset.done $0x0  }
0xa6: {  	s7 =	sadd.s32 @!p0 $0x180, s12;
	s14 =	simm.s32 @!p0 $0x14000;
	[sflag:s15] =	ssyncadd.s32 $0xFFFFC400  }
0xa7: {  	[tilespmem:s14], [sflag:$0x1] =	stream.linear.gather @!p0 [hbm4b:s7+s6], $0x100, $0x38;
	[tilespmem:$0x1F800] =	vst v63  }
0xa8: {  	_ =	swait.ge [sflag:s30], $0x100  }
0xa9: {  	[sflag:s30] =	ssyncset.done $0x0  }
0xaa: {  	[sflag:s30] =	ssyncadd.s32 $0xFFFFFF00  }
0xab: {  	[tilespmem:s26], [sflag:$0x7] =	stream.indirect.gather [hbm4b:s1+s21], $0x80, s19, s21, $0xb8;
	[tilespmem:$0x1F800] =	vst v63  }
0xac: {  	_ =	swait.ge [sflag:s28], $0x3C00  }
0xad: {  	[sflag:s28] =	ssyncset.done $0x0  }
0xae: {  	[sflag:s28] =	ssyncadd.s32 $0xFFFFC400  }
0xaf: {  	[spmem:s2] =	stream.indirect.scatter.add.f32 [tilespmem:s22], [sflag:$0x8], $0x80, s0, s21, $0xb8;
	[tilespmem:$0x1F800] =	vst v63  }
0xb0: {  	_ =	swait.ge [sflag:s15], $0x3C00  }
0xb1: {  	[sflag:s15] =	ssyncset.done $0x0  }
0xb2: {  	s7 =	simm.s32 @p0 $0x6;
	[sflag:s15] =	ssyncadd.s32 $0xFFFFC400  }
0xb3: {  	_ =	swait.ge @p0 [sflag:s7], $0x3C00  }
0xb4: {  	s5 =	simm.s32 @p0 $0x18000;
	[sflag:s7] =	ssyncset.done @p0 $0x0  }
0xb5: {  	s9 =	simm.s32 @p0 $0x14280;
	[sflag:s7] =	ssyncadd.s32 @p0 $0xFFFFC400;
	s7 =	simm.s32 @p0 $0x78  }
0xb6: {  	[spmem:s2] =	stream.indirect.scatter.add.f32 @p0 [tilespmem:s5], [sflag:$0x8], $0x80, s9, s7, $0xb8;
	[tilespmem:$0x1F800] =	vst v63  }
0xb7: {  	s5 =	simm.s32 @p0 $0x8  }
0xb8: {  	_ =	swait.ge @p0 [sflag:s5], $0x3C00  }
0xb9: {  	[sflag:s5] =	ssyncset.done @p0 $0x0  }
0xba: {  	s7 =	simm.s32 @!p0 $0x14100;
	[sflag:s5] =	ssyncadd.s32 @p0 $0xFFFFC400;
	s5 =	sadd.s32 @!p0 $0x1A0, s12  }
0xbb: {  	[tilespmem:s7], [sflag:$0x2] =	stream.linear.gather @!p0 [hbm4b:s5+s6], $0x100, $0x38;
	[tilespmem:$0x1F800] =	vst v63  }
0xbc: {  	s5 =	simm.s32 @!p0 $0x1  }
0xbd: {  	_ =	swait.ge @!p0 [sflag:s5], $0x100  }
0xbe: {  	[sflag:s5] =	ssyncset.done @!p0 $0x0  }
0xbf: {  	s9 =	simm.s32 @!p0 $0x14400;
	[sflag:s5] =	ssyncadd.s32 @!p0 $0xFFFFFF00;
	s5 =	simm.s32 @!p0 $0x78  }
0xc0: {  	[tilespmem:s9], [sflag:$0x5] =	stream.indirect.gather @!p0 [hbm4b:s1+s5], $0x80, s14, s5, $0xb8;
	[tilespmem:$0x1F800] =	vst v63  }
0xc1: {  	s9 =	simm.s32 @!p0 $0x6  }
0xc2: {  	_ =	swait.ge @!p0 [sflag:s9], $0x3C00  }
0xc3: {  	[sflag:s9] =	ssyncset.done @!p0 $0x0  }
0xc4: {  	s14 =	simm.s32 @!p0 $0x18000;
	[sflag:s9] =	ssyncadd.s32 @!p0 $0xFFFFC400;
	s9 =	simm.s32 @!p0 $0x14280  }
0xc5: {  	[spmem:s2] =	stream.indirect.scatter.add.f32 @!p0 [tilespmem:s14], [sflag:$0x8], $0x80, s9, s5, $0xb8;
	[tilespmem:$0x1F800] =	vst v63  }
0xc6: {  	s9 =	simm.s32 @!p0 $0x8  }
0xc7: {  	_ =	swait.ge @!p0 [sflag:s9], $0x3C00  }
0xc8: {  	[sflag:s9] =	ssyncset.done @!p0 $0x0  }
0xc9: {  	[sflag:s9] =	ssyncadd.s32 @!p0 $0xFFFFC400;
	s9 =	sadd.s32 @!p0 $0x1C0, s12;
	s12 =	simm.s32 @!p0 $0x14200  }
0xca: {  	[tilespmem:s12], [sflag:$0x3] =	stream.linear.gather @!p0 [hbm4b:s9+s6], $0x100, $0x38;
	[tilespmem:$0x1F800] =	vst v63  }
0xcb: {  	s6 =	simm.s32 @!p0 $0x2  }
0xcc: {  	_ =	swait.ge @!p0 [sflag:s6], $0x100  }
0xcd: {  	[sflag:s6] =	ssyncset.done @!p0 $0x0  }
0xce: {  	[sflag:s6] =	ssyncadd.s32 @!p0 $0xFFFFFF00  }
0xcf: {  	[tilespmem:s14], [sflag:$0x6] =	stream.indirect.gather @!p0 [hbm4b:s1+s5], $0x80, s7, s5, $0xb8;
	[tilespmem:$0x1F800] =	vst v63  }
0xd0: {  	_ =	swait.ge [sflag:s3], $0x3C00  }
0xd1: {  	[sflag:s3] =	ssyncset.done $0x0  }
.Ltmp2:
0xd2: {  	[sflag:s3] =	ssyncadd.s32 $0xFFFFC400;
	(pc) =	sbr.rel @p0 .LBB2_4-.Ltmp2, $4  }
0xd3: {  	[spmem:s2] =	stream.indirect.scatter.add.f32 [tilespmem:s26], [sflag:$0x8], $0x80, s8, s21, $0xb8;
	[tilespmem:$0x1F800] =	vst v63  }
0xd4: {  	_ =	swait.ge [sflag:s15], $0x3C00  }
0xd5: {  	[sflag:s15] =	ssyncset.done $0x0  }
0xd6: {  	[sflag:s15] =	ssyncadd.s32 $0xFFFFC400  }
0xd7: {  	s5 =	sadd.s32 $0x1E0, s11  }
0xd8: {  	[tilespmem:s19], [sflag:$0x4] =	stream.linear.gather [hbm4b:s5+s4], $0x100, $0x38;
	[tilespmem:$0x1F800] =	vst v63  }
.Ltmp3:
0xd9: {  	_ = 	snop;
	(pc) =	sbr.rel .LBB2_2-.Ltmp3, $4  }
0xda: {  	_ =	swait.ge [sflag:s25], $0x100  }
0xdb: {  	[sflag:s25] =	ssyncset.done $0x0  }
0xdc: {  	s10 =	sadd.s32 $0x180, s10;
	[sflag:s25] =	ssyncadd.s32 $0xFFFFFF00  }
0xdd: {  	[tilespmem:s26], [sflag:$0x7] =	stream.indirect.gather [hbm4b:s1+s21], $0x80, s18, s21, $0xb8;
	[tilespmem:$0x1F800] =	vst v63  }
.LBB2_5:
0xde: {  	_ =	sfence.sel $0x180000  }
0xdf: {  	[bflag:$0x0] =	sbarrier.arrive $0xFFFF  }
0xe0: {  	_ =	strace $0x9000004A  }
0xe1: {  	s0 =	stileid.u32;
	[bflag:$0x2] =	sbarrier.arrive $0xFFFF  }
0xe2: {  	p0 =	sne.s32 s0, $0x0;
	s0 =	rddreg [dreg:$0x3]  }
0xe3: {  	s0 =	sadd.s32 @!p0 $0x100000, s0  }
0xe4: {  	[sflag:s0] =	ssyncadd.tile.s32 @!p0 $0x1;
	_ =	shalt  }
.Lfunc_end2:
_tile_overlayer_lowered:
.L_overlay_start_2:
0xe5: {  	(tag) =	ssettag $0x2  }
0xe6: {  	s0 =	rddreg [dreg:$0x0];
	s2 =	stileid.u32  }
0xe7: {  	s1 =	rddreg [dreg:$0x1];
	p0 =	sne.s32 s2, $0x0  }
0xe8: {  	s3 =	rddreg [dreg:$0x2];
	[bflag:$0x3] =	sbarrier.arrive $0xFFFF;
	s2 =	simm.s32 @!p0 $0x1C08  }
0xe9: {  	[timem:s3], [sflag:s2] =	dma.local @!p0 [hbm:s0], s1  }
0xea: {  	s0 =	simm.s32 @!p0 $0x8  }
0xeb: {  	_ =	swait.ge @!p0 [sflag:s0], s1  }
0xec: {  	s1 =	ssub.s32 @!p0 $0x0, s1;
	[sflag:s0] =	ssyncset.done @!p0 $0x0  }
0xed: {  	[sflag:s0] =	ssyncadd.s32 @!p0 s1  }
0xee: {  	[bflag:$0x3] =	sbarrier.arrive $0xFFFF  }
0xef: {  	_ =	shalt  }

// kernel: kernel.8.cloned.1.call-start
scs
__scs_entry_jumppad:
0x0: {  	(pc) =	sbr.rel $0x88, $3  }
0x1: {  	(tag) =	ssettag $0x0;
	lr =	simm.s32 $0x1  }
0x2: {  	[smem:$0x3F99] =	sst lr;
	_ =	strace $0xD0000000  }
0x3: {  	_ = 	snop  }
0x4: {  	_ = 	snop  }
0x5: {  	_ = 	snop  }
0x6: {  	_ = 	snop  }
0x7: {  	_ = 	snop  }
__scs_overlays_trampoline_lowered:
0x8: {  	[smem:$0x3FA8] =	sst s0  }
0x9: {  	[smem:$0x3FA9] =	sst s1  }
0xa: {  	[smem:$0x3FAA] =	sst s2  }
0xb: {  	[smem:$0x3FAB] =	sst s3  }
0xc: {  	[smem:$0x3FAC] =	sst s4  }
0xd: {  	[smem:$0x3FAD] =	sst s5  }
0xe: {  	[smem:$0x3FAE] =	sst s6  }
0xf: {  	[smem:$0x3FAF] =	sst s7  }
0x10: {  	[smem:$0x3FB0] =	sst s8  }
0x11: {  	[smem:$0x3FB1] =	sst s9;
	s0 =	simm.s32 @!p0 $0x0  }
0x12: {  	s1 =	sld [smem:$0x3F97];
	s0 =	simm.s32 @p0 $0x1  }
0x13: {  	[smem:$0x3FB2] =	sst s0;
	s0 =	simm.s32 @!p1 $0x0  }
0x14: {  	s2 =	sld [smem:$0x3F96];
	s0 =	simm.s32 @p1 $0x1  }
0x15: {  	[smem:$0x3FB3] =	sst s0;
	s0 =	simm.s32 @!p2 $0x0  }
0x16: {  	s3 =	sld [smem:$0x3FDB];
	s0 =	simm.s32 @p2 $0x1  }
0x17: {  	s4 =	simm.s32 $0x1BF5;
	[smem:$0x3FB5] =	sst s0  }
0x18: {  	s0 =	sld [smem:$0x3F98];
	_ =	swait.ge [sflag:s4], $0x0  }
0x19: {  	s7 =	sld [smem:$0x3F99]  }
0x1a: {  	s8 =	sadd.s32 $0xFFFFE003, lr  }
0x1b: {  	s9 =	sadd.s32 $0xFFFFFEF7, lr;
	s5 =	simm.s32 $0xFFFFFFFF;
	p2 =	slt.u32 s8, $0xFFFFF086  }
0x1c: {  	p1 =	slt.u32 s9, $0xF7A;
	s5 =	simm.s32 @!p2 $0x0  }
0x1d: {  	s5 =	simm.s32 @p1 $0x1;
	p0 =	seq.s32 s7, s2  }
0x1e: {  	s7 =	smul.u32 @!p0 $0xF7A, s2;
	p2 =	seq.s32 @!p0 s5, $0x0  }
0x1f: {  	s9 =	smul.u32 $0xF7A, s1;
	s8 =	simm.s32 @!p0 $0x1BF5;
	p2 =	por !p2, p0  }
0x20: {  	[sflag:s8] =	ssyncset.s32 @!p0 $0xFFFFF086;
	s6 =	sadd.s32 @!p0 s3, s7;
	s7 =	simm.s32 @!p0 $0x108  }
0x21: {  	s3 =	sadd.s32 s3, s9;
	s6 =	sadd.s32 @!p0 $0x88, s6;
	s7 =	simm.s32 @p2 $0x1082  }
0x22: {  	[simem:s7], [sflag:s8] =	dma.local @!p0 [hbm:s6], $0xF7A  }
0x23: {  	s9 =	sor.u32 $0xD0000000, s2;
	s6 =	simm.s32 $0x108;
	_ =	swait.ge @!p0 [sflag:s8], $0x0  }
0x24: {  	s3 =	sadd.s32 $0x88, s3;
	s6 =	simm.s32 @!p1 $0x1082;
	[sflag:s4] =	ssyncset.s32 $0xFFFFF086  }
0x25: {  	[simem:s6], [sflag:s4] =	dma.local [hbm:s3], $0xF7A  }
0x26: {  	[smem:$0x3F99] =	sst s1;
	(tag) =	ssettag s2;
	_ =	strace s9  }
0x27: {  	s1 =	sld [smem:$0x3FA9]  }
0x28: {  	s2 =	sld [smem:$0x3FAA]  }
0x29: {  	s4 =	sld [smem:$0x3FAC]  }
0x2a: {  	p0 =	seq.s32 s5, $0x0;
	s5 =	sld [smem:$0x3FAD]  }
0x2b: {  	s6 =	sld [smem:$0x3FAE]  }
0x2c: {  	s7 =	sld [smem:$0x3FAF]  }
0x2d: {  	s3 =	simm.s32 $0x108;
	s8 =	sld [smem:$0x3FB0]  }
0x2e: {  	s3 =	simm.s32 @!p0 $0x1082;
	s9 =	sld [smem:$0x3FB1]  }
0x2f: {  	lr =	sadd.s32 s0, s3;
	s0 =	sld [smem:$0x3FA8]  }
0x30: {  	s3 =	sld [smem:$0x3FAB]  }
0x31: {  	[smem:$0x3FB4] =	sst s10  }
0x32: {  	s10 =	sld [smem:$0x3FB2];
	_ =	sdelay $0x3  }
0x33: {  	p0 =	seq.s32 s10, $0x1;
	s10 =	sld [smem:$0x3FB4];
	_ =	sdelay $0x3  }
0x34: {  	[smem:$0x3FB4] =	sst s10  }
0x35: {  	s10 =	sld [smem:$0x3FB3];
	_ =	sdelay $0x3  }
0x36: {  	p1 =	seq.s32 s10, $0x1;
	s10 =	sld [smem:$0x3FB4];
	_ =	sdelay $0x3  }
0x37: {  	[smem:$0x3FB4] =	sst s10  }
0x38: {  	s10 =	sld [smem:$0x3FB5]  }
0x39: {  	_ = 	snop;
	(pc) =	sbr.ind lr, $3  }
0x3a: {  	_ = 	snop  }
0x3b: {  	_ = 	snop  }
0x3c: {  	p2 =	seq.s32 s10, $0x1;
	s10 =	sld [smem:$0x3FB4]  }
0x3d: {  	_ =	shalt  }
0x3e: {  	_ =	shalt  }
0x3f: {  	_ =	shalt  }
0x40: {  	_ =	shalt  }
0x41: {  	_ =	shalt  }
0x42: {  	_ =	shalt  }
0x43: {  	_ =	shalt  }
0x44: {  	_ =	shalt  }
0x45: {  	_ =	shalt  }
0x46: {  	_ =	shalt  }
0x47: {  	_ =	shalt  }
0x48: {  	_ =	shalt  }
0x49: {  	_ =	shalt  }
0x4a: {  	_ =	shalt  }
0x4b: {  	_ =	shalt  }
0x4c: {  	_ =	shalt  }
0x4d: {  	_ =	shalt  }
0x4e: {  	_ =	shalt  }
0x4f: {  	_ =	shalt  }
0x50: {  	_ =	shalt  }
0x51: {  	_ =	shalt  }
0x52: {  	_ =	shalt  }
0x53: {  	_ =	shalt  }
0x54: {  	_ =	shalt  }
0x55: {  	_ =	shalt  }
0x56: {  	_ =	shalt  }
0x57: {  	_ =	shalt  }
0x58: {  	_ =	shalt  }
0x59: {  	_ =	shalt  }
0x5a: {  	_ =	shalt  }
0x5b: {  	_ =	shalt  }
0x5c: {  	_ =	shalt  }
0x5d: {  	_ =	shalt  }
0x5e: {  	_ =	shalt  }
0x5f: {  	_ =	shalt  }
0x60: {  	_ =	shalt  }
0x61: {  	_ =	shalt  }
0x62: {  	_ =	shalt  }
0x63: {  	_ =	shalt  }
0x64: {  	_ =	shalt  }
0x65: {  	_ =	shalt  }
0x66: {  	_ =	shalt  }
0x67: {  	_ =	shalt  }
0x68: {  	_ =	shalt  }
0x69: {  	_ =	shalt  }
0x6a: {  	_ =	shalt  }
0x6b: {  	_ =	shalt  }
0x6c: {  	_ =	shalt  }
0x6d: {  	_ =	shalt  }
0x6e: {  	_ =	shalt  }
0x6f: {  	_ =	shalt  }
0x70: {  	_ =	shalt  }
0x71: {  	_ =	shalt  }
0x72: {  	_ =	shalt  }
0x73: {  	_ =	shalt  }
0x74: {  	_ =	shalt  }
0x75: {  	_ =	shalt  }
0x76: {  	_ =	shalt  }
0x77: {  	_ =	shalt  }
0x78: {  	_ =	shalt  }
0x79: {  	_ =	shalt  }
0x7a: {  	_ =	shalt  }
0x7b: {  	_ =	shalt  }
0x7c: {  	_ =	shalt  }
0x7d: {  	_ =	shalt  }
0x7e: {  	_ =	shalt  }
0x7f: {  	_ =	shalt  }
0x80: {  	_ =	shalt  }
0x81: {  	_ =	shalt  }
0x82: {  	_ =	shalt  }
0x83: {  	_ =	shalt  }
0x84: {  	_ =	shalt  }
0x85: {  	_ =	shalt  }
0x86: {  	_ =	shalt  }
0x87: {  	_ =	shalt  }
.Lfunc_end0:
.L_simem_size_0:
called_computation_lowered:
.L_overlay_start_0:
0x88: {  	s2 =	sld [smem:$0x3FD9]  }
0x89: {  	s3 =	sld [smem:$0x3FFE];
	_ =	sdelay $0x1  }
0x8a: {  	s1 =	srdreg.scid  }
0x8b: {  	s0 =	sand.u32 $0x1, s1  }
0x8c: {  	s17 =	sshll.u32 s0, $0xA;
	s2 =	sadd.s32 s3, s2  }
0x8d: {  	s2 =	sadd.s32 s2, s17  }
0x8e: {  	[smem:$0x3FC0] =	sst s2  }
0x8f: {  	_ = 	snop  }
0x90: {  	s2 =	sld [smem:$0x3FC9]  }
0x91: {  	s18 =	sld [smem:$0x3FD0];
	(tm) =	ssettm $0x1  }
0x92: {  	s4 =	sld [smem:$0x3FFB];
	_ =	sdelay $0x3  }
0x93: {  	_ =	strace s4  }
0x94: {  	s4 =	sld [smem:$0x3FFC];
	_ =	sdelay $0x3  }
0x95: {  	_ =	strace s4  }
0x96: {  	s4 =	sld [smem:$0x3FFD];
	_ =	sdelay $0x3  }
0x97: {  	_ =	strace s4  }
0x98: {  	_ =	strace $0x8FFFFFFF  }
0x99: {  	s19 =	sld [smem:$0x3FDB];
	_ =	sdelay $0x1  }
0x9a: {  	s5 =	simm.s32 $_scs_section_size  }
0x9b: {  	s6 =	simm.s32 $_size__tile_overlayer_lowered;
	s7 =	simm.s32 $_tile_overlayer_lowered  }
0x9c: {  	s22 =	simm.s32 $0x1BFF;
	s21 =	sshll.u32 s7, $0x1;
	s4 =	sadd.s32 s5, s19  }
0x9d: {  	s8 =	simm.s32 $0x0;
	s20 =	sshll.u32 s6, $0x1;
	s6 =	sadd.s32 s21, s4  }
0x9e: {  	[timem:s8], [sflag:s22] =	dma.local [hbm:s6], s20  }
0x9f: {  	_ =	swait.ge [sflag:s22], s20  }
0xa0: {  	s5 =	ssub.s32 $0x0, s20;
	[sflag:s22] =	ssyncset.done $0x0  }
0xa1: {  	[sflag:s22] =	ssyncadd.s32 s5;
	_ =	sdelay $0x1  }
0xa2: {  	s23 =	simm.s32 $0x1B8B  }
0xa3: {  	_ =	swait.ge [sflag:s23], $0x1  }
0xa4: {  	[sflag:s23] =	ssyncset.done $0x0  }
0xa5: {  	s25 =	simm.s32 $0x1B8E;
	s24 =	sld [smem:$0x3FFE];
	[sflag:s23] =	ssyncadd.s32 $0xFFFFFFFF  }
0xa6: {  	s26 =	simm.s32 $execute0_lowered;
	[smem:$0x3FD2] =	sst s25  }
0xa7: {  	s6 =	sshll.u32 s26, $0x1;
	_ =	strace $0x80000046;
	[dreg:$0x1] =	wrdreg $0xFFFFFFFF  }
0xa8: {  	s28 =	simm.s32 $_size_execute0_lowered;
	s4 =	sadd.s32 s4, s6;
	[dreg:$0x0] =	wrdreg $0x0  }
0xa9: {  	s6 =	sshll.u32 s28, $0x1;
	[dreg:$0x2] =	wrdreg s4  }
0xaa: {  	[dreg:$0x3] =	wrdreg s6  }
0xab: {  	[dreg:$0x4] =	wrdreg $0xC0  }
0xac: {  	_ =	task [dreg:s8], $0x5FFFF  }
0xad: {  	[dreg:$0x1] =	wrdreg $0xFFFFFFFF  }
0xae: {  	[dreg:$0x0] =	wrdreg $0x60  }
0xaf: {  	[dreg:$0x2] =	wrdreg s2  }
0xb0: {  	[dreg:$0x3] =	wrdreg s24  }
0xb1: {  	[dreg:$0x4] =	wrdreg s18  }
0xb2: {  	[dreg:$0x5] =	wrdreg $0x0  }
0xb3: {  	[dreg:$0x6] =	wrdreg $0x1F8000  }
0xb4: {  	[dreg:$0x7] =	wrdreg $0x9  }
0xb5: {  	_ =	task.clear_ibuf [dreg:s8], $0x8FFFF;
	_ =	strace $0x90000046  }
0xb6: {  	s29 =	simm.s32 $0x9;
	_ =	strace $0x80000048  }
0xb7: {  	_ =	swait.ge [sflag:s29], $0x1  }
0xb8: {  	[sflag:s29] =	ssyncadd.s32 $0xFFFFFFFF  }
0xb9: {  	_ =	strace $0x90000048  }
0xba: {  	_ =	sfence  }
0xbb: {  	s30 =	sld [smem:$0x0];
	_ =	sdelay $0x2  }
0xbc: {  	s31 =	sshll.u32 s1, $0xD;
	s1 =	sshrl.u32 s1, $0x2  }
0xbd: {  	s3 =	sand.u32 $0x4000, s31;
	s1 =	sadd.s32 s1, s30  }
0xbe: {  	s0 =	sor.u32 s3, s0;
	s1 =	sshll.u32 s1, $0x11  }
0xbf: {  	s0 =	sor.u32 s1, s0  }
0xc0: {  	s0 =	sadd.s32 $0x8F2B, s0  }
0xc1: {  	[sflag:s0] =	ssyncadd.remote.s32 $0x1  }
0xc2: {  	_ =	sfence.sel $0xFFFF  }
0xc3: {  	[dreg:$0x0] =	wrdreg $0xFFFFFFFF;
	(pc) =	sbr.abs _section_cstart, $3  }
0xc4: {  	[dreg:$0x1] =	wrdreg $0xFFFFFFFF  }
0xc5: {  	_ =	task.clear_ibuf [dreg:s8], $0x2FFFF;
	_ =	strace $0x9FFFFFFF  }
0xc6: {  	(tm) =	ssettm $0x7FFFFFFF  }
0xc7: {  	_ =	shalt  }
tec
execute0_lowered:
.L_overlay_start_1:
0x0: {  	(tag) =	ssettag $0x1  }
0x1: {  	s0 =	rddreg [dreg:$0x0]  }
0x2: {  	s1 =	rddreg [dreg:$0x1]  }
0x3: {  	s2 =	srdreg.scid;
	s4 =	rddreg [dreg:$0x3]  }
0x4: {  	s13 =	stileid.u32;
	s5 =	rddreg [dreg:$0x4];
	s6 =	simm.s32 $0x0  }
0x5: {  	s28 =	simm.s32 $0x2;
	s29 =	simm.s32 $0x18000;
	s7 =	smul.u32 $0x14000, s13  }
0x6: {  	s30 =	simm.s32 $0x3;
	s31 =	simm.s32 $0x1BC00;
	s8 =	smul.u32 $0x500, s13  }
0x7: {  	s14 =	simm.s32 $0x14380;
	s2 =	sand.u32 $0x1, s2;
	s10 =	smul.u32 $0x50000, s13  }
0x8: {  	[smem:$0x7FF] =	sst s6;
	s16 =	sadd.s32 $0x2600, s1;
	s12 =	smul.u32 $0xA00, s13  }
0x9: {  	s17 =	sadd.s32 $0x17600, s1;
	s21 =	sshll.u32 s13, $0x6;
	s24 =	smul.u32 $0xA80, s13  }
0xa: {  	s3 =	smul.u32 $0x140000, s2;
	s9 =	sshll.u32 s2, $0x7;
	_ =	strace $0x80000047  }
0xb: {  	[dreg:$0x6] =	wrdreg s17;
	s18 =	ssub.s32 $0x2, s2;
	s19 =	sshll.u32 s2, $0x4  }
0xc: {  	s2 =	smul.u32 $0xA800, s2;
	s17 =	simm.s32 $0x0;
	s15 =	sor.u32 s9, s8  }
0xd: {  	s11 =	sshrl.u32 s18, $0x1;
	s8 =	sor.u32 s13, s19;
	s10 =	sshrl.u32 s10, $0x2  }
0xe: {  	s12 =	sshrl.u32 s12, $0x2;
	s13 =	simm.s32 $0x14280;
	s3 =	sadd.s32 s7, s3  }
0xf: {  	s7 =	sshrl.u32 s15, $0x3;
	s20 =	smul.u32 $0xA80, s8;
	s10 =	sadd.s32 s10, s4  }
0x10: {  	s15 =	sor.u32 $0x1C08, s21;
	s12 =	sadd.s32 s12, s5;
	s26 =	sadd.s32 s2, s16  }
0x11: {  	s3 =	sshrl.u32 s3, $0x3;
	s9 =	sshrl.u32 s10, $0x3;
	[dreg:$0x7] =	wrdreg s15  }
0x12: {  	s3 =	sadd.s32 s3, s1;
	s22 =	sadd.s32 s16, s20;
	[dreg:$0x10] =	wrdreg s9  }
0x13: {  	s1 =	sadd.s32 s7, s1;
	s16 =	sshrl.u32 s12, $0x3;
	[dreg:$0x8] =	wrdreg s22  }
0x14: {  	s7 =	ssub.s32 s18, s11;
	s11 =	sadd.s32 $0x20, s22;
	[dreg:$0x11] =	wrdreg s16  }
0x15: {  	s2 =	simm.s32 $0x1FA80;
	s23 =	sadd.s32 $0x40, s22;
	[dreg:$0x9] =	wrdreg s11  }
0x16: {  	s10 =	simm.s32 $0x6;
	s8 =	sadd.s32 $0x60, s22;
	[dreg:$0xa] =	wrdreg s23  }
0x17: {  	s18 =	simm.s32 $0x8;
	s3 =	sadd.s32 $0x19E00, s3;
	[dreg:$0xb] =	wrdreg s8  }
0x18: {  	s12 =	simm.s32 $0x7;
	s1 =	sadd.s32 $0x69E00, s1;
	[dreg:$0xc] =	wrdreg s3  }
.Ltmp0:
0x19: {  	s25 =	smax.u32 s7, $0x1;
	[dreg:$0xd] =	wrdreg s1;
	(pc) =	sbr.rel .LBB2_1-.Ltmp0, $4  }
0x1a: {  	s22 =	simm.s32 $0x14200;
	s7 =	simm.s32 $0x4;
	[dreg:$0xe] =	wrdreg s25  }
0x1b: {  	s1 =	sadd.s32 s24, s26;
	s23 =	simm.s32 $0x14300;
	s24 =	simm.s32 $0x1  }
0x1c: {  	s25 =	simm.s32 $0x78;
	s26 =	simm.s32 $0x14400;
	s3 =	simm.s32 $0x5  }
0x1d: {  	v0 =	vimm.f32 $1.000000000e+00;
	s11 =	simm.s32 $0x14180;
	[dreg:$0xf] =	wrdreg s1;
	s1 =	simm.s32 $0x14080  }
.LBB2_4:
0x1e: {  	[bflag:$0x0] =	sbarrier.arrive $0xFFFF  }
0x1f: {  	s15 =	rddreg [dreg:$0x7]  }
0x20: {  	s8 =	rddreg [dreg:$0xc]  }
0x21: {  	s9 =	rddreg [dreg:$0x10]  }
0x22: {  	[hbm:s8], [sflag:s15] =	dma.local [spmem:s9], $0x2800  }
0x23: {  	_ =	swait.ge [sflag:s18], $0x2800  }
0x24: {  	s17 =	simm.s32 $0x20;
	[sflag:s18] =	ssyncset.done $0x0;
	s21 =	rddreg [dreg:$0xd]  }
0x25: {  	s19 =	simm.s32 $0x10;
	s16 =	rddreg [dreg:$0x11];
	[sflag:s18] =	ssyncadd.s32 $0xFFFFD800  }
0x26: {  	[hbm:s21@s17], [sflag:s15] =	dma.strided [spmem:s16@s19], $0x50, s24, $0x10   }
0x27: {  	_ =	swait.ge [sflag:s18], $0x50  }
0x28: {  	s20 =	rddreg [dreg:$0x12]  }
0x29: {  	s21 =	rddreg [dreg:$0xe];
	s17 =	sadd.s32 $0x1, s20  }
0x2a: {  	p0 =	sne.s32 s17, s21  }
.Ltmp1:
0x2b: {  	_ = 	snop;
	(pc) =	sbr.rel @!p0 .LBB2_5-.Ltmp1, $3  }
0x2c: {  	_ =	sdelay $0x1  }
0x2d: {  	[sflag:s18] =	ssyncset.done $0x0  }
0x2e: {  	[sflag:s18] =	ssyncadd.s32 $0xFFFFFFB0  }
.LBB2_1:
0x2f: {  	[dreg:$0x12] =	wrdreg s17  }
0x30: {  	s8 =	rddreg [dreg:$0x6]  }
0x31: {  	[spmem:s9], [sflag:s15] =	dma.local [hbm:s8], $0x2800  }
0x32: {  	_ =	swait.ge [sflag:s18], $0x2800  }
0x33: {  	[sflag:s18] =	ssyncset.done $0x0  }
0x34: {  	[sflag:s18] =	ssyncadd.s32 $0xFFFFD800  }
0x35: {  	s9 =	rddreg [dreg:$0x2]  }
0x36: {  	[spmem:s16], [sflag:s15] =	dma.local [hbm:s9], $0x50  }
0x37: {  	_ =	swait.ge [sflag:s18], $0x50  }
0x38: {  	[sflag:s18] =	ssyncset.done $0x0  }
0x39: {  	[sflag:s18] =	ssyncadd.s32 $0xFFFFFFB0  }
0x3a: {  	[tilespmem:$0x1FA80] =	vst v0  }
0x3b: {  	[tilespmem:$0x1FA90] =	vst v0  }
0x3c: {  	[tilespmem:$0x1FAA0] =	vst v0  }
0x3d: {  	[tilespmem:$0x1FAB0] =	vst v0  }
0x3e: {  	[tilespmem:$0x1FAC0] =	vst v0  }
0x3f: {  	[tilespmem:$0x1FAD0] =	vst v0  }
0x40: {  	[tilespmem:$0x1FAE0] =	vst v0  }
0x41: {  	s16 =	simm.s32 $0x14000;
	s15 =	rddreg [dreg:$0x8];
	[tilespmem:$0x1FAE8] =	vst v0  }
0x42: {  	[tilespmem:s16], [sflag:$0x1] =	stream.linear.gather [hbm4b:s15+s6], $0x100, $0x38;
	[tilespmem:$0x1FB00] =	vst v63  }
0x43: {  	s19 =	simm.s32 $0x14100;
	s17 =	rddreg [dreg:$0x9]  }
0x44: {  	[tilespmem:s19], [sflag:$0x2] =	stream.linear.gather [hbm4b:s17+s6], $0x100, $0x38;
	[tilespmem:$0x1FB00] =	vst v63  }
0x45: {  	s20 =	rddreg [dreg:$0xa]  }
0x46: {  	[tilespmem:s22], [sflag:$0x3] =	stream.linear.gather [hbm4b:s20+s6], $0x100, $0x38;
	[tilespmem:$0x1FB00] =	vst v63  }
0x47: {  	s21 =	rddreg [dreg:$0xb]  }
0x48: {  	[tilespmem:s23], [sflag:$0x4] =	stream.linear.gather [hbm4b:s21+s6], $0x100, $0x38;
	[tilespmem:$0x1FB00] =	vst v63  }
0x49: {  	_ =	swait.ge [sflag:s24], $0x100  }
0x4a: {  	[sflag:s24] =	ssyncset.done $0x0  }
0x4b: {  	[sflag:s24] =	ssyncadd.s32 $0xFFFFFF00  }
0x4c: {  	[tilespmem:s26], [sflag:$0x5] =	stream.indirect.gather [hbm4b:s0+s25], $0x80, s16, s25, $0xb8;
	[tilespmem:$0x1FB00] =	vst v63  }
0x4d: {  	_ =	swait.ge [sflag:s28], $0x100  }
0x4e: {  	[sflag:s28] =	ssyncset.done $0x0  }
0x4f: {  	[sflag:s28] =	ssyncadd.s32 $0xFFFFFF00  }
0x50: {  	[tilespmem:s29], [sflag:$0x6] =	stream.indirect.gather [hbm4b:s0+s25], $0x80, s19, s25, $0xb8;
	[tilespmem:$0x1FB00] =	vst v63  }
0x51: {  	_ =	swait.ge [sflag:s30], $0x100  }
0x52: {  	[sflag:s30] =	ssyncset.done $0x0  }
0x53: {  	[sflag:s30] =	ssyncadd.s32 $0xFFFFFF00  }
0x54: {  	[tilespmem:s31], [sflag:$0x7] =	stream.indirect.gather [hbm4b:s0+s25], $0x80, s22, s25, $0xb8;
	[tilespmem:$0x1FB00] =	vst v63  }
0x55: {  	s9 =	simm.s32 $0x0;
	[bflag:$0x0] =	sbarrier.arrive $0xFFFF  }
.LBB2_2:
0x56: {  	_ =	swait.ge [sflag:s3], $0x3C00  }
0x57: {  	[sflag:s3] =	ssyncset.done $0x0  }
0x58: {  	[sflag:s3] =	ssyncadd.s32 $0xFFFFC400  }
0x59: {  	[spmem:s4] =	stream.indirect.scatter.add.f32 [tilespmem:s26], [sflag:$0x8], $0x80, s1, s25, $0xb8;
	[tilespmem:$0x1FB00] =	vst v63  }
0x5a: {  	_ =	swait.ge [sflag:s18], $0x3C00  }
0x5b: {  	[sflag:s18] =	ssyncset.done $0x0  }
0x5c: {  	[sflag:s18] =	ssyncadd.s32 $0xFFFFC400  }
0x5d: {  	[spmem:s5] =	stream.indirect.scatter.add.f32 [tilespmem:s2], [sflag:$0x8], $0x1, s1, s25, $0xb8;
	[tilespmem:$0x1FB00] =	vst v63  }
0x5e: {  	_ =	swait.ge [sflag:s18], $0x78  }
0x5f: {  	s8 =	rddreg [dreg:$0xf]  }
0x60: {  	[sflag:s18] =	ssyncset.done $0x0;
	s17 =	sadd.s32 s9, s8  }
0x61: {  	s15 =	simm.s32 $0x14000;
	[sflag:s18] =	ssyncadd.s32 $0xFFFFFF88;
	s19 =	sadd.s32 $0x80, s17  }
0x62: {  	[tilespmem:s15], [sflag:$0x1] =	stream.linear.gather [hbm4b:s19+s6], $0x100, $0x38;
	[tilespmem:$0x1FB00] =	vst v63  }
0x63: {  	_ =	swait.ge [sflag:s7], $0x100  }
0x64: {  	[sflag:s7] =	ssyncset.done $0x0  }
0x65: {  	[sflag:s7] =	ssyncadd.s32 $0xFFFFFF00  }
0x66: {  	[tilespmem:s26], [sflag:$0x5] =	stream.indirect.gather [hbm4b:s0+s25], $0x80, s23, s25, $0xb8;
	[tilespmem:$0x1FB00] =	vst v63  }
0x67: {  	_ =	swait.ge [sflag:s10], $0x3C00  }
0x68: {  	[sflag:s10] =	ssyncset.done $0x0  }
0x69: {  	[sflag:s10] =	ssyncadd.s32 $0xFFFFC400  }
0x6a: {  	[spmem:s4] =	stream.indirect.scatter.add.f32 [tilespmem:s29], [sflag:$0x8], $0x80, s11, s25, $0xb8;
	[tilespmem:$0x1FB00] =	vst v63  }
0x6b: {  	_ =	swait.ge [sflag:s18], $0x3C00  }
0x6c: {  	[sflag:s18] =	ssyncset.done $0x0  }
0x6d: {  	[sflag:s18] =	ssyncadd.s32 $0xFFFFC400  }
0x6e: {  	[spmem:s5] =	stream.indirect.scatter.add.f32 [tilespmem:s2], [sflag:$0x8], $0x1, s11, s25, $0xb8;
	[tilespmem:$0x1FB00] =	vst v63  }
0x6f: {  	_ =	swait.ge [sflag:s18], $0x78  }
0x70: {  	[sflag:s18] =	ssyncset.done $0x0  }
0x71: {  	s16 =	simm.s32 $0x14100;
	s21 =	sadd.s32 $0xA0, s17;
	[sflag:s18] =	ssyncadd.s32 $0xFFFFFF88  }
0x72: {  	[tilespmem:s16], [sflag:$0x2] =	stream.linear.gather [hbm4b:s21+s6], $0x100, $0x38;
	[tilespmem:$0x1FB00] =	vst v63  }
0x73: {  	_ =	swait.ge [sflag:s24], $0x100  }
0x74: {  	[sflag:s24] =	ssyncset.done $0x0  }
0x75: {  	[sflag:s24] =	ssyncadd.s32 $0xFFFFFF00  }
0x76: {  	[tilespmem:s29], [sflag:$0x6] =	stream.indirect.gather [hbm4b:s0+s25], $0x80, s15, s25, $0xb8;
	[tilespmem:$0x1FB00] =	vst v63  }
0x77: {  	_ =	swait.ge [sflag:s12], $0x3C00  }
0x78: {  	[sflag:s12] =	ssyncset.done $0x0  }
0x79: {  	[sflag:s12] =	ssyncadd.s32 $0xFFFFC400  }
0x7a: {  	[spmem:s4] =	stream.indirect.scatter.add.f32 [tilespmem:s31], [sflag:$0x8], $0x80, s13, s25, $0xb8;
	[tilespmem:$0x1FB00] =	vst v63  }
0x7b: {  	_ =	swait.ge [sflag:s18], $0x3C00  }
0x7c: {  	[sflag:s18] =	ssyncset.done $0x0  }
0x7d: {  	[sflag:s18] =	ssyncadd.s32 $0xFFFFC400  }
0x7e: {  	[spmem:s5] =	stream.indirect.scatter.add.f32 [tilespmem:s2], [sflag:$0x8], $0x1, s13, s25, $0xb8;
	[tilespmem:$0x1FB00] =	vst v63  }
0x7f: {  	_ =	swait.ge [sflag:s18], $0x78  }
0x80: {  	[sflag:s18] =	ssyncset.done $0x0  }
0x81: {  	s20 =	sadd.s32 $0xC0, s17;
	[sflag:s18] =	ssyncadd.s32 $0xFFFFFF88  }
0x82: {  	[tilespmem:s22], [sflag:$0x3] =	stream.linear.gather [hbm4b:s20+s6], $0x100, $0x38;
	[tilespmem:$0x1FB00] =	vst v63  }
0x83: {  	_ =	swait.ge [sflag:s28], $0x100  }
0x84: {  	[sflag:s28] =	ssyncset.done $0x0  }
0x85: {  	[sflag:s28] =	ssyncadd.s32 $0xFFFFFF00  }
0x86: {  	[tilespmem:s31], [sflag:$0x7] =	stream.indirect.gather [hbm4b:s0+s25], $0x80, s16, s25, $0xb8;
	[tilespmem:$0x1FB00] =	vst v63  }
0x87: {  	_ =	swait.ge [sflag:s3], $0x3C00  }
0x88: {  	[sflag:s3] =	ssyncset.done $0x0  }
0x89: {  	[sflag:s3] =	ssyncadd.s32 $0xFFFFC400  }
0x8a: {  	[spmem:s4] =	stream.indirect.scatter.add.f32 [tilespmem:s26], [sflag:$0x8], $0x80, s14, s25, $0xb8;
	[tilespmem:$0x1FB00] =	vst v63  }
0x8b: {  	_ =	swait.ge [sflag:s18], $0x3C00  }
0x8c: {  	[sflag:s18] =	ssyncset.done $0x0  }
0x8d: {  	[sflag:s18] =	ssyncadd.s32 $0xFFFFC400  }
0x8e: {  	[spmem:s5] =	stream.indirect.scatter.add.f32 [tilespmem:s2], [sflag:$0x8], $0x1, s14, s25, $0xb8;
	[tilespmem:$0x1FB00] =	vst v63  }
0x8f: {  	_ =	swait.ge [sflag:s18], $0x78  }
0x90: {  	[sflag:s18] =	ssyncset.done $0x0  }
0x91: {  	s21 =	sadd.s32 $0xE0, s17;
	[sflag:s18] =	ssyncadd.s32 $0xFFFFFF88  }
0x92: {  	[tilespmem:s23], [sflag:$0x4] =	stream.linear.gather [hbm4b:s21+s6], $0x100, $0x38;
	[tilespmem:$0x1FB00] =	vst v63  }
0x93: {  	_ =	swait.ge [sflag:s30], $0x100  }
0x94: {  	[sflag:s30] =	ssyncset.done $0x0  }
0x95: {  	[sflag:s30] =	ssyncadd.s32 $0xFFFFFF00  }
0x96: {  	[tilespmem:s26], [sflag:$0x5] =	stream.indirect.gather [hbm4b:s0+s25], $0x80, s22, s25, $0xb8;
	[tilespmem:$0x1FB00] =	vst v63  }
0x97: {  	_ =	swait.ge [sflag:s10], $0x3C00  }
0x98: {  	[sflag:s10] =	ssyncset.done $0x0  }
0x99: {  	[sflag:s10] =	ssyncadd.s32 $0xFFFFC400  }
0x9a: {  	[spmem:s4] =	stream.indirect.scatter.add.f32 [tilespmem:s29], [sflag:$0x8], $0x80, s1, s25, $0xb8;
	[tilespmem:$0x1FB00] =	vst v63  }
0x9b: {  	_ =	swait.ge [sflag:s18], $0x3C00  }
0x9c: {  	[sflag:s18] =	ssyncset.done $0x0  }
0x9d: {  	[sflag:s18] =	ssyncadd.s32 $0xFFFFC400  }
0x9e: {  	[spmem:s5] =	stream.indirect.scatter.add.f32 [tilespmem:s2], [sflag:$0x8], $0x1, s1, s25, $0xb8;
	[tilespmem:$0x1FB00] =	vst v63  }
0x9f: {  	_ =	swait.ge [sflag:s18], $0x78  }
0xa0: {  	[sflag:s18] =	ssyncset.done $0x0  }
0xa1: {  	s20 =	sadd.s32 $0x100, s17;
	[sflag:s18] =	ssyncadd.s32 $0xFFFFFF88  }
0xa2: {  	[tilespmem:s15], [sflag:$0x1] =	stream.linear.gather [hbm4b:s20+s6], $0x100, $0x38;
	[tilespmem:$0x1FB00] =	vst v63  }
0xa3: {  	_ =	swait.ge [sflag:s7], $0x100  }
0xa4: {  	[sflag:s7] =	ssyncset.done $0x0  }
0xa5: {  	[sflag:s7] =	ssyncadd.s32 $0xFFFFFF00  }
0xa6: {  	[tilespmem:s29], [sflag:$0x6] =	stream.indirect.gather [hbm4b:s0+s25], $0x80, s23, s25, $0xb8;
	[tilespmem:$0x1FB00] =	vst v63  }
0xa7: {  	_ =	swait.ge [sflag:s12], $0x3C00  }
0xa8: {  	[sflag:s12] =	ssyncset.done $0x0  }
0xa9: {  	[sflag:s12] =	ssyncadd.s32 $0xFFFFC400  }
0xaa: {  	[spmem:s4] =	stream.indirect.scatter.add.f32 [tilespmem:s31], [sflag:$0x8], $0x80, s11, s25, $0xb8;
	[tilespmem:$0x1FB00] =	vst v63  }
0xab: {  	_ =	swait.ge [sflag:s18], $0x3C00  }
0xac: {  	[sflag:s18] =	ssyncset.done $0x0  }
0xad: {  	[sflag:s18] =	ssyncadd.s32 $0xFFFFC400  }
0xae: {  	[spmem:s5] =	stream.indirect.scatter.add.f32 [tilespmem:s2], [sflag:$0x8], $0x1, s11, s25, $0xb8;
	[tilespmem:$0x1FB00] =	vst v63  }
0xaf: {  	_ =	swait.ge [sflag:s18], $0x78  }
0xb0: {  	[sflag:s18] =	ssyncset.done $0x0  }
0xb1: {  	s21 =	sadd.s32 $0x120, s17;
	[sflag:s18] =	ssyncadd.s32 $0xFFFFFF88  }
0xb2: {  	[tilespmem:s16], [sflag:$0x2] =	stream.linear.gather [hbm4b:s21+s6], $0x100, $0x38;
	[tilespmem:$0x1FB00] =	vst v63  }
0xb3: {  	_ =	swait.ge [sflag:s24], $0x100  }
0xb4: {  	[sflag:s24] =	ssyncset.done $0x0  }
0xb5: {  	[sflag:s24] =	ssyncadd.s32 $0xFFFFFF00  }
0xb6: {  	[tilespmem:s31], [sflag:$0x7] =	stream.indirect.gather [hbm4b:s0+s25], $0x80, s15, s25, $0xb8;
	[tilespmem:$0x1FB00] =	vst v63  }
0xb7: {  	_ =	swait.ge [sflag:s3], $0x3C00  }
0xb8: {  	[sflag:s3] =	ssyncset.done $0x0  }
0xb9: {  	[sflag:s3] =	ssyncadd.s32 $0xFFFFC400  }
0xba: {  	[spmem:s4] =	stream.indirect.scatter.add.f32 [tilespmem:s26], [sflag:$0x8], $0x80, s13, s25, $0xb8;
	[tilespmem:$0x1FB00] =	vst v63  }
0xbb: {  	_ =	swait.ge [sflag:s18], $0x3C00  }
0xbc: {  	[sflag:s18] =	ssyncset.done $0x0  }
0xbd: {  	[sflag:s18] =	ssyncadd.s32 $0xFFFFC400  }
0xbe: {  	[spmem:s5] =	stream.indirect.scatter.add.f32 [tilespmem:s2], [sflag:$0x8], $0x1, s13, s25, $0xb8;
	[tilespmem:$0x1FB00] =	vst v63  }
0xbf: {  	_ =	swait.ge [sflag:s18], $0x78  }
0xc0: {  	[sflag:s18] =	ssyncset.done $0x0  }
0xc1: {  	s20 =	sadd.s32 $0x140, s17;
	[sflag:s18] =	ssyncadd.s32 $0xFFFFFF88  }
0xc2: {  	[tilespmem:s22], [sflag:$0x3] =	stream.linear.gather [hbm4b:s20+s6], $0x100, $0x38;
	[tilespmem:$0x1FB00] =	vst v63  }
0xc3: {  	_ =	swait.ge [sflag:s28], $0x100  }
0xc4: {  	[sflag:s28] =	ssyncset.done $0x0  }
0xc5: {  	[sflag:s28] =	ssyncadd.s32 $0xFFFFFF00  }
0xc6: {  	[tilespmem:s26], [sflag:$0x5] =	stream.indirect.gather [hbm4b:s0+s25], $0x80, s16, s25, $0xb8;
	[tilespmem:$0x1FB00] =	vst v63  }
0xc7: {  	_ =	swait.ge [sflag:s10], $0x3C00  }
0xc8: {  	[sflag:s10] =	ssyncset.done $0x0  }
0xc9: {  	[sflag:s10] =	ssyncadd.s32 $0xFFFFC400  }
0xca: {  	[spmem:s4] =	stream.indirect.scatter.add.f32 [tilespmem:s29], [sflag:$0x8], $0x80, s14, s25, $0xb8;
	[tilespmem:$0x1FB00] =	vst v63  }
0xcb: {  	_ =	swait.ge [sflag:s18], $0x3C00  }
0xcc: {  	[sflag:s18] =	ssyncset.done $0x0  }
0xcd: {  	[sflag:s18] =	ssyncadd.s32 $0xFFFFC400  }
0xce: {  	[spmem:s5] =	stream.indirect.scatter.add.f32 [tilespmem:s2], [sflag:$0x8], $0x1, s14, s25, $0xb8;
	[tilespmem:$0x1FB00] =	vst v63  }
0xcf: {  	_ =	swait.ge [sflag:s18], $0x78  }
0xd0: {  	[sflag:s18] =	ssyncset.done $0x0  }
0xd1: {  	s21 =	sadd.s32 $0x160, s17;
	[sflag:s18] =	ssyncadd.s32 $0xFFFFFF88  }
0xd2: {  	[tilespmem:s23], [sflag:$0x4] =	stream.linear.gather [hbm4b:s21+s6], $0x100, $0x38;
	[tilespmem:$0x1FB00] =	vst v63  }
0xd3: {  	_ =	swait.ge [sflag:s30], $0x100  }
0xd4: {  	[sflag:s30] =	ssyncset.done $0x0  }
0xd5: {  	[sflag:s30] =	ssyncadd.s32 $0xFFFFFF00  }
0xd6: {  	[tilespmem:s29], [sflag:$0x6] =	stream.indirect.gather [hbm4b:s0+s25], $0x80, s22, s25, $0xb8;
	[tilespmem:$0x1FB00] =	vst v63  }
0xd7: {  	_ =	swait.ge [sflag:s12], $0x3C00  }
0xd8: {  	[sflag:s12] =	ssyncset.done $0x0  }
0xd9: {  	[sflag:s12] =	ssyncadd.s32 $0xFFFFC400  }
0xda: {  	[spmem:s4] =	stream.indirect.scatter.add.f32 [tilespmem:s31], [sflag:$0x8], $0x80, s1, s25, $0xb8;
	[tilespmem:$0x1FB00] =	vst v63  }
0xdb: {  	_ =	swait.ge [sflag:s18], $0x3C00  }
0xdc: {  	[sflag:s18] =	ssyncset.done $0x0  }
0xdd: {  	p0 =	seq.s32 s9, $0x900;
	[sflag:s18] =	ssyncadd.s32 $0xFFFFC400  }
0xde: {  	[spmem:s5] =	stream.indirect.scatter.add.f32 [tilespmem:s2], [sflag:$0x8], $0x1, s1, s25, $0xb8;
	[tilespmem:$0x1FB00] =	vst v63  }
0xdf: {  	s19 =	sadd.s32 @!p0 s9, s8;
	_ =	swait.ge [sflag:s18], $0x78  }
0xe0: {  	s8 =	sadd.s32 @!p0 $0x180, s19;
	[sflag:s18] =	ssyncset.done $0x0  }
0xe1: {  	s15 =	simm.s32 @!p0 $0x0;
	s16 =	simm.s32 @!p0 $0x14000;
	[sflag:s18] =	ssyncadd.s32 $0xFFFFFF88  }
0xe2: {  	[tilespmem:s16], [sflag:$0x1] =	stream.linear.gather @!p0 [hbm4b:s8+s15], $0x100, $0x38;
	[tilespmem:$0x1FB00] =	vst v63  }
0xe3: {  	_ =	swait.ge [sflag:s7], $0x100  }
0xe4: {  	[sflag:s7] =	ssyncset.done $0x0  }
0xe5: {  	[sflag:s7] =	ssyncadd.s32 $0xFFFFFF00  }
0xe6: {  	[tilespmem:s31], [sflag:$0x7] =	stream.indirect.gather [hbm4b:s0+s25], $0x80, s23, s25, $0xb8;
	[tilespmem:$0x1FB00] =	vst v63  }
0xe7: {  	_ =	swait.ge [sflag:s3], $0x3C00  }
0xe8: {  	[sflag:s3] =	ssyncset.done $0x0  }
0xe9: {  	[sflag:s3] =	ssyncadd.s32 $0xFFFFC400  }
0xea: {  	[spmem:s4] =	stream.indirect.scatter.add.f32 [tilespmem:s26], [sflag:$0x8], $0x80, s11, s25, $0xb8;
	[tilespmem:$0x1FB00] =	vst v63  }
0xeb: {  	_ =	swait.ge [sflag:s18], $0x3C00  }
0xec: {  	[sflag:s18] =	ssyncset.done $0x0  }
0xed: {  	[sflag:s18] =	ssyncadd.s32 $0xFFFFC400  }
0xee: {  	[spmem:s5] =	stream.indirect.scatter.add.f32 [tilespmem:s2], [sflag:$0x8], $0x1, s11, s25, $0xb8;
	[tilespmem:$0x1FB00] =	vst v63  }
0xef: {  	_ =	swait.ge [sflag:s18], $0x78  }
0xf0: {  	[sflag:s18] =	ssyncset.done $0x0  }
0xf1: {  	s20 =	simm.s32 @!p0 $0x14100;
	s8 =	sadd.s32 @!p0 $0x1A0, s19;
	[sflag:s18] =	ssyncadd.s32 $0xFFFFFF88  }
0xf2: {  	[tilespmem:s20], [sflag:$0x2] =	stream.linear.gather @!p0 [hbm4b:s8+s15], $0x100, $0x38;
	[tilespmem:$0x1FB00] =	vst v63  }
0xf3: {  	s8 =	simm.s32 @!p0 $0x1  }
0xf4: {  	_ =	swait.ge @!p0 [sflag:s8], $0x100  }
0xf5: {  	[sflag:s8] =	ssyncset.done @!p0 $0x0  }
0xf6: {  	s21 =	simm.s32 @!p0 $0x14400;
	[sflag:s8] =	ssyncadd.s32 @!p0 $0xFFFFFF00;
	s8 =	simm.s32 @!p0 $0x78  }
0xf7: {  	[tilespmem:s21], [sflag:$0x5] =	stream.indirect.gather @!p0 [hbm4b:s0+s8], $0x80, s16, s8, $0xb8;
	[tilespmem:$0x1FB00] =	vst v63  }
0xf8: {  	_ =	swait.ge [sflag:s10], $0x3C00  }
0xf9: {  	[sflag:s10] =	ssyncset.done $0x0  }
0xfa: {  	[sflag:s10] =	ssyncadd.s32 $0xFFFFC400  }
0xfb: {  	[spmem:s4] =	stream.indirect.scatter.add.f32 [tilespmem:s29], [sflag:$0x8], $0x80, s13, s25, $0xb8;
	[tilespmem:$0x1FB00] =	vst v63  }
0xfc: {  	_ =	swait.ge [sflag:s18], $0x3C00  }
0xfd: {  	[sflag:s18] =	ssyncset.done $0x0  }
0xfe: {  	[sflag:s18] =	ssyncadd.s32 $0xFFFFC400  }
0xff: {  	[spmem:s5] =	stream.indirect.scatter.add.f32 [tilespmem:s2], [sflag:$0x8], $0x1, s13, s25, $0xb8;
	[tilespmem:$0x1FB00] =	vst v63  }
0x100: {  	_ =	swait.ge [sflag:s18], $0x78  }
0x101: {  	[sflag:s18] =	ssyncset.done $0x0  }
0x102: {  	s16 =	sadd.s32 @!p0 $0x1C0, s19;
	s19 =	simm.s32 @!p0 $0x14200;
	[sflag:s18] =	ssyncadd.s32 $0xFFFFFF88  }
0x103: {  	[tilespmem:s19], [sflag:$0x3] =	stream.linear.gather @!p0 [hbm4b:s16+s15], $0x100, $0x38;
	[tilespmem:$0x1FB00] =	vst v63  }
0x104: {  	s15 =	simm.s32 @!p0 $0x2  }
0x105: {  	_ =	swait.ge @!p0 [sflag:s15], $0x100  }
0x106: {  	[sflag:s15] =	ssyncset.done @!p0 $0x0  }
0x107: {  	[sflag:s15] =	ssyncadd.s32 @!p0 $0xFFFFFF00;
	s15 =	simm.s32 @!p0 $0x18000  }
0x108: {  	[tilespmem:s15], [sflag:$0x6] =	stream.indirect.gather @!p0 [hbm4b:s0+s8], $0x80, s20, s8, $0xb8;
	[tilespmem:$0x1FB00] =	vst v63  }
0x109: {  	_ =	swait.ge [sflag:s12], $0x3C00  }
0x10a: {  	[sflag:s12] =	ssyncset.done $0x0  }
0x10b: {  	[sflag:s12] =	ssyncadd.s32 $0xFFFFC400  }
0x10c: {  	[spmem:s4] =	stream.indirect.scatter.add.f32 [tilespmem:s31], [sflag:$0x8], $0x80, s14, s25, $0xb8;
	[tilespmem:$0x1FB00] =	vst v63  }
0x10d: {  	_ =	swait.ge [sflag:s18], $0x3C00  }
0x10e: {  	[sflag:s18] =	ssyncset.done $0x0  }
.Ltmp2:
0x10f: {  	[sflag:s18] =	ssyncadd.s32 $0xFFFFC400;
	(pc) =	sbr.rel @p0 .LBB2_4-.Ltmp2, $4  }
0x110: {  	[spmem:s5] =	stream.indirect.scatter.add.f32 [tilespmem:s2], [sflag:$0x8], $0x1, s14, s25, $0xb8;
	[tilespmem:$0x1FB00] =	vst v63  }
0x111: {  	_ =	swait.ge [sflag:s18], $0x78  }
0x112: {  	[sflag:s18] =	ssyncset.done $0x0  }
0x113: {  	[sflag:s18] =	ssyncadd.s32 $0xFFFFFF88  }
0x114: {  	s8 =	sadd.s32 $0x1E0, s17  }
0x115: {  	[tilespmem:s23], [sflag:$0x4] =	stream.linear.gather [hbm4b:s8+s6], $0x100, $0x38;
	[tilespmem:$0x1FB00] =	vst v63  }
.Ltmp3:
0x116: {  	_ = 	snop;
	(pc) =	sbr.rel .LBB2_2-.Ltmp3, $4  }
0x117: {  	_ =	swait.ge [sflag:s30], $0x100  }
0x118: {  	[sflag:s30] =	ssyncset.done $0x0  }
0x119: {  	s9 =	sadd.s32 $0x180, s9;
	[sflag:s30] =	ssyncadd.s32 $0xFFFFFF00  }
0x11a: {  	[tilespmem:s31], [sflag:$0x7] =	stream.indirect.gather [hbm4b:s0+s25], $0x80, s22, s25, $0xb8;
	[tilespmem:$0x1FB00] =	vst v63  }
.LBB2_5:
0x11b: {  	_ =	sfence.sel $0x180000  }
0x11c: {  	[bflag:$0x0] =	sbarrier.arrive $0xFFFF  }
0x11d: {  	_ =	strace $0x90000047  }
0x11e: {  	s0 =	stileid.u32;
	[bflag:$0x2] =	sbarrier.arrive $0xFFFF  }
0x11f: {  	p0 =	sne.s32 s0, $0x0;
	s0 =	rddreg [dreg:$0x5]  }
0x120: {  	s0 =	sadd.s32 @!p0 $0x100000, s0  }
0x121: {  	[sflag:s0] =	ssyncadd.tile.s32 @!p0 $0x1;
	_ =	shalt  }
.Lfunc_end2:
_tile_overlayer_lowered:
.L_overlay_start_2:
0x122: {  	(tag) =	ssettag $0x2  }
0x123: {  	s0 =	rddreg [dreg:$0x0];
	s2 =	stileid.u32  }
0x124: {  	s1 =	rddreg [dreg:$0x1];
	p0 =	sne.s32 s2, $0x0  }
0x125: {  	s3 =	rddreg [dreg:$0x2];
	[bflag:$0x3] =	sbarrier.arrive $0xFFFF;
	s2 =	simm.s32 @!p0 $0x1C08  }
0x126: {  	[timem:s3], [sflag:s2] =	dma.local @!p0 [hbm:s0], s1  }
0x127: {  	s0 =	simm.s32 @!p0 $0x8  }
0x128: {  	_ =	swait.ge @!p0 [sflag:s0], s1  }
0x129: {  	s1 =	ssub.s32 @!p0 $0x0, s1;
	[sflag:s0] =	ssyncset.done @!p0 $0x0  }
0x12a: {  	[sflag:s0] =	ssyncadd.s32 @!p0 s1  }
0x12b: {  	[bflag:$0x3] =	sbarrier.arrive $0xFFFF  }
0x12c: {  	_ =	shalt  }

</sc_bundles>
